<compile_context>
chip_gen: v7x
topology: tpu7x:2x2x1
jax: 0.10.2.dev20260603
libtpu: 0.0.44.dev20260713+nightly
codegen_flags: <defaults>
</compile_context>

<pallas_src>
import functools

import jax
import jax.numpy as jnp
from jax import lax
from jax.experimental import pallas as pl
from jax.experimental.pallas import tpu as pltpu
from jax.experimental.pallas import tpu_sc as plsc

N_NODES = 10000
N_EDGES = 320000
D_FEAT = 128
HID = 64
EXT = HID + 16

_NC = 2
_NS = 16
_NW = _NC * _NS

_CH = 80
_EPW = N_EDGES // _NW
_NCHUNK = _EPW // _CH
_NPAD = 10240
_RPT = _NPAD // _NS
_RCOPY = _CH

_BLK = 2000
_GRID = N_NODES // _BLK


def _dot_t(a, w):
    return lax.dot_general(a, w, (((1,), (1,)), ((), ())),
                           preferred_element_type=jnp.float32)


def _tc1_body(x_ref, wl_ref, wr_ref, e_ref, y_ref, z_ref, pk_ref):
    xb = x_ref[...]
    y_ref[...] = _dot_t(xb, wl_ref[...]).astype(jnp.bfloat16)
    z_ref[...] = _dot_t(xb, wr_ref[...])
    pk_ref[...] = jnp.left_shift(e_ref[0], 14) | e_ref[1]


def _tc1(x, Wl1, Wr1, edge_index):
    return pl.pallas_call(
        _tc1_body,
        out_shape=[
            jax.ShapeDtypeStruct((N_NODES, HID), jnp.bfloat16),
            jax.ShapeDtypeStruct((N_NODES, HID), jnp.float32),
            jax.ShapeDtypeStruct((N_EDGES,), jnp.int32),
        ],
    )(x, Wl1, Wr1, edge_index)


def _tc2_body(aggp_ref, cntp_ref, z1_ref, bl1_ref, wl2_ref, wr2_ref,
              y2_ref, z2_ref):
    a = (aggp_ref[0, :N_NODES, :] + aggp_ref[1, :N_NODES, :]).astype(
        jnp.float32)
    cv = cntp_ref[0, :N_NODES, :] + cntp_ref[1, :N_NODES, :]
    cnt = jnp.max(cv, axis=1, keepdims=True)
    recip = 1.0 / jnp.maximum(cnt, 1.0)
    h1 = jnp.maximum(a * recip + bl1_ref[...] + z1_ref[...], 0.0)
    y2_ref[...] = _dot_t(h1, wl2_ref[...]).astype(jnp.bfloat16)
    z2_ref[...] = jnp.concatenate(
        [_dot_t(h1, wr2_ref[...]),
         jnp.broadcast_to(recip, (N_NODES, EXT - HID))], axis=1)


def _tc2(aggp, cntp, z1, bl1, Wl2, Wr2):
    return pl.pallas_call(
        _tc2_body,
        out_shape=[
            jax.ShapeDtypeStruct((N_NODES, HID), jnp.bfloat16),
            jax.ShapeDtypeStruct((N_NODES, EXT), jnp.float32),
        ],
    )(aggp, cntp, z1, bl1, Wl2, Wr2)


def _tc3_body(aggp_ref, z2_ref, bl2_ref, wf1_ref, bf1_ref, wf2_ref, bf2_ref,
              out_ref):
    a = (aggp_ref[0, :N_NODES, :] + aggp_ref[1, :N_NODES, :]).astype(
        jnp.float32)
    recip = z2_ref[:, HID:HID + 1]
    h2 = jnp.maximum(a * recip + bl2_ref[...] + z2_ref[:, :HID], 0.0)
    g = jnp.sum(h2, axis=0, keepdims=True) * (1.0 / N_NODES)
    h = jnp.maximum(_dot_t(g, wf1_ref[...]) + bf1_ref[...], 0.0)
    o = _dot_t(h, wf2_ref[...]) + bf2_ref[...]
    m = jnp.max(o, axis=1, keepdims=True)
    e = jnp.exp(o - m)
    out_ref[...] = e / jnp.sum(e, axis=1, keepdims=True)


def _tc3(aggp, z2, bl2, Wf1, bf1, Wf2, bf2):
    nout = Wf2.shape[0]
    return pl.pallas_call(
        _tc3_body,
        out_shape=jax.ShapeDtypeStruct((1, nout), jnp.float32),
    )(aggp, z2, bl2, Wf1, bf1, Wf2, bf2)


_CNTW = 16


def _sc_agg(y, edges3d, d, stage_y, with_cnt=False):
    dt = y.dtype
    lw = 32 if dt == jnp.bfloat16 else 16
    mesh = plsc.VectorSubcoreMesh(core_axis_name="c", subcore_axis_name="s",
                                  num_cores=_NC, num_subcores=_NS)

    out_type = [jax.ShapeDtypeStruct((_NC, _NPAD, d), dt)]
    if with_cnt:
        out_type.append(
            jax.ShapeDtypeStruct((_NC, _NPAD, _CNTW), jnp.float32))

    @functools.partial(
        pl.kernel,
        out_type=out_type,
        mesh=mesh,
        scratch_types=[
            pltpu.VMEM((_NCHUNK, _CH), jnp.int32),
            [pltpu.VMEM((_CH,), jnp.int32)] * 3,
            [pltpu.VMEM((_CH,), jnp.int32)] * 3,
            [pltpu.VMEM((_CH, d), dt)] * 3,
            pltpu.VMEM((_CH, _CNTW), jnp.float32),
            pltpu.VMEM_SHARED((N_NODES if stage_y else 1, d), dt),
            pltpu.VMEM_SHARED((_NPAD, d), dt),
            pltpu.VMEM_SHARED((_NPAD if with_cnt else 1, _CNTW), jnp.float32),
            [pltpu.SemaphoreType.DMA] * 3,
            [pltpu.SemaphoreType.DMA] * 3,
        ],
        compiler_params=pltpu.CompilerParams(use_tc_tiling_on_sc=False),
    )
    def k(y_hbm, edges_hbm, *rest):
        if with_cnt:
            (out_hbm, cnt_hbm, pk_v, src_v, dst_v, rows_v, ones_v,
             y_sh, agg_sh, cnt_sh, gsem, ssem) = rest
        else:
            (out_hbm, pk_v, src_v, dst_v, rows_v, ones_v,
             y_sh, agg_sh, cnt_sh, gsem, ssem) = rest
        rows0_v = rows_v[0]
        c = lax.axis_index("c")
        s = lax.axis_index("s")
        wid = s * _NC + c

        if stage_y:
            @pl.when(s == 0)
            def _():
                pltpu.async_copy(y_hbm, y_sh, gsem[1])

        pltpu.async_copy(edges_hbm.at[wid], pk_v, gsem[0])

        def zrow(i, _):
            for jj in range(d // lw):
                rows0_v[i, pl.ds(jj * lw, lw)] = jnp.zeros((lw,), dt)
            return 0
        lax.fori_loop(0, _RCOPY, zrow, 0)
        for r in range(_RPT // _RCOPY):
            pltpu.sync_copy(
                rows0_v, agg_sh.at[pl.ds(s * _RPT + r * _RCOPY, _RCOPY)])

        if with_cnt:
            def czrow(i, val):
                ones_v[i, pl.ds(0, 16)] = jnp.full((16,), val, jnp.float32)
                return val
            lax.fori_loop(0, _CH, lambda i, v: czrow(i, 0.0), 0.0)
            for r in range(_RPT // _RCOPY):
                pltpu.sync_copy(
                    ones_v,
                    cnt_sh.at[pl.ds(s * _RPT + r * _RCOPY, _RCOPY)])
            lax.fori_loop(0, _CH, lambda i, v: czrow(i, 1.0), 1.0)

        pltpu.make_async_copy(edges_hbm.at[wid], pk_v, gsem[0]).wait()
        if stage_y:
            @pl.when(s == 0)
            def _():
                pltpu.make_async_copy(y_hbm, y_sh, gsem[1]).wait()

        plsc.subcore_barrier()

        y_src = y_sh if stage_y else y_hbm

        def ups(j, b):
            for jj in range(_CH // 16):
                p = pk_v[j, pl.ds(jj * 16, 16)]
                src_v[b][pl.ds(jj * 16, 16)] = lax.shift_right_logical(p, 14)

        def upd(j, b):
            for jj in range(_CH // 16):
                p = pk_v[j, pl.ds(jj * 16, 16)]
                dst_v[b][pl.ds(jj * 16, 16)] = lax.bitwise_and(p, 16383)

        def gi(j, b):
            pltpu.async_copy(y_src.at[src_v[b]], rows_v[b], gsem[b])

        def gw(b):
            pltpu.make_async_copy(
                y_src.at[src_v[b]], rows_v[b], gsem[b]).wait()

        def si(b):
            pltpu.async_copy(rows_v[b], agg_sh.at[dst_v[b]], ssem[b],
                             add=True)
            if with_cnt:
                pltpu.sync_copy(ones_v, cnt_sh.at[dst_v[b]], add=True)

        def sw(b):
            pltpu.make_async_copy(
                rows_v[b], agg_sh.at[dst_v[b]], ssem[b]).wait()

        ups(0, 0); upd(0, 0); gi(0, 0)
        gw(0); ups(1, 1); upd(1, 1); gi(1, 1); si(0)
        gw(1); ups(2, 2); upd(2, 2); gi(2, 2); si(1)

        def body(i, _):
            j = 3 * i + 2
            for k in range(3):
                b = (2 + k) % 3
                bn = (3 + k) % 3
                gw(b)
                sw(bn)
                ups(j + k + 1, bn)
                upd(j + k + 1, bn)
                gi(j + k + 1, bn)
                si(b)
            return 0
        lax.fori_loop(0, (_NCHUNK - 5) // 3, body, 0)

        gw(2); sw(0); ups(_NCHUNK - 2, 0); upd(_NCHUNK - 2, 0)
        gi(_NCHUNK - 2, 0); si(2)
        gw(0); sw(1); ups(_NCHUNK - 1, 1); upd(_NCHUNK - 1, 1)
        gi(_NCHUNK - 1, 1); si(0)
        gw(1); si(1)
        sw(2); sw(0); sw(1)

        plsc.subcore_barrier()

        for r in range(_RPT // _RCOPY):
            base = s * _RPT + r * _RCOPY
            pltpu.sync_copy(agg_sh.at[pl.ds(base, _RCOPY)], rows0_v)
            pltpu.sync_copy(rows0_v, out_hbm.at[c, pl.ds(base, _RCOPY)])
            if with_cnt:
                pltpu.sync_copy(cnt_sh.at[pl.ds(base, _RCOPY)], ones_v)
                pltpu.sync_copy(ones_v, cnt_hbm.at[c, pl.ds(base, _RCOPY)])

    res = k(y, edges3d)
    return res if with_cnt else res[0]


def kernel(x, edge_index, Wl1, bl1, Wr1, Wl2, bl2, Wr2, Wf1, bf1, Wf2, bf2):
    y1, z1, packed = _tc1(x, Wl1, Wr1, edge_index)
    edges3d = packed.reshape(_NW, _NCHUNK, _CH)
    aggp1, cntp1 = _sc_agg(y1, edges3d, HID, stage_y=True, with_cnt=True)
    y2, z2 = _tc2(aggp1, cntp1, z1, bl1.reshape(1, HID), Wl2, Wr2)
    aggp2 = _sc_agg(y2, edges3d, HID, stage_y=True)
    return _tc3(aggp2, z2, bl2.reshape(1, HID),
                Wf1, bf1.reshape(1, HID), Wf2, bf2.reshape(1, Wf2.shape[0]))

# --- scband reference (transcript-rebuilt; emitter-appended) ---
"""Pipeline reference for scband-policy-network-64527588655232 (READ-ONLY COPY).

The authoritative reference and input builder live on the scoring server;
editing this copy changes nothing except your own understanding.
"""

import jax, jax.numpy as jnp
import numpy as np

N_NODES = 10000
N_EDGES = 320000
D_FEAT = 128
HID = 64
OUT = 10

def setup_inputs(seed: int = 0) -> dict:
    key = jax.random.key(seed)
    ks = jax.random.split(key, 12)
    x = jax.random.normal(ks[0], (N_NODES, D_FEAT), dtype=jnp.float32)
    edge_index = jax.random.randint(ks[1], (2, N_EDGES), 0, N_NODES, dtype=jnp.int64 if jax.config.jax_enable_x64 else jnp.int32).astype(jnp.int32)
    def lin(k, fan_out, fan_in):
        bound = 1.0 / np.sqrt(fan_in)
        return jax.random.uniform(k, (fan_out, fan_in), minval=-bound, maxval=bound, dtype=jnp.float32)
    Wl1 = lin(ks[2], HID, D_FEAT)
    bl1 = jnp.zeros((HID,), dtype=jnp.float32)
    Wr1 = lin(ks[3], HID, D_FEAT)
    Wl2 = lin(ks[4], HID, HID)
    bl2 = jnp.zeros((HID,), dtype=jnp.float32)
    Wr2 = lin(ks[5], HID, HID)
    Wf1 = lin(ks[6], HID, HID)
    bf1 = jax.random.uniform(ks[7], (HID,), minval=-1.0/np.sqrt(HID), maxval=1.0/np.sqrt(HID), dtype=jnp.float32)
    Wf2 = lin(ks[8], OUT, HID)
    bf2 = jax.random.uniform(ks[9], (OUT,), minval=-1.0/np.sqrt(HID), maxval=1.0/np.sqrt(HID), dtype=jnp.float32)
    return {"x": x, "edge_index": edge_index, "Wl1": Wl1, "bl1": bl1, "Wr1": Wr1, "Wl2": Wl2, "bl2": bl2, "Wr2": Wr2, "Wf1": Wf1, "bf1": bf1, "Wf2": Wf2, "bf2": bf2}

def _sage_conv(x, edge_index, Wl, bl, Wr):
    # PyG SAGEConv, aggr='mean': out = lin_l(mean_{j in N(i)} x_j) + lin_r(x_i)
    src = edge_index[0]
    dst = edge_index[1]
    n = x.shape[0]
    msgs = jnp.take(x, src, axis=0)
    agg = jax.ops.segment_sum(msgs, dst, num_segments=n)
    cnt = jax.ops.segment_sum(jnp.ones((msgs.shape[0],), dtype=x.dtype), dst, num_segments=n)
    mean = agg / jnp.maximum(cnt, 1.0)[:, None]
    return mean @ Wl.T + bl + x @ Wr.T

def reference(x, edge_index, Wl1, bl1, Wr1, Wl2, bl2, Wr2, Wf1, bf1, Wf2, bf2):
    h = jax.nn.relu(_sage_conv(x, edge_index, Wl1, bl1, Wr1))
    h = jax.nn.relu(_sage_conv(h, edge_index, Wl2, bl2, Wr2))
    # global_mean_pool with all-zero batch ids -> single-graph mean over nodes
    g = jnp.mean(h, axis=0, keepdims=True)
    a = jax.nn.relu(g @ Wf1.T + bf1)
    a = a @ Wf2.T + bf2
    return jax.nn.softmax(a, axis=-1)

if __name__ == "__main__":
    import jax
    _d = setup_inputs()
    print(jax.jit(kernel)(*tuple(_d.values())))

</pallas_src>

<mosaic_0001>
#map = affine_map<(d0, d1) -> (0, 0)>
#map1 = affine_map<(d0, d1) -> (0, 0, 0)>
module attributes {stable_mosaic.version = 14 : i64} {
  func.func @k(%arg0: i32, %arg1: i32, %arg2: memref<10000x64xbf16, #tpu.memory_space<hbm>>, %arg3: memref<32x125x80xi32, #tpu.memory_space<hbm>>, %arg4: memref<2x10240x64xbf16, #tpu.memory_space<hbm>>, %arg5: memref<125x80xi32, #tpu.memory_space<vmem>>, %arg6: memref<80xi32, #tpu.memory_space<vmem>>, %arg7: memref<80xi32, #tpu.memory_space<vmem>>, %arg8: memref<80xi32, #tpu.memory_space<vmem>>, %arg9: memref<80xi32, #tpu.memory_space<vmem>>, %arg10: memref<80xi32, #tpu.memory_space<vmem>>, %arg11: memref<80xi32, #tpu.memory_space<vmem>>, %arg12: memref<80x64xbf16, #tpu.memory_space<vmem>>, %arg13: memref<80x64xbf16, #tpu.memory_space<vmem>>, %arg14: memref<80x64xbf16, #tpu.memory_space<vmem>>, %arg15: memref<80x16xf32, #tpu.memory_space<vmem>>, %arg16: memref<10000x64xbf16, #tpu.memory_space<vmem_shared>>, %arg17: memref<10240x64xbf16, #tpu.memory_space<vmem_shared>>, %arg18: memref<1x16xf32, #tpu.memory_space<vmem_shared>>, %arg19: memref<!tpu.dma_semaphore, #tpu.memory_space<semaphore_mem>>, %arg20: memref<!tpu.dma_semaphore, #tpu.memory_space<semaphore_mem>>, %arg21: memref<!tpu.dma_semaphore, #tpu.memory_space<semaphore_mem>>, %arg22: memref<!tpu.dma_semaphore, #tpu.memory_space<semaphore_mem>>, %arg23: memref<!tpu.dma_semaphore, #tpu.memory_space<semaphore_mem>>, %arg24: memref<!tpu.dma_semaphore, #tpu.memory_space<semaphore_mem>>) attributes {dimension_semantics = [#tpu.dimension_semantics<core_parallel>, #tpu.dimension_semantics<subcore_parallel>], iteration_bounds = array<i64: 2, 16>, scalar_prefetch = 0 : i64, scratch_operands = 20 : i64, tpu.core_type = #tpu.core_type<sc_vector_subcore>, window_params = [{transform_indices = #map}, {transform_indices = #map1}, {transform_indices = #map1}]} {
    %mul3A = arith.constant 2 : i32
    %mul3A_0 = arith.muli %arg1, %mul3A : i32
    %add3A = arith.addi %mul3A_0, %arg0 : i32
    %eq3A = arith.constant 0 : i32
    %eq3A_1 = arith.cmpi eq, %arg1, %eq3A : i32
    %convert_element_type3A = arith.extui %eq3A_1 : i1 to i32
    %cond3A = arith.constant 0 : i32
    %cond3A_2 = arith.cmpi ne, %convert_element_type3A, %cond3A : i32
    scf.if %cond3A_2 {
      tpu.enqueue_dma source(%arg2 : memref<10000x64xbf16, #tpu.memory_space<hbm>>) target(%arg16 : memref<10000x64xbf16, #tpu.memory_space<vmem_shared>>) target_semaphore(%arg20 : memref<!tpu.dma_semaphore, #tpu.memory_space<semaphore_mem>>)
    } else {
    }
    %dma_start3A = arith.constant 0 : i32
    %dma_start3A_3 = arith.constant 0 : i32
    %dma_start3A_4 = tpu.memref_slice %arg3[%add3A, %dma_start3A, %dma_start3A_3] : memref<32x125x80xi32, #tpu.memory_space<hbm>> -> memref<1x125x80xi32, #tpu.memory_space<hbm>>
    %dma_start3A_5 = tpu.memref_squeeze %dma_start3A_4 : memref<1x125x80xi32, #tpu.memory_space<hbm>> -> memref<125x80xi32, #tpu.memory_space<hbm>>
    %dma_start3A_6 = arith.constant 0 : i32
    %dma_start3A_7 = arith.constant 0 : i32
    %dma_start3A_8 = tpu.memref_slice %arg3[%add3A, %dma_start3A_6, %dma_start3A_7] : memref<32x125x80xi32, #tpu.memory_space<hbm>> -> memref<1x125x80xi32, #tpu.memory_space<hbm>>
    %dma_start3A_9 = tpu.memref_squeeze %dma_start3A_8 : memref<1x125x80xi32, #tpu.memory_space<hbm>> -> memref<125x80xi32, #tpu.memory_space<hbm>>
    tpu.enqueue_dma source(%dma_start3A_9 : memref<125x80xi32, #tpu.memory_space<hbm>>) target(%arg5 : memref<125x80xi32, #tpu.memory_space<vmem>>) target_semaphore(%arg19 : memref<!tpu.dma_semaphore, #tpu.memory_space<semaphore_mem>>)
    %scan3A = arith.constant 0 : i32
    %scan3A_10 = arith.constant 0 : i32
    %scan3A_11 = arith.constant 80 : i32
    %scan3A_12 = arith.addi %scan3A_10, %scan3A_11 : i32
    %scan3A_13 = arith.constant 1 : i32
    %scan3A_14 = scf.for %scan3A_756 = %scan3A_10 to %scan3A_12 step %scan3A_13 iter_args(%scan3A_757 = %scan3A) -> (i32)  : i32 {
      %broadcast_in_dim3A = arith.constant 0.000000e+00 : bf16
      %broadcast_in_dim3A_758 = vector.broadcast %broadcast_in_dim3A : bf16 to vector<32xbf16>
      %swap3A_759 = arith.index_cast %scan3A_756 : i32 to index
      %swap3A_760 = arith.constant 0 : index
      %swap3A_761 = tpu.vector_load %arg12[%swap3A_759, %swap3A_760] {strides = array<i32>} : memref<80x64xbf16, #tpu.memory_space<vmem>>, vector<1x32xbf16>,
      %swap3A_762 = vector.shape_cast %swap3A_761 : vector<1x32xbf16> to vector<32xbf16>
      %swap3A_763 = vector.shape_cast %broadcast_in_dim3A_758 : vector<32xbf16> to vector<1x32xbf16>
      tpu.vector_store %arg12[%swap3A_759, %swap3A_760], %swap3A_763 {strides = array<i32>} : memref<80x64xbf16, #tpu.memory_space<vmem>>, vector<1x32xbf16>,
      %broadcast_in_dim3A_764 = arith.constant 0.000000e+00 : bf16
      %broadcast_in_dim3A_765 = vector.broadcast %broadcast_in_dim3A_764 : bf16 to vector<32xbf16>
      %swap3A_766 = arith.index_cast %scan3A_756 : i32 to index
      %swap3A_767 = arith.constant 32 : index
      %swap3A_768 = tpu.vector_load %arg12[%swap3A_766, %swap3A_767] {strides = array<i32>} : memref<80x64xbf16, #tpu.memory_space<vmem>>, vector<1x32xbf16>,
      %swap3A_769 = vector.shape_cast %swap3A_768 : vector<1x32xbf16> to vector<32xbf16>
      %swap3A_770 = vector.shape_cast %broadcast_in_dim3A_765 : vector<32xbf16> to vector<1x32xbf16>
      tpu.vector_store %arg12[%swap3A_766, %swap3A_767], %swap3A_770 {strides = array<i32>} : memref<80x64xbf16, #tpu.memory_space<vmem>>, vector<1x32xbf16>,
      %scan3A_771 = arith.constant 0 : i32
      scf.yield %scan3A_771 : i32
    }
    %scan3A_15 = arith.constant 80 : i32
    %mul3A_16 = arith.constant 640 : i32
    %mul3A_17 = arith.muli %arg1, %mul3A_16 : i32
    %add3A_18 = arith.constant 0 : i32
    %add3A_19 = arith.addi %mul3A_17, %add3A_18 : i32
    "tpu.region"() ({
      %run_scoped3A = tpu.sem_alloc : memref<!tpu.dma_semaphore, #tpu.memory_space<semaphore_mem>>
      %dma_start3A_756 = arith.constant 0 : i32
      %dma_start3A_757 = tpu.memref_slice %arg17[%add3A_19, %dma_start3A_756] : memref<10240x64xbf16, #tpu.memory_space<vmem_shared>> -> memref<80x64xbf16, #tpu.memory_space<vmem_shared>>
      %dma_start3A_758 = arith.constant 0 : i32
      %dma_start3A_759 = tpu.memref_slice %arg17[%add3A_19, %dma_start3A_758] : memref<10240x64xbf16, #tpu.memory_space<vmem_shared>> -> memref<80x64xbf16, #tpu.memory_space<vmem_shared>>
      tpu.enqueue_dma source(%arg12 : memref<80x64xbf16, #tpu.memory_space<vmem>>) target(%dma_start3A_759 : memref<80x64xbf16, #tpu.memory_space<vmem_shared>>) target_semaphore(%run_scoped3A : memref<!tpu.dma_semaphore, #tpu.memory_space<semaphore_mem>>)
      %dma_wait3A_760 = arith.constant 0 : i32
      %dma_wait3A_761 = tpu.memref_slice %arg17[%add3A_19, %dma_wait3A_760] : memref<10240x64xbf16, #tpu.memory_space<vmem_shared>> -> memref<80x64xbf16, #tpu.memory_space<vmem_shared>>
      %dma_wait3A_762 = arith.constant 0 : i32
      %dma_wait3A_763 = tpu.memref_slice %arg17[%add3A_19, %dma_wait3A_762] : memref<10240x64xbf16, #tpu.memory_space<vmem_shared>> -> memref<80x64xbf16, #tpu.memory_space<vmem_shared>>
      tpu.wait_dma2 semaphore(%run_scoped3A : memref<!tpu.dma_semaphore, #tpu.memory_space<semaphore_mem>>) src(%arg12 : memref<80x64xbf16, #tpu.memory_space<vmem>>) dst(%dma_wait3A_763 : memref<80x64xbf16, #tpu.memory_space<vmem_shared>>)
      tpu.yield
    }) : () -> ()
    %mul3A_20 = arith.constant 640 : i32
    %mul3A_21 = arith.muli %arg1, %mul3A_20 : i32
    %add3A_22 = arith.constant 80 : i32
    %add3A_23 = arith.addi %mul3A_21, %add3A_22 : i32
    "tpu.region"() ({
      %run_scoped3A = tpu.sem_alloc : memref<!tpu.dma_semaphore, #tpu.memory_space<semaphore_mem>>
      %dma_start3A_756 = arith.constant 0 : i32
      %dma_start3A_757 = tpu.memref_slice %arg17[%add3A_23, %dma_start3A_756] : memref<10240x64xbf16, #tpu.memory_space<vmem_shared>> -> memref<80x64xbf16, #tpu.memory_space<vmem_shared>>
      %dma_start3A_758 = arith.constant 0 : i32
      %dma_start3A_759 = tpu.memref_slice %arg17[%add3A_23, %dma_start3A_758] : memref<10240x64xbf16, #tpu.memory_space<vmem_shared>> -> memref<80x64xbf16, #tpu.memory_space<vmem_shared>>
      tpu.enqueue_dma source(%arg12 : memref<80x64xbf16, #tpu.memory_space<vmem>>) target(%dma_start3A_759 : memref<80x64xbf16, #tpu.memory_space<vmem_shared>>) target_semaphore(%run_scoped3A : memref<!tpu.dma_semaphore, #tpu.memory_space<semaphore_mem>>)
      %dma_wait3A_760 = arith.constant 0 : i32
      %dma_wait3A_761 = tpu.memref_slice %arg17[%add3A_23, %dma_wait3A_760] : memref<10240x64xbf16, #tpu.memory_space<vmem_shared>> -> memref<80x64xbf16, #tpu.memory_space<vmem_shared>>
      %dma_wait3A_762 = arith.constant 0 : i32
      %dma_wait3A_763 = tpu.memref_slice %arg17[%add3A_23, %dma_wait3A_762] : memref<10240x64xbf16, #tpu.memory_space<vmem_shared>> -> memref<80x64xbf16, #tpu.memory_space<vmem_shared>>
      tpu.wait_dma2 semaphore(%run_scoped3A : memref<!tpu.dma_semaphore, #tpu.memory_space<semaphore_mem>>) src(%arg12 : memref<80x64xbf16, #tpu.memory_space<vmem>>) dst(%dma_wait3A_763 : memref<80x64xbf16, #tpu.memory_space<vmem_shared>>)
      tpu.yield
    }) : () -> ()
    %mul3A_24 = arith.constant 640 : i32
    %mul3A_25 = arith.muli %arg1, %mul3A_24 : i32
    %add3A_26 = arith.constant 160 : i32
    %add3A_27 = arith.addi %mul3A_25, %add3A_26 : i32
    "tpu.region"() ({
      %run_scoped3A = tpu.sem_alloc : memref<!tpu.dma_semaphore, #tpu.memory_space<semaphore_mem>>
      %dma_start3A_756 = arith.constant 0 : i32
      %dma_start3A_757 = tpu.memref_slice %arg17[%add3A_27, %dma_start3A_756] : memref<10240x64xbf16, #tpu.memory_space<vmem_shared>> -> memref<80x64xbf16, #tpu.memory_space<vmem_shared>>
      %dma_start3A_758 = arith.constant 0 : i32
      %dma_start3A_759 = tpu.memref_slice %arg17[%add3A_27, %dma_start3A_758] : memref<10240x64xbf16, #tpu.memory_space<vmem_shared>> -> memref<80x64xbf16, #tpu.memory_space<vmem_shared>>
      tpu.enqueue_dma source(%arg12 : memref<80x64xbf16, #tpu.memory_space<vmem>>) target(%dma_start3A_759 : memref<80x64xbf16, #tpu.memory_space<vmem_shared>>) target_semaphore(%run_scoped3A : memref<!tpu.dma_semaphore, #tpu.memory_space<semaphore_mem>>)
      %dma_wait3A_760 = arith.constant 0 : i32
      %dma_wait3A_761 = tpu.memref_slice %arg17[%add3A_27, %dma_wait3A_760] : memref<10240x64xbf16, #tpu.memory_space<vmem_shared>> -> memref<80x64xbf16, #tpu.memory_space<vmem_shared>>
      %dma_wait3A_762 = arith.constant 0 : i32
      %dma_wait3A_763 = tpu.memref_slice %arg17[%add3A_27, %dma_wait3A_762] : memref<10240x64xbf16, #tpu.memory_space<vmem_shared>> -> memref<80x64xbf16, #tpu.memory_space<vmem_shared>>
      tpu.wait_dma2 semaphore(%run_scoped3A : memref<!tpu.dma_semaphore, #tpu.memory_space<semaphore_mem>>) src(%arg12 : memref<80x64xbf16, #tpu.memory_space<vmem>>) dst(%dma_wait3A_763 : memref<80x64xbf16, #tpu.memory_space<vmem_shared>>)
      tpu.yield
    }) : () -> ()
    %mul3A_28 = arith.constant 640 : i32
    %mul3A_29 = arith.muli %arg1, %mul3A_28 : i32
    %add3A_30 = arith.constant 240 : i32
    %add3A_31 = arith.addi %mul3A_29, %add3A_30 : i32
    "tpu.region"() ({
      %run_scoped3A = tpu.sem_alloc : memref<!tpu.dma_semaphore, #tpu.memory_space<semaphore_mem>>
      %dma_start3A_756 = arith.constant 0 : i32
      %dma_start3A_757 = tpu.memref_slice %arg17[%add3A_31, %dma_start3A_756] : memref<10240x64xbf16, #tpu.memory_space<vmem_shared>> -> memref<80x64xbf16, #tpu.memory_space<vmem_shared>>
      %dma_start3A_758 = arith.constant 0 : i32
      %dma_start3A_759 = tpu.memref_slice %arg17[%add3A_31, %dma_start3A_758] : memref<10240x64xbf16, #tpu.memory_space<vmem_shared>> -> memref<80x64xbf16, #tpu.memory_space<vmem_shared>>
      tpu.enqueue_dma source(%arg12 : memref<80x64xbf16, #tpu.memory_space<vmem>>) target(%dma_start3A_759 : memref<80x64xbf16, #tpu.memory_space<vmem_shared>>) target_semaphore(%run_scoped3A : memref<!tpu.dma_semaphore, #tpu.memory_space<semaphore_mem>>)
      %dma_wait3A_760 = arith.constant 0 : i32
      %dma_wait3A_761 = tpu.memref_slice %arg17[%add3A_31, %dma_wait3A_760] : memref<10240x64xbf16, #tpu.memory_space<vmem_shared>> -> memref<80x64xbf16, #tpu.memory_space<vmem_shared>>
      %dma_wait3A_762 = arith.constant 0 : i32
      %dma_wait3A_763 = tpu.memref_slice %arg17[%add3A_31, %dma_wait3A_762] : memref<10240x64xbf16, #tpu.memory_space<vmem_shared>> -> memref<80x64xbf16, #tpu.memory_space<vmem_shared>>
      tpu.wait_dma2 semaphore(%run_scoped3A : memref<!tpu.dma_semaphore, #tpu.memory_space<semaphore_mem>>) src(%arg12 : memref<80x64xbf16, #tpu.memory_space<vmem>>) dst(%dma_wait3A_763 : memref<80x64xbf16, #tpu.memory_space<vmem_shared>>)
      tpu.yield
    }) : () -> ()
    %mul3A_32 = arith.constant 640 : i32
    %mul3A_33 = arith.muli %arg1, %mul3A_32 : i32
    %add3A_34 = arith.constant 320 : i32
    %add3A_35 = arith.addi %mul3A_33, %add3A_34 : i32
    "tpu.region"() ({
      %run_scoped3A = tpu.sem_alloc : memref<!tpu.dma_semaphore, #tpu.memory_space<semaphore_mem>>
      %dma_start3A_756 = arith.constant 0 : i32
      %dma_start3A_757 = tpu.memref_slice %arg17[%add3A_35, %dma_start3A_756] : memref<10240x64xbf16, #tpu.memory_space<vmem_shared>> -> memref<80x64xbf16, #tpu.memory_space<vmem_shared>>
      %dma_start3A_758 = arith.constant 0 : i32
      %dma_start3A_759 = tpu.memref_slice %arg17[%add3A_35, %dma_start3A_758] : memref<10240x64xbf16, #tpu.memory_space<vmem_shared>> -> memref<80x64xbf16, #tpu.memory_space<vmem_shared>>
      tpu.enqueue_dma source(%arg12 : memref<80x64xbf16, #tpu.memory_space<vmem>>) target(%dma_start3A_759 : memref<80x64xbf16, #tpu.memory_space<vmem_shared>>) target_semaphore(%run_scoped3A : memref<!tpu.dma_semaphore, #tpu.memory_space<semaphore_mem>>)
      %dma_wait3A_760 = arith.constant 0 : i32
      %dma_wait3A_761 = tpu.memref_slice %arg17[%add3A_35, %dma_wait3A_760] : memref<10240x64xbf16, #tpu.memory_space<vmem_shared>> -> memref<80x64xbf16, #tpu.memory_space<vmem_shared>>
      %dma_wait3A_762 = arith.constant 0 : i32
      %dma_wait3A_763 = tpu.memref_slice %arg17[%add3A_35, %dma_wait3A_762] : memref<10240x64xbf16, #tpu.memory_space<vmem_shared>> -> memref<80x64xbf16, #tpu.memory_space<vmem_shared>>
      tpu.wait_dma2 semaphore(%run_scoped3A : memref<!tpu.dma_semaphore, #tpu.memory_space<semaphore_mem>>) src(%arg12 : memref<80x64xbf16, #tpu.memory_space<vmem>>) dst(%dma_wait3A_763 : memref<80x64xbf16, #tpu.memory_space<vmem_shared>>)
      tpu.yield
    }) : () -> ()
    %mul3A_36 = arith.constant 640 : i32
    %mul3A_37 = arith.muli %arg1, %mul3A_36 : i32
    %add3A_38 = arith.constant 400 : i32
    %add3A_39 = arith.addi %mul3A_37, %add3A_38 : i32
    "tpu.region"() ({
      %run_scoped3A = tpu.sem_alloc : memref<!tpu.dma_semaphore, #tpu.memory_space<semaphore_mem>>
      %dma_start3A_756 = arith.constant 0 : i32
      %dma_start3A_757 = tpu.memref_slice %arg17[%add3A_39, %dma_start3A_756] : memref<10240x64xbf16, #tpu.memory_space<vmem_shared>> -> memref<80x64xbf16, #tpu.memory_space<vmem_shared>>
      %dma_start3A_758 = arith.constant 0 : i32
      %dma_start3A_759 = tpu.memref_slice %arg17[%add3A_39, %dma_start3A_758] : memref<10240x64xbf16, #tpu.memory_space<vmem_shared>> -> memref<80x64xbf16, #tpu.memory_space<vmem_shared>>
      tpu.enqueue_dma source(%arg12 : memref<80x64xbf16, #tpu.memory_space<vmem>>) target(%dma_start3A_759 : memref<80x64xbf16, #tpu.memory_space<vmem_shared>>) target_semaphore(%run_scoped3A : memref<!tpu.dma_semaphore, #tpu.memory_space<semaphore_mem>>)
      %dma_wait3A_760 = arith.constant 0 : i32
      %dma_wait3A_761 = tpu.memref_slice %arg17[%add3A_39, %dma_wait3A_760] : memref<10240x64xbf16, #tpu.memory_space<vmem_shared>> -> memref<80x64xbf16, #tpu.memory_space<vmem_shared>>
      %dma_wait3A_762 = arith.constant 0 : i32
      %dma_wait3A_763 = tpu.memref_slice %arg17[%add3A_39, %dma_wait3A_762] : memref<10240x64xbf16, #tpu.memory_space<vmem_shared>> -> memref<80x64xbf16, #tpu.memory_space<vmem_shared>>
      tpu.wait_dma2 semaphore(%run_scoped3A : memref<!tpu.dma_semaphore, #tpu.memory_space<semaphore_mem>>) src(%arg12 : memref<80x64xbf16, #tpu.memory_space<vmem>>) dst(%dma_wait3A_763 : memref<80x64xbf16, #tpu.memory_space<vmem_shared>>)
      tpu.yield
    }) : () -> ()
    %mul3A_40 = arith.constant 640 : i32
    %mul3A_41 = arith.muli %arg1, %mul3A_40 : i32
    %add3A_42 = arith.constant 480 : i32
    %add3A_43 = arith.addi %mul3A_41, %add3A_42 : i32
    "tpu.region"() ({
      %run_scoped3A = tpu.sem_alloc : memref<!tpu.dma_semaphore, #tpu.memory_space<semaphore_mem>>
      %dma_start3A_756 = arith.constant 0 : i32
      %dma_start3A_757 = tpu.memref_slice %arg17[%add3A_43, %dma_start3A_756] : memref<10240x64xbf16, #tpu.memory_space<vmem_shared>> -> memref<80x64xbf16, #tpu.memory_space<vmem_shared>>
      %dma_start3A_758 = arith.constant 0 : i32
      %dma_start3A_759 = tpu.memref_slice %arg17[%add3A_43, %dma_start3A_758] : memref<10240x64xbf16, #tpu.memory_space<vmem_shared>> -> memref<80x64xbf16, #tpu.memory_space<vmem_shared>>
      tpu.enqueue_dma source(%arg12 : memref<80x64xbf16, #tpu.memory_space<vmem>>) target(%dma_start3A_759 : memref<80x64xbf16, #tpu.memory_space<vmem_shared>>) target_semaphore(%run_scoped3A : memref<!tpu.dma_semaphore, #tpu.memory_space<semaphore_mem>>)
      %dma_wait3A_760 = arith.constant 0 : i32
      %dma_wait3A_761 = tpu.memref_slice %arg17[%add3A_43, %dma_wait3A_760] : memref<10240x64xbf16, #tpu.memory_space<vmem_shared>> -> memref<80x64xbf16, #tpu.memory_space<vmem_shared>>
      %dma_wait3A_762 = arith.constant 0 : i32
      %dma_wait3A_763 = tpu.memref_slice %arg17[%add3A_43, %dma_wait3A_762] : memref<10240x64xbf16, #tpu.memory_space<vmem_shared>> -> memref<80x64xbf16, #tpu.memory_space<vmem_shared>>
      tpu.wait_dma2 semaphore(%run_scoped3A : memref<!tpu.dma_semaphore, #tpu.memory_space<semaphore_mem>>) src(%arg12 : memref<80x64xbf16, #tpu.memory_space<vmem>>) dst(%dma_wait3A_763 : memref<80x64xbf16, #tpu.memory_space<vmem_shared>>)
      tpu.yield
    }) : () -> ()
    %mul3A_44 = arith.constant 640 : i32
    %mul3A_45 = arith.muli %arg1, %mul3A_44 : i32
    %add3A_46 = arith.constant 560 : i32
    %add3A_47 = arith.addi %mul3A_45, %add3A_46 : i32
    "tpu.region"() ({
      %run_scoped3A = tpu.sem_alloc : memref<!tpu.dma_semaphore, #tpu.memory_space<semaphore_mem>>
      %dma_start3A_756 = arith.constant 0 : i32
      %dma_start3A_757 = tpu.memref_slice %arg17[%add3A_47, %dma_start3A_756] : memref<10240x64xbf16, #tpu.memory_space<vmem_shared>> -> memref<80x64xbf16, #tpu.memory_space<vmem_shared>>
      %dma_start3A_758 = arith.constant 0 : i32
      %dma_start3A_759 = tpu.memref_slice %arg17[%add3A_47, %dma_start3A_758] : memref<10240x64xbf16, #tpu.memory_space<vmem_shared>> -> memref<80x64xbf16, #tpu.memory_space<vmem_shared>>
      tpu.enqueue_dma source(%arg12 : memref<80x64xbf16, #tpu.memory_space<vmem>>) target(%dma_start3A_759 : memref<80x64xbf16, #tpu.memory_space<vmem_shared>>) target_semaphore(%run_scoped3A : memref<!tpu.dma_semaphore, #tpu.memory_space<semaphore_mem>>)
      %dma_wait3A_760 = arith.constant 0 : i32
      %dma_wait3A_761 = tpu.memref_slice %arg17[%add3A_47, %dma_wait3A_760] : memref<10240x64xbf16, #tpu.memory_space<vmem_shared>> -> memref<80x64xbf16, #tpu.memory_space<vmem_shared>>
      %dma_wait3A_762 = arith.constant 0 : i32
      %dma_wait3A_763 = tpu.memref_slice %arg17[%add3A_47, %dma_wait3A_762] : memref<10240x64xbf16, #tpu.memory_space<vmem_shared>> -> memref<80x64xbf16, #tpu.memory_space<vmem_shared>>
      tpu.wait_dma2 semaphore(%run_scoped3A : memref<!tpu.dma_semaphore, #tpu.memory_space<semaphore_mem>>) src(%arg12 : memref<80x64xbf16, #tpu.memory_space<vmem>>) dst(%dma_wait3A_763 : memref<80x64xbf16, #tpu.memory_space<vmem_shared>>)
      tpu.yield
    }) : () -> ()
    %dma_wait3A = arith.constant 0 : i32
    %dma_wait3A_48 = arith.constant 0 : i32
    %dma_wait3A_49 = tpu.memref_slice %arg3[%add3A, %dma_wait3A, %dma_wait3A_48] : memref<32x125x80xi32, #tpu.memory_space<hbm>> -> memref<1x125x80xi32, #tpu.memory_space<hbm>>
    %dma_wait3A_50 = tpu.memref_squeeze %dma_wait3A_49 : memref<1x125x80xi32, #tpu.memory_space<hbm>> -> memref<125x80xi32, #tpu.memory_space<hbm>>
    %dma_wait3A_51 = arith.constant 0 : i32
    %dma_wait3A_52 = arith.constant 0 : i32
    %dma_wait3A_53 = tpu.memref_slice %arg3[%add3A, %dma_wait3A_51, %dma_wait3A_52] : memref<32x125x80xi32, #tpu.memory_space<hbm>> -> memref<1x125x80xi32, #tpu.memory_space<hbm>>
    %dma_wait3A_54 = tpu.memref_squeeze %dma_wait3A_53 : memref<1x125x80xi32, #tpu.memory_space<hbm>> -> memref<125x80xi32, #tpu.memory_space<hbm>>
    tpu.wait_dma2 semaphore(%arg19 : memref<!tpu.dma_semaphore, #tpu.memory_space<semaphore_mem>>) src(%dma_wait3A_54 : memref<125x80xi32, #tpu.memory_space<hbm>>) dst(%arg5 : memref<125x80xi32, #tpu.memory_space<vmem>>)
    %eq3A_55 = arith.constant 0 : i32
    %eq3A_56 = arith.cmpi eq, %arg1, %eq3A_55 : i32
    %convert_element_type3A_57 = arith.extui %eq3A_56 : i1 to i32
    %cond3A_58 = arith.constant 0 : i32
    %cond3A_59 = arith.cmpi ne, %convert_element_type3A_57, %cond3A_58 : i32
    scf.if %cond3A_59 {
      tpu.wait_dma2 semaphore(%arg20 : memref<!tpu.dma_semaphore, #tpu.memory_space<semaphore_mem>>) src(%arg2 : memref<10000x64xbf16, #tpu.memory_space<hbm>>) dst(%arg16 : memref<10000x64xbf16, #tpu.memory_space<vmem_shared>>)
    } else {
    }
    %barrier3A = arith.constant 0 : index
    tpu.barrier barrier_id(%barrier3A)
    %get3A = arith.constant 0 : i32
    %get3A_60 = arith.index_cast %get3A : i32 to index
    %get3A_61 = arith.constant 0 : index
    %get3A_62 = tpu.vector_load %arg5[%get3A_60, %get3A_61] {strides = array<i32>} : memref<125x80xi32, #tpu.memory_space<vmem>>, vector<1x16xi32>,
    %get3A_63 = vector.shape_cast %get3A_62 : vector<1x16xi32> to vector<16xi32>
    %shift_right_logical3A = arith.constant 14 : i32
    %shift_right_logical3A_64 = vector.broadcast %shift_right_logical3A : i32 to vector<16xi32>
    %shift_right_logical3A_65 = arith.shrui %get3A_63, %shift_right_logical3A_64 : vector<16xi32>
    %swap3A = arith.constant 0 : index
    %swap3A_66 = tpu.vector_load %arg6[%swap3A] {strides = array<i32>} : memref<80xi32, #tpu.memory_space<vmem>>, vector<16xi32>,
    %swap3A_67 = vector.shape_cast %swap3A_66 : vector<16xi32> to vector<16xi32>
    %swap3A_68 = vector.shape_cast %shift_right_logical3A_65 : vector<16xi32> to vector<16xi32>
    tpu.vector_store %arg6[%swap3A], %swap3A_68 {strides = array<i32>} : memref<80xi32, #tpu.memory_space<vmem>>, vector<16xi32>,
    %get3A_69 = arith.constant 0 : i32
    %get3A_70 = arith.index_cast %get3A_69 : i32 to index
    %get3A_71 = arith.constant 16 : index
    %get3A_72 = tpu.vector_load %arg5[%get3A_70, %get3A_71] {strides = array<i32>} : memref<125x80xi32, #tpu.memory_space<vmem>>, vector<1x16xi32>,
    %get3A_73 = vector.shape_cast %get3A_72 : vector<1x16xi32> to vector<16xi32>
    %shift_right_logical3A_74 = arith.constant 14 : i32
    %shift_right_logical3A_75 = vector.broadcast %shift_right_logical3A_74 : i32 to vector<16xi32>
    %shift_right_logical3A_76 = arith.shrui %get3A_73, %shift_right_logical3A_75 : vector<16xi32>
    %swap3A_77 = arith.constant 16 : index
    %swap3A_78 = tpu.vector_load %arg6[%swap3A_77] {strides = array<i32>} : memref<80xi32, #tpu.memory_space<vmem>>, vector<16xi32>,
    %swap3A_79 = vector.shape_cast %swap3A_78 : vector<16xi32> to vector<16xi32>
    %swap3A_80 = vector.shape_cast %shift_right_logical3A_76 : vector<16xi32> to vector<16xi32>
    tpu.vector_store %arg6[%swap3A_77], %swap3A_80 {strides = array<i32>} : memref<80xi32, #tpu.memory_space<vmem>>, vector<16xi32>,
    %get3A_81 = arith.constant 0 : i32
    %get3A_82 = arith.index_cast %get3A_81 : i32 to index
    %get3A_83 = arith.constant 32 : index
    %get3A_84 = tpu.vector_load %arg5[%get3A_82, %get3A_83] {strides = array<i32>} : memref<125x80xi32, #tpu.memory_space<vmem>>, vector<1x16xi32>,
    %get3A_85 = vector.shape_cast %get3A_84 : vector<1x16xi32> to vector<16xi32>
    %shift_right_logical3A_86 = arith.constant 14 : i32
    %shift_right_logical3A_87 = vector.broadcast %shift_right_logical3A_86 : i32 to vector<16xi32>
    %shift_right_logical3A_88 = arith.shrui %get3A_85, %shift_right_logical3A_87 : vector<16xi32>
    %swap3A_89 = arith.constant 32 : index
    %swap3A_90 = tpu.vector_load %arg6[%swap3A_89] {strides = array<i32>} : memref<80xi32, #tpu.memory_space<vmem>>, vector<16xi32>,
    %swap3A_91 = vector.shape_cast %swap3A_90 : vector<16xi32> to vector<16xi32>
    %swap3A_92 = vector.shape_cast %shift_right_logical3A_88 : vector<16xi32> to vector<16xi32>
    tpu.vector_store %arg6[%swap3A_89], %swap3A_92 {strides = array<i32>} : memref<80xi32, #tpu.memory_space<vmem>>, vector<16xi32>,
    %get3A_93 = arith.constant 0 : i32
    %get3A_94 = arith.index_cast %get3A_93 : i32 to index
    %get3A_95 = arith.constant 48 : index
    %get3A_96 = tpu.vector_load %arg5[%get3A_94, %get3A_95] {strides = array<i32>} : memref<125x80xi32, #tpu.memory_space<vmem>>, vector<1x16xi32>,
    %get3A_97 = vector.shape_cast %get3A_96 : vector<1x16xi32> to vector<16xi32>
    %shift_right_logical3A_98 = arith.constant 14 : i32
    %shift_right_logical3A_99 = vector.broadcast %shift_right_logical3A_98 : i32 to vector<16xi32>
    %shift_right_logical3A_100 = arith.shrui %get3A_97, %shift_right_logical3A_99 : vector<16xi32>
    %swap3A_101 = arith.constant 48 : index
    %swap3A_102 = tpu.vector_load %arg6[%swap3A_101] {strides = array<i32>} : memref<80xi32, #tpu.memory_space<vmem>>, vector<16xi32>,
    %swap3A_103 = vector.shape_cast %swap3A_102 : vector<16xi32> to vector<16xi32>
    %swap3A_104 = vector.shape_cast %shift_right_logical3A_100 : vector<16xi32> to vector<16xi32>
    tpu.vector_store %arg6[%swap3A_101], %swap3A_104 {strides = array<i32>} : memref<80xi32, #tpu.memory_space<vmem>>, vector<16xi32>,
    %get3A_105 = arith.constant 0 : i32
    %get3A_106 = arith.index_cast %get3A_105 : i32 to index
    %get3A_107 = arith.constant 64 : index
    %get3A_108 = tpu.vector_load %arg5[%get3A_106, %get3A_107] {strides = array<i32>} : memref<125x80xi32, #tpu.memory_space<vmem>>, vector<1x16xi32>,
    %get3A_109 = vector.shape_cast %get3A_108 : vector<1x16xi32> to vector<16xi32>
    %shift_right_logical3A_110 = arith.constant 14 : i32
    %shift_right_logical3A_111 = vector.broadcast %shift_right_logical3A_110 : i32 to vector<16xi32>
    %shift_right_logical3A_112 = arith.shrui %get3A_109, %shift_right_logical3A_111 : vector<16xi32>
    %swap3A_113 = arith.constant 64 : index
    %swap3A_114 = tpu.vector_load %arg6[%swap3A_113] {strides = array<i32>} : memref<80xi32, #tpu.memory_space<vmem>>, vector<16xi32>,
    %swap3A_115 = vector.shape_cast %swap3A_114 : vector<16xi32> to vector<16xi32>
    %swap3A_116 = vector.shape_cast %shift_right_logical3A_112 : vector<16xi32> to vector<16xi32>
    tpu.vector_store %arg6[%swap3A_113], %swap3A_116 {strides = array<i32>} : memref<80xi32, #tpu.memory_space<vmem>>, vector<16xi32>,
    %get3A_117 = arith.constant 0 : i32
    %get3A_118 = arith.index_cast %get3A_117 : i32 to index
    %get3A_119 = arith.constant 0 : index
    %get3A_120 = tpu.vector_load %arg5[%get3A_118, %get3A_119] {strides = array<i32>} : memref<125x80xi32, #tpu.memory_space<vmem>>, vector<1x16xi32>,
    %get3A_121 = vector.shape_cast %get3A_120 : vector<1x16xi32> to vector<16xi32>
    %and3A = arith.constant 16383 : i32
    %and3A_122 = vector.broadcast %and3A : i32 to vector<16xi32>
    %and3A_123 = arith.andi %get3A_121, %and3A_122 : vector<16xi32>
    %swap3A_124 = arith.constant 0 : index
    %swap3A_125 = tpu.vector_load %arg9[%swap3A_124] {strides = array<i32>} : memref<80xi32, #tpu.memory_space<vmem>>, vector<16xi32>,
    %swap3A_126 = vector.shape_cast %swap3A_125 : vector<16xi32> to vector<16xi32>
    %swap3A_127 = vector.shape_cast %and3A_123 : vector<16xi32> to vector<16xi32>
    tpu.vector_store %arg9[%swap3A_124], %swap3A_127 {strides = array<i32>} : memref<80xi32, #tpu.memory_space<vmem>>, vector<16xi32>,
    %get3A_128 = arith.constant 0 : i32
    %get3A_129 = arith.index_cast %get3A_128 : i32 to index
    %get3A_130 = arith.constant 16 : index
    %get3A_131 = tpu.vector_load %arg5[%get3A_129, %get3A_130] {strides = array<i32>} : memref<125x80xi32, #tpu.memory_space<vmem>>, vector<1x16xi32>,
    %get3A_132 = vector.shape_cast %get3A_131 : vector<1x16xi32> to vector<16xi32>
    %and3A_133 = arith.constant 16383 : i32
    %and3A_134 = vector.broadcast %and3A_133 : i32 to vector<16xi32>
    %and3A_135 = arith.andi %get3A_132, %and3A_134 : vector<16xi32>
    %swap3A_136 = arith.constant 16 : index
    %swap3A_137 = tpu.vector_load %arg9[%swap3A_136] {strides = array<i32>} : memref<80xi32, #tpu.memory_space<vmem>>, vector<16xi32>,
    %swap3A_138 = vector.shape_cast %swap3A_137 : vector<16xi32> to vector<16xi32>
    %swap3A_139 = vector.shape_cast %and3A_135 : vector<16xi32> to vector<16xi32>
    tpu.vector_store %arg9[%swap3A_136], %swap3A_139 {strides = array<i32>} : memref<80xi32, #tpu.memory_space<vmem>>, vector<16xi32>,
    %get3A_140 = arith.constant 0 : i32
    %get3A_141 = arith.index_cast %get3A_140 : i32 to index
    %get3A_142 = arith.constant 32 : index
    %get3A_143 = tpu.vector_load %arg5[%get3A_141, %get3A_142] {strides = array<i32>} : memref<125x80xi32, #tpu.memory_space<vmem>>, vector<1x16xi32>,
    %get3A_144 = vector.shape_cast %get3A_143 : vector<1x16xi32> to vector<16xi32>
    %and3A_145 = arith.constant 16383 : i32
    %and3A_146 = vector.broadcast %and3A_145 : i32 to vector<16xi32>
    %and3A_147 = arith.andi %get3A_144, %and3A_146 : vector<16xi32>
    %swap3A_148 = arith.constant 32 : index
    %swap3A_149 = tpu.vector_load %arg9[%swap3A_148] {strides = array<i32>} : memref<80xi32, #tpu.memory_space<vmem>>, vector<16xi32>,
    %swap3A_150 = vector.shape_cast %swap3A_149 : vector<16xi32> to vector<16xi32>
    %swap3A_151 = vector.shape_cast %and3A_147 : vector<16xi32> to vector<16xi32>
    tpu.vector_store %arg9[%swap3A_148], %swap3A_151 {strides = array<i32>} : memref<80xi32, #tpu.memory_space<vmem>>, vector<16xi32>,
    %get3A_152 = arith.constant 0 : i32
    %get3A_153 = arith.index_cast %get3A_152 : i32 to index
    %get3A_154 = arith.constant 48 : index
    %get3A_155 = tpu.vector_load %arg5[%get3A_153, %get3A_154] {strides = array<i32>} : memref<125x80xi32, #tpu.memory_space<vmem>>, vector<1x16xi32>,
    %get3A_156 = vector.shape_cast %get3A_155 : vector<1x16xi32> to vector<16xi32>
    %and3A_157 = arith.constant 16383 : i32
    %and3A_158 = vector.broadcast %and3A_157 : i32 to vector<16xi32>
    %and3A_159 = arith.andi %get3A_156, %and3A_158 : vector<16xi32>
    %swap3A_160 = arith.constant 48 : index
    %swap3A_161 = tpu.vector_load %arg9[%swap3A_160] {strides = array<i32>} : memref<80xi32, #tpu.memory_space<vmem>>, vector<16xi32>,
    %swap3A_162 = vector.shape_cast %swap3A_161 : vector<16xi32> to vector<16xi32>
    %swap3A_163 = vector.shape_cast %and3A_159 : vector<16xi32> to vector<16xi32>
    tpu.vector_store %arg9[%swap3A_160], %swap3A_163 {strides = array<i32>} : memref<80xi32, #tpu.memory_space<vmem>>, vector<16xi32>,
    %get3A_164 = arith.constant 0 : i32
    %get3A_165 = arith.index_cast %get3A_164 : i32 to index
    %get3A_166 = arith.constant 64 : index
    %get3A_167 = tpu.vector_load %arg5[%get3A_165, %get3A_166] {strides = array<i32>} : memref<125x80xi32, #tpu.memory_space<vmem>>, vector<1x16xi32>,
    %get3A_168 = vector.shape_cast %get3A_167 : vector<1x16xi32> to vector<16xi32>
    %and3A_169 = arith.constant 16383 : i32
    %and3A_170 = vector.broadcast %and3A_169 : i32 to vector<16xi32>
    %and3A_171 = arith.andi %get3A_168, %and3A_170 : vector<16xi32>
    %swap3A_172 = arith.constant 64 : index
    %swap3A_173 = tpu.vector_load %arg9[%swap3A_172] {strides = array<i32>} : memref<80xi32, #tpu.memory_space<vmem>>, vector<16xi32>,
    %swap3A_174 = vector.shape_cast %swap3A_173 : vector<16xi32> to vector<16xi32>
    %swap3A_175 = vector.shape_cast %and3A_171 : vector<16xi32> to vector<16xi32>
    tpu.vector_store %arg9[%swap3A_172], %swap3A_175 {strides = array<i32>} : memref<80xi32, #tpu.memory_space<vmem>>, vector<16xi32>,
    %dma_start3A_176 = arith.constant 0 : i32
    %dma_start3A_177 = arith.constant 0 : i32
    %dma_start3A_178 = tpu.memref_slice %arg16[%dma_start3A_176, %dma_start3A_177] : memref<10000x64xbf16, #tpu.memory_space<vmem_shared>> -> memref<10000x64xbf16, #tpu.memory_space<vmem_shared>>
    tpu.enqueue_indirect_dma source(%dma_start3A_178 : memref<10000x64xbf16, #tpu.memory_space<vmem_shared>>) target(%arg12 : memref<80x64xbf16, #tpu.memory_space<vmem>>) offsets(%arg6 : memref<80xi32, #tpu.memory_space<vmem>>) semaphore(%arg19 : memref<!tpu.dma_semaphore, #tpu.memory_space<semaphore_mem>>)
    %dma_wait3A_179 = arith.constant 0 : i32
    %dma_wait3A_180 = arith.constant 0 : i32
    %dma_wait3A_181 = tpu.memref_slice %arg16[%dma_wait3A_179, %dma_wait3A_180] : memref<10000x64xbf16, #tpu.memory_space<vmem_shared>> -> memref<10000x64xbf16, #tpu.memory_space<vmem_shared>>
    tpu.wait_indirect_dma semaphore(%arg19 : memref<!tpu.dma_semaphore, #tpu.memory_space<semaphore_mem>>) src(%dma_wait3A_181 : memref<10000x64xbf16, #tpu.memory_space<vmem_shared>>) dst(%arg12 : memref<80x64xbf16, #tpu.memory_space<vmem>>)
    %get3A_182 = arith.constant 1 : i32
    %get3A_183 = arith.index_cast %get3A_182 : i32 to index
    %get3A_184 = arith.constant 0 : index
    %get3A_185 = tpu.vector_load %arg5[%get3A_183, %get3A_184] {strides = array<i32>} : memref<125x80xi32, #tpu.memory_space<vmem>>, vector<1x16xi32>,
    %get3A_186 = vector.shape_cast %get3A_185 : vector<1x16xi32> to vector<16xi32>
    %shift_right_logical3A_187 = arith.constant 14 : i32
    %shift_right_logical3A_188 = vector.broadcast %shift_right_logical3A_187 : i32 to vector<16xi32>
    %shift_right_logical3A_189 = arith.shrui %get3A_186, %shift_right_logical3A_188 : vector<16xi32>
    %swap3A_190 = arith.constant 0 : index
    %swap3A_191 = tpu.vector_load %arg7[%swap3A_190] {strides = array<i32>} : memref<80xi32, #tpu.memory_space<vmem>>, vector<16xi32>,
    %swap3A_192 = vector.shape_cast %swap3A_191 : vector<16xi32> to vector<16xi32>
    %swap3A_193 = vector.shape_cast %shift_right_logical3A_189 : vector<16xi32> to vector<16xi32>
    tpu.vector_store %arg7[%swap3A_190], %swap3A_193 {strides = array<i32>} : memref<80xi32, #tpu.memory_space<vmem>>, vector<16xi32>,
    %get3A_194 = arith.constant 1 : i32
    %get3A_195 = arith.index_cast %get3A_194 : i32 to index
    %get3A_196 = arith.constant 16 : index
    %get3A_197 = tpu.vector_load %arg5[%get3A_195, %get3A_196] {strides = array<i32>} : memref<125x80xi32, #tpu.memory_space<vmem>>, vector<1x16xi32>,
    %get3A_198 = vector.shape_cast %get3A_197 : vector<1x16xi32> to vector<16xi32>
    %shift_right_logical3A_199 = arith.constant 14 : i32
    %shift_right_logical3A_200 = vector.broadcast %shift_right_logical3A_199 : i32 to vector<16xi32>
    %shift_right_logical3A_201 = arith.shrui %get3A_198, %shift_right_logical3A_200 : vector<16xi32>
    %swap3A_202 = arith.constant 16 : index
    %swap3A_203 = tpu.vector_load %arg7[%swap3A_202] {strides = array<i32>} : memref<80xi32, #tpu.memory_space<vmem>>, vector<16xi32>,
    %swap3A_204 = vector.shape_cast %swap3A_203 : vector<16xi32> to vector<16xi32>
    %swap3A_205 = vector.shape_cast %shift_right_logical3A_201 : vector<16xi32> to vector<16xi32>
    tpu.vector_store %arg7[%swap3A_202], %swap3A_205 {strides = array<i32>} : memref<80xi32, #tpu.memory_space<vmem>>, vector<16xi32>,
    %get3A_206 = arith.constant 1 : i32
    %get3A_207 = arith.index_cast %get3A_206 : i32 to index
    %get3A_208 = arith.constant 32 : index
    %get3A_209 = tpu.vector_load %arg5[%get3A_207, %get3A_208] {strides = array<i32>} : memref<125x80xi32, #tpu.memory_space<vmem>>, vector<1x16xi32>,
    %get3A_210 = vector.shape_cast %get3A_209 : vector<1x16xi32> to vector<16xi32>
    %shift_right_logical3A_211 = arith.constant 14 : i32
    %shift_right_logical3A_212 = vector.broadcast %shift_right_logical3A_211 : i32 to vector<16xi32>
    %shift_right_logical3A_213 = arith.shrui %get3A_210, %shift_right_logical3A_212 : vector<16xi32>
    %swap3A_214 = arith.constant 32 : index
    %swap3A_215 = tpu.vector_load %arg7[%swap3A_214] {strides = array<i32>} : memref<80xi32, #tpu.memory_space<vmem>>, vector<16xi32>,
    %swap3A_216 = vector.shape_cast %swap3A_215 : vector<16xi32> to vector<16xi32>
    %swap3A_217 = vector.shape_cast %shift_right_logical3A_213 : vector<16xi32> to vector<16xi32>
    tpu.vector_store %arg7[%swap3A_214], %swap3A_217 {strides = array<i32>} : memref<80xi32, #tpu.memory_space<vmem>>, vector<16xi32>,
    %get3A_218 = arith.constant 1 : i32
    %get3A_219 = arith.index_cast %get3A_218 : i32 to index
    %get3A_220 = arith.constant 48 : index
    %get3A_221 = tpu.vector_load %arg5[%get3A_219, %get3A_220] {strides = array<i32>} : memref<125x80xi32, #tpu.memory_space<vmem>>, vector<1x16xi32>,
    %get3A_222 = vector.shape_cast %get3A_221 : vector<1x16xi32> to vector<16xi32>
    %shift_right_logical3A_223 = arith.constant 14 : i32
    %shift_right_logical3A_224 = vector.broadcast %shift_right_logical3A_223 : i32 to vector<16xi32>
    %shift_right_logical3A_225 = arith.shrui %get3A_222, %shift_right_logical3A_224 : vector<16xi32>
    %swap3A_226 = arith.constant 48 : index
    %swap3A_227 = tpu.vector_load %arg7[%swap3A_226] {strides = array<i32>} : memref<80xi32, #tpu.memory_space<vmem>>, vector<16xi32>,
    %swap3A_228 = vector.shape_cast %swap3A_227 : vector<16xi32> to vector<16xi32>
    %swap3A_229 = vector.shape_cast %shift_right_logical3A_225 : vector<16xi32> to vector<16xi32>
    tpu.vector_store %arg7[%swap3A_226], %swap3A_229 {strides = array<i32>} : memref<80xi32, #tpu.memory_space<vmem>>, vector<16xi32>,
    %get3A_230 = arith.constant 1 : i32
    %get3A_231 = arith.index_cast %get3A_230 : i32 to index
    %get3A_232 = arith.constant 64 : index
    %get3A_233 = tpu.vector_load %arg5[%get3A_231, %get3A_232] {strides = array<i32>} : memref<125x80xi32, #tpu.memory_space<vmem>>, vector<1x16xi32>,
    %get3A_234 = vector.shape_cast %get3A_233 : vector<1x16xi32> to vector<16xi32>
    %shift_right_logical3A_235 = arith.constant 14 : i32
    %shift_right_logical3A_236 = vector.broadcast %shift_right_logical3A_235 : i32 to vector<16xi32>
    %shift_right_logical3A_237 = arith.shrui %get3A_234, %shift_right_logical3A_236 : vector<16xi32>
    %swap3A_238 = arith.constant 64 : index
    %swap3A_239 = tpu.vector_load %arg7[%swap3A_238] {strides = array<i32>} : memref<80xi32, #tpu.memory_space<vmem>>, vector<16xi32>,
    %swap3A_240 = vector.shape_cast %swap3A_239 : vector<16xi32> to vector<16xi32>
    %swap3A_241 = vector.shape_cast %shift_right_logical3A_237 : vector<16xi32> to vector<16xi32>
    tpu.vector_store %arg7[%swap3A_238], %swap3A_241 {strides = array<i32>} : memref<80xi32, #tpu.memory_space<vmem>>, vector<16xi32>,
    %get3A_242 = arith.constant 1 : i32
    %get3A_243 = arith.index_cast %get3A_242 : i32 to index
    %get3A_244 = arith.constant 0 : index
    %get3A_245 = tpu.vector_load %arg5[%get3A_243, %get3A_244] {strides = array<i32>} : memref<125x80xi32, #tpu.memory_space<vmem>>, vector<1x16xi32>,
    %get3A_246 = vector.shape_cast %get3A_245 : vector<1x16xi32> to vector<16xi32>
    %and3A_247 = arith.constant 16383 : i32
    %and3A_248 = vector.broadcast %and3A_247 : i32 to vector<16xi32>
    %and3A_249 = arith.andi %get3A_246, %and3A_248 : vector<16xi32>
    %swap3A_250 = arith.constant 0 : index
    %swap3A_251 = tpu.vector_load %arg10[%swap3A_250] {strides = array<i32>} : memref<80xi32, #tpu.memory_space<vmem>>, vector<16xi32>,
    %swap3A_252 = vector.shape_cast %swap3A_251 : vector<16xi32> to vector<16xi32>
    %swap3A_253 = vector.shape_cast %and3A_249 : vector<16xi32> to vector<16xi32>
    tpu.vector_store %arg10[%swap3A_250], %swap3A_253 {strides = array<i32>} : memref<80xi32, #tpu.memory_space<vmem>>, vector<16xi32>,
    %get3A_254 = arith.constant 1 : i32
    %get3A_255 = arith.index_cast %get3A_254 : i32 to index
    %get3A_256 = arith.constant 16 : index
    %get3A_257 = tpu.vector_load %arg5[%get3A_255, %get3A_256] {strides = array<i32>} : memref<125x80xi32, #tpu.memory_space<vmem>>, vector<1x16xi32>,
    %get3A_258 = vector.shape_cast %get3A_257 : vector<1x16xi32> to vector<16xi32>
    %and3A_259 = arith.constant 16383 : i32
    %and3A_260 = vector.broadcast %and3A_259 : i32 to vector<16xi32>
    %and3A_261 = arith.andi %get3A_258, %and3A_260 : vector<16xi32>
    %swap3A_262 = arith.constant 16 : index
    %swap3A_263 = tpu.vector_load %arg10[%swap3A_262] {strides = array<i32>} : memref<80xi32, #tpu.memory_space<vmem>>, vector<16xi32>,
    %swap3A_264 = vector.shape_cast %swap3A_263 : vector<16xi32> to vector<16xi32>
    %swap3A_265 = vector.shape_cast %and3A_261 : vector<16xi32> to vector<16xi32>
    tpu.vector_store %arg10[%swap3A_262], %swap3A_265 {strides = array<i32>} : memref<80xi32, #tpu.memory_space<vmem>>, vector<16xi32>,
    %get3A_266 = arith.constant 1 : i32
    %get3A_267 = arith.index_cast %get3A_266 : i32 to index
    %get3A_268 = arith.constant 32 : index
    %get3A_269 = tpu.vector_load %arg5[%get3A_267, %get3A_268] {strides = array<i32>} : memref<125x80xi32, #tpu.memory_space<vmem>>, vector<1x16xi32>,
    %get3A_270 = vector.shape_cast %get3A_269 : vector<1x16xi32> to vector<16xi32>
    %and3A_271 = arith.constant 16383 : i32
    %and3A_272 = vector.broadcast %and3A_271 : i32 to vector<16xi32>
    %and3A_273 = arith.andi %get3A_270, %and3A_272 : vector<16xi32>
    %swap3A_274 = arith.constant 32 : index
    %swap3A_275 = tpu.vector_load %arg10[%swap3A_274] {strides = array<i32>} : memref<80xi32, #tpu.memory_space<vmem>>, vector<16xi32>,
    %swap3A_276 = vector.shape_cast %swap3A_275 : vector<16xi32> to vector<16xi32>
    %swap3A_277 = vector.shape_cast %and3A_273 : vector<16xi32> to vector<16xi32>
    tpu.vector_store %arg10[%swap3A_274], %swap3A_277 {strides = array<i32>} : memref<80xi32, #tpu.memory_space<vmem>>, vector<16xi32>,
    %get3A_278 = arith.constant 1 : i32
    %get3A_279 = arith.index_cast %get3A_278 : i32 to index
    %get3A_280 = arith.constant 48 : index
    %get3A_281 = tpu.vector_load %arg5[%get3A_279, %get3A_280] {strides = array<i32>} : memref<125x80xi32, #tpu.memory_space<vmem>>, vector<1x16xi32>,
    %get3A_282 = vector.shape_cast %get3A_281 : vector<1x16xi32> to vector<16xi32>
    %and3A_283 = arith.constant 16383 : i32
    %and3A_284 = vector.broadcast %and3A_283 : i32 to vector<16xi32>
    %and3A_285 = arith.andi %get3A_282, %and3A_284 : vector<16xi32>
    %swap3A_286 = arith.constant 48 : index
    %swap3A_287 = tpu.vector_load %arg10[%swap3A_286] {strides = array<i32>} : memref<80xi32, #tpu.memory_space<vmem>>, vector<16xi32>,
    %swap3A_288 = vector.shape_cast %swap3A_287 : vector<16xi32> to vector<16xi32>
    %swap3A_289 = vector.shape_cast %and3A_285 : vector<16xi32> to vector<16xi32>
    tpu.vector_store %arg10[%swap3A_286], %swap3A_289 {strides = array<i32>} : memref<80xi32, #tpu.memory_space<vmem>>, vector<16xi32>,
    %get3A_290 = arith.constant 1 : i32
    %get3A_291 = arith.index_cast %get3A_290 : i32 to index
    %get3A_292 = arith.constant 64 : index
    %get3A_293 = tpu.vector_load %arg5[%get3A_291, %get3A_292] {strides = array<i32>} : memref<125x80xi32, #tpu.memory_space<vmem>>, vector<1x16xi32>,
    %get3A_294 = vector.shape_cast %get3A_293 : vector<1x16xi32> to vector<16xi32>
    %and3A_295 = arith.constant 16383 : i32
    %and3A_296 = vector.broadcast %and3A_295 : i32 to vector<16xi32>
    %and3A_297 = arith.andi %get3A_294, %and3A_296 : vector<16xi32>
    %swap3A_298 = arith.constant 64 : index
    %swap3A_299 = tpu.vector_load %arg10[%swap3A_298] {strides = array<i32>} : memref<80xi32, #tpu.memory_space<vmem>>, vector<16xi32>,
    %swap3A_300 = vector.shape_cast %swap3A_299 : vector<16xi32> to vector<16xi32>
    %swap3A_301 = vector.shape_cast %and3A_297 : vector<16xi32> to vector<16xi32>
    tpu.vector_store %arg10[%swap3A_298], %swap3A_301 {strides = array<i32>} : memref<80xi32, #tpu.memory_space<vmem>>, vector<16xi32>,
    %dma_start3A_302 = arith.constant 0 : i32
    %dma_start3A_303 = arith.constant 0 : i32
    %dma_start3A_304 = tpu.memref_slice %arg16[%dma_start3A_302, %dma_start3A_303] : memref<10000x64xbf16, #tpu.memory_space<vmem_shared>> -> memref<10000x64xbf16, #tpu.memory_space<vmem_shared>>
    tpu.enqueue_indirect_dma source(%dma_start3A_304 : memref<10000x64xbf16, #tpu.memory_space<vmem_shared>>) target(%arg13 : memref<80x64xbf16, #tpu.memory_space<vmem>>) offsets(%arg7 : memref<80xi32, #tpu.memory_space<vmem>>) semaphore(%arg20 : memref<!tpu.dma_semaphore, #tpu.memory_space<semaphore_mem>>)
    %dma_start3A_305 = arith.constant 0 : i32
    %dma_start3A_306 = arith.constant 0 : i32
    %dma_start3A_307 = tpu.memref_slice %arg17[%dma_start3A_305, %dma_start3A_306] : memref<10240x64xbf16, #tpu.memory_space<vmem_shared>> -> memref<10240x64xbf16, #tpu.memory_space<vmem_shared>>
    tpu.enqueue_indirect_dma source(%arg12 : memref<80x64xbf16, #tpu.memory_space<vmem>>) target(%dma_start3A_307 : memref<10240x64xbf16, #tpu.memory_space<vmem_shared>>) offsets(%arg9 : memref<80xi32, #tpu.memory_space<vmem>>) semaphore(%arg22 : memref<!tpu.dma_semaphore, #tpu.memory_space<semaphore_mem>>) {add = true}
    %dma_wait3A_308 = arith.constant 0 : i32
    %dma_wait3A_309 = arith.constant 0 : i32
    %dma_wait3A_310 = tpu.memref_slice %arg16[%dma_wait3A_308, %dma_wait3A_309] : memref<10000x64xbf16, #tpu.memory_space<vmem_shared>> -> memref<10000x64xbf16, #tpu.memory_space<vmem_shared>>
    tpu.wait_indirect_dma semaphore(%arg20 : memref<!tpu.dma_semaphore, #tpu.memory_space<semaphore_mem>>) src(%dma_wait3A_310 : memref<10000x64xbf16, #tpu.memory_space<vmem_shared>>) dst(%arg13 : memref<80x64xbf16, #tpu.memory_space<vmem>>)
    %get3A_311 = arith.constant 2 : i32
    %get3A_312 = arith.index_cast %get3A_311 : i32 to index
    %get3A_313 = arith.constant 0 : index
    %get3A_314 = tpu.vector_load %arg5[%get3A_312, %get3A_313] {strides = array<i32>} : memref<125x80xi32, #tpu.memory_space<vmem>>, vector<1x16xi32>,
    %get3A_315 = vector.shape_cast %get3A_314 : vector<1x16xi32> to vector<16xi32>
    %shift_right_logical3A_316 = arith.constant 14 : i32
    %shift_right_logical3A_317 = vector.broadcast %shift_right_logical3A_316 : i32 to vector<16xi32>
    %shift_right_logical3A_318 = arith.shrui %get3A_315, %shift_right_logical3A_317 : vector<16xi32>
    %swap3A_319 = arith.constant 0 : index
    %swap3A_320 = tpu.vector_load %arg8[%swap3A_319] {strides = array<i32>} : memref<80xi32, #tpu.memory_space<vmem>>, vector<16xi32>,
    %swap3A_321 = vector.shape_cast %swap3A_320 : vector<16xi32> to vector<16xi32>
    %swap3A_322 = vector.shape_cast %shift_right_logical3A_318 : vector<16xi32> to vector<16xi32>
    tpu.vector_store %arg8[%swap3A_319], %swap3A_322 {strides = array<i32>} : memref<80xi32, #tpu.memory_space<vmem>>, vector<16xi32>,
    %get3A_323 = arith.constant 2 : i32
    %get3A_324 = arith.index_cast %get3A_323 : i32 to index
    %get3A_325 = arith.constant 16 : index
    %get3A_326 = tpu.vector_load %arg5[%get3A_324, %get3A_325] {strides = array<i32>} : memref<125x80xi32, #tpu.memory_space<vmem>>, vector<1x16xi32>,
    %get3A_327 = vector.shape_cast %get3A_326 : vector<1x16xi32> to vector<16xi32>
    %shift_right_logical3A_328 = arith.constant 14 : i32
    %shift_right_logical3A_329 = vector.broadcast %shift_right_logical3A_328 : i32 to vector<16xi32>
    %shift_right_logical3A_330 = arith.shrui %get3A_327, %shift_right_logical3A_329 : vector<16xi32>
    %swap3A_331 = arith.constant 16 : index
    %swap3A_332 = tpu.vector_load %arg8[%swap3A_331] {strides = array<i32>} : memref<80xi32, #tpu.memory_space<vmem>>, vector<16xi32>,
    %swap3A_333 = vector.shape_cast %swap3A_332 : vector<16xi32> to vector<16xi32>
    %swap3A_334 = vector.shape_cast %shift_right_logical3A_330 : vector<16xi32> to vector<16xi32>
    tpu.vector_store %arg8[%swap3A_331], %swap3A_334 {strides = array<i32>} : memref<80xi32, #tpu.memory_space<vmem>>, vector<16xi32>,
    %get3A_335 = arith.constant 2 : i32
    %get3A_336 = arith.index_cast %get3A_335 : i32 to index
    %get3A_337 = arith.constant 32 : index
    %get3A_338 = tpu.vector_load %arg5[%get3A_336, %get3A_337] {strides = array<i32>} : memref<125x80xi32, #tpu.memory_space<vmem>>, vector<1x16xi32>,
    %get3A_339 = vector.shape_cast %get3A_338 : vector<1x16xi32> to vector<16xi32>
    %shift_right_logical3A_340 = arith.constant 14 : i32
    %shift_right_logical3A_341 = vector.broadcast %shift_right_logical3A_340 : i32 to vector<16xi32>
    %shift_right_logical3A_342 = arith.shrui %get3A_339, %shift_right_logical3A_341 : vector<16xi32>
    %swap3A_343 = arith.constant 32 : index
    %swap3A_344 = tpu.vector_load %arg8[%swap3A_343] {strides = array<i32>} : memref<80xi32, #tpu.memory_space<vmem>>, vector<16xi32>,
    %swap3A_345 = vector.shape_cast %swap3A_344 : vector<16xi32> to vector<16xi32>
    %swap3A_346 = vector.shape_cast %shift_right_logical3A_342 : vector<16xi32> to vector<16xi32>
    tpu.vector_store %arg8[%swap3A_343], %swap3A_346 {strides = array<i32>} : memref<80xi32, #tpu.memory_space<vmem>>, vector<16xi32>,
    %get3A_347 = arith.constant 2 : i32
    %get3A_348 = arith.index_cast %get3A_347 : i32 to index
    %get3A_349 = arith.constant 48 : index
    %get3A_350 = tpu.vector_load %arg5[%get3A_348, %get3A_349] {strides = array<i32>} : memref<125x80xi32, #tpu.memory_space<vmem>>, vector<1x16xi32>,
    %get3A_351 = vector.shape_cast %get3A_350 : vector<1x16xi32> to vector<16xi32>
    %shift_right_logical3A_352 = arith.constant 14 : i32
    %shift_right_logical3A_353 = vector.broadcast %shift_right_logical3A_352 : i32 to vector<16xi32>
    %shift_right_logical3A_354 = arith.shrui %get3A_351, %shift_right_logical3A_353 : vector<16xi32>
    %swap3A_355 = arith.constant 48 : index
    %swap3A_356 = tpu.vector_load %arg8[%swap3A_355] {strides = array<i32>} : memref<80xi32, #tpu.memory_space<vmem>>, vector<16xi32>,
    %swap3A_357 = vector.shape_cast %swap3A_356 : vector<16xi32> to vector<16xi32>
    %swap3A_358 = vector.shape_cast %shift_right_logical3A_354 : vector<16xi32> to vector<16xi32>
    tpu.vector_store %arg8[%swap3A_355], %swap3A_358 {strides = array<i32>} : memref<80xi32, #tpu.memory_space<vmem>>, vector<16xi32>,
    %get3A_359 = arith.constant 2 : i32
    %get3A_360 = arith.index_cast %get3A_359 : i32 to index
    %get3A_361 = arith.constant 64 : index
    %get3A_362 = tpu.vector_load %arg5[%get3A_360, %get3A_361] {strides = array<i32>} : memref<125x80xi32, #tpu.memory_space<vmem>>, vector<1x16xi32>,
    %get3A_363 = vector.shape_cast %get3A_362 : vector<1x16xi32> to vector<16xi32>
    %shift_right_logical3A_364 = arith.constant 14 : i32
    %shift_right_logical3A_365 = vector.broadcast %shift_right_logical3A_364 : i32 to vector<16xi32>
    %shift_right_logical3A_366 = arith.shrui %get3A_363, %shift_right_logical3A_365 : vector<16xi32>
    %swap3A_367 = arith.constant 64 : index
    %swap3A_368 = tpu.vector_load %arg8[%swap3A_367] {strides = array<i32>} : memref<80xi32, #tpu.memory_space<vmem>>, vector<16xi32>,
    %swap3A_369 = vector.shape_cast %swap3A_368 : vector<16xi32> to vector<16xi32>
    %swap3A_370 = vector.shape_cast %shift_right_logical3A_366 : vector<16xi32> to vector<16xi32>
    tpu.vector_store %arg8[%swap3A_367], %swap3A_370 {strides = array<i32>} : memref<80xi32, #tpu.memory_space<vmem>>, vector<16xi32>,
    %get3A_371 = arith.constant 2 : i32
    %get3A_372 = arith.index_cast %get3A_371 : i32 to index
    %get3A_373 = arith.constant 0 : index
    %get3A_374 = tpu.vector_load %arg5[%get3A_372, %get3A_373] {strides = array<i32>} : memref<125x80xi32, #tpu.memory_space<vmem>>, vector<1x16xi32>,
    %get3A_375 = vector.shape_cast %get3A_374 : vector<1x16xi32> to vector<16xi32>
    %and3A_376 = arith.constant 16383 : i32
    %and3A_377 = vector.broadcast %and3A_376 : i32 to vector<16xi32>
    %and3A_378 = arith.andi %get3A_375, %and3A_377 : vector<16xi32>
    %swap3A_379 = arith.constant 0 : index
    %swap3A_380 = tpu.vector_load %arg11[%swap3A_379] {strides = array<i32>} : memref<80xi32, #tpu.memory_space<vmem>>, vector<16xi32>,
    %swap3A_381 = vector.shape_cast %swap3A_380 : vector<16xi32> to vector<16xi32>
    %swap3A_382 = vector.shape_cast %and3A_378 : vector<16xi32> to vector<16xi32>
    tpu.vector_store %arg11[%swap3A_379], %swap3A_382 {strides = array<i32>} : memref<80xi32, #tpu.memory_space<vmem>>, vector<16xi32>,
    %get3A_383 = arith.constant 2 : i32
    %get3A_384 = arith.index_cast %get3A_383 : i32 to index
    %get3A_385 = arith.constant 16 : index
    %get3A_386 = tpu.vector_load %arg5[%get3A_384, %get3A_385] {strides = array<i32>} : memref<125x80xi32, #tpu.memory_space<vmem>>, vector<1x16xi32>,
    %get3A_387 = vector.shape_cast %get3A_386 : vector<1x16xi32> to vector<16xi32>
    %and3A_388 = arith.constant 16383 : i32
    %and3A_389 = vector.broadcast %and3A_388 : i32 to vector<16xi32>
    %and3A_390 = arith.andi %get3A_387, %and3A_389 : vector<16xi32>
    %swap3A_391 = arith.constant 16 : index
    %swap3A_392 = tpu.vector_load %arg11[%swap3A_391] {strides = array<i32>} : memref<80xi32, #tpu.memory_space<vmem>>, vector<16xi32>,
    %swap3A_393 = vector.shape_cast %swap3A_392 : vector<16xi32> to vector<16xi32>
    %swap3A_394 = vector.shape_cast %and3A_390 : vector<16xi32> to vector<16xi32>
    tpu.vector_store %arg11[%swap3A_391], %swap3A_394 {strides = array<i32>} : memref<80xi32, #tpu.memory_space<vmem>>, vector<16xi32>,
    %get3A_395 = arith.constant 2 : i32
    %get3A_396 = arith.index_cast %get3A_395 : i32 to index
    %get3A_397 = arith.constant 32 : index
    %get3A_398 = tpu.vector_load %arg5[%get3A_396, %get3A_397] {strides = array<i32>} : memref<125x80xi32, #tpu.memory_space<vmem>>, vector<1x16xi32>,
    %get3A_399 = vector.shape_cast %get3A_398 : vector<1x16xi32> to vector<16xi32>
    %and3A_400 = arith.constant 16383 : i32
    %and3A_401 = vector.broadcast %and3A_400 : i32 to vector<16xi32>
    %and3A_402 = arith.andi %get3A_399, %and3A_401 : vector<16xi32>
    %swap3A_403 = arith.constant 32 : index
    %swap3A_404 = tpu.vector_load %arg11[%swap3A_403] {strides = array<i32>} : memref<80xi32, #tpu.memory_space<vmem>>, vector<16xi32>,
    %swap3A_405 = vector.shape_cast %swap3A_404 : vector<16xi32> to vector<16xi32>
    %swap3A_406 = vector.shape_cast %and3A_402 : vector<16xi32> to vector<16xi32>
    tpu.vector_store %arg11[%swap3A_403], %swap3A_406 {strides = array<i32>} : memref<80xi32, #tpu.memory_space<vmem>>, vector<16xi32>,
    %get3A_407 = arith.constant 2 : i32
    %get3A_408 = arith.index_cast %get3A_407 : i32 to index
    %get3A_409 = arith.constant 48 : index
    %get3A_410 = tpu.vector_load %arg5[%get3A_408, %get3A_409] {strides = array<i32>} : memref<125x80xi32, #tpu.memory_space<vmem>>, vector<1x16xi32>,
    %get3A_411 = vector.shape_cast %get3A_410 : vector<1x16xi32> to vector<16xi32>
    %and3A_412 = arith.constant 16383 : i32
    %and3A_413 = vector.broadcast %and3A_412 : i32 to vector<16xi32>
    %and3A_414 = arith.andi %get3A_411, %and3A_413 : vector<16xi32>
    %swap3A_415 = arith.constant 48 : index
    %swap3A_416 = tpu.vector_load %arg11[%swap3A_415] {strides = array<i32>} : memref<80xi32, #tpu.memory_space<vmem>>, vector<16xi32>,
    %swap3A_417 = vector.shape_cast %swap3A_416 : vector<16xi32> to vector<16xi32>
    %swap3A_418 = vector.shape_cast %and3A_414 : vector<16xi32> to vector<16xi32>
    tpu.vector_store %arg11[%swap3A_415], %swap3A_418 {strides = array<i32>} : memref<80xi32, #tpu.memory_space<vmem>>, vector<16xi32>,
    %get3A_419 = arith.constant 2 : i32
    %get3A_420 = arith.index_cast %get3A_419 : i32 to index
    %get3A_421 = arith.constant 64 : index
    %get3A_422 = tpu.vector_load %arg5[%get3A_420, %get3A_421] {strides = array<i32>} : memref<125x80xi32, #tpu.memory_space<vmem>>, vector<1x16xi32>,
    %get3A_423 = vector.shape_cast %get3A_422 : vector<1x16xi32> to vector<16xi32>
    %and3A_424 = arith.constant 16383 : i32
    %and3A_425 = vector.broadcast %and3A_424 : i32 to vector<16xi32>
    %and3A_426 = arith.andi %get3A_423, %and3A_425 : vector<16xi32>
    %swap3A_427 = arith.constant 64 : index
    %swap3A_428 = tpu.vector_load %arg11[%swap3A_427] {strides = array<i32>} : memref<80xi32, #tpu.memory_space<vmem>>, vector<16xi32>,
    %swap3A_429 = vector.shape_cast %swap3A_428 : vector<16xi32> to vector<16xi32>
    %swap3A_430 = vector.shape_cast %and3A_426 : vector<16xi32> to vector<16xi32>
    tpu.vector_store %arg11[%swap3A_427], %swap3A_430 {strides = array<i32>} : memref<80xi32, #tpu.memory_space<vmem>>, vector<16xi32>,
    %dma_start3A_431 = arith.constant 0 : i32
    %dma_start3A_432 = arith.constant 0 : i32
    %dma_start3A_433 = tpu.memref_slice %arg16[%dma_start3A_431, %dma_start3A_432] : memref<10000x64xbf16, #tpu.memory_space<vmem_shared>> -> memref<10000x64xbf16, #tpu.memory_space<vmem_shared>>
    tpu.enqueue_indirect_dma source(%dma_start3A_433 : memref<10000x64xbf16, #tpu.memory_space<vmem_shared>>) target(%arg14 : memref<80x64xbf16, #tpu.memory_space<vmem>>) offsets(%arg8 : memref<80xi32, #tpu.memory_space<vmem>>) semaphore(%arg21 : memref<!tpu.dma_semaphore, #tpu.memory_space<semaphore_mem>>)
    %dma_start3A_434 = arith.constant 0 : i32
    %dma_start3A_435 = arith.constant 0 : i32
    %dma_start3A_436 = tpu.memref_slice %arg17[%dma_start3A_434, %dma_start3A_435] : memref<10240x64xbf16, #tpu.memory_space<vmem_shared>> -> memref<10240x64xbf16, #tpu.memory_space<vmem_shared>>
    tpu.enqueue_indirect_dma source(%arg13 : memref<80x64xbf16, #tpu.memory_space<vmem>>) target(%dma_start3A_436 : memref<10240x64xbf16, #tpu.memory_space<vmem_shared>>) offsets(%arg10 : memref<80xi32, #tpu.memory_space<vmem>>) semaphore(%arg23 : memref<!tpu.dma_semaphore, #tpu.memory_space<semaphore_mem>>) {add = true}
    %scan3A_437 = arith.constant 0 : i32
    %scan3A_438 = arith.constant 0 : i32
    %scan3A_439 = arith.constant 40 : i32
    %scan3A_440 = arith.addi %scan3A_438, %scan3A_439 : i32
    %scan3A_441 = arith.constant 1 : i32
    %scan3A_442 = scf.for %scan3A_756 = %scan3A_438 to %scan3A_440 step %scan3A_441 iter_args(%scan3A_757 = %scan3A_437) -> (i32)  : i32 {
      %mul3A_758 = arith.constant 3 : i32
      %mul3A_759 = arith.muli %mul3A_758, %scan3A_756 : i32
      %add3A_760 = arith.constant 2 : i32
      %add3A_761 = arith.addi %mul3A_759, %add3A_760 : i32
      %dma_wait3A_762 = arith.constant 0 : i32
      %dma_wait3A_763 = arith.constant 0 : i32
      %dma_wait3A_764 = tpu.memref_slice %arg16[%dma_wait3A_762, %dma_wait3A_763] : memref<10000x64xbf16, #tpu.memory_space<vmem_shared>> -> memref<10000x64xbf16, #tpu.memory_space<vmem_shared>>
      tpu.wait_indirect_dma semaphore(%arg21 : memref<!tpu.dma_semaphore, #tpu.memory_space<semaphore_mem>>) src(%dma_wait3A_764 : memref<10000x64xbf16, #tpu.memory_space<vmem_shared>>) dst(%arg14 : memref<80x64xbf16, #tpu.memory_space<vmem>>)
      %dma_wait3A_765 = arith.constant 0 : i32
      %dma_wait3A_766 = arith.constant 0 : i32
      %dma_wait3A_767 = tpu.memref_slice %arg17[%dma_wait3A_765, %dma_wait3A_766] : memref<10240x64xbf16, #tpu.memory_space<vmem_shared>> -> memref<10240x64xbf16, #tpu.memory_space<vmem_shared>>
      tpu.wait_indirect_dma semaphore(%arg22 : memref<!tpu.dma_semaphore, #tpu.memory_space<semaphore_mem>>) src(%arg12 : memref<80x64xbf16, #tpu.memory_space<vmem>>) dst(%dma_wait3A_767 : memref<10240x64xbf16, #tpu.memory_space<vmem_shared>>)
      %add3A_768 = arith.constant 0 : i32
      %add3A_769 = arith.addi %add3A_761, %add3A_768 : i32
      %add3A_770 = arith.constant 1 : i32
      %add3A_771 = arith.addi %add3A_769, %add3A_770 : i32
      %get3A_772 = arith.index_cast %add3A_771 : i32 to index
      %get3A_773 = arith.constant 0 : index
      %get3A_774 = tpu.vector_load %arg5[%get3A_772, %get3A_773] {strides = array<i32>} : memref<125x80xi32, #tpu.memory_space<vmem>>, vector<1x16xi32>,
      %get3A_775 = vector.shape_cast %get3A_774 : vector<1x16xi32> to vector<16xi32>
      %shift_right_logical3A_776 = arith.constant 14 : i32
      %shift_right_logical3A_777 = vector.broadcast %shift_right_logical3A_776 : i32 to vector<16xi32>
      %shift_right_logical3A_778 = arith.shrui %get3A_775, %shift_right_logical3A_777 : vector<16xi32>
      %swap3A_779 = arith.constant 0 : index
      %swap3A_780 = tpu.vector_load %arg6[%swap3A_779] {strides = array<i32>} : memref<80xi32, #tpu.memory_space<vmem>>, vector<16xi32>,
      %swap3A_781 = vector.shape_cast %swap3A_780 : vector<16xi32> to vector<16xi32>
      %swap3A_782 = vector.shape_cast %shift_right_logical3A_778 : vector<16xi32> to vector<16xi32>
      tpu.vector_store %arg6[%swap3A_779], %swap3A_782 {strides = array<i32>} : memref<80xi32, #tpu.memory_space<vmem>>, vector<16xi32>,
      %get3A_783 = arith.index_cast %add3A_771 : i32 to index
      %get3A_784 = arith.constant 16 : index
      %get3A_785 = tpu.vector_load %arg5[%get3A_783, %get3A_784] {strides = array<i32>} : memref<125x80xi32, #tpu.memory_space<vmem>>, vector<1x16xi32>,
      %get3A_786 = vector.shape_cast %get3A_785 : vector<1x16xi32> to vector<16xi32>
      %shift_right_logical3A_787 = arith.constant 14 : i32
      %shift_right_logical3A_788 = vector.broadcast %shift_right_logical3A_787 : i32 to vector<16xi32>
      %shift_right_logical3A_789 = arith.shrui %get3A_786, %shift_right_logical3A_788 : vector<16xi32>
      %swap3A_790 = arith.constant 16 : index
      %swap3A_791 = tpu.vector_load %arg6[%swap3A_790] {strides = array<i32>} : memref<80xi32, #tpu.memory_space<vmem>>, vector<16xi32>,
      %swap3A_792 = vector.shape_cast %swap3A_791 : vector<16xi32> to vector<16xi32>
      %swap3A_793 = vector.shape_cast %shift_right_logical3A_789 : vector<16xi32> to vector<16xi32>
      tpu.vector_store %arg6[%swap3A_790], %swap3A_793 {strides = array<i32>} : memref<80xi32, #tpu.memory_space<vmem>>, vector<16xi32>,
      %get3A_794 = arith.index_cast %add3A_771 : i32 to index
      %get3A_795 = arith.constant 32 : index
      %get3A_796 = tpu.vector_load %arg5[%get3A_794, %get3A_795] {strides = array<i32>} : memref<125x80xi32, #tpu.memory_space<vmem>>, vector<1x16xi32>,
      %get3A_797 = vector.shape_cast %get3A_796 : vector<1x16xi32> to vector<16xi32>
      %shift_right_logical3A_798 = arith.constant 14 : i32
      %shift_right_logical3A_799 = vector.broadcast %shift_right_logical3A_798 : i32 to vector<16xi32>
      %shift_right_logical3A_800 = arith.shrui %get3A_797, %shift_right_logical3A_799 : vector<16xi32>
      %swap3A_801 = arith.constant 32 : index
      %swap3A_802 = tpu.vector_load %arg6[%swap3A_801] {strides = array<i32>} : memref<80xi32, #tpu.memory_space<vmem>>, vector<16xi32>,
      %swap3A_803 = vector.shape_cast %swap3A_802 : vector<16xi32> to vector<16xi32>
      %swap3A_804 = vector.shape_cast %shift_right_logical3A_800 : vector<16xi32> to vector<16xi32>
      tpu.vector_store %arg6[%swap3A_801], %swap3A_804 {strides = array<i32>} : memref<80xi32, #tpu.memory_space<vmem>>, vector<16xi32>,
      %get3A_805 = arith.index_cast %add3A_771 : i32 to index
      %get3A_806 = arith.constant 48 : index
      %get3A_807 = tpu.vector_load %arg5[%get3A_805, %get3A_806] {strides = array<i32>} : memref<125x80xi32, #tpu.memory_space<vmem>>, vector<1x16xi32>,
      %get3A_808 = vector.shape_cast %get3A_807 : vector<1x16xi32> to vector<16xi32>
      %shift_right_logical3A_809 = arith.constant 14 : i32
      %shift_right_logical3A_810 = vector.broadcast %shift_right_logical3A_809 : i32 to vector<16xi32>
      %shift_right_logical3A_811 = arith.shrui %get3A_808, %shift_right_logical3A_810 : vector<16xi32>
      %swap3A_812 = arith.constant 48 : index
      %swap3A_813 = tpu.vector_load %arg6[%swap3A_812] {strides = array<i32>} : memref<80xi32, #tpu.memory_space<vmem>>, vector<16xi32>,
      %swap3A_814 = vector.shape_cast %swap3A_813 : vector<16xi32> to vector<16xi32>
      %swap3A_815 = vector.shape_cast %shift_right_logical3A_811 : vector<16xi32> to vector<16xi32>
      tpu.vector_store %arg6[%swap3A_812], %swap3A_815 {strides = array<i32>} : memref<80xi32, #tpu.memory_space<vmem>>, vector<16xi32>,
      %get3A_816 = arith.index_cast %add3A_771 : i32 to index
      %get3A_817 = arith.constant 64 : index
      %get3A_818 = tpu.vector_load %arg5[%get3A_816, %get3A_817] {strides = array<i32>} : memref<125x80xi32, #tpu.memory_space<vmem>>, vector<1x16xi32>,
      %get3A_819 = vector.shape_cast %get3A_818 : vector<1x16xi32> to vector<16xi32>
      %shift_right_logical3A_820 = arith.constant 14 : i32
      %shift_right_logical3A_821 = vector.broadcast %shift_right_logical3A_820 : i32 to vector<16xi32>
      %shift_right_logical3A_822 = arith.shrui %get3A_819, %shift_right_logical3A_821 : vector<16xi32>
      %swap3A_823 = arith.constant 64 : index
      %swap3A_824 = tpu.vector_load %arg6[%swap3A_823] {strides = array<i32>} : memref<80xi32, #tpu.memory_space<vmem>>, vector<16xi32>,
      %swap3A_825 = vector.shape_cast %swap3A_824 : vector<16xi32> to vector<16xi32>
      %swap3A_826 = vector.shape_cast %shift_right_logical3A_822 : vector<16xi32> to vector<16xi32>
      tpu.vector_store %arg6[%swap3A_823], %swap3A_826 {strides = array<i32>} : memref<80xi32, #tpu.memory_space<vmem>>, vector<16xi32>,
      %add3A_827 = arith.constant 0 : i32
      %add3A_828 = arith.addi %add3A_761, %add3A_827 : i32
      %add3A_829 = arith.constant 1 : i32
      %add3A_830 = arith.addi %add3A_828, %add3A_829 : i32
      %get3A_831 = arith.index_cast %add3A_830 : i32 to index
      %get3A_832 = arith.constant 0 : index
      %get3A_833 = tpu.vector_load %arg5[%get3A_831, %get3A_832] {strides = array<i32>} : memref<125x80xi32, #tpu.memory_space<vmem>>, vector<1x16xi32>,
      %get3A_834 = vector.shape_cast %get3A_833 : vector<1x16xi32> to vector<16xi32>
      %and3A_835 = arith.constant 16383 : i32
      %and3A_836 = vector.broadcast %and3A_835 : i32 to vector<16xi32>
      %and3A_837 = arith.andi %get3A_834, %and3A_836 : vector<16xi32>
      %swap3A_838 = arith.constant 0 : index
      %swap3A_839 = tpu.vector_load %arg9[%swap3A_838] {strides = array<i32>} : memref<80xi32, #tpu.memory_space<vmem>>, vector<16xi32>,
      %swap3A_840 = vector.shape_cast %swap3A_839 : vector<16xi32> to vector<16xi32>
      %swap3A_841 = vector.shape_cast %and3A_837 : vector<16xi32> to vector<16xi32>
      tpu.vector_store %arg9[%swap3A_838], %swap3A_841 {strides = array<i32>} : memref<80xi32, #tpu.memory_space<vmem>>, vector<16xi32>,
      %get3A_842 = arith.index_cast %add3A_830 : i32 to index
      %get3A_843 = arith.constant 16 : index
      %get3A_844 = tpu.vector_load %arg5[%get3A_842, %get3A_843] {strides = array<i32>} : memref<125x80xi32, #tpu.memory_space<vmem>>, vector<1x16xi32>,
      %get3A_845 = vector.shape_cast %get3A_844 : vector<1x16xi32> to vector<16xi32>
      %and3A_846 = arith.constant 16383 : i32
      %and3A_847 = vector.broadcast %and3A_846 : i32 to vector<16xi32>
      %and3A_848 = arith.andi %get3A_845, %and3A_847 : vector<16xi32>
      %swap3A_849 = arith.constant 16 : index
      %swap3A_850 = tpu.vector_load %arg9[%swap3A_849] {strides = array<i32>} : memref<80xi32, #tpu.memory_space<vmem>>, vector<16xi32>,
      %swap3A_851 = vector.shape_cast %swap3A_850 : vector<16xi32> to vector<16xi32>
      %swap3A_852 = vector.shape_cast %and3A_848 : vector<16xi32> to vector<16xi32>
      tpu.vector_store %arg9[%swap3A_849], %swap3A_852 {strides = array<i32>} : memref<80xi32, #tpu.memory_space<vmem>>, vector<16xi32>,
      %get3A_853 = arith.index_cast %add3A_830 : i32 to index
      %get3A_854 = arith.constant 32 : index
      %get3A_855 = tpu.vector_load %arg5[%get3A_853, %get3A_854] {strides = array<i32>} : memref<125x80xi32, #tpu.memory_space<vmem>>, vector<1x16xi32>,
      %get3A_856 = vector.shape_cast %get3A_855 : vector<1x16xi32> to vector<16xi32>
      %and3A_857 = arith.constant 16383 : i32
      %and3A_858 = vector.broadcast %and3A_857 : i32 to vector<16xi32>
      %and3A_859 = arith.andi %get3A_856, %and3A_858 : vector<16xi32>
      %swap3A_860 = arith.constant 32 : index
      %swap3A_861 = tpu.vector_load %arg9[%swap3A_860] {strides = array<i32>} : memref<80xi32, #tpu.memory_space<vmem>>, vector<16xi32>,
      %swap3A_862 = vector.shape_cast %swap3A_861 : vector<16xi32> to vector<16xi32>
      %swap3A_863 = vector.shape_cast %and3A_859 : vector<16xi32> to vector<16xi32>
      tpu.vector_store %arg9[%swap3A_860], %swap3A_863 {strides = array<i32>} : memref<80xi32, #tpu.memory_space<vmem>>, vector<16xi32>,
      %get3A_864 = arith.index_cast %add3A_830 : i32 to index
      %get3A_865 = arith.constant 48 : index
      %get3A_866 = tpu.vector_load %arg5[%get3A_864, %get3A_865] {strides = array<i32>} : memref<125x80xi32, #tpu.memory_space<vmem>>, vector<1x16xi32>,
      %get3A_867 = vector.shape_cast %get3A_866 : vector<1x16xi32> to vector<16xi32>
      %and3A_868 = arith.constant 16383 : i32
      %and3A_869 = vector.broadcast %and3A_868 : i32 to vector<16xi32>
      %and3A_870 = arith.andi %get3A_867, %and3A_869 : vector<16xi32>
      %swap3A_871 = arith.constant 48 : index
      %swap3A_872 = tpu.vector_load %arg9[%swap3A_871] {strides = array<i32>} : memref<80xi32, #tpu.memory_space<vmem>>, vector<16xi32>,
      %swap3A_873 = vector.shape_cast %swap3A_872 : vector<16xi32> to vector<16xi32>
      %swap3A_874 = vector.shape_cast %and3A_870 : vector<16xi32> to vector<16xi32>
      tpu.vector_store %arg9[%swap3A_871], %swap3A_874 {strides = array<i32>} : memref<80xi32, #tpu.memory_space<vmem>>, vector<16xi32>,
      %get3A_875 = arith.index_cast %add3A_830 : i32 to index
      %get3A_876 = arith.constant 64 : index
      %get3A_877 = tpu.vector_load %arg5[%get3A_875, %get3A_876] {strides = array<i32>} : memref<125x80xi32, #tpu.memory_space<vmem>>, vector<1x16xi32>,
      %get3A_878 = vector.shape_cast %get3A_877 : vector<1x16xi32> to vector<16xi32>
      %and3A_879 = arith.constant 16383 : i32
      %and3A_880 = vector.broadcast %and3A_879 : i32 to vector<16xi32>
      %and3A_881 = arith.andi %get3A_878, %and3A_880 : vector<16xi32>
      %swap3A_882 = arith.constant 64 : index
      %swap3A_883 = tpu.vector_load %arg9[%swap3A_882] {strides = array<i32>} : memref<80xi32, #tpu.memory_space<vmem>>, vector<16xi32>,
      %swap3A_884 = vector.shape_cast %swap3A_883 : vector<16xi32> to vector<16xi32>
      %swap3A_885 = vector.shape_cast %and3A_881 : vector<16xi32> to vector<16xi32>
      tpu.vector_store %arg9[%swap3A_882], %swap3A_885 {strides = array<i32>} : memref<80xi32, #tpu.memory_space<vmem>>, vector<16xi32>,
      %add3A_886 = arith.constant 0 : i32
      %add3A_887 = arith.addi %add3A_761, %add3A_886 : i32
      %add3A_888 = arith.constant 1 : i32
      %add3A_889 = arith.addi %add3A_887, %add3A_888 : i32
      %dma_start3A_890 = arith.constant 0 : i32
      %dma_start3A_891 = arith.constant 0 : i32
      %dma_start3A_892 = tpu.memref_slice %arg16[%dma_start3A_890, %dma_start3A_891] : memref<10000x64xbf16, #tpu.memory_space<vmem_shared>> -> memref<10000x64xbf16, #tpu.memory_space<vmem_shared>>
      tpu.enqueue_indirect_dma source(%dma_start3A_892 : memref<10000x64xbf16, #tpu.memory_space<vmem_shared>>) target(%arg12 : memref<80x64xbf16, #tpu.memory_space<vmem>>) offsets(%arg6 : memref<80xi32, #tpu.memory_space<vmem>>) semaphore(%arg19 : memref<!tpu.dma_semaphore, #tpu.memory_space<semaphore_mem>>)
      %dma_start3A_893 = arith.constant 0 : i32
      %dma_start3A_894 = arith.constant 0 : i32
      %dma_start3A_895 = tpu.memref_slice %arg17[%dma_start3A_893, %dma_start3A_894] : memref<10240x64xbf16, #tpu.memory_space<vmem_shared>> -> memref<10240x64xbf16, #tpu.memory_space<vmem_shared>>
      tpu.enqueue_indirect_dma source(%arg14 : memref<80x64xbf16, #tpu.memory_space<vmem>>) target(%dma_start3A_895 : memref<10240x64xbf16, #tpu.memory_space<vmem_shared>>) offsets(%arg11 : memref<80xi32, #tpu.memory_space<vmem>>) semaphore(%arg24 : memref<!tpu.dma_semaphore, #tpu.memory_space<semaphore_mem>>) {add = true}
      %dma_wait3A_896 = arith.constant 0 : i32
      %dma_wait3A_897 = arith.constant 0 : i32
      %dma_wait3A_898 = tpu.memref_slice %arg16[%dma_wait3A_896, %dma_wait3A_897] : memref<10000x64xbf16, #tpu.memory_space<vmem_shared>> -> memref<10000x64xbf16, #tpu.memory_space<vmem_shared>>
      tpu.wait_indirect_dma semaphore(%arg19 : memref<!tpu.dma_semaphore, #tpu.memory_space<semaphore_mem>>) src(%dma_wait3A_898 : memref<10000x64xbf16, #tpu.memory_space<vmem_shared>>) dst(%arg12 : memref<80x64xbf16, #tpu.memory_space<vmem>>)
      %dma_wait3A_899 = arith.constant 0 : i32
      %dma_wait3A_900 = arith.constant 0 : i32
      %dma_wait3A_901 = tpu.memref_slice %arg17[%dma_wait3A_899, %dma_wait3A_900] : memref<10240x64xbf16, #tpu.memory_space<vmem_shared>> -> memref<10240x64xbf16, #tpu.memory_space<vmem_shared>>
      tpu.wait_indirect_dma semaphore(%arg23 : memref<!tpu.dma_semaphore, #tpu.memory_space<semaphore_mem>>) src(%arg13 : memref<80x64xbf16, #tpu.memory_space<vmem>>) dst(%dma_wait3A_901 : memref<10240x64xbf16, #tpu.memory_space<vmem_shared>>)
      %add3A_902 = arith.constant 1 : i32
      %add3A_903 = arith.addi %add3A_761, %add3A_902 : i32
      %add3A_904 = arith.constant 1 : i32
      %add3A_905 = arith.addi %add3A_903, %add3A_904 : i32
      %get3A_906 = arith.index_cast %add3A_905 : i32 to index
      %get3A_907 = arith.constant 0 : index
      %get3A_908 = tpu.vector_load %arg5[%get3A_906, %get3A_907] {strides = array<i32>} : memref<125x80xi32, #tpu.memory_space<vmem>>, vector<1x16xi32>,
      %get3A_909 = vector.shape_cast %get3A_908 : vector<1x16xi32> to vector<16xi32>
      %shift_right_logical3A_910 = arith.constant 14 : i32
      %shift_right_logical3A_911 = vector.broadcast %shift_right_logical3A_910 : i32 to vector<16xi32>
      %shift_right_logical3A_912 = arith.shrui %get3A_909, %shift_right_logical3A_911 : vector<16xi32>
      %swap3A_913 = arith.constant 0 : index
      %swap3A_914 = tpu.vector_load %arg7[%swap3A_913] {strides = array<i32>} : memref<80xi32, #tpu.memory_space<vmem>>, vector<16xi32>,
      %swap3A_915 = vector.shape_cast %swap3A_914 : vector<16xi32> to vector<16xi32>
      %swap3A_916 = vector.shape_cast %shift_right_logical3A_912 : vector<16xi32> to vector<16xi32>
      tpu.vector_store %arg7[%swap3A_913], %swap3A_916 {strides = array<i32>} : memref<80xi32, #tpu.memory_space<vmem>>, vector<16xi32>,
      %get3A_917 = arith.index_cast %add3A_905 : i32 to index
      %get3A_918 = arith.constant 16 : index
      %get3A_919 = tpu.vector_load %arg5[%get3A_917, %get3A_918] {strides = array<i32>} : memref<125x80xi32, #tpu.memory_space<vmem>>, vector<1x16xi32>,
      %get3A_920 = vector.shape_cast %get3A_919 : vector<1x16xi32> to vector<16xi32>
      %shift_right_logical3A_921 = arith.constant 14 : i32
      %shift_right_logical3A_922 = vector.broadcast %shift_right_logical3A_921 : i32 to vector<16xi32>
      %shift_right_logical3A_923 = arith.shrui %get3A_920, %shift_right_logical3A_922 : vector<16xi32>
      %swap3A_924 = arith.constant 16 : index
      %swap3A_925 = tpu.vector_load %arg7[%swap3A_924] {strides = array<i32>} : memref<80xi32, #tpu.memory_space<vmem>>, vector<16xi32>,
      %swap3A_926 = vector.shape_cast %swap3A_925 : vector<16xi32> to vector<16xi32>
      %swap3A_927 = vector.shape_cast %shift_right_logical3A_923 : vector<16xi32> to vector<16xi32>
      tpu.vector_store %arg7[%swap3A_924], %swap3A_927 {strides = array<i32>} : memref<80xi32, #tpu.memory_space<vmem>>, vector<16xi32>,
      %get3A_928 = arith.index_cast %add3A_905 : i32 to index
      %get3A_929 = arith.constant 32 : index
      %get3A_930 = tpu.vector_load %arg5[%get3A_928, %get3A_929] {strides = array<i32>} : memref<125x80xi32, #tpu.memory_space<vmem>>, vector<1x16xi32>,
      %get3A_931 = vector.shape_cast %get3A_930 : vector<1x16xi32> to vector<16xi32>
      %shift_right_logical3A_932 = arith.constant 14 : i32
      %shift_right_logical3A_933 = vector.broadcast %shift_right_logical3A_932 : i32 to vector<16xi32>
      %shift_right_logical3A_934 = arith.shrui %get3A_931, %shift_right_logical3A_933 : vector<16xi32>
      %swap3A_935 = arith.constant 32 : index
      %swap3A_936 = tpu.vector_load %arg7[%swap3A_935] {strides = array<i32>} : memref<80xi32, #tpu.memory_space<vmem>>, vector<16xi32>,
      %swap3A_937 = vector.shape_cast %swap3A_936 : vector<16xi32> to vector<16xi32>
      %swap3A_938 = vector.shape_cast %shift_right_logical3A_934 : vector<16xi32> to vector<16xi32>
      tpu.vector_store %arg7[%swap3A_935], %swap3A_938 {strides = array<i32>} : memref<80xi32, #tpu.memory_space<vmem>>, vector<16xi32>,
      %get3A_939 = arith.index_cast %add3A_905 : i32 to index
      %get3A_940 = arith.constant 48 : index
      %get3A_941 = tpu.vector_load %arg5[%get3A_939, %get3A_940] {strides = array<i32>} : memref<125x80xi32, #tpu.memory_space<vmem>>, vector<1x16xi32>,
      %get3A_942 = vector.shape_cast %get3A_941 : vector<1x16xi32> to vector<16xi32>
      %shift_right_logical3A_943 = arith.constant 14 : i32
      %shift_right_logical3A_944 = vector.broadcast %shift_right_logical3A_943 : i32 to vector<16xi32>
      %shift_right_logical3A_945 = arith.shrui %get3A_942, %shift_right_logical3A_944 : vector<16xi32>
      %swap3A_946 = arith.constant 48 : index
      %swap3A_947 = tpu.vector_load %arg7[%swap3A_946] {strides = array<i32>} : memref<80xi32, #tpu.memory_space<vmem>>, vector<16xi32>,
      %swap3A_948 = vector.shape_cast %swap3A_947 : vector<16xi32> to vector<16xi32>
      %swap3A_949 = vector.shape_cast %shift_right_logical3A_945 : vector<16xi32> to vector<16xi32>
      tpu.vector_store %arg7[%swap3A_946], %swap3A_949 {strides = array<i32>} : memref<80xi32, #tpu.memory_space<vmem>>, vector<16xi32>,
      %get3A_950 = arith.index_cast %add3A_905 : i32 to index
      %get3A_951 = arith.constant 64 : index
      %get3A_952 = tpu.vector_load %arg5[%get3A_950, %get3A_951] {strides = array<i32>} : memref<125x80xi32, #tpu.memory_space<vmem>>, vector<1x16xi32>,
      %get3A_953 = vector.shape_cast %get3A_952 : vector<1x16xi32> to vector<16xi32>
      %shift_right_logical3A_954 = arith.constant 14 : i32
      %shift_right_logical3A_955 = vector.broadcast %shift_right_logical3A_954 : i32 to vector<16xi32>
      %shift_right_logical3A_956 = arith.shrui %get3A_953, %shift_right_logical3A_955 : vector<16xi32>
      %swap3A_957 = arith.constant 64 : index
      %swap3A_958 = tpu.vector_load %arg7[%swap3A_957] {strides = array<i32>} : memref<80xi32, #tpu.memory_space<vmem>>, vector<16xi32>,
      %swap3A_959 = vector.shape_cast %swap3A_958 : vector<16xi32> to vector<16xi32>
      %swap3A_960 = vector.shape_cast %shift_right_logical3A_956 : vector<16xi32> to vector<16xi32>
      tpu.vector_store %arg7[%swap3A_957], %swap3A_960 {strides = array<i32>} : memref<80xi32, #tpu.memory_space<vmem>>, vector<16xi32>,
      %add3A_961 = arith.constant 1 : i32
      %add3A_962 = arith.addi %add3A_761, %add3A_961 : i32
      %add3A_963 = arith.constant 1 : i32
      %add3A_964 = arith.addi %add3A_962, %add3A_963 : i32
      %get3A_965 = arith.index_cast %add3A_964 : i32 to index
      %get3A_966 = arith.constant 0 : index
      %get3A_967 = tpu.vector_load %arg5[%get3A_965, %get3A_966] {strides = array<i32>} : memref<125x80xi32, #tpu.memory_space<vmem>>, vector<1x16xi32>,
      %get3A_968 = vector.shape_cast %get3A_967 : vector<1x16xi32> to vector<16xi32>
      %and3A_969 = arith.constant 16383 : i32
      %and3A_970 = vector.broadcast %and3A_969 : i32 to vector<16xi32>
      %and3A_971 = arith.andi %get3A_968, %and3A_970 : vector<16xi32>
      %swap3A_972 = arith.constant 0 : index
      %swap3A_973 = tpu.vector_load %arg10[%swap3A_972] {strides = array<i32>} : memref<80xi32, #tpu.memory_space<vmem>>, vector<16xi32>,
      %swap3A_974 = vector.shape_cast %swap3A_973 : vector<16xi32> to vector<16xi32>
      %swap3A_975 = vector.shape_cast %and3A_971 : vector<16xi32> to vector<16xi32>
      tpu.vector_store %arg10[%swap3A_972], %swap3A_975 {strides = array<i32>} : memref<80xi32, #tpu.memory_space<vmem>>, vector<16xi32>,
      %get3A_976 = arith.index_cast %add3A_964 : i32 to index
      %get3A_977 = arith.constant 16 : index
      %get3A_978 = tpu.vector_load %arg5[%get3A_976, %get3A_977] {strides = array<i32>} : memref<125x80xi32, #tpu.memory_space<vmem>>, vector<1x16xi32>,
      %get3A_979 = vector.shape_cast %get3A_978 : vector<1x16xi32> to vector<16xi32>
      %and3A_980 = arith.constant 16383 : i32
      %and3A_981 = vector.broadcast %and3A_980 : i32 to vector<16xi32>
      %and3A_982 = arith.andi %get3A_979, %and3A_981 : vector<16xi32>
      %swap3A_983 = arith.constant 16 : index
      %swap3A_984 = tpu.vector_load %arg10[%swap3A_983] {strides = array<i32>} : memref<80xi32, #tpu.memory_space<vmem>>, vector<16xi32>,
      %swap3A_985 = vector.shape_cast %swap3A_984 : vector<16xi32> to vector<16xi32>
      %swap3A_986 = vector.shape_cast %and3A_982 : vector<16xi32> to vector<16xi32>
      tpu.vector_store %arg10[%swap3A_983], %swap3A_986 {strides = array<i32>} : memref<80xi32, #tpu.memory_space<vmem>>, vector<16xi32>,
      %get3A_987 = arith.index_cast %add3A_964 : i32 to index
      %get3A_988 = arith.constant 32 : index
      %get3A_989 = tpu.vector_load %arg5[%get3A_987, %get3A_988] {strides = array<i32>} : memref<125x80xi32, #tpu.memory_space<vmem>>, vector<1x16xi32>,
      %get3A_990 = vector.shape_cast %get3A_989 : vector<1x16xi32> to vector<16xi32>
      %and3A_991 = arith.constant 16383 : i32
      %and3A_992 = vector.broadcast %and3A_991 : i32 to vector<16xi32>
      %and3A_993 = arith.andi %get3A_990, %and3A_992 : vector<16xi32>
      %swap3A_994 = arith.constant 32 : index
      %swap3A_995 = tpu.vector_load %arg10[%swap3A_994] {strides = array<i32>} : memref<80xi32, #tpu.memory_space<vmem>>, vector<16xi32>,
      %swap3A_996 = vector.shape_cast %swap3A_995 : vector<16xi32> to vector<16xi32>
      %swap3A_997 = vector.shape_cast %and3A_993 : vector<16xi32> to vector<16xi32>
      tpu.vector_store %arg10[%swap3A_994], %swap3A_997 {strides = array<i32>} : memref<80xi32, #tpu.memory_space<vmem>>, vector<16xi32>,
      %get3A_998 = arith.index_cast %add3A_964 : i32 to index
      %get3A_999 = arith.constant 48 : index
      %get3A_1000 = tpu.vector_load %arg5[%get3A_998, %get3A_999] {strides = array<i32>} : memref<125x80xi32, #tpu.memory_space<vmem>>, vector<1x16xi32>,
      %get3A_1001 = vector.shape_cast %get3A_1000 : vector<1x16xi32> to vector<16xi32>
      %and3A_1002 = arith.constant 16383 : i32
      %and3A_1003 = vector.broadcast %and3A_1002 : i32 to vector<16xi32>
      %and3A_1004 = arith.andi %get3A_1001, %and3A_1003 : vector<16xi32>
      %swap3A_1005 = arith.constant 48 : index
      %swap3A_1006 = tpu.vector_load %arg10[%swap3A_1005] {strides = array<i32>} : memref<80xi32, #tpu.memory_space<vmem>>, vector<16xi32>,
      %swap3A_1007 = vector.shape_cast %swap3A_1006 : vector<16xi32> to vector<16xi32>
      %swap3A_1008 = vector.shape_cast %and3A_1004 : vector<16xi32> to vector<16xi32>
      tpu.vector_store %arg10[%swap3A_1005], %swap3A_1008 {strides = array<i32>} : memref<80xi32, #tpu.memory_space<vmem>>, vector<16xi32>,
      %get3A_1009 = arith.index_cast %add3A_964 : i32 to index
      %get3A_1010 = arith.constant 64 : index
      %get3A_1011 = tpu.vector_load %arg5[%get3A_1009, %get3A_1010] {strides = array<i32>} : memref<125x80xi32, #tpu.memory_space<vmem>>, vector<1x16xi32>,
      %get3A_1012 = vector.shape_cast %get3A_1011 : vector<1x16xi32> to vector<16xi32>
      %and3A_1013 = arith.constant 16383 : i32
      %and3A_1014 = vector.broadcast %and3A_1013 : i32 to vector<16xi32>
      %and3A_1015 = arith.andi %get3A_1012, %and3A_1014 : vector<16xi32>
      %swap3A_1016 = arith.constant 64 : index
      %swap3A_1017 = tpu.vector_load %arg10[%swap3A_1016] {strides = array<i32>} : memref<80xi32, #tpu.memory_space<vmem>>, vector<16xi32>,
      %swap3A_1018 = vector.shape_cast %swap3A_1017 : vector<16xi32> to vector<16xi32>
      %swap3A_1019 = vector.shape_cast %and3A_1015 : vector<16xi32> to vector<16xi32>
      tpu.vector_store %arg10[%swap3A_1016], %swap3A_1019 {strides = array<i32>} : memref<80xi32, #tpu.memory_space<vmem>>, vector<16xi32>,
      %add3A_1020 = arith.constant 1 : i32
      %add3A_1021 = arith.addi %add3A_761, %add3A_1020 : i32
      %add3A_1022 = arith.constant 1 : i32
      %add3A_1023 = arith.addi %add3A_1021, %add3A_1022 : i32
      %dma_start3A_1024 = arith.constant 0 : i32
      %dma_start3A_1025 = arith.constant 0 : i32
      %dma_start3A_1026 = tpu.memref_slice %arg16[%dma_start3A_1024, %dma_start3A_1025] : memref<10000x64xbf16, #tpu.memory_space<vmem_shared>> -> memref<10000x64xbf16, #tpu.memory_space<vmem_shared>>
      tpu.enqueue_indirect_dma source(%dma_start3A_1026 : memref<10000x64xbf16, #tpu.memory_space<vmem_shared>>) target(%arg13 : memref<80x64xbf16, #tpu.memory_space<vmem>>) offsets(%arg7 : memref<80xi32, #tpu.memory_space<vmem>>) semaphore(%arg20 : memref<!tpu.dma_semaphore, #tpu.memory_space<semaphore_mem>>)
      %dma_start3A_1027 = arith.constant 0 : i32
      %dma_start3A_1028 = arith.constant 0 : i32
      %dma_start3A_1029 = tpu.memref_slice %arg17[%dma_start3A_1027, %dma_start3A_1028] : memref<10240x64xbf16, #tpu.memory_space<vmem_shared>> -> memref<10240x64xbf16, #tpu.memory_space<vmem_shared>>
      tpu.enqueue_indirect_dma source(%arg12 : memref<80x64xbf16, #tpu.memory_space<vmem>>) target(%dma_start3A_1029 : memref<10240x64xbf16, #tpu.memory_space<vmem_shared>>) offsets(%arg9 : memref<80xi32, #tpu.memory_space<vmem>>) semaphore(%arg22 : memref<!tpu.dma_semaphore, #tpu.memory_space<semaphore_mem>>) {add = true}
      %dma_wait3A_1030 = arith.constant 0 : i32
      %dma_wait3A_1031 = arith.constant 0 : i32
      %dma_wait3A_1032 = tpu.memref_slice %arg16[%dma_wait3A_1030, %dma_wait3A_1031] : memref<10000x64xbf16, #tpu.memory_space<vmem_shared>> -> memref<10000x64xbf16, #tpu.memory_space<vmem_shared>>
      tpu.wait_indirect_dma semaphore(%arg20 : memref<!tpu.dma_semaphore, #tpu.memory_space<semaphore_mem>>) src(%dma_wait3A_1032 : memref<10000x64xbf16, #tpu.memory_space<vmem_shared>>) dst(%arg13 : memref<80x64xbf16, #tpu.memory_space<vmem>>)
      %dma_wait3A_1033 = arith.constant 0 : i32
      %dma_wait3A_1034 = arith.constant 0 : i32
      %dma_wait3A_1035 = tpu.memref_slice %arg17[%dma_wait3A_1033, %dma_wait3A_1034] : memref<10240x64xbf16, #tpu.memory_space<vmem_shared>> -> memref<10240x64xbf16, #tpu.memory_space<vmem_shared>>
      tpu.wait_indirect_dma semaphore(%arg24 : memref<!tpu.dma_semaphore, #tpu.memory_space<semaphore_mem>>) src(%arg14 : memref<80x64xbf16, #tpu.memory_space<vmem>>) dst(%dma_wait3A_1035 : memref<10240x64xbf16, #tpu.memory_space<vmem_shared>>)
      %add3A_1036 = arith.constant 2 : i32
      %add3A_1037 = arith.addi %add3A_761, %add3A_1036 : i32
      %add3A_1038 = arith.constant 1 : i32
      %add3A_1039 = arith.addi %add3A_1037, %add3A_1038 : i32
      %get3A_1040 = arith.index_cast %add3A_1039 : i32 to index
      %get3A_1041 = arith.constant 0 : index
      %get3A_1042 = tpu.vector_load %arg5[%get3A_1040, %get3A_1041] {strides = array<i32>} : memref<125x80xi32, #tpu.memory_space<vmem>>, vector<1x16xi32>,
      %get3A_1043 = vector.shape_cast %get3A_1042 : vector<1x16xi32> to vector<16xi32>
      %shift_right_logical3A_1044 = arith.constant 14 : i32
      %shift_right_logical3A_1045 = vector.broadcast %shift_right_logical3A_1044 : i32 to vector<16xi32>
      %shift_right_logical3A_1046 = arith.shrui %get3A_1043, %shift_right_logical3A_1045 : vector<16xi32>
      %swap3A_1047 = arith.constant 0 : index
      %swap3A_1048 = tpu.vector_load %arg8[%swap3A_1047] {strides = array<i32>} : memref<80xi32, #tpu.memory_space<vmem>>, vector<16xi32>,
      %swap3A_1049 = vector.shape_cast %swap3A_1048 : vector<16xi32> to vector<16xi32>
      %swap3A_1050 = vector.shape_cast %shift_right_logical3A_1046 : vector<16xi32> to vector<16xi32>
      tpu.vector_store %arg8[%swap3A_1047], %swap3A_1050 {strides = array<i32>} : memref<80xi32, #tpu.memory_space<vmem>>, vector<16xi32>,
      %get3A_1051 = arith.index_cast %add3A_1039 : i32 to index
      %get3A_1052 = arith.constant 16 : index
      %get3A_1053 = tpu.vector_load %arg5[%get3A_1051, %get3A_1052] {strides = array<i32>} : memref<125x80xi32, #tpu.memory_space<vmem>>, vector<1x16xi32>,
      %get3A_1054 = vector.shape_cast %get3A_1053 : vector<1x16xi32> to vector<16xi32>
      %shift_right_logical3A_1055 = arith.constant 14 : i32
      %shift_right_logical3A_1056 = vector.broadcast %shift_right_logical3A_1055 : i32 to vector<16xi32>
      %shift_right_logical3A_1057 = arith.shrui %get3A_1054, %shift_right_logical3A_1056 : vector<16xi32>
      %swap3A_1058 = arith.constant 16 : index
      %swap3A_1059 = tpu.vector_load %arg8[%swap3A_1058] {strides = array<i32>} : memref<80xi32, #tpu.memory_space<vmem>>, vector<16xi32>,
      %swap3A_1060 = vector.shape_cast %swap3A_1059 : vector<16xi32> to vector<16xi32>
      %swap3A_1061 = vector.shape_cast %shift_right_logical3A_1057 : vector<16xi32> to vector<16xi32>
      tpu.vector_store %arg8[%swap3A_1058], %swap3A_1061 {strides = array<i32>} : memref<80xi32, #tpu.memory_space<vmem>>, vector<16xi32>,
      %get3A_1062 = arith.index_cast %add3A_1039 : i32 to index
      %get3A_1063 = arith.constant 32 : index
      %get3A_1064 = tpu.vector_load %arg5[%get3A_1062, %get3A_1063] {strides = array<i32>} : memref<125x80xi32, #tpu.memory_space<vmem>>, vector<1x16xi32>,
      %get3A_1065 = vector.shape_cast %get3A_1064 : vector<1x16xi32> to vector<16xi32>
      %shift_right_logical3A_1066 = arith.constant 14 : i32
      %shift_right_logical3A_1067 = vector.broadcast %shift_right_logical3A_1066 : i32 to vector<16xi32>
      %shift_right_logical3A_1068 = arith.shrui %get3A_1065, %shift_right_logical3A_1067 : vector<16xi32>
      %swap3A_1069 = arith.constant 32 : index
      %swap3A_1070 = tpu.vector_load %arg8[%swap3A_1069] {strides = array<i32>} : memref<80xi32, #tpu.memory_space<vmem>>, vector<16xi32>,
      %swap3A_1071 = vector.shape_cast %swap3A_1070 : vector<16xi32> to vector<16xi32>
      %swap3A_1072 = vector.shape_cast %shift_right_logical3A_1068 : vector<16xi32> to vector<16xi32>
      tpu.vector_store %arg8[%swap3A_1069], %swap3A_1072 {strides = array<i32>} : memref<80xi32, #tpu.memory_space<vmem>>, vector<16xi32>,
      %get3A_1073 = arith.index_cast %add3A_1039 : i32 to index
      %get3A_1074 = arith.constant 48 : index
      %get3A_1075 = tpu.vector_load %arg5[%get3A_1073, %get3A_1074] {strides = array<i32>} : memref<125x80xi32, #tpu.memory_space<vmem>>, vector<1x16xi32>,
      %get3A_1076 = vector.shape_cast %get3A_1075 : vector<1x16xi32> to vector<16xi32>
      %shift_right_logical3A_1077 = arith.constant 14 : i32
      %shift_right_logical3A_1078 = vector.broadcast %shift_right_logical3A_1077 : i32 to vector<16xi32>
      %shift_right_logical3A_1079 = arith.shrui %get3A_1076, %shift_right_logical3A_1078 : vector<16xi32>
      %swap3A_1080 = arith.constant 48 : index
      %swap3A_1081 = tpu.vector_load %arg8[%swap3A_1080] {strides = array<i32>} : memref<80xi32, #tpu.memory_space<vmem>>, vector<16xi32>,
      %swap3A_1082 = vector.shape_cast %swap3A_1081 : vector<16xi32> to vector<16xi32>
      %swap3A_1083 = vector.shape_cast %shift_right_logical3A_1079 : vector<16xi32> to vector<16xi32>
      tpu.vector_store %arg8[%swap3A_1080], %swap3A_1083 {strides = array<i32>} : memref<80xi32, #tpu.memory_space<vmem>>, vector<16xi32>,
      %get3A_1084 = arith.index_cast %add3A_1039 : i32 to index
      %get3A_1085 = arith.constant 64 : index
      %get3A_1086 = tpu.vector_load %arg5[%get3A_1084, %get3A_1085] {strides = array<i32>} : memref<125x80xi32, #tpu.memory_space<vmem>>, vector<1x16xi32>,
      %get3A_1087 = vector.shape_cast %get3A_1086 : vector<1x16xi32> to vector<16xi32>
      %shift_right_logical3A_1088 = arith.constant 14 : i32
      %shift_right_logical3A_1089 = vector.broadcast %shift_right_logical3A_1088 : i32 to vector<16xi32>
      %shift_right_logical3A_1090 = arith.shrui %get3A_1087, %shift_right_logical3A_1089 : vector<16xi32>
      %swap3A_1091 = arith.constant 64 : index
      %swap3A_1092 = tpu.vector_load %arg8[%swap3A_1091] {strides = array<i32>} : memref<80xi32, #tpu.memory_space<vmem>>, vector<16xi32>,
      %swap3A_1093 = vector.shape_cast %swap3A_1092 : vector<16xi32> to vector<16xi32>
      %swap3A_1094 = vector.shape_cast %shift_right_logical3A_1090 : vector<16xi32> to vector<16xi32>
      tpu.vector_store %arg8[%swap3A_1091], %swap3A_1094 {strides = array<i32>} : memref<80xi32, #tpu.memory_space<vmem>>, vector<16xi32>,
      %add3A_1095 = arith.constant 2 : i32
      %add3A_1096 = arith.addi %add3A_761, %add3A_1095 : i32
      %add3A_1097 = arith.constant 1 : i32
      %add3A_1098 = arith.addi %add3A_1096, %add3A_1097 : i32
      %get3A_1099 = arith.index_cast %add3A_1098 : i32 to index
      %get3A_1100 = arith.constant 0 : index
      %get3A_1101 = tpu.vector_load %arg5[%get3A_1099, %get3A_1100] {strides = array<i32>} : memref<125x80xi32, #tpu.memory_space<vmem>>, vector<1x16xi32>,
      %get3A_1102 = vector.shape_cast %get3A_1101 : vector<1x16xi32> to vector<16xi32>
      %and3A_1103 = arith.constant 16383 : i32
      %and3A_1104 = vector.broadcast %and3A_1103 : i32 to vector<16xi32>
      %and3A_1105 = arith.andi %get3A_1102, %and3A_1104 : vector<16xi32>
      %swap3A_1106 = arith.constant 0 : index
      %swap3A_1107 = tpu.vector_load %arg11[%swap3A_1106] {strides = array<i32>} : memref<80xi32, #tpu.memory_space<vmem>>, vector<16xi32>,
      %swap3A_1108 = vector.shape_cast %swap3A_1107 : vector<16xi32> to vector<16xi32>
      %swap3A_1109 = vector.shape_cast %and3A_1105 : vector<16xi32> to vector<16xi32>
      tpu.vector_store %arg11[%swap3A_1106], %swap3A_1109 {strides = array<i32>} : memref<80xi32, #tpu.memory_space<vmem>>, vector<16xi32>,
      %get3A_1110 = arith.index_cast %add3A_1098 : i32 to index
      %get3A_1111 = arith.constant 16 : index
      %get3A_1112 = tpu.vector_load %arg5[%get3A_1110, %get3A_1111] {strides = array<i32>} : memref<125x80xi32, #tpu.memory_space<vmem>>, vector<1x16xi32>,
      %get3A_1113 = vector.shape_cast %get3A_1112 : vector<1x16xi32> to vector<16xi32>
      %and3A_1114 = arith.constant 16383 : i32
      %and3A_1115 = vector.broadcast %and3A_1114 : i32 to vector<16xi32>
      %and3A_1116 = arith.andi %get3A_1113, %and3A_1115 : vector<16xi32>
      %swap3A_1117 = arith.constant 16 : index
      %swap3A_1118 = tpu.vector_load %arg11[%swap3A_1117] {strides = array<i32>} : memref<80xi32, #tpu.memory_space<vmem>>, vector<16xi32>,
      %swap3A_1119 = vector.shape_cast %swap3A_1118 : vector<16xi32> to vector<16xi32>
      %swap3A_1120 = vector.shape_cast %and3A_1116 : vector<16xi32> to vector<16xi32>
      tpu.vector_store %arg11[%swap3A_1117], %swap3A_1120 {strides = array<i32>} : memref<80xi32, #tpu.memory_space<vmem>>, vector<16xi32>,
      %get3A_1121 = arith.index_cast %add3A_1098 : i32 to index
      %get3A_1122 = arith.constant 32 : index
      %get3A_1123 = tpu.vector_load %arg5[%get3A_1121, %get3A_1122] {strides = array<i32>} : memref<125x80xi32, #tpu.memory_space<vmem>>, vector<1x16xi32>,
      %get3A_1124 = vector.shape_cast %get3A_1123 : vector<1x16xi32> to vector<16xi32>
      %and3A_1125 = arith.constant 16383 : i32
      %and3A_1126 = vector.broadcast %and3A_1125 : i32 to vector<16xi32>
      %and3A_1127 = arith.andi %get3A_1124, %and3A_1126 : vector<16xi32>
      %swap3A_1128 = arith.constant 32 : index
      %swap3A_1129 = tpu.vector_load %arg11[%swap3A_1128] {strides = array<i32>} : memref<80xi32, #tpu.memory_space<vmem>>, vector<16xi32>,
      %swap3A_1130 = vector.shape_cast %swap3A_1129 : vector<16xi32> to vector<16xi32>
      %swap3A_1131 = vector.shape_cast %and3A_1127 : vector<16xi32> to vector<16xi32>
      tpu.vector_store %arg11[%swap3A_1128], %swap3A_1131 {strides = array<i32>} : memref<80xi32, #tpu.memory_space<vmem>>, vector<16xi32>,
      %get3A_1132 = arith.index_cast %add3A_1098 : i32 to index
      %get3A_1133 = arith.constant 48 : index
      %get3A_1134 = tpu.vector_load %arg5[%get3A_1132, %get3A_1133] {strides = array<i32>} : memref<125x80xi32, #tpu.memory_space<vmem>>, vector<1x16xi32>,
      %get3A_1135 = vector.shape_cast %get3A_1134 : vector<1x16xi32> to vector<16xi32>
      %and3A_1136 = arith.constant 16383 : i32
      %and3A_1137 = vector.broadcast %and3A_1136 : i32 to vector<16xi32>
      %and3A_1138 = arith.andi %get3A_1135, %and3A_1137 : vector<16xi32>
      %swap3A_1139 = arith.constant 48 : index
      %swap3A_1140 = tpu.vector_load %arg11[%swap3A_1139] {strides = array<i32>} : memref<80xi32, #tpu.memory_space<vmem>>, vector<16xi32>,
      %swap3A_1141 = vector.shape_cast %swap3A_1140 : vector<16xi32> to vector<16xi32>
      %swap3A_1142 = vector.shape_cast %and3A_1138 : vector<16xi32> to vector<16xi32>
      tpu.vector_store %arg11[%swap3A_1139], %swap3A_1142 {strides = array<i32>} : memref<80xi32, #tpu.memory_space<vmem>>, vector<16xi32>,
      %get3A_1143 = arith.index_cast %add3A_1098 : i32 to index
      %get3A_1144 = arith.constant 64 : index
      %get3A_1145 = tpu.vector_load %arg5[%get3A_1143, %get3A_1144] {strides = array<i32>} : memref<125x80xi32, #tpu.memory_space<vmem>>, vector<1x16xi32>,
      %get3A_1146 = vector.shape_cast %get3A_1145 : vector<1x16xi32> to vector<16xi32>
      %and3A_1147 = arith.constant 16383 : i32
      %and3A_1148 = vector.broadcast %and3A_1147 : i32 to vector<16xi32>
      %and3A_1149 = arith.andi %get3A_1146, %and3A_1148 : vector<16xi32>
      %swap3A_1150 = arith.constant 64 : index
      %swap3A_1151 = tpu.vector_load %arg11[%swap3A_1150] {strides = array<i32>} : memref<80xi32, #tpu.memory_space<vmem>>, vector<16xi32>,
      %swap3A_1152 = vector.shape_cast %swap3A_1151 : vector<16xi32> to vector<16xi32>
      %swap3A_1153 = vector.shape_cast %and3A_1149 : vector<16xi32> to vector<16xi32>
      tpu.vector_store %arg11[%swap3A_1150], %swap3A_1153 {strides = array<i32>} : memref<80xi32, #tpu.memory_space<vmem>>, vector<16xi32>,
      %add3A_1154 = arith.constant 2 : i32
      %add3A_1155 = arith.addi %add3A_761, %add3A_1154 : i32
      %add3A_1156 = arith.constant 1 : i32
      %add3A_1157 = arith.addi %add3A_1155, %add3A_1156 : i32
      %dma_start3A_1158 = arith.constant 0 : i32
      %dma_start3A_1159 = arith.constant 0 : i32
      %dma_start3A_1160 = tpu.memref_slice %arg16[%dma_start3A_1158, %dma_start3A_1159] : memref<10000x64xbf16, #tpu.memory_space<vmem_shared>> -> memref<10000x64xbf16, #tpu.memory_space<vmem_shared>>
      tpu.enqueue_indirect_dma source(%dma_start3A_1160 : memref<10000x64xbf16, #tpu.memory_space<vmem_shared>>) target(%arg14 : memref<80x64xbf16, #tpu.memory_space<vmem>>) offsets(%arg8 : memref<80xi32, #tpu.memory_space<vmem>>) semaphore(%arg21 : memref<!tpu.dma_semaphore, #tpu.memory_space<semaphore_mem>>)
      %dma_start3A_1161 = arith.constant 0 : i32
      %dma_start3A_1162 = arith.constant 0 : i32
      %dma_start3A_1163 = tpu.memref_slice %arg17[%dma_start3A_1161, %dma_start3A_1162] : memref<10240x64xbf16, #tpu.memory_space<vmem_shared>> -> memref<10240x64xbf16, #tpu.memory_space<vmem_shared>>
      tpu.enqueue_indirect_dma source(%arg13 : memref<80x64xbf16, #tpu.memory_space<vmem>>) target(%dma_start3A_1163 : memref<10240x64xbf16, #tpu.memory_space<vmem_shared>>) offsets(%arg10 : memref<80xi32, #tpu.memory_space<vmem>>) semaphore(%arg23 : memref<!tpu.dma_semaphore, #tpu.memory_space<semaphore_mem>>) {add = true}
      %scan3A_1164 = arith.constant 0 : i32
      scf.yield %scan3A_1164 : i32
    }
    %scan3A_443 = arith.constant 40 : i32
    %dma_wait3A_444 = arith.constant 0 : i32
    %dma_wait3A_445 = arith.constant 0 : i32
    %dma_wait3A_446 = tpu.memref_slice %arg16[%dma_wait3A_444, %dma_wait3A_445] : memref<10000x64xbf16, #tpu.memory_space<vmem_shared>> -> memref<10000x64xbf16, #tpu.memory_space<vmem_shared>>
    tpu.wait_indirect_dma semaphore(%arg21 : memref<!tpu.dma_semaphore, #tpu.memory_space<semaphore_mem>>) src(%dma_wait3A_446 : memref<10000x64xbf16, #tpu.memory_space<vmem_shared>>) dst(%arg14 : memref<80x64xbf16, #tpu.memory_space<vmem>>)
    %dma_wait3A_447 = arith.constant 0 : i32
    %dma_wait3A_448 = arith.constant 0 : i32
    %dma_wait3A_449 = tpu.memref_slice %arg17[%dma_wait3A_447, %dma_wait3A_448] : memref<10240x64xbf16, #tpu.memory_space<vmem_shared>> -> memref<10240x64xbf16, #tpu.memory_space<vmem_shared>>
    tpu.wait_indirect_dma semaphore(%arg22 : memref<!tpu.dma_semaphore, #tpu.memory_space<semaphore_mem>>) src(%arg12 : memref<80x64xbf16, #tpu.memory_space<vmem>>) dst(%dma_wait3A_449 : memref<10240x64xbf16, #tpu.memory_space<vmem_shared>>)
    %get3A_450 = arith.constant 123 : i32
    %get3A_451 = arith.index_cast %get3A_450 : i32 to index
    %get3A_452 = arith.constant 0 : index
    %get3A_453 = tpu.vector_load %arg5[%get3A_451, %get3A_452] {strides = array<i32>} : memref<125x80xi32, #tpu.memory_space<vmem>>, vector<1x16xi32>,
    %get3A_454 = vector.shape_cast %get3A_453 : vector<1x16xi32> to vector<16xi32>
    %shift_right_logical3A_455 = arith.constant 14 : i32
    %shift_right_logical3A_456 = vector.broadcast %shift_right_logical3A_455 : i32 to vector<16xi32>
    %shift_right_logical3A_457 = arith.shrui %get3A_454, %shift_right_logical3A_456 : vector<16xi32>
    %swap3A_458 = arith.constant 0 : index
    %swap3A_459 = tpu.vector_load %arg6[%swap3A_458] {strides = array<i32>} : memref<80xi32, #tpu.memory_space<vmem>>, vector<16xi32>,
    %swap3A_460 = vector.shape_cast %swap3A_459 : vector<16xi32> to vector<16xi32>
    %swap3A_461 = vector.shape_cast %shift_right_logical3A_457 : vector<16xi32> to vector<16xi32>
    tpu.vector_store %arg6[%swap3A_458], %swap3A_461 {strides = array<i32>} : memref<80xi32, #tpu.memory_space<vmem>>, vector<16xi32>,
    %get3A_462 = arith.constant 123 : i32
    %get3A_463 = arith.index_cast %get3A_462 : i32 to index
    %get3A_464 = arith.constant 16 : index
    %get3A_465 = tpu.vector_load %arg5[%get3A_463, %get3A_464] {strides = array<i32>} : memref<125x80xi32, #tpu.memory_space<vmem>>, vector<1x16xi32>,
    %get3A_466 = vector.shape_cast %get3A_465 : vector<1x16xi32> to vector<16xi32>
    %shift_right_logical3A_467 = arith.constant 14 : i32
    %shift_right_logical3A_468 = vector.broadcast %shift_right_logical3A_467 : i32 to vector<16xi32>
    %shift_right_logical3A_469 = arith.shrui %get3A_466, %shift_right_logical3A_468 : vector<16xi32>
    %swap3A_470 = arith.constant 16 : index
    %swap3A_471 = tpu.vector_load %arg6[%swap3A_470] {strides = array<i32>} : memref<80xi32, #tpu.memory_space<vmem>>, vector<16xi32>,
    %swap3A_472 = vector.shape_cast %swap3A_471 : vector<16xi32> to vector<16xi32>
    %swap3A_473 = vector.shape_cast %shift_right_logical3A_469 : vector<16xi32> to vector<16xi32>
    tpu.vector_store %arg6[%swap3A_470], %swap3A_473 {strides = array<i32>} : memref<80xi32, #tpu.memory_space<vmem>>, vector<16xi32>,
    %get3A_474 = arith.constant 123 : i32
    %get3A_475 = arith.index_cast %get3A_474 : i32 to index
    %get3A_476 = arith.constant 32 : index
    %get3A_477 = tpu.vector_load %arg5[%get3A_475, %get3A_476] {strides = array<i32>} : memref<125x80xi32, #tpu.memory_space<vmem>>, vector<1x16xi32>,
    %get3A_478 = vector.shape_cast %get3A_477 : vector<1x16xi32> to vector<16xi32>
    %shift_right_logical3A_479 = arith.constant 14 : i32
    %shift_right_logical3A_480 = vector.broadcast %shift_right_logical3A_479 : i32 to vector<16xi32>
    %shift_right_logical3A_481 = arith.shrui %get3A_478, %shift_right_logical3A_480 : vector<16xi32>
    %swap3A_482 = arith.constant 32 : index
    %swap3A_483 = tpu.vector_load %arg6[%swap3A_482] {strides = array<i32>} : memref<80xi32, #tpu.memory_space<vmem>>, vector<16xi32>,
    %swap3A_484 = vector.shape_cast %swap3A_483 : vector<16xi32> to vector<16xi32>
    %swap3A_485 = vector.shape_cast %shift_right_logical3A_481 : vector<16xi32> to vector<16xi32>
    tpu.vector_store %arg6[%swap3A_482], %swap3A_485 {strides = array<i32>} : memref<80xi32, #tpu.memory_space<vmem>>, vector<16xi32>,
    %get3A_486 = arith.constant 123 : i32
    %get3A_487 = arith.index_cast %get3A_486 : i32 to index
    %get3A_488 = arith.constant 48 : index
    %get3A_489 = tpu.vector_load %arg5[%get3A_487, %get3A_488] {strides = array<i32>} : memref<125x80xi32, #tpu.memory_space<vmem>>, vector<1x16xi32>,
    %get3A_490 = vector.shape_cast %get3A_489 : vector<1x16xi32> to vector<16xi32>
    %shift_right_logical3A_491 = arith.constant 14 : i32
    %shift_right_logical3A_492 = vector.broadcast %shift_right_logical3A_491 : i32 to vector<16xi32>
    %shift_right_logical3A_493 = arith.shrui %get3A_490, %shift_right_logical3A_492 : vector<16xi32>
    %swap3A_494 = arith.constant 48 : index
    %swap3A_495 = tpu.vector_load %arg6[%swap3A_494] {strides = array<i32>} : memref<80xi32, #tpu.memory_space<vmem>>, vector<16xi32>,
    %swap3A_496 = vector.shape_cast %swap3A_495 : vector<16xi32> to vector<16xi32>
    %swap3A_497 = vector.shape_cast %shift_right_logical3A_493 : vector<16xi32> to vector<16xi32>
    tpu.vector_store %arg6[%swap3A_494], %swap3A_497 {strides = array<i32>} : memref<80xi32, #tpu.memory_space<vmem>>, vector<16xi32>,
    %get3A_498 = arith.constant 123 : i32
    %get3A_499 = arith.index_cast %get3A_498 : i32 to index
    %get3A_500 = arith.constant 64 : index
    %get3A_501 = tpu.vector_load %arg5[%get3A_499, %get3A_500] {strides = array<i32>} : memref<125x80xi32, #tpu.memory_space<vmem>>, vector<1x16xi32>,
    %get3A_502 = vector.shape_cast %get3A_501 : vector<1x16xi32> to vector<16xi32>
    %shift_right_logical3A_503 = arith.constant 14 : i32
    %shift_right_logical3A_504 = vector.broadcast %shift_right_logical3A_503 : i32 to vector<16xi32>
    %shift_right_logical3A_505 = arith.shrui %get3A_502, %shift_right_logical3A_504 : vector<16xi32>
    %swap3A_506 = arith.constant 64 : index
    %swap3A_507 = tpu.vector_load %arg6[%swap3A_506] {strides = array<i32>} : memref<80xi32, #tpu.memory_space<vmem>>, vector<16xi32>,
    %swap3A_508 = vector.shape_cast %swap3A_507 : vector<16xi32> to vector<16xi32>
    %swap3A_509 = vector.shape_cast %shift_right_logical3A_505 : vector<16xi32> to vector<16xi32>
    tpu.vector_store %arg6[%swap3A_506], %swap3A_509 {strides = array<i32>} : memref<80xi32, #tpu.memory_space<vmem>>, vector<16xi32>,
    %get3A_510 = arith.constant 123 : i32
    %get3A_511 = arith.index_cast %get3A_510 : i32 to index
    %get3A_512 = arith.constant 0 : index
    %get3A_513 = tpu.vector_load %arg5[%get3A_511, %get3A_512] {strides = array<i32>} : memref<125x80xi32, #tpu.memory_space<vmem>>, vector<1x16xi32>,
    %get3A_514 = vector.shape_cast %get3A_513 : vector<1x16xi32> to vector<16xi32>
    %and3A_515 = arith.constant 16383 : i32
    %and3A_516 = vector.broadcast %and3A_515 : i32 to vector<16xi32>
    %and3A_517 = arith.andi %get3A_514, %and3A_516 : vector<16xi32>
    %swap3A_518 = arith.constant 0 : index
    %swap3A_519 = tpu.vector_load %arg9[%swap3A_518] {strides = array<i32>} : memref<80xi32, #tpu.memory_space<vmem>>, vector<16xi32>,
    %swap3A_520 = vector.shape_cast %swap3A_519 : vector<16xi32> to vector<16xi32>
    %swap3A_521 = vector.shape_cast %and3A_517 : vector<16xi32> to vector<16xi32>
    tpu.vector_store %arg9[%swap3A_518], %swap3A_521 {strides = array<i32>} : memref<80xi32, #tpu.memory_space<vmem>>, vector<16xi32>,
    %get3A_522 = arith.constant 123 : i32
    %get3A_523 = arith.index_cast %get3A_522 : i32 to index
    %get3A_524 = arith.constant 16 : index
    %get3A_525 = tpu.vector_load %arg5[%get3A_523, %get3A_524] {strides = array<i32>} : memref<125x80xi32, #tpu.memory_space<vmem>>, vector<1x16xi32>,
    %get3A_526 = vector.shape_cast %get3A_525 : vector<1x16xi32> to vector<16xi32>
    %and3A_527 = arith.constant 16383 : i32
    %and3A_528 = vector.broadcast %and3A_527 : i32 to vector<16xi32>
    %and3A_529 = arith.andi %get3A_526, %and3A_528 : vector<16xi32>
    %swap3A_530 = arith.constant 16 : index
    %swap3A_531 = tpu.vector_load %arg9[%swap3A_530] {strides = array<i32>} : memref<80xi32, #tpu.memory_space<vmem>>, vector<16xi32>,
    %swap3A_532 = vector.shape_cast %swap3A_531 : vector<16xi32> to vector<16xi32>
    %swap3A_533 = vector.shape_cast %and3A_529 : vector<16xi32> to vector<16xi32>
    tpu.vector_store %arg9[%swap3A_530], %swap3A_533 {strides = array<i32>} : memref<80xi32, #tpu.memory_space<vmem>>, vector<16xi32>,
    %get3A_534 = arith.constant 123 : i32
    %get3A_535 = arith.index_cast %get3A_534 : i32 to index
    %get3A_536 = arith.constant 32 : index
    %get3A_537 = tpu.vector_load %arg5[%get3A_535, %get3A_536] {strides = array<i32>} : memref<125x80xi32, #tpu.memory_space<vmem>>, vector<1x16xi32>,
    %get3A_538 = vector.shape_cast %get3A_537 : vector<1x16xi32> to vector<16xi32>
    %and3A_539 = arith.constant 16383 : i32
    %and3A_540 = vector.broadcast %and3A_539 : i32 to vector<16xi32>
    %and3A_541 = arith.andi %get3A_538, %and3A_540 : vector<16xi32>
    %swap3A_542 = arith.constant 32 : index
    %swap3A_543 = tpu.vector_load %arg9[%swap3A_542] {strides = array<i32>} : memref<80xi32, #tpu.memory_space<vmem>>, vector<16xi32>,
    %swap3A_544 = vector.shape_cast %swap3A_543 : vector<16xi32> to vector<16xi32>
    %swap3A_545 = vector.shape_cast %and3A_541 : vector<16xi32> to vector<16xi32>
    tpu.vector_store %arg9[%swap3A_542], %swap3A_545 {strides = array<i32>} : memref<80xi32, #tpu.memory_space<vmem>>, vector<16xi32>,
    %get3A_546 = arith.constant 123 : i32
    %get3A_547 = arith.index_cast %get3A_546 : i32 to index
    %get3A_548 = arith.constant 48 : index
    %get3A_549 = tpu.vector_load %arg5[%get3A_547, %get3A_548] {strides = array<i32>} : memref<125x80xi32, #tpu.memory_space<vmem>>, vector<1x16xi32>,
    %get3A_550 = vector.shape_cast %get3A_549 : vector<1x16xi32> to vector<16xi32>
    %and3A_551 = arith.constant 16383 : i32
    %and3A_552 = vector.broadcast %and3A_551 : i32 to vector<16xi32>
    %and3A_553 = arith.andi %get3A_550, %and3A_552 : vector<16xi32>
    %swap3A_554 = arith.constant 48 : index
    %swap3A_555 = tpu.vector_load %arg9[%swap3A_554] {strides = array<i32>} : memref<80xi32, #tpu.memory_space<vmem>>, vector<16xi32>,
    %swap3A_556 = vector.shape_cast %swap3A_555 : vector<16xi32> to vector<16xi32>
    %swap3A_557 = vector.shape_cast %and3A_553 : vector<16xi32> to vector<16xi32>
    tpu.vector_store %arg9[%swap3A_554], %swap3A_557 {strides = array<i32>} : memref<80xi32, #tpu.memory_space<vmem>>, vector<16xi32>,
    %get3A_558 = arith.constant 123 : i32
    %get3A_559 = arith.index_cast %get3A_558 : i32 to index
    %get3A_560 = arith.constant 64 : index
    %get3A_561 = tpu.vector_load %arg5[%get3A_559, %get3A_560] {strides = array<i32>} : memref<125x80xi32, #tpu.memory_space<vmem>>, vector<1x16xi32>,
    %get3A_562 = vector.shape_cast %get3A_561 : vector<1x16xi32> to vector<16xi32>
    %and3A_563 = arith.constant 16383 : i32
    %and3A_564 = vector.broadcast %and3A_563 : i32 to vector<16xi32>
    %and3A_565 = arith.andi %get3A_562, %and3A_564 : vector<16xi32>
    %swap3A_566 = arith.constant 64 : index
    %swap3A_567 = tpu.vector_load %arg9[%swap3A_566] {strides = array<i32>} : memref<80xi32, #tpu.memory_space<vmem>>, vector<16xi32>,
    %swap3A_568 = vector.shape_cast %swap3A_567 : vector<16xi32> to vector<16xi32>
    %swap3A_569 = vector.shape_cast %and3A_565 : vector<16xi32> to vector<16xi32>
    tpu.vector_store %arg9[%swap3A_566], %swap3A_569 {strides = array<i32>} : memref<80xi32, #tpu.memory_space<vmem>>, vector<16xi32>,
    %dma_start3A_570 = arith.constant 0 : i32
    %dma_start3A_571 = arith.constant 0 : i32
    %dma_start3A_572 = tpu.memref_slice %arg16[%dma_start3A_570, %dma_start3A_571] : memref<10000x64xbf16, #tpu.memory_space<vmem_shared>> -> memref<10000x64xbf16, #tpu.memory_space<vmem_shared>>
    tpu.enqueue_indirect_dma source(%dma_start3A_572 : memref<10000x64xbf16, #tpu.memory_space<vmem_shared>>) target(%arg12 : memref<80x64xbf16, #tpu.memory_space<vmem>>) offsets(%arg6 : memref<80xi32, #tpu.memory_space<vmem>>) semaphore(%arg19 : memref<!tpu.dma_semaphore, #tpu.memory_space<semaphore_mem>>)
    %dma_start3A_573 = arith.constant 0 : i32
    %dma_start3A_574 = arith.constant 0 : i32
    %dma_start3A_575 = tpu.memref_slice %arg17[%dma_start3A_573, %dma_start3A_574] : memref<10240x64xbf16, #tpu.memory_space<vmem_shared>> -> memref<10240x64xbf16, #tpu.memory_space<vmem_shared>>
    tpu.enqueue_indirect_dma source(%arg14 : memref<80x64xbf16, #tpu.memory_space<vmem>>) target(%dma_start3A_575 : memref<10240x64xbf16, #tpu.memory_space<vmem_shared>>) offsets(%arg11 : memref<80xi32, #tpu.memory_space<vmem>>) semaphore(%arg24 : memref<!tpu.dma_semaphore, #tpu.memory_space<semaphore_mem>>) {add = true}
    %dma_wait3A_576 = arith.constant 0 : i32
    %dma_wait3A_577 = arith.constant 0 : i32
    %dma_wait3A_578 = tpu.memref_slice %arg16[%dma_wait3A_576, %dma_wait3A_577] : memref<10000x64xbf16, #tpu.memory_space<vmem_shared>> -> memref<10000x64xbf16, #tpu.memory_space<vmem_shared>>
    tpu.wait_indirect_dma semaphore(%arg19 : memref<!tpu.dma_semaphore, #tpu.memory_space<semaphore_mem>>) src(%dma_wait3A_578 : memref<10000x64xbf16, #tpu.memory_space<vmem_shared>>) dst(%arg12 : memref<80x64xbf16, #tpu.memory_space<vmem>>)
    %dma_wait3A_579 = arith.constant 0 : i32
    %dma_wait3A_580 = arith.constant 0 : i32
    %dma_wait3A_581 = tpu.memref_slice %arg17[%dma_wait3A_579, %dma_wait3A_580] : memref<10240x64xbf16, #tpu.memory_space<vmem_shared>> -> memref<10240x64xbf16, #tpu.memory_space<vmem_shared>>
    tpu.wait_indirect_dma semaphore(%arg23 : memref<!tpu.dma_semaphore, #tpu.memory_space<semaphore_mem>>) src(%arg13 : memref<80x64xbf16, #tpu.memory_space<vmem>>) dst(%dma_wait3A_581 : memref<10240x64xbf16, #tpu.memory_space<vmem_shared>>)
    %get3A_582 = arith.constant 124 : i32
    %get3A_583 = arith.index_cast %get3A_582 : i32 to index
    %get3A_584 = arith.constant 0 : index
    %get3A_585 = tpu.vector_load %arg5[%get3A_583, %get3A_584] {strides = array<i32>} : memref<125x80xi32, #tpu.memory_space<vmem>>, vector<1x16xi32>,
    %get3A_586 = vector.shape_cast %get3A_585 : vector<1x16xi32> to vector<16xi32>
    %shift_right_logical3A_587 = arith.constant 14 : i32
    %shift_right_logical3A_588 = vector.broadcast %shift_right_logical3A_587 : i32 to vector<16xi32>
    %shift_right_logical3A_589 = arith.shrui %get3A_586, %shift_right_logical3A_588 : vector<16xi32>
    %swap3A_590 = arith.constant 0 : index
    %swap3A_591 = tpu.vector_load %arg7[%swap3A_590] {strides = array<i32>} : memref<80xi32, #tpu.memory_space<vmem>>, vector<16xi32>,
    %swap3A_592 = vector.shape_cast %swap3A_591 : vector<16xi32> to vector<16xi32>
    %swap3A_593 = vector.shape_cast %shift_right_logical3A_589 : vector<16xi32> to vector<16xi32>
    tpu.vector_store %arg7[%swap3A_590], %swap3A_593 {strides = array<i32>} : memref<80xi32, #tpu.memory_space<vmem>>, vector<16xi32>,
    %get3A_594 = arith.constant 124 : i32
    %get3A_595 = arith.index_cast %get3A_594 : i32 to index
    %get3A_596 = arith.constant 16 : index
    %get3A_597 = tpu.vector_load %arg5[%get3A_595, %get3A_596] {strides = array<i32>} : memref<125x80xi32, #tpu.memory_space<vmem>>, vector<1x16xi32>,
    %get3A_598 = vector.shape_cast %get3A_597 : vector<1x16xi32> to vector<16xi32>
    %shift_right_logical3A_599 = arith.constant 14 : i32
    %shift_right_logical3A_600 = vector.broadcast %shift_right_logical3A_599 : i32 to vector<16xi32>
    %shift_right_logical3A_601 = arith.shrui %get3A_598, %shift_right_logical3A_600 : vector<16xi32>
    %swap3A_602 = arith.constant 16 : index
    %swap3A_603 = tpu.vector_load %arg7[%swap3A_602] {strides = array<i32>} : memref<80xi32, #tpu.memory_space<vmem>>, vector<16xi32>,
    %swap3A_604 = vector.shape_cast %swap3A_603 : vector<16xi32> to vector<16xi32>
    %swap3A_605 = vector.shape_cast %shift_right_logical3A_601 : vector<16xi32> to vector<16xi32>
    tpu.vector_store %arg7[%swap3A_602], %swap3A_605 {strides = array<i32>} : memref<80xi32, #tpu.memory_space<vmem>>, vector<16xi32>,
    %get3A_606 = arith.constant 124 : i32
    %get3A_607 = arith.index_cast %get3A_606 : i32 to index
    %get3A_608 = arith.constant 32 : index
    %get3A_609 = tpu.vector_load %arg5[%get3A_607, %get3A_608] {strides = array<i32>} : memref<125x80xi32, #tpu.memory_space<vmem>>, vector<1x16xi32>,
    %get3A_610 = vector.shape_cast %get3A_609 : vector<1x16xi32> to vector<16xi32>
    %shift_right_logical3A_611 = arith.constant 14 : i32
    %shift_right_logical3A_612 = vector.broadcast %shift_right_logical3A_611 : i32 to vector<16xi32>
    %shift_right_logical3A_613 = arith.shrui %get3A_610, %shift_right_logical3A_612 : vector<16xi32>
    %swap3A_614 = arith.constant 32 : index
    %swap3A_615 = tpu.vector_load %arg7[%swap3A_614] {strides = array<i32>} : memref<80xi32, #tpu.memory_space<vmem>>, vector<16xi32>,
    %swap3A_616 = vector.shape_cast %swap3A_615 : vector<16xi32> to vector<16xi32>
    %swap3A_617 = vector.shape_cast %shift_right_logical3A_613 : vector<16xi32> to vector<16xi32>
    tpu.vector_store %arg7[%swap3A_614], %swap3A_617 {strides = array<i32>} : memref<80xi32, #tpu.memory_space<vmem>>, vector<16xi32>,
    %get3A_618 = arith.constant 124 : i32
    %get3A_619 = arith.index_cast %get3A_618 : i32 to index
    %get3A_620 = arith.constant 48 : index
    %get3A_621 = tpu.vector_load %arg5[%get3A_619, %get3A_620] {strides = array<i32>} : memref<125x80xi32, #tpu.memory_space<vmem>>, vector<1x16xi32>,
    %get3A_622 = vector.shape_cast %get3A_621 : vector<1x16xi32> to vector<16xi32>
    %shift_right_logical3A_623 = arith.constant 14 : i32
    %shift_right_logical3A_624 = vector.broadcast %shift_right_logical3A_623 : i32 to vector<16xi32>
    %shift_right_logical3A_625 = arith.shrui %get3A_622, %shift_right_logical3A_624 : vector<16xi32>
    %swap3A_626 = arith.constant 48 : index
    %swap3A_627 = tpu.vector_load %arg7[%swap3A_626] {strides = array<i32>} : memref<80xi32, #tpu.memory_space<vmem>>, vector<16xi32>,
    %swap3A_628 = vector.shape_cast %swap3A_627 : vector<16xi32> to vector<16xi32>
    %swap3A_629 = vector.shape_cast %shift_right_logical3A_625 : vector<16xi32> to vector<16xi32>
    tpu.vector_store %arg7[%swap3A_626], %swap3A_629 {strides = array<i32>} : memref<80xi32, #tpu.memory_space<vmem>>, vector<16xi32>,
    %get3A_630 = arith.constant 124 : i32
    %get3A_631 = arith.index_cast %get3A_630 : i32 to index
    %get3A_632 = arith.constant 64 : index
    %get3A_633 = tpu.vector_load %arg5[%get3A_631, %get3A_632] {strides = array<i32>} : memref<125x80xi32, #tpu.memory_space<vmem>>, vector<1x16xi32>,
    %get3A_634 = vector.shape_cast %get3A_633 : vector<1x16xi32> to vector<16xi32>
    %shift_right_logical3A_635 = arith.constant 14 : i32
    %shift_right_logical3A_636 = vector.broadcast %shift_right_logical3A_635 : i32 to vector<16xi32>
    %shift_right_logical3A_637 = arith.shrui %get3A_634, %shift_right_logical3A_636 : vector<16xi32>
    %swap3A_638 = arith.constant 64 : index
    %swap3A_639 = tpu.vector_load %arg7[%swap3A_638] {strides = array<i32>} : memref<80xi32, #tpu.memory_space<vmem>>, vector<16xi32>,
    %swap3A_640 = vector.shape_cast %swap3A_639 : vector<16xi32> to vector<16xi32>
    %swap3A_641 = vector.shape_cast %shift_right_logical3A_637 : vector<16xi32> to vector<16xi32>
    tpu.vector_store %arg7[%swap3A_638], %swap3A_641 {strides = array<i32>} : memref<80xi32, #tpu.memory_space<vmem>>, vector<16xi32>,
    %get3A_642 = arith.constant 124 : i32
    %get3A_643 = arith.index_cast %get3A_642 : i32 to index
    %get3A_644 = arith.constant 0 : index
    %get3A_645 = tpu.vector_load %arg5[%get3A_643, %get3A_644] {strides = array<i32>} : memref<125x80xi32, #tpu.memory_space<vmem>>, vector<1x16xi32>,
    %get3A_646 = vector.shape_cast %get3A_645 : vector<1x16xi32> to vector<16xi32>
    %and3A_647 = arith.constant 16383 : i32
    %and3A_648 = vector.broadcast %and3A_647 : i32 to vector<16xi32>
    %and3A_649 = arith.andi %get3A_646, %and3A_648 : vector<16xi32>
    %swap3A_650 = arith.constant 0 : index
    %swap3A_651 = tpu.vector_load %arg10[%swap3A_650] {strides = array<i32>} : memref<80xi32, #tpu.memory_space<vmem>>, vector<16xi32>,
    %swap3A_652 = vector.shape_cast %swap3A_651 : vector<16xi32> to vector<16xi32>
    %swap3A_653 = vector.shape_cast %and3A_649 : vector<16xi32> to vector<16xi32>
    tpu.vector_store %arg10[%swap3A_650], %swap3A_653 {strides = array<i32>} : memref<80xi32, #tpu.memory_space<vmem>>, vector<16xi32>,
    %get3A_654 = arith.constant 124 : i32
    %get3A_655 = arith.index_cast %get3A_654 : i32 to index
    %get3A_656 = arith.constant 16 : index
    %get3A_657 = tpu.vector_load %arg5[%get3A_655, %get3A_656] {strides = array<i32>} : memref<125x80xi32, #tpu.memory_space<vmem>>, vector<1x16xi32>,
    %get3A_658 = vector.shape_cast %get3A_657 : vector<1x16xi32> to vector<16xi32>
    %and3A_659 = arith.constant 16383 : i32
    %and3A_660 = vector.broadcast %and3A_659 : i32 to vector<16xi32>
    %and3A_661 = arith.andi %get3A_658, %and3A_660 : vector<16xi32>
    %swap3A_662 = arith.constant 16 : index
    %swap3A_663 = tpu.vector_load %arg10[%swap3A_662] {strides = array<i32>} : memref<80xi32, #tpu.memory_space<vmem>>, vector<16xi32>,
    %swap3A_664 = vector.shape_cast %swap3A_663 : vector<16xi32> to vector<16xi32>
    %swap3A_665 = vector.shape_cast %and3A_661 : vector<16xi32> to vector<16xi32>
    tpu.vector_store %arg10[%swap3A_662], %swap3A_665 {strides = array<i32>} : memref<80xi32, #tpu.memory_space<vmem>>, vector<16xi32>,
    %get3A_666 = arith.constant 124 : i32
    %get3A_667 = arith.index_cast %get3A_666 : i32 to index
    %get3A_668 = arith.constant 32 : index
    %get3A_669 = tpu.vector_load %arg5[%get3A_667, %get3A_668] {strides = array<i32>} : memref<125x80xi32, #tpu.memory_space<vmem>>, vector<1x16xi32>,
    %get3A_670 = vector.shape_cast %get3A_669 : vector<1x16xi32> to vector<16xi32>
    %and3A_671 = arith.constant 16383 : i32
    %and3A_672 = vector.broadcast %and3A_671 : i32 to vector<16xi32>
    %and3A_673 = arith.andi %get3A_670, %and3A_672 : vector<16xi32>
    %swap3A_674 = arith.constant 32 : index
    %swap3A_675 = tpu.vector_load %arg10[%swap3A_674] {strides = array<i32>} : memref<80xi32, #tpu.memory_space<vmem>>, vector<16xi32>,
    %swap3A_676 = vector.shape_cast %swap3A_675 : vector<16xi32> to vector<16xi32>
    %swap3A_677 = vector.shape_cast %and3A_673 : vector<16xi32> to vector<16xi32>
    tpu.vector_store %arg10[%swap3A_674], %swap3A_677 {strides = array<i32>} : memref<80xi32, #tpu.memory_space<vmem>>, vector<16xi32>,
    %get3A_678 = arith.constant 124 : i32
    %get3A_679 = arith.index_cast %get3A_678 : i32 to index
    %get3A_680 = arith.constant 48 : index
    %get3A_681 = tpu.vector_load %arg5[%get3A_679, %get3A_680] {strides = array<i32>} : memref<125x80xi32, #tpu.memory_space<vmem>>, vector<1x16xi32>,
    %get3A_682 = vector.shape_cast %get3A_681 : vector<1x16xi32> to vector<16xi32>
    %and3A_683 = arith.constant 16383 : i32
    %and3A_684 = vector.broadcast %and3A_683 : i32 to vector<16xi32>
    %and3A_685 = arith.andi %get3A_682, %and3A_684 : vector<16xi32>
    %swap3A_686 = arith.constant 48 : index
    %swap3A_687 = tpu.vector_load %arg10[%swap3A_686] {strides = array<i32>} : memref<80xi32, #tpu.memory_space<vmem>>, vector<16xi32>,
    %swap3A_688 = vector.shape_cast %swap3A_687 : vector<16xi32> to vector<16xi32>
    %swap3A_689 = vector.shape_cast %and3A_685 : vector<16xi32> to vector<16xi32>
    tpu.vector_store %arg10[%swap3A_686], %swap3A_689 {strides = array<i32>} : memref<80xi32, #tpu.memory_space<vmem>>, vector<16xi32>,
    %get3A_690 = arith.constant 124 : i32
    %get3A_691 = arith.index_cast %get3A_690 : i32 to index
    %get3A_692 = arith.constant 64 : index
    %get3A_693 = tpu.vector_load %arg5[%get3A_691, %get3A_692] {strides = array<i32>} : memref<125x80xi32, #tpu.memory_space<vmem>>, vector<1x16xi32>,
    %get3A_694 = vector.shape_cast %get3A_693 : vector<1x16xi32> to vector<16xi32>
    %and3A_695 = arith.constant 16383 : i32
    %and3A_696 = vector.broadcast %and3A_695 : i32 to vector<16xi32>
    %and3A_697 = arith.andi %get3A_694, %and3A_696 : vector<16xi32>
    %swap3A_698 = arith.constant 64 : index
    %swap3A_699 = tpu.vector_load %arg10[%swap3A_698] {strides = array<i32>} : memref<80xi32, #tpu.memory_space<vmem>>, vector<16xi32>,
    %swap3A_700 = vector.shape_cast %swap3A_699 : vector<16xi32> to vector<16xi32>
    %swap3A_701 = vector.shape_cast %and3A_697 : vector<16xi32> to vector<16xi32>
    tpu.vector_store %arg10[%swap3A_698], %swap3A_701 {strides = array<i32>} : memref<80xi32, #tpu.memory_space<vmem>>, vector<16xi32>,
    %dma_start3A_702 = arith.constant 0 : i32
    %dma_start3A_703 = arith.constant 0 : i32
    %dma_start3A_704 = tpu.memref_slice %arg16[%dma_start3A_702, %dma_start3A_703] : memref<10000x64xbf16, #tpu.memory_space<vmem_shared>> -> memref<10000x64xbf16, #tpu.memory_space<vmem_shared>>
    tpu.enqueue_indirect_dma source(%dma_start3A_704 : memref<10000x64xbf16, #tpu.memory_space<vmem_shared>>) target(%arg13 : memref<80x64xbf16, #tpu.memory_space<vmem>>) offsets(%arg7 : memref<80xi32, #tpu.memory_space<vmem>>) semaphore(%arg20 : memref<!tpu.dma_semaphore, #tpu.memory_space<semaphore_mem>>)
    %dma_start3A_705 = arith.constant 0 : i32
    %dma_start3A_706 = arith.constant 0 : i32
    %dma_start3A_707 = tpu.memref_slice %arg17[%dma_start3A_705, %dma_start3A_706] : memref<10240x64xbf16, #tpu.memory_space<vmem_shared>> -> memref<10240x64xbf16, #tpu.memory_space<vmem_shared>>
    tpu.enqueue_indirect_dma source(%arg12 : memref<80x64xbf16, #tpu.memory_space<vmem>>) target(%dma_start3A_707 : memref<10240x64xbf16, #tpu.memory_space<vmem_shared>>) offsets(%arg9 : memref<80xi32, #tpu.memory_space<vmem>>) semaphore(%arg22 : memref<!tpu.dma_semaphore, #tpu.memory_space<semaphore_mem>>) {add = true}
    %dma_wait3A_708 = arith.constant 0 : i32
    %dma_wait3A_709 = arith.constant 0 : i32
    %dma_wait3A_710 = tpu.memref_slice %arg16[%dma_wait3A_708, %dma_wait3A_709] : memref<10000x64xbf16, #tpu.memory_space<vmem_shared>> -> memref<10000x64xbf16, #tpu.memory_space<vmem_shared>>
    tpu.wait_indirect_dma semaphore(%arg20 : memref<!tpu.dma_semaphore, #tpu.memory_space<semaphore_mem>>) src(%dma_wait3A_710 : memref<10000x64xbf16, #tpu.memory_space<vmem_shared>>) dst(%arg13 : memref<80x64xbf16, #tpu.memory_space<vmem>>)
    %dma_start3A_711 = arith.constant 0 : i32
    %dma_start3A_712 = arith.constant 0 : i32
    %dma_start3A_713 = tpu.memref_slice %arg17[%dma_start3A_711, %dma_start3A_712] : memref<10240x64xbf16, #tpu.memory_space<vmem_shared>> -> memref<10240x64xbf16, #tpu.memory_space<vmem_shared>>
    tpu.enqueue_indirect_dma source(%arg13 : memref<80x64xbf16, #tpu.memory_space<vmem>>) target(%dma_start3A_713 : memref<10240x64xbf16, #tpu.memory_space<vmem_shared>>) offsets(%arg10 : memref<80xi32, #tpu.memory_space<vmem>>) semaphore(%arg23 : memref<!tpu.dma_semaphore, #tpu.memory_space<semaphore_mem>>) {add = true}
    %dma_wait3A_714 = arith.constant 0 : i32
    %dma_wait3A_715 = arith.constant 0 : i32
    %dma_wait3A_716 = tpu.memref_slice %arg17[%dma_wait3A_714, %dma_wait3A_715] : memref<10240x64xbf16, #tpu.memory_space<vmem_shared>> -> memref<10240x64xbf16, #tpu.memory_space<vmem_shared>>
    tpu.wait_indirect_dma semaphore(%arg24 : memref<!tpu.dma_semaphore, #tpu.memory_space<semaphore_mem>>) src(%arg14 : memref<80x64xbf16, #tpu.memory_space<vmem>>) dst(%dma_wait3A_716 : memref<10240x64xbf16, #tpu.memory_space<vmem_shared>>)
    %dma_wait3A_717 = arith.constant 0 : i32
    %dma_wait3A_718 = arith.constant 0 : i32
    %dma_wait3A_719 = tpu.memref_slice %arg17[%dma_wait3A_717, %dma_wait3A_718] : memref<10240x64xbf16, #tpu.memory_space<vmem_shared>> -> memref<10240x64xbf16, #tpu.memory_space<vmem_shared>>
    tpu.wait_indirect_dma semaphore(%arg22 : memref<!tpu.dma_semaphore, #tpu.memory_space<semaphore_mem>>) src(%arg12 : memref<80x64xbf16, #tpu.memory_space<vmem>>) dst(%dma_wait3A_719 : memref<10240x64xbf16, #tpu.memory_space<vmem_shared>>)
    %dma_wait3A_720 = arith.constant 0 : i32
    %dma_wait3A_721 = arith.constant 0 : i32
    %dma_wait3A_722 = tpu.memref_slice %arg17[%dma_wait3A_720, %dma_wait3A_721] : memref<10240x64xbf16, #tpu.memory_space<vmem_shared>> -> memref<10240x64xbf16, #tpu.memory_space<vmem_shared>>
    tpu.wait_indirect_dma semaphore(%arg23 : memref<!tpu.dma_semaphore, #tpu.memory_space<semaphore_mem>>) src(%arg13 : memref<80x64xbf16, #tpu.memory_space<vmem>>) dst(%dma_wait3A_722 : memref<10240x64xbf16, #tpu.memory_space<vmem_shared>>)
    %barrier3A_723 = arith.constant 0 : index
    tpu.barrier barrier_id(%barrier3A_723)
    %mul3A_724 = arith.constant 640 : i32
    %mul3A_725 = arith.muli %arg1, %mul3A_724 : i32
    %add3A_726 = arith.constant 0 : i32
    %add3A_727 = arith.addi %mul3A_725, %add3A_726 : i32
    "tpu.region"() ({
      %run_scoped3A = tpu.sem_alloc : memref<!tpu.dma_semaphore, #tpu.memory_space<semaphore_mem>>
      %dma_start3A_756 = arith.constant 0 : i32
      %dma_start3A_757 = tpu.memref_slice %arg17[%add3A_727, %dma_start3A_756] : memref<10240x64xbf16, #tpu.memory_space<vmem_shared>> -> memref<80x64xbf16, #tpu.memory_space<vmem_shared>>
      %dma_start3A_758 = arith.constant 0 : i32
      %dma_start3A_759 = tpu.memref_slice %arg17[%add3A_727, %dma_start3A_758] : memref<10240x64xbf16, #tpu.memory_space<vmem_shared>> -> memref<80x64xbf16, #tpu.memory_space<vmem_shared>>
      tpu.enqueue_dma source(%dma_start3A_759 : memref<80x64xbf16, #tpu.memory_space<vmem_shared>>) target(%arg12 : memref<80x64xbf16, #tpu.memory_space<vmem>>) target_semaphore(%run_scoped3A : memref<!tpu.dma_semaphore, #tpu.memory_space<semaphore_mem>>)
      %dma_wait3A_760 = arith.constant 0 : i32
      %dma_wait3A_761 = tpu.memref_slice %arg17[%add3A_727, %dma_wait3A_760] : memref<10240x64xbf16, #tpu.memory_space<vmem_shared>> -> memref<80x64xbf16, #tpu.memory_space<vmem_shared>>
      %dma_wait3A_762 = arith.constant 0 : i32
      %dma_wait3A_763 = tpu.memref_slice %arg17[%add3A_727, %dma_wait3A_762] : memref<10240x64xbf16, #tpu.memory_space<vmem_shared>> -> memref<80x64xbf16, #tpu.memory_space<vmem_shared>>
      tpu.wait_dma2 semaphore(%run_scoped3A : memref<!tpu.dma_semaphore, #tpu.memory_space<semaphore_mem>>) src(%dma_wait3A_763 : memref<80x64xbf16, #tpu.memory_space<vmem_shared>>) dst(%arg12 : memref<80x64xbf16, #tpu.memory_space<vmem>>)
      tpu.yield
    }) : () -> ()
    "tpu.region"() ({
      %run_scoped3A = tpu.sem_alloc : memref<!tpu.dma_semaphore, #tpu.memory_space<semaphore_mem>>
      %dma_start3A_756 = arith.constant 0 : i32
      %dma_start3A_757 = tpu.memref_slice %arg4[%arg0, %add3A_727, %dma_start3A_756] : memref<2x10240x64xbf16, #tpu.memory_space<hbm>> -> memref<1x80x64xbf16, #tpu.memory_space<hbm>>
      %dma_start3A_758 = tpu.memref_squeeze %dma_start3A_757 : memref<1x80x64xbf16, #tpu.memory_space<hbm>> -> memref<80x64xbf16, #tpu.memory_space<hbm>>
      %dma_start3A_759 = arith.constant 0 : i32
      %dma_start3A_760 = tpu.memref_slice %arg4[%arg0, %add3A_727, %dma_start3A_759] : memref<2x10240x64xbf16, #tpu.memory_space<hbm>> -> memref<1x80x64xbf16, #tpu.memory_space<hbm>>
      %dma_start3A_761 = tpu.memref_squeeze %dma_start3A_760 : memref<1x80x64xbf16, #tpu.memory_space<hbm>> -> memref<80x64xbf16, #tpu.memory_space<hbm>>
      tpu.enqueue_dma source(%arg12 : memref<80x64xbf16, #tpu.memory_space<vmem>>) target(%dma_start3A_761 : memref<80x64xbf16, #tpu.memory_space<hbm>>) target_semaphore(%run_scoped3A : memref<!tpu.dma_semaphore, #tpu.memory_space<semaphore_mem>>)
      %dma_wait3A_762 = arith.constant 0 : i32
      %dma_wait3A_763 = tpu.memref_slice %arg4[%arg0, %add3A_727, %dma_wait3A_762] : memref<2x10240x64xbf16, #tpu.memory_space<hbm>> -> memref<1x80x64xbf16, #tpu.memory_space<hbm>>
      %dma_wait3A_764 = tpu.memref_squeeze %dma_wait3A_763 : memref<1x80x64xbf16, #tpu.memory_space<hbm>> -> memref<80x64xbf16, #tpu.memory_space<hbm>>
      %dma_wait3A_765 = arith.constant 0 : i32
      %dma_wait3A_766 = tpu.memref_slice %arg4[%arg0, %add3A_727, %dma_wait3A_765] : memref<2x10240x64xbf16, #tpu.memory_space<hbm>> -> memref<1x80x64xbf16, #tpu.memory_space<hbm>>
      %dma_wait3A_767 = tpu.memref_squeeze %dma_wait3A_766 : memref<1x80x64xbf16, #tpu.memory_space<hbm>> -> memref<80x64xbf16, #tpu.memory_space<hbm>>
      tpu.wait_dma2 semaphore(%run_scoped3A : memref<!tpu.dma_semaphore, #tpu.memory_space<semaphore_mem>>) src(%arg12 : memref<80x64xbf16, #tpu.memory_space<vmem>>) dst(%dma_wait3A_767 : memref<80x64xbf16, #tpu.memory_space<hbm>>)
      tpu.yield
    }) : () -> ()
    %mul3A_728 = arith.constant 640 : i32
    %mul3A_729 = arith.muli %arg1, %mul3A_728 : i32
    %add3A_730 = arith.constant 80 : i32
    %add3A_731 = arith.addi %mul3A_729, %add3A_730 : i32
    "tpu.region"() ({
      %run_scoped3A = tpu.sem_alloc : memref<!tpu.dma_semaphore, #tpu.memory_space<semaphore_mem>>
      %dma_start3A_756 = arith.constant 0 : i32
      %dma_start3A_757 = tpu.memref_slice %arg17[%add3A_731, %dma_start3A_756] : memref<10240x64xbf16, #tpu.memory_space<vmem_shared>> -> memref<80x64xbf16, #tpu.memory_space<vmem_shared>>
      %dma_start3A_758 = arith.constant 0 : i32
      %dma_start3A_759 = tpu.memref_slice %arg17[%add3A_731, %dma_start3A_758] : memref<10240x64xbf16, #tpu.memory_space<vmem_shared>> -> memref<80x64xbf16, #tpu.memory_space<vmem_shared>>
      tpu.enqueue_dma source(%dma_start3A_759 : memref<80x64xbf16, #tpu.memory_space<vmem_shared>>) target(%arg12 : memref<80x64xbf16, #tpu.memory_space<vmem>>) target_semaphore(%run_scoped3A : memref<!tpu.dma_semaphore, #tpu.memory_space<semaphore_mem>>)
      %dma_wait3A_760 = arith.constant 0 : i32
      %dma_wait3A_761 = tpu.memref_slice %arg17[%add3A_731, %dma_wait3A_760] : memref<10240x64xbf16, #tpu.memory_space<vmem_shared>> -> memref<80x64xbf16, #tpu.memory_space<vmem_shared>>
      %dma_wait3A_762 = arith.constant 0 : i32
      %dma_wait3A_763 = tpu.memref_slice %arg17[%add3A_731, %dma_wait3A_762] : memref<10240x64xbf16, #tpu.memory_space<vmem_shared>> -> memref<80x64xbf16, #tpu.memory_space<vmem_shared>>
      tpu.wait_dma2 semaphore(%run_scoped3A : memref<!tpu.dma_semaphore, #tpu.memory_space<semaphore_mem>>) src(%dma_wait3A_763 : memref<80x64xbf16, #tpu.memory_space<vmem_shared>>) dst(%arg12 : memref<80x64xbf16, #tpu.memory_space<vmem>>)
      tpu.yield
    }) : () -> ()
    "tpu.region"() ({
      %run_scoped3A = tpu.sem_alloc : memref<!tpu.dma_semaphore, #tpu.memory_space<semaphore_mem>>
      %dma_start3A_756 = arith.constant 0 : i32
      %dma_start3A_757 = tpu.memref_slice %arg4[%arg0, %add3A_731, %dma_start3A_756] : memref<2x10240x64xbf16, #tpu.memory_space<hbm>> -> memref<1x80x64xbf16, #tpu.memory_space<hbm>>
      %dma_start3A_758 = tpu.memref_squeeze %dma_start3A_757 : memref<1x80x64xbf16, #tpu.memory_space<hbm>> -> memref<80x64xbf16, #tpu.memory_space<hbm>>
      %dma_start3A_759 = arith.constant 0 : i32
      %dma_start3A_760 = tpu.memref_slice %arg4[%arg0, %add3A_731, %dma_start3A_759] : memref<2x10240x64xbf16, #tpu.memory_space<hbm>> -> memref<1x80x64xbf16, #tpu.memory_space<hbm>>
      %dma_start3A_761 = tpu.memref_squeeze %dma_start3A_760 : memref<1x80x64xbf16, #tpu.memory_space<hbm>> -> memref<80x64xbf16, #tpu.memory_space<hbm>>
      tpu.enqueue_dma source(%arg12 : memref<80x64xbf16, #tpu.memory_space<vmem>>) target(%dma_start3A_761 : memref<80x64xbf16, #tpu.memory_space<hbm>>) target_semaphore(%run_scoped3A : memref<!tpu.dma_semaphore, #tpu.memory_space<semaphore_mem>>)
      %dma_wait3A_762 = arith.constant 0 : i32
      %dma_wait3A_763 = tpu.memref_slice %arg4[%arg0, %add3A_731, %dma_wait3A_762] : memref<2x10240x64xbf16, #tpu.memory_space<hbm>> -> memref<1x80x64xbf16, #tpu.memory_space<hbm>>
      %dma_wait3A_764 = tpu.memref_squeeze %dma_wait3A_763 : memref<1x80x64xbf16, #tpu.memory_space<hbm>> -> memref<80x64xbf16, #tpu.memory_space<hbm>>
      %dma_wait3A_765 = arith.constant 0 : i32
      %dma_wait3A_766 = tpu.memref_slice %arg4[%arg0, %add3A_731, %dma_wait3A_765] : memref<2x10240x64xbf16, #tpu.memory_space<hbm>> -> memref<1x80x64xbf16, #tpu.memory_space<hbm>>
      %dma_wait3A_767 = tpu.memref_squeeze %dma_wait3A_766 : memref<1x80x64xbf16, #tpu.memory_space<hbm>> -> memref<80x64xbf16, #tpu.memory_space<hbm>>
      tpu.wait_dma2 semaphore(%run_scoped3A : memref<!tpu.dma_semaphore, #tpu.memory_space<semaphore_mem>>) src(%arg12 : memref<80x64xbf16, #tpu.memory_space<vmem>>) dst(%dma_wait3A_767 : memref<80x64xbf16, #tpu.memory_space<hbm>>)
      tpu.yield
    }) : () -> ()
    %mul3A_732 = arith.constant 640 : i32
    %mul3A_733 = arith.muli %arg1, %mul3A_732 : i32
    %add3A_734 = arith.constant 160 : i32
    %add3A_735 = arith.addi %mul3A_733, %add3A_734 : i32
    "tpu.region"() ({
      %run_scoped3A = tpu.sem_alloc : memref<!tpu.dma_semaphore, #tpu.memory_space<semaphore_mem>>
      %dma_start3A_756 = arith.constant 0 : i32
      %dma_start3A_757 = tpu.memref_slice %arg17[%add3A_735, %dma_start3A_756] : memref<10240x64xbf16, #tpu.memory_space<vmem_shared>> -> memref<80x64xbf16, #tpu.memory_space<vmem_shared>>
      %dma_start3A_758 = arith.constant 0 : i32
      %dma_start3A_759 = tpu.memref_slice %arg17[%add3A_735, %dma_start3A_758] : memref<10240x64xbf16, #tpu.memory_space<vmem_shared>> -> memref<80x64xbf16, #tpu.memory_space<vmem_shared>>
      tpu.enqueue_dma source(%dma_start3A_759 : memref<80x64xbf16, #tpu.memory_space<vmem_shared>>) target(%arg12 : memref<80x64xbf16, #tpu.memory_space<vmem>>) target_semaphore(%run_scoped3A : memref<!tpu.dma_semaphore, #tpu.memory_space<semaphore_mem>>)
      %dma_wait3A_760 = arith.constant 0 : i32
      %dma_wait3A_761 = tpu.memref_slice %arg17[%add3A_735, %dma_wait3A_760] : memref<10240x64xbf16, #tpu.memory_space<vmem_shared>> -> memref<80x64xbf16, #tpu.memory_space<vmem_shared>>
      %dma_wait3A_762 = arith.constant 0 : i32
      %dma_wait3A_763 = tpu.memref_slice %arg17[%add3A_735, %dma_wait3A_762] : memref<10240x64xbf16, #tpu.memory_space<vmem_shared>> -> memref<80x64xbf16, #tpu.memory_space<vmem_shared>>
      tpu.wait_dma2 semaphore(%run_scoped3A : memref<!tpu.dma_semaphore, #tpu.memory_space<semaphore_mem>>) src(%dma_wait3A_763 : memref<80x64xbf16, #tpu.memory_space<vmem_shared>>) dst(%arg12 : memref<80x64xbf16, #tpu.memory_space<vmem>>)
      tpu.yield
    }) : () -> ()
    "tpu.region"() ({
      %run_scoped3A = tpu.sem_alloc : memref<!tpu.dma_semaphore, #tpu.memory_space<semaphore_mem>>
      %dma_start3A_756 = arith.constant 0 : i32
      %dma_start3A_757 = tpu.memref_slice %arg4[%arg0, %add3A_735, %dma_start3A_756] : memref<2x10240x64xbf16, #tpu.memory_space<hbm>> -> memref<1x80x64xbf16, #tpu.memory_space<hbm>>
      %dma_start3A_758 = tpu.memref_squeeze %dma_start3A_757 : memref<1x80x64xbf16, #tpu.memory_space<hbm>> -> memref<80x64xbf16, #tpu.memory_space<hbm>>
      %dma_start3A_759 = arith.constant 0 : i32
      %dma_start3A_760 = tpu.memref_slice %arg4[%arg0, %add3A_735, %dma_start3A_759] : memref<2x10240x64xbf16, #tpu.memory_space<hbm>> -> memref<1x80x64xbf16, #tpu.memory_space<hbm>>
      %dma_start3A_761 = tpu.memref_squeeze %dma_start3A_760 : memref<1x80x64xbf16, #tpu.memory_space<hbm>> -> memref<80x64xbf16, #tpu.memory_space<hbm>>
      tpu.enqueue_dma source(%arg12 : memref<80x64xbf16, #tpu.memory_space<vmem>>) target(%dma_start3A_761 : memref<80x64xbf16, #tpu.memory_space<hbm>>) target_semaphore(%run_scoped3A : memref<!tpu.dma_semaphore, #tpu.memory_space<semaphore_mem>>)
      %dma_wait3A_762 = arith.constant 0 : i32
      %dma_wait3A_763 = tpu.memref_slice %arg4[%arg0, %add3A_735, %dma_wait3A_762] : memref<2x10240x64xbf16, #tpu.memory_space<hbm>> -> memref<1x80x64xbf16, #tpu.memory_space<hbm>>
      %dma_wait3A_764 = tpu.memref_squeeze %dma_wait3A_763 : memref<1x80x64xbf16, #tpu.memory_space<hbm>> -> memref<80x64xbf16, #tpu.memory_space<hbm>>
      %dma_wait3A_765 = arith.constant 0 : i32
      %dma_wait3A_766 = tpu.memref_slice %arg4[%arg0, %add3A_735, %dma_wait3A_765] : memref<2x10240x64xbf16, #tpu.memory_space<hbm>> -> memref<1x80x64xbf16, #tpu.memory_space<hbm>>
      %dma_wait3A_767 = tpu.memref_squeeze %dma_wait3A_766 : memref<1x80x64xbf16, #tpu.memory_space<hbm>> -> memref<80x64xbf16, #tpu.memory_space<hbm>>
      tpu.wait_dma2 semaphore(%run_scoped3A : memref<!tpu.dma_semaphore, #tpu.memory_space<semaphore_mem>>) src(%arg12 : memref<80x64xbf16, #tpu.memory_space<vmem>>) dst(%dma_wait3A_767 : memref<80x64xbf16, #tpu.memory_space<hbm>>)
      tpu.yield
    }) : () -> ()
    %mul3A_736 = arith.constant 640 : i32
    %mul3A_737 = arith.muli %arg1, %mul3A_736 : i32
    %add3A_738 = arith.constant 240 : i32
    %add3A_739 = arith.addi %mul3A_737, %add3A_738 : i32
    "tpu.region"() ({
      %run_scoped3A = tpu.sem_alloc : memref<!tpu.dma_semaphore, #tpu.memory_space<semaphore_mem>>
      %dma_start3A_756 = arith.constant 0 : i32
      %dma_start3A_757 = tpu.memref_slice %arg17[%add3A_739, %dma_start3A_756] : memref<10240x64xbf16, #tpu.memory_space<vmem_shared>> -> memref<80x64xbf16, #tpu.memory_space<vmem_shared>>
      %dma_start3A_758 = arith.constant 0 : i32
      %dma_start3A_759 = tpu.memref_slice %arg17[%add3A_739, %dma_start3A_758] : memref<10240x64xbf16, #tpu.memory_space<vmem_shared>> -> memref<80x64xbf16, #tpu.memory_space<vmem_shared>>
      tpu.enqueue_dma source(%dma_start3A_759 : memref<80x64xbf16, #tpu.memory_space<vmem_shared>>) target(%arg12 : memref<80x64xbf16, #tpu.memory_space<vmem>>) target_semaphore(%run_scoped3A : memref<!tpu.dma_semaphore, #tpu.memory_space<semaphore_mem>>)
      %dma_wait3A_760 = arith.constant 0 : i32
      %dma_wait3A_761 = tpu.memref_slice %arg17[%add3A_739, %dma_wait3A_760] : memref<10240x64xbf16, #tpu.memory_space<vmem_shared>> -> memref<80x64xbf16, #tpu.memory_space<vmem_shared>>
      %dma_wait3A_762 = arith.constant 0 : i32
      %dma_wait3A_763 = tpu.memref_slice %arg17[%add3A_739, %dma_wait3A_762] : memref<10240x64xbf16, #tpu.memory_space<vmem_shared>> -> memref<80x64xbf16, #tpu.memory_space<vmem_shared>>
      tpu.wait_dma2 semaphore(%run_scoped3A : memref<!tpu.dma_semaphore, #tpu.memory_space<semaphore_mem>>) src(%dma_wait3A_763 : memref<80x64xbf16, #tpu.memory_space<vmem_shared>>) dst(%arg12 : memref<80x64xbf16, #tpu.memory_space<vmem>>)
      tpu.yield
    }) : () -> ()
    "tpu.region"() ({
      %run_scoped3A = tpu.sem_alloc : memref<!tpu.dma_semaphore, #tpu.memory_space<semaphore_mem>>
      %dma_start3A_756 = arith.constant 0 : i32
      %dma_start3A_757 = tpu.memref_slice %arg4[%arg0, %add3A_739, %dma_start3A_756] : memref<2x10240x64xbf16, #tpu.memory_space<hbm>> -> memref<1x80x64xbf16, #tpu.memory_space<hbm>>
      %dma_start3A_758 = tpu.memref_squeeze %dma_start3A_757 : memref<1x80x64xbf16, #tpu.memory_space<hbm>> -> memref<80x64xbf16, #tpu.memory_space<hbm>>
      %dma_start3A_759 = arith.constant 0 : i32
      %dma_start3A_760 = tpu.memref_slice %arg4[%arg0, %add3A_739, %dma_start3A_759] : memref<2x10240x64xbf16, #tpu.memory_space<hbm>> -> memref<1x80x64xbf16, #tpu.memory_space<hbm>>
      %dma_start3A_761 = tpu.memref_squeeze %dma_start3A_760 : memref<1x80x64xbf16, #tpu.memory_space<hbm>> -> memref<80x64xbf16, #tpu.memory_space<hbm>>
      tpu.enqueue_dma source(%arg12 : memref<80x64xbf16, #tpu.memory_space<vmem>>) target(%dma_start3A_761 : memref<80x64xbf16, #tpu.memory_space<hbm>>) target_semaphore(%run_scoped3A : memref<!tpu.dma_semaphore, #tpu.memory_space<semaphore_mem>>)
      %dma_wait3A_762 = arith.constant 0 : i32
      %dma_wait3A_763 = tpu.memref_slice %arg4[%arg0, %add3A_739, %dma_wait3A_762] : memref<2x10240x64xbf16, #tpu.memory_space<hbm>> -> memref<1x80x64xbf16, #tpu.memory_space<hbm>>
      %dma_wait3A_764 = tpu.memref_squeeze %dma_wait3A_763 : memref<1x80x64xbf16, #tpu.memory_space<hbm>> -> memref<80x64xbf16, #tpu.memory_space<hbm>>
      %dma_wait3A_765 = arith.constant 0 : i32
      %dma_wait3A_766 = tpu.memref_slice %arg4[%arg0, %add3A_739, %dma_wait3A_765] : memref<2x10240x64xbf16, #tpu.memory_space<hbm>> -> memref<1x80x64xbf16, #tpu.memory_space<hbm>>
      %dma_wait3A_767 = tpu.memref_squeeze %dma_wait3A_766 : memref<1x80x64xbf16, #tpu.memory_space<hbm>> -> memref<80x64xbf16, #tpu.memory_space<hbm>>
      tpu.wait_dma2 semaphore(%run_scoped3A : memref<!tpu.dma_semaphore, #tpu.memory_space<semaphore_mem>>) src(%arg12 : memref<80x64xbf16, #tpu.memory_space<vmem>>) dst(%dma_wait3A_767 : memref<80x64xbf16, #tpu.memory_space<hbm>>)
      tpu.yield
    }) : () -> ()
    %mul3A_740 = arith.constant 640 : i32
    %mul3A_741 = arith.muli %arg1, %mul3A_740 : i32
    %add3A_742 = arith.constant 320 : i32
    %add3A_743 = arith.addi %mul3A_741, %add3A_742 : i32
    "tpu.region"() ({
      %run_scoped3A = tpu.sem_alloc : memref<!tpu.dma_semaphore, #tpu.memory_space<semaphore_mem>>
      %dma_start3A_756 = arith.constant 0 : i32
      %dma_start3A_757 = tpu.memref_slice %arg17[%add3A_743, %dma_start3A_756] : memref<10240x64xbf16, #tpu.memory_space<vmem_shared>> -> memref<80x64xbf16, #tpu.memory_space<vmem_shared>>
      %dma_start3A_758 = arith.constant 0 : i32
      %dma_start3A_759 = tpu.memref_slice %arg17[%add3A_743, %dma_start3A_758] : memref<10240x64xbf16, #tpu.memory_space<vmem_shared>> -> memref<80x64xbf16, #tpu.memory_space<vmem_shared>>
      tpu.enqueue_dma source(%dma_start3A_759 : memref<80x64xbf16, #tpu.memory_space<vmem_shared>>) target(%arg12 : memref<80x64xbf16, #tpu.memory_space<vmem>>) target_semaphore(%run_scoped3A : memref<!tpu.dma_semaphore, #tpu.memory_space<semaphore_mem>>)
      %dma_wait3A_760 = arith.constant 0 : i32
      %dma_wait3A_761 = tpu.memref_slice %arg17[%add3A_743, %dma_wait3A_760] : memref<10240x64xbf16, #tpu.memory_space<vmem_shared>> -> memref<80x64xbf16, #tpu.memory_space<vmem_shared>>
      %dma_wait3A_762 = arith.constant 0 : i32
      %dma_wait3A_763 = tpu.memref_slice %arg17[%add3A_743, %dma_wait3A_762] : memref<10240x64xbf16, #tpu.memory_space<vmem_shared>> -> memref<80x64xbf16, #tpu.memory_space<vmem_shared>>
      tpu.wait_dma2 semaphore(%run_scoped3A : memref<!tpu.dma_semaphore, #tpu.memory_space<semaphore_mem>>) src(%dma_wait3A_763 : memref<80x64xbf16, #tpu.memory_space<vmem_shared>>) dst(%arg12 : memref<80x64xbf16, #tpu.memory_space<vmem>>)
      tpu.yield
    }) : () -> ()
    "tpu.region"() ({
      %run_scoped3A = tpu.sem_alloc : memref<!tpu.dma_semaphore, #tpu.memory_space<semaphore_mem>>
      %dma_start3A_756 = arith.constant 0 : i32
      %dma_start3A_757 = tpu.memref_slice %arg4[%arg0, %add3A_743, %dma_start3A_756] : memref<2x10240x64xbf16, #tpu.memory_space<hbm>> -> memref<1x80x64xbf16, #tpu.memory_space<hbm>>
      %dma_start3A_758 = tpu.memref_squeeze %dma_start3A_757 : memref<1x80x64xbf16, #tpu.memory_space<hbm>> -> memref<80x64xbf16, #tpu.memory_space<hbm>>
      %dma_start3A_759 = arith.constant 0 : i32
      %dma_start3A_760 = tpu.memref_slice %arg4[%arg0, %add3A_743, %dma_start3A_759] : memref<2x10240x64xbf16, #tpu.memory_space<hbm>> -> memref<1x80x64xbf16, #tpu.memory_space<hbm>>
      %dma_start3A_761 = tpu.memref_squeeze %dma_start3A_760 : memref<1x80x64xbf16, #tpu.memory_space<hbm>> -> memref<80x64xbf16, #tpu.memory_space<hbm>>
      tpu.enqueue_dma source(%arg12 : memref<80x64xbf16, #tpu.memory_space<vmem>>) target(%dma_start3A_761 : memref<80x64xbf16, #tpu.memory_space<hbm>>) target_semaphore(%run_scoped3A : memref<!tpu.dma_semaphore, #tpu.memory_space<semaphore_mem>>)
      %dma_wait3A_762 = arith.constant 0 : i32
      %dma_wait3A_763 = tpu.memref_slice %arg4[%arg0, %add3A_743, %dma_wait3A_762] : memref<2x10240x64xbf16, #tpu.memory_space<hbm>> -> memref<1x80x64xbf16, #tpu.memory_space<hbm>>
      %dma_wait3A_764 = tpu.memref_squeeze %dma_wait3A_763 : memref<1x80x64xbf16, #tpu.memory_space<hbm>> -> memref<80x64xbf16, #tpu.memory_space<hbm>>
      %dma_wait3A_765 = arith.constant 0 : i32
      %dma_wait3A_766 = tpu.memref_slice %arg4[%arg0, %add3A_743, %dma_wait3A_765] : memref<2x10240x64xbf16, #tpu.memory_space<hbm>> -> memref<1x80x64xbf16, #tpu.memory_space<hbm>>
      %dma_wait3A_767 = tpu.memref_squeeze %dma_wait3A_766 : memref<1x80x64xbf16, #tpu.memory_space<hbm>> -> memref<80x64xbf16, #tpu.memory_space<hbm>>
      tpu.wait_dma2 semaphore(%run_scoped3A : memref<!tpu.dma_semaphore, #tpu.memory_space<semaphore_mem>>) src(%arg12 : memref<80x64xbf16, #tpu.memory_space<vmem>>) dst(%dma_wait3A_767 : memref<80x64xbf16, #tpu.memory_space<hbm>>)
      tpu.yield
    }) : () -> ()
    %mul3A_744 = arith.constant 640 : i32
    %mul3A_745 = arith.muli %arg1, %mul3A_744 : i32
    %add3A_746 = arith.constant 400 : i32
    %add3A_747 = arith.addi %mul3A_745, %add3A_746 : i32
    "tpu.region"() ({
      %run_scoped3A = tpu.sem_alloc : memref<!tpu.dma_semaphore, #tpu.memory_space<semaphore_mem>>
      %dma_start3A_756 = arith.constant 0 : i32
      %dma_start3A_757 = tpu.memref_slice %arg17[%add3A_747, %dma_start3A_756] : memref<10240x64xbf16, #tpu.memory_space<vmem_shared>> -> memref<80x64xbf16, #tpu.memory_space<vmem_shared>>
      %dma_start3A_758 = arith.constant 0 : i32
      %dma_start3A_759 = tpu.memref_slice %arg17[%add3A_747, %dma_start3A_758] : memref<10240x64xbf16, #tpu.memory_space<vmem_shared>> -> memref<80x64xbf16, #tpu.memory_space<vmem_shared>>
      tpu.enqueue_dma source(%dma_start3A_759 : memref<80x64xbf16, #tpu.memory_space<vmem_shared>>) target(%arg12 : memref<80x64xbf16, #tpu.memory_space<vmem>>) target_semaphore(%run_scoped3A : memref<!tpu.dma_semaphore, #tpu.memory_space<semaphore_mem>>)
      %dma_wait3A_760 = arith.constant 0 : i32
      %dma_wait3A_761 = tpu.memref_slice %arg17[%add3A_747, %dma_wait3A_760] : memref<10240x64xbf16, #tpu.memory_space<vmem_shared>> -> memref<80x64xbf16, #tpu.memory_space<vmem_shared>>
      %dma_wait3A_762 = arith.constant 0 : i32
      %dma_wait3A_763 = tpu.memref_slice %arg17[%add3A_747, %dma_wait3A_762] : memref<10240x64xbf16, #tpu.memory_space<vmem_shared>> -> memref<80x64xbf16, #tpu.memory_space<vmem_shared>>
      tpu.wait_dma2 semaphore(%run_scoped3A : memref<!tpu.dma_semaphore, #tpu.memory_space<semaphore_mem>>) src(%dma_wait3A_763 : memref<80x64xbf16, #tpu.memory_space<vmem_shared>>) dst(%arg12 : memref<80x64xbf16, #tpu.memory_space<vmem>>)
      tpu.yield
    }) : () -> ()
    "tpu.region"() ({
      %run_scoped3A = tpu.sem_alloc : memref<!tpu.dma_semaphore, #tpu.memory_space<semaphore_mem>>
      %dma_start3A_756 = arith.constant 0 : i32
      %dma_start3A_757 = tpu.memref_slice %arg4[%arg0, %add3A_747, %dma_start3A_756] : memref<2x10240x64xbf16, #tpu.memory_space<hbm>> -> memref<1x80x64xbf16, #tpu.memory_space<hbm>>
      %dma_start3A_758 = tpu.memref_squeeze %dma_start3A_757 : memref<1x80x64xbf16, #tpu.memory_space<hbm>> -> memref<80x64xbf16, #tpu.memory_space<hbm>>
      %dma_start3A_759 = arith.constant 0 : i32
      %dma_start3A_760 = tpu.memref_slice %arg4[%arg0, %add3A_747, %dma_start3A_759] : memref<2x10240x64xbf16, #tpu.memory_space<hbm>> -> memref<1x80x64xbf16, #tpu.memory_space<hbm>>
      %dma_start3A_761 = tpu.memref_squeeze %dma_start3A_760 : memref<1x80x64xbf16, #tpu.memory_space<hbm>> -> memref<80x64xbf16, #tpu.memory_space<hbm>>
      tpu.enqueue_dma source(%arg12 : memref<80x64xbf16, #tpu.memory_space<vmem>>) target(%dma_start3A_761 : memref<80x64xbf16, #tpu.memory_space<hbm>>) target_semaphore(%run_scoped3A : memref<!tpu.dma_semaphore, #tpu.memory_space<semaphore_mem>>)
      %dma_wait3A_762 = arith.constant 0 : i32
      %dma_wait3A_763 = tpu.memref_slice %arg4[%arg0, %add3A_747, %dma_wait3A_762] : memref<2x10240x64xbf16, #tpu.memory_space<hbm>> -> memref<1x80x64xbf16, #tpu.memory_space<hbm>>
      %dma_wait3A_764 = tpu.memref_squeeze %dma_wait3A_763 : memref<1x80x64xbf16, #tpu.memory_space<hbm>> -> memref<80x64xbf16, #tpu.memory_space<hbm>>
      %dma_wait3A_765 = arith.constant 0 : i32
      %dma_wait3A_766 = tpu.memref_slice %arg4[%arg0, %add3A_747, %dma_wait3A_765] : memref<2x10240x64xbf16, #tpu.memory_space<hbm>> -> memref<1x80x64xbf16, #tpu.memory_space<hbm>>
      %dma_wait3A_767 = tpu.memref_squeeze %dma_wait3A_766 : memref<1x80x64xbf16, #tpu.memory_space<hbm>> -> memref<80x64xbf16, #tpu.memory_space<hbm>>
      tpu.wait_dma2 semaphore(%run_scoped3A : memref<!tpu.dma_semaphore, #tpu.memory_space<semaphore_mem>>) src(%arg12 : memref<80x64xbf16, #tpu.memory_space<vmem>>) dst(%dma_wait3A_767 : memref<80x64xbf16, #tpu.memory_space<hbm>>)
      tpu.yield
    }) : () -> ()
    %mul3A_748 = arith.constant 640 : i32
    %mul3A_749 = arith.muli %arg1, %mul3A_748 : i32
    %add3A_750 = arith.constant 480 : i32
    %add3A_751 = arith.addi %mul3A_749, %add3A_750 : i32
    "tpu.region"() ({
      %run_scoped3A = tpu.sem_alloc : memref<!tpu.dma_semaphore, #tpu.memory_space<semaphore_mem>>
      %dma_start3A_756 = arith.constant 0 : i32
      %dma_start3A_757 = tpu.memref_slice %arg17[%add3A_751, %dma_start3A_756] : memref<10240x64xbf16, #tpu.memory_space<vmem_shared>> -> memref<80x64xbf16, #tpu.memory_space<vmem_shared>>
      %dma_start3A_758 = arith.constant 0 : i32
      %dma_start3A_759 = tpu.memref_slice %arg17[%add3A_751, %dma_start3A_758] : memref<10240x64xbf16, #tpu.memory_space<vmem_shared>> -> memref<80x64xbf16, #tpu.memory_space<vmem_shared>>
      tpu.enqueue_dma source(%dma_start3A_759 : memref<80x64xbf16, #tpu.memory_space<vmem_shared>>) target(%arg12 : memref<80x64xbf16, #tpu.memory_space<vmem>>) target_semaphore(%run_scoped3A : memref<!tpu.dma_semaphore, #tpu.memory_space<semaphore_mem>>)
      %dma_wait3A_760 = arith.constant 0 : i32
      %dma_wait3A_761 = tpu.memref_slice %arg17[%add3A_751, %dma_wait3A_760] : memref<10240x64xbf16, #tpu.memory_space<vmem_shared>> -> memref<80x64xbf16, #tpu.memory_space<vmem_shared>>
      %dma_wait3A_762 = arith.constant 0 : i32
      %dma_wait3A_763 = tpu.memref_slice %arg17[%add3A_751, %dma_wait3A_762] : memref<10240x64xbf16, #tpu.memory_space<vmem_shared>> -> memref<80x64xbf16, #tpu.memory_space<vmem_shared>>
      tpu.wait_dma2 semaphore(%run_scoped3A : memref<!tpu.dma_semaphore, #tpu.memory_space<semaphore_mem>>) src(%dma_wait3A_763 : memref<80x64xbf16, #tpu.memory_space<vmem_shared>>) dst(%arg12 : memref<80x64xbf16, #tpu.memory_space<vmem>>)
      tpu.yield
    }) : () -> ()
    "tpu.region"() ({
      %run_scoped3A = tpu.sem_alloc : memref<!tpu.dma_semaphore, #tpu.memory_space<semaphore_mem>>
      %dma_start3A_756 = arith.constant 0 : i32
      %dma_start3A_757 = tpu.memref_slice %arg4[%arg0, %add3A_751, %dma_start3A_756] : memref<2x10240x64xbf16, #tpu.memory_space<hbm>> -> memref<1x80x64xbf16, #tpu.memory_space<hbm>>
      %dma_start3A_758 = tpu.memref_squeeze %dma_start3A_757 : memref<1x80x64xbf16, #tpu.memory_space<hbm>> -> memref<80x64xbf16, #tpu.memory_space<hbm>>
      %dma_start3A_759 = arith.constant 0 : i32
      %dma_start3A_760 = tpu.memref_slice %arg4[%arg0, %add3A_751, %dma_start3A_759] : memref<2x10240x64xbf16, #tpu.memory_space<hbm>> -> memref<1x80x64xbf16, #tpu.memory_space<hbm>>
      %dma_start3A_761 = tpu.memref_squeeze %dma_start3A_760 : memref<1x80x64xbf16, #tpu.memory_space<hbm>> -> memref<80x64xbf16, #tpu.memory_space<hbm>>
      tpu.enqueue_dma source(%arg12 : memref<80x64xbf16, #tpu.memory_space<vmem>>) target(%dma_start3A_761 : memref<80x64xbf16, #tpu.memory_space<hbm>>) target_semaphore(%run_scoped3A : memref<!tpu.dma_semaphore, #tpu.memory_space<semaphore_mem>>)
      %dma_wait3A_762 = arith.constant 0 : i32
      %dma_wait3A_763 = tpu.memref_slice %arg4[%arg0, %add3A_751, %dma_wait3A_762] : memref<2x10240x64xbf16, #tpu.memory_space<hbm>> -> memref<1x80x64xbf16, #tpu.memory_space<hbm>>
      %dma_wait3A_764 = tpu.memref_squeeze %dma_wait3A_763 : memref<1x80x64xbf16, #tpu.memory_space<hbm>> -> memref<80x64xbf16, #tpu.memory_space<hbm>>
      %dma_wait3A_765 = arith.constant 0 : i32
      %dma_wait3A_766 = tpu.memref_slice %arg4[%arg0, %add3A_751, %dma_wait3A_765] : memref<2x10240x64xbf16, #tpu.memory_space<hbm>> -> memref<1x80x64xbf16, #tpu.memory_space<hbm>>
      %dma_wait3A_767 = tpu.memref_squeeze %dma_wait3A_766 : memref<1x80x64xbf16, #tpu.memory_space<hbm>> -> memref<80x64xbf16, #tpu.memory_space<hbm>>
      tpu.wait_dma2 semaphore(%run_scoped3A : memref<!tpu.dma_semaphore, #tpu.memory_space<semaphore_mem>>) src(%arg12 : memref<80x64xbf16, #tpu.memory_space<vmem>>) dst(%dma_wait3A_767 : memref<80x64xbf16, #tpu.memory_space<hbm>>)
      tpu.yield
    }) : () -> ()
    %mul3A_752 = arith.constant 640 : i32
    %mul3A_753 = arith.muli %arg1, %mul3A_752 : i32
    %add3A_754 = arith.constant 560 : i32
    %add3A_755 = arith.addi %mul3A_753, %add3A_754 : i32
    "tpu.region"() ({
      %run_scoped3A = tpu.sem_alloc : memref<!tpu.dma_semaphore, #tpu.memory_space<semaphore_mem>>
      %dma_start3A_756 = arith.constant 0 : i32
      %dma_start3A_757 = tpu.memref_slice %arg17[%add3A_755, %dma_start3A_756] : memref<10240x64xbf16, #tpu.memory_space<vmem_shared>> -> memref<80x64xbf16, #tpu.memory_space<vmem_shared>>
      %dma_start3A_758 = arith.constant 0 : i32
      %dma_start3A_759 = tpu.memref_slice %arg17[%add3A_755, %dma_start3A_758] : memref<10240x64xbf16, #tpu.memory_space<vmem_shared>> -> memref<80x64xbf16, #tpu.memory_space<vmem_shared>>
      tpu.enqueue_dma source(%dma_start3A_759 : memref<80x64xbf16, #tpu.memory_space<vmem_shared>>) target(%arg12 : memref<80x64xbf16, #tpu.memory_space<vmem>>) target_semaphore(%run_scoped3A : memref<!tpu.dma_semaphore, #tpu.memory_space<semaphore_mem>>)
      %dma_wait3A_760 = arith.constant 0 : i32
      %dma_wait3A_761 = tpu.memref_slice %arg17[%add3A_755, %dma_wait3A_760] : memref<10240x64xbf16, #tpu.memory_space<vmem_shared>> -> memref<80x64xbf16, #tpu.memory_space<vmem_shared>>
      %dma_wait3A_762 = arith.constant 0 : i32
      %dma_wait3A_763 = tpu.memref_slice %arg17[%add3A_755, %dma_wait3A_762] : memref<10240x64xbf16, #tpu.memory_space<vmem_shared>> -> memref<80x64xbf16, #tpu.memory_space<vmem_shared>>
      tpu.wait_dma2 semaphore(%run_scoped3A : memref<!tpu.dma_semaphore, #tpu.memory_space<semaphore_mem>>) src(%dma_wait3A_763 : memref<80x64xbf16, #tpu.memory_space<vmem_shared>>) dst(%arg12 : memref<80x64xbf16, #tpu.memory_space<vmem>>)
      tpu.yield
    }) : () -> ()
    "tpu.region"() ({
      %run_scoped3A = tpu.sem_alloc : memref<!tpu.dma_semaphore, #tpu.memory_space<semaphore_mem>>
      %dma_start3A_756 = arith.constant 0 : i32
      %dma_start3A_757 = tpu.memref_slice %arg4[%arg0, %add3A_755, %dma_start3A_756] : memref<2x10240x64xbf16, #tpu.memory_space<hbm>> -> memref<1x80x64xbf16, #tpu.memory_space<hbm>>
      %dma_start3A_758 = tpu.memref_squeeze %dma_start3A_757 : memref<1x80x64xbf16, #tpu.memory_space<hbm>> -> memref<80x64xbf16, #tpu.memory_space<hbm>>
      %dma_start3A_759 = arith.constant 0 : i32
      %dma_start3A_760 = tpu.memref_slice %arg4[%arg0, %add3A_755, %dma_start3A_759] : memref<2x10240x64xbf16, #tpu.memory_space<hbm>> -> memref<1x80x64xbf16, #tpu.memory_space<hbm>>
      %dma_start3A_761 = tpu.memref_squeeze %dma_start3A_760 : memref<1x80x64xbf16, #tpu.memory_space<hbm>> -> memref<80x64xbf16, #tpu.memory_space<hbm>>
      tpu.enqueue_dma source(%arg12 : memref<80x64xbf16, #tpu.memory_space<vmem>>) target(%dma_start3A_761 : memref<80x64xbf16, #tpu.memory_space<hbm>>) target_semaphore(%run_scoped3A : memref<!tpu.dma_semaphore, #tpu.memory_space<semaphore_mem>>)
      %dma_wait3A_762 = arith.constant 0 : i32
      %dma_wait3A_763 = tpu.memref_slice %arg4[%arg0, %add3A_755, %dma_wait3A_762] : memref<2x10240x64xbf16, #tpu.memory_space<hbm>> -> memref<1x80x64xbf16, #tpu.memory_space<hbm>>
      %dma_wait3A_764 = tpu.memref_squeeze %dma_wait3A_763 : memref<1x80x64xbf16, #tpu.memory_space<hbm>> -> memref<80x64xbf16, #tpu.memory_space<hbm>>
      %dma_wait3A_765 = arith.constant 0 : i32
      %dma_wait3A_766 = tpu.memref_slice %arg4[%arg0, %add3A_755, %dma_wait3A_765] : memref<2x10240x64xbf16, #tpu.memory_space<hbm>> -> memref<1x80x64xbf16, #tpu.memory_space<hbm>>
      %dma_wait3A_767 = tpu.memref_squeeze %dma_wait3A_766 : memref<1x80x64xbf16, #tpu.memory_space<hbm>> -> memref<80x64xbf16, #tpu.memory_space<hbm>>
      tpu.wait_dma2 semaphore(%run_scoped3A : memref<!tpu.dma_semaphore, #tpu.memory_space<semaphore_mem>>) src(%arg12 : memref<80x64xbf16, #tpu.memory_space<vmem>>) dst(%dma_wait3A_767 : memref<80x64xbf16, #tpu.memory_space<hbm>>)
      tpu.yield
    }) : () -> ()
    return
  }
}

#map = affine_map<(d0, d1) -> (0, 0)>
#map1 = affine_map<(d0, d1) -> (0, 0, 0)>
module attributes {stable_mosaic.version = 14 : i64} {
  func.func @k(%arg0: i32, %arg1: i32, %arg2: memref<10000x64xbf16, #tpu.memory_space<hbm>>, %arg3: memref<32x125x80xi32, #tpu.memory_space<hbm>>, %arg4: memref<2x10240x64xbf16, #tpu.memory_space<hbm>>, %arg5: memref<2x10240x16xf32, #tpu.memory_space<hbm>>, %arg6: memref<125x80xi32, #tpu.memory_space<vmem>>, %arg7: memref<80xi32, #tpu.memory_space<vmem>>, %arg8: memref<80xi32, #tpu.memory_space<vmem>>, %arg9: memref<80xi32, #tpu.memory_space<vmem>>, %arg10: memref<80xi32, #tpu.memory_space<vmem>>, %arg11: memref<80xi32, #tpu.memory_space<vmem>>, %arg12: memref<80xi32, #tpu.memory_space<vmem>>, %arg13: memref<80x64xbf16, #tpu.memory_space<vmem>>, %arg14: memref<80x64xbf16, #tpu.memory_space<vmem>>, %arg15: memref<80x64xbf16, #tpu.memory_space<vmem>>, %arg16: memref<80x16xf32, #tpu.memory_space<vmem>>, %arg17: memref<10000x64xbf16, #tpu.memory_space<vmem_shared>>, %arg18: memref<10240x64xbf16, #tpu.memory_space<vmem_shared>>, %arg19: memref<10240x16xf32, #tpu.memory_space<vmem_shared>>, %arg20: memref<!tpu.dma_semaphore, #tpu.memory_space<semaphore_mem>>, %arg21: memref<!tpu.dma_semaphore, #tpu.memory_space<semaphore_mem>>, %arg22: memref<!tpu.dma_semaphore, #tpu.memory_space<semaphore_mem>>, %arg23: memref<!tpu.dma_semaphore, #tpu.memory_space<semaphore_mem>>, %arg24: memref<!tpu.dma_semaphore, #tpu.memory_space<semaphore_mem>>, %arg25: memref<!tpu.dma_semaphore, #tpu.memory_space<semaphore_mem>>) attributes {dimension_semantics = [#tpu.dimension_semantics<core_parallel>, #tpu.dimension_semantics<subcore_parallel>], iteration_bounds = array<i64: 2, 16>, scalar_prefetch = 0 : i64, scratch_operands = 20 : i64, tpu.core_type = #tpu.core_type<sc_vector_subcore>, window_params = [{transform_indices = #map}, {transform_indices = #map1}, {transform_indices = #map1}, {transform_indices = #map1}]} {
    %mul3A = arith.constant 2 : i32
    %mul3A_0 = arith.muli %arg1, %mul3A : i32
    %add3A = arith.addi %mul3A_0, %arg0 : i32
    %eq3A = arith.constant 0 : i32
    %eq3A_1 = arith.cmpi eq, %arg1, %eq3A : i32
    %convert_element_type3A = arith.extui %eq3A_1 : i1 to i32
    %cond3A = arith.constant 0 : i32
    %cond3A_2 = arith.cmpi ne, %convert_element_type3A, %cond3A : i32
    scf.if %cond3A_2 {
      tpu.enqueue_dma source(%arg2 : memref<10000x64xbf16, #tpu.memory_space<hbm>>) target(%arg17 : memref<10000x64xbf16, #tpu.memory_space<vmem_shared>>) target_semaphore(%arg21 : memref<!tpu.dma_semaphore, #tpu.memory_space<semaphore_mem>>)
    } else {
    }
    %dma_start3A = arith.constant 0 : i32
    %dma_start3A_3 = arith.constant 0 : i32
    %dma_start3A_4 = tpu.memref_slice %arg3[%add3A, %dma_start3A, %dma_start3A_3] : memref<32x125x80xi32, #tpu.memory_space<hbm>> -> memref<1x125x80xi32, #tpu.memory_space<hbm>>
    %dma_start3A_5 = tpu.memref_squeeze %dma_start3A_4 : memref<1x125x80xi32, #tpu.memory_space<hbm>> -> memref<125x80xi32, #tpu.memory_space<hbm>>
    %dma_start3A_6 = arith.constant 0 : i32
    %dma_start3A_7 = arith.constant 0 : i32
    %dma_start3A_8 = tpu.memref_slice %arg3[%add3A, %dma_start3A_6, %dma_start3A_7] : memref<32x125x80xi32, #tpu.memory_space<hbm>> -> memref<1x125x80xi32, #tpu.memory_space<hbm>>
    %dma_start3A_9 = tpu.memref_squeeze %dma_start3A_8 : memref<1x125x80xi32, #tpu.memory_space<hbm>> -> memref<125x80xi32, #tpu.memory_space<hbm>>
    tpu.enqueue_dma source(%dma_start3A_9 : memref<125x80xi32, #tpu.memory_space<hbm>>) target(%arg6 : memref<125x80xi32, #tpu.memory_space<vmem>>) target_semaphore(%arg20 : memref<!tpu.dma_semaphore, #tpu.memory_space<semaphore_mem>>)
    %scan3A = arith.constant 0 : i32
    %scan3A_10 = arith.constant 0 : i32
    %scan3A_11 = arith.constant 80 : i32
    %scan3A_12 = arith.addi %scan3A_10, %scan3A_11 : i32
    %scan3A_13 = arith.constant 1 : i32
    %scan3A_14 = scf.for %scan3A_802 = %scan3A_10 to %scan3A_12 step %scan3A_13 iter_args(%scan3A_803 = %scan3A) -> (i32)  : i32 {
      %broadcast_in_dim3A = arith.constant 0.000000e+00 : bf16
      %broadcast_in_dim3A_804 = vector.broadcast %broadcast_in_dim3A : bf16 to vector<32xbf16>
      %swap3A_805 = arith.index_cast %scan3A_802 : i32 to index
      %swap3A_806 = arith.constant 0 : index
      %swap3A_807 = tpu.vector_load %arg13[%swap3A_805, %swap3A_806] {strides = array<i32>} : memref<80x64xbf16, #tpu.memory_space<vmem>>, vector<1x32xbf16>,
      %swap3A_808 = vector.shape_cast %swap3A_807 : vector<1x32xbf16> to vector<32xbf16>
      %swap3A_809 = vector.shape_cast %broadcast_in_dim3A_804 : vector<32xbf16> to vector<1x32xbf16>
      tpu.vector_store %arg13[%swap3A_805, %swap3A_806], %swap3A_809 {strides = array<i32>} : memref<80x64xbf16, #tpu.memory_space<vmem>>, vector<1x32xbf16>,
      %broadcast_in_dim3A_810 = arith.constant 0.000000e+00 : bf16
      %broadcast_in_dim3A_811 = vector.broadcast %broadcast_in_dim3A_810 : bf16 to vector<32xbf16>
      %swap3A_812 = arith.index_cast %scan3A_802 : i32 to index
      %swap3A_813 = arith.constant 32 : index
      %swap3A_814 = tpu.vector_load %arg13[%swap3A_812, %swap3A_813] {strides = array<i32>} : memref<80x64xbf16, #tpu.memory_space<vmem>>, vector<1x32xbf16>,
      %swap3A_815 = vector.shape_cast %swap3A_814 : vector<1x32xbf16> to vector<32xbf16>
      %swap3A_816 = vector.shape_cast %broadcast_in_dim3A_811 : vector<32xbf16> to vector<1x32xbf16>
      tpu.vector_store %arg13[%swap3A_812, %swap3A_813], %swap3A_816 {strides = array<i32>} : memref<80x64xbf16, #tpu.memory_space<vmem>>, vector<1x32xbf16>,
      %scan3A_817 = arith.constant 0 : i32
      scf.yield %scan3A_817 : i32
    }
    %scan3A_15 = arith.constant 80 : i32
    %mul3A_16 = arith.constant 640 : i32
    %mul3A_17 = arith.muli %arg1, %mul3A_16 : i32
    %add3A_18 = arith.constant 0 : i32
    %add3A_19 = arith.addi %mul3A_17, %add3A_18 : i32
    "tpu.region"() ({
      %run_scoped3A = tpu.sem_alloc : memref<!tpu.dma_semaphore, #tpu.memory_space<semaphore_mem>>
      %dma_start3A_802 = arith.constant 0 : i32
      %dma_start3A_803 = tpu.memref_slice %arg18[%add3A_19, %dma_start3A_802] : memref<10240x64xbf16, #tpu.memory_space<vmem_shared>> -> memref<80x64xbf16, #tpu.memory_space<vmem_shared>>
      %dma_start3A_804 = arith.constant 0 : i32
      %dma_start3A_805 = tpu.memref_slice %arg18[%add3A_19, %dma_start3A_804] : memref<10240x64xbf16, #tpu.memory_space<vmem_shared>> -> memref<80x64xbf16, #tpu.memory_space<vmem_shared>>
      tpu.enqueue_dma source(%arg13 : memref<80x64xbf16, #tpu.memory_space<vmem>>) target(%dma_start3A_805 : memref<80x64xbf16, #tpu.memory_space<vmem_shared>>) target_semaphore(%run_scoped3A : memref<!tpu.dma_semaphore, #tpu.memory_space<semaphore_mem>>)
      %dma_wait3A_806 = arith.constant 0 : i32
      %dma_wait3A_807 = tpu.memref_slice %arg18[%add3A_19, %dma_wait3A_806] : memref<10240x64xbf16, #tpu.memory_space<vmem_shared>> -> memref<80x64xbf16, #tpu.memory_space<vmem_shared>>
      %dma_wait3A_808 = arith.constant 0 : i32
      %dma_wait3A_809 = tpu.memref_slice %arg18[%add3A_19, %dma_wait3A_808] : memref<10240x64xbf16, #tpu.memory_space<vmem_shared>> -> memref<80x64xbf16, #tpu.memory_space<vmem_shared>>
      tpu.wait_dma2 semaphore(%run_scoped3A : memref<!tpu.dma_semaphore, #tpu.memory_space<semaphore_mem>>) src(%arg13 : memref<80x64xbf16, #tpu.memory_space<vmem>>) dst(%dma_wait3A_809 : memref<80x64xbf16, #tpu.memory_space<vmem_shared>>)
      tpu.yield
    }) : () -> ()
    %mul3A_20 = arith.constant 640 : i32
    %mul3A_21 = arith.muli %arg1, %mul3A_20 : i32
    %add3A_22 = arith.constant 80 : i32
    %add3A_23 = arith.addi %mul3A_21, %add3A_22 : i32
    "tpu.region"() ({
      %run_scoped3A = tpu.sem_alloc : memref<!tpu.dma_semaphore, #tpu.memory_space<semaphore_mem>>
      %dma_start3A_802 = arith.constant 0 : i32
      %dma_start3A_803 = tpu.memref_slice %arg18[%add3A_23, %dma_start3A_802] : memref<10240x64xbf16, #tpu.memory_space<vmem_shared>> -> memref<80x64xbf16, #tpu.memory_space<vmem_shared>>
      %dma_start3A_804 = arith.constant 0 : i32
      %dma_start3A_805 = tpu.memref_slice %arg18[%add3A_23, %dma_start3A_804] : memref<10240x64xbf16, #tpu.memory_space<vmem_shared>> -> memref<80x64xbf16, #tpu.memory_space<vmem_shared>>
      tpu.enqueue_dma source(%arg13 : memref<80x64xbf16, #tpu.memory_space<vmem>>) target(%dma_start3A_805 : memref<80x64xbf16, #tpu.memory_space<vmem_shared>>) target_semaphore(%run_scoped3A : memref<!tpu.dma_semaphore, #tpu.memory_space<semaphore_mem>>)
      %dma_wait3A_806 = arith.constant 0 : i32
      %dma_wait3A_807 = tpu.memref_slice %arg18[%add3A_23, %dma_wait3A_806] : memref<10240x64xbf16, #tpu.memory_space<vmem_shared>> -> memref<80x64xbf16, #tpu.memory_space<vmem_shared>>
      %dma_wait3A_808 = arith.constant 0 : i32
      %dma_wait3A_809 = tpu.memref_slice %arg18[%add3A_23, %dma_wait3A_808] : memref<10240x64xbf16, #tpu.memory_space<vmem_shared>> -> memref<80x64xbf16, #tpu.memory_space<vmem_shared>>
      tpu.wait_dma2 semaphore(%run_scoped3A : memref<!tpu.dma_semaphore, #tpu.memory_space<semaphore_mem>>) src(%arg13 : memref<80x64xbf16, #tpu.memory_space<vmem>>) dst(%dma_wait3A_809 : memref<80x64xbf16, #tpu.memory_space<vmem_shared>>)
      tpu.yield
    }) : () -> ()
    %mul3A_24 = arith.constant 640 : i32
    %mul3A_25 = arith.muli %arg1, %mul3A_24 : i32
    %add3A_26 = arith.constant 160 : i32
    %add3A_27 = arith.addi %mul3A_25, %add3A_26 : i32
    "tpu.region"() ({
      %run_scoped3A = tpu.sem_alloc : memref<!tpu.dma_semaphore, #tpu.memory_space<semaphore_mem>>
      %dma_start3A_802 = arith.constant 0 : i32
      %dma_start3A_803 = tpu.memref_slice %arg18[%add3A_27, %dma_start3A_802] : memref<10240x64xbf16, #tpu.memory_space<vmem_shared>> -> memref<80x64xbf16, #tpu.memory_space<vmem_shared>>
      %dma_start3A_804 = arith.constant 0 : i32
      %dma_start3A_805 = tpu.memref_slice %arg18[%add3A_27, %dma_start3A_804] : memref<10240x64xbf16, #tpu.memory_space<vmem_shared>> -> memref<80x64xbf16, #tpu.memory_space<vmem_shared>>
      tpu.enqueue_dma source(%arg13 : memref<80x64xbf16, #tpu.memory_space<vmem>>) target(%dma_start3A_805 : memref<80x64xbf16, #tpu.memory_space<vmem_shared>>) target_semaphore(%run_scoped3A : memref<!tpu.dma_semaphore, #tpu.memory_space<semaphore_mem>>)
      %dma_wait3A_806 = arith.constant 0 : i32
      %dma_wait3A_807 = tpu.memref_slice %arg18[%add3A_27, %dma_wait3A_806] : memref<10240x64xbf16, #tpu.memory_space<vmem_shared>> -> memref<80x64xbf16, #tpu.memory_space<vmem_shared>>
      %dma_wait3A_808 = arith.constant 0 : i32
      %dma_wait3A_809 = tpu.memref_slice %arg18[%add3A_27, %dma_wait3A_808] : memref<10240x64xbf16, #tpu.memory_space<vmem_shared>> -> memref<80x64xbf16, #tpu.memory_space<vmem_shared>>
      tpu.wait_dma2 semaphore(%run_scoped3A : memref<!tpu.dma_semaphore, #tpu.memory_space<semaphore_mem>>) src(%arg13 : memref<80x64xbf16, #tpu.memory_space<vmem>>) dst(%dma_wait3A_809 : memref<80x64xbf16, #tpu.memory_space<vmem_shared>>)
      tpu.yield
    }) : () -> ()
    %mul3A_28 = arith.constant 640 : i32
    %mul3A_29 = arith.muli %arg1, %mul3A_28 : i32
    %add3A_30 = arith.constant 240 : i32
    %add3A_31 = arith.addi %mul3A_29, %add3A_30 : i32
    "tpu.region"() ({
      %run_scoped3A = tpu.sem_alloc : memref<!tpu.dma_semaphore, #tpu.memory_space<semaphore_mem>>
      %dma_start3A_802 = arith.constant 0 : i32
      %dma_start3A_803 = tpu.memref_slice %arg18[%add3A_31, %dma_start3A_802] : memref<10240x64xbf16, #tpu.memory_space<vmem_shared>> -> memref<80x64xbf16, #tpu.memory_space<vmem_shared>>
      %dma_start3A_804 = arith.constant 0 : i32
      %dma_start3A_805 = tpu.memref_slice %arg18[%add3A_31, %dma_start3A_804] : memref<10240x64xbf16, #tpu.memory_space<vmem_shared>> -> memref<80x64xbf16, #tpu.memory_space<vmem_shared>>
      tpu.enqueue_dma source(%arg13 : memref<80x64xbf16, #tpu.memory_space<vmem>>) target(%dma_start3A_805 : memref<80x64xbf16, #tpu.memory_space<vmem_shared>>) target_semaphore(%run_scoped3A : memref<!tpu.dma_semaphore, #tpu.memory_space<semaphore_mem>>)
      %dma_wait3A_806 = arith.constant 0 : i32
      %dma_wait3A_807 = tpu.memref_slice %arg18[%add3A_31, %dma_wait3A_806] : memref<10240x64xbf16, #tpu.memory_space<vmem_shared>> -> memref<80x64xbf16, #tpu.memory_space<vmem_shared>>
      %dma_wait3A_808 = arith.constant 0 : i32
      %dma_wait3A_809 = tpu.memref_slice %arg18[%add3A_31, %dma_wait3A_808] : memref<10240x64xbf16, #tpu.memory_space<vmem_shared>> -> memref<80x64xbf16, #tpu.memory_space<vmem_shared>>
      tpu.wait_dma2 semaphore(%run_scoped3A : memref<!tpu.dma_semaphore, #tpu.memory_space<semaphore_mem>>) src(%arg13 : memref<80x64xbf16, #tpu.memory_space<vmem>>) dst(%dma_wait3A_809 : memref<80x64xbf16, #tpu.memory_space<vmem_shared>>)
      tpu.yield
    }) : () -> ()
    %mul3A_32 = arith.constant 640 : i32
    %mul3A_33 = arith.muli %arg1, %mul3A_32 : i32
    %add3A_34 = arith.constant 320 : i32
    %add3A_35 = arith.addi %mul3A_33, %add3A_34 : i32
    "tpu.region"() ({
      %run_scoped3A = tpu.sem_alloc : memref<!tpu.dma_semaphore, #tpu.memory_space<semaphore_mem>>
      %dma_start3A_802 = arith.constant 0 : i32
      %dma_start3A_803 = tpu.memref_slice %arg18[%add3A_35, %dma_start3A_802] : memref<10240x64xbf16, #tpu.memory_space<vmem_shared>> -> memref<80x64xbf16, #tpu.memory_space<vmem_shared>>
      %dma_start3A_804 = arith.constant 0 : i32
      %dma_start3A_805 = tpu.memref_slice %arg18[%add3A_35, %dma_start3A_804] : memref<10240x64xbf16, #tpu.memory_space<vmem_shared>> -> memref<80x64xbf16, #tpu.memory_space<vmem_shared>>
      tpu.enqueue_dma source(%arg13 : memref<80x64xbf16, #tpu.memory_space<vmem>>) target(%dma_start3A_805 : memref<80x64xbf16, #tpu.memory_space<vmem_shared>>) target_semaphore(%run_scoped3A : memref<!tpu.dma_semaphore, #tpu.memory_space<semaphore_mem>>)
      %dma_wait3A_806 = arith.constant 0 : i32
      %dma_wait3A_807 = tpu.memref_slice %arg18[%add3A_35, %dma_wait3A_806] : memref<10240x64xbf16, #tpu.memory_space<vmem_shared>> -> memref<80x64xbf16, #tpu.memory_space<vmem_shared>>
      %dma_wait3A_808 = arith.constant 0 : i32
      %dma_wait3A_809 = tpu.memref_slice %arg18[%add3A_35, %dma_wait3A_808] : memref<10240x64xbf16, #tpu.memory_space<vmem_shared>> -> memref<80x64xbf16, #tpu.memory_space<vmem_shared>>
      tpu.wait_dma2 semaphore(%run_scoped3A : memref<!tpu.dma_semaphore, #tpu.memory_space<semaphore_mem>>) src(%arg13 : memref<80x64xbf16, #tpu.memory_space<vmem>>) dst(%dma_wait3A_809 : memref<80x64xbf16, #tpu.memory_space<vmem_shared>>)
      tpu.yield
    }) : () -> ()
    %mul3A_36 = arith.constant 640 : i32
    %mul3A_37 = arith.muli %arg1, %mul3A_36 : i32
    %add3A_38 = arith.constant 400 : i32
    %add3A_39 = arith.addi %mul3A_37, %add3A_38 : i32
    "tpu.region"() ({
      %run_scoped3A = tpu.sem_alloc : memref<!tpu.dma_semaphore, #tpu.memory_space<semaphore_mem>>
      %dma_start3A_802 = arith.constant 0 : i32
      %dma_start3A_803 = tpu.memref_slice %arg18[%add3A_39, %dma_start3A_802] : memref<10240x64xbf16, #tpu.memory_space<vmem_shared>> -> memref<80x64xbf16, #tpu.memory_space<vmem_shared>>
      %dma_start3A_804 = arith.constant 0 : i32
      %dma_start3A_805 = tpu.memref_slice %arg18[%add3A_39, %dma_start3A_804] : memref<10240x64xbf16, #tpu.memory_space<vmem_shared>> -> memref<80x64xbf16, #tpu.memory_space<vmem_shared>>
      tpu.enqueue_dma source(%arg13 : memref<80x64xbf16, #tpu.memory_space<vmem>>) target(%dma_start3A_805 : memref<80x64xbf16, #tpu.memory_space<vmem_shared>>) target_semaphore(%run_scoped3A : memref<!tpu.dma_semaphore, #tpu.memory_space<semaphore_mem>>)
      %dma_wait3A_806 = arith.constant 0 : i32
      %dma_wait3A_807 = tpu.memref_slice %arg18[%add3A_39, %dma_wait3A_806] : memref<10240x64xbf16, #tpu.memory_space<vmem_shared>> -> memref<80x64xbf16, #tpu.memory_space<vmem_shared>>
      %dma_wait3A_808 = arith.constant 0 : i32
      %dma_wait3A_809 = tpu.memref_slice %arg18[%add3A_39, %dma_wait3A_808] : memref<10240x64xbf16, #tpu.memory_space<vmem_shared>> -> memref<80x64xbf16, #tpu.memory_space<vmem_shared>>
      tpu.wait_dma2 semaphore(%run_scoped3A : memref<!tpu.dma_semaphore, #tpu.memory_space<semaphore_mem>>) src(%arg13 : memref<80x64xbf16, #tpu.memory_space<vmem>>) dst(%dma_wait3A_809 : memref<80x64xbf16, #tpu.memory_space<vmem_shared>>)
      tpu.yield
    }) : () -> ()
    %mul3A_40 = arith.constant 640 : i32
    %mul3A_41 = arith.muli %arg1, %mul3A_40 : i32
    %add3A_42 = arith.constant 480 : i32
    %add3A_43 = arith.addi %mul3A_41, %add3A_42 : i32
    "tpu.region"() ({
      %run_scoped3A = tpu.sem_alloc : memref<!tpu.dma_semaphore, #tpu.memory_space<semaphore_mem>>
      %dma_start3A_802 = arith.constant 0 : i32
      %dma_start3A_803 = tpu.memref_slice %arg18[%add3A_43, %dma_start3A_802] : memref<10240x64xbf16, #tpu.memory_space<vmem_shared>> -> memref<80x64xbf16, #tpu.memory_space<vmem_shared>>
      %dma_start3A_804 = arith.constant 0 : i32
      %dma_start3A_805 = tpu.memref_slice %arg18[%add3A_43, %dma_start3A_804] : memref<10240x64xbf16, #tpu.memory_space<vmem_shared>> -> memref<80x64xbf16, #tpu.memory_space<vmem_shared>>
      tpu.enqueue_dma source(%arg13 : memref<80x64xbf16, #tpu.memory_space<vmem>>) target(%dma_start3A_805 : memref<80x64xbf16, #tpu.memory_space<vmem_shared>>) target_semaphore(%run_scoped3A : memref<!tpu.dma_semaphore, #tpu.memory_space<semaphore_mem>>)
      %dma_wait3A_806 = arith.constant 0 : i32
      %dma_wait3A_807 = tpu.memref_slice %arg18[%add3A_43, %dma_wait3A_806] : memref<10240x64xbf16, #tpu.memory_space<vmem_shared>> -> memref<80x64xbf16, #tpu.memory_space<vmem_shared>>
      %dma_wait3A_808 = arith.constant 0 : i32
      %dma_wait3A_809 = tpu.memref_slice %arg18[%add3A_43, %dma_wait3A_808] : memref<10240x64xbf16, #tpu.memory_space<vmem_shared>> -> memref<80x64xbf16, #tpu.memory_space<vmem_shared>>
      tpu.wait_dma2 semaphore(%run_scoped3A : memref<!tpu.dma_semaphore, #tpu.memory_space<semaphore_mem>>) src(%arg13 : memref<80x64xbf16, #tpu.memory_space<vmem>>) dst(%dma_wait3A_809 : memref<80x64xbf16, #tpu.memory_space<vmem_shared>>)
      tpu.yield
    }) : () -> ()
    %mul3A_44 = arith.constant 640 : i32
    %mul3A_45 = arith.muli %arg1, %mul3A_44 : i32
    %add3A_46 = arith.constant 560 : i32
    %add3A_47 = arith.addi %mul3A_45, %add3A_46 : i32
    "tpu.region"() ({
      %run_scoped3A = tpu.sem_alloc : memref<!tpu.dma_semaphore, #tpu.memory_space<semaphore_mem>>
      %dma_start3A_802 = arith.constant 0 : i32
      %dma_start3A_803 = tpu.memref_slice %arg18[%add3A_47, %dma_start3A_802] : memref<10240x64xbf16, #tpu.memory_space<vmem_shared>> -> memref<80x64xbf16, #tpu.memory_space<vmem_shared>>
      %dma_start3A_804 = arith.constant 0 : i32
      %dma_start3A_805 = tpu.memref_slice %arg18[%add3A_47, %dma_start3A_804] : memref<10240x64xbf16, #tpu.memory_space<vmem_shared>> -> memref<80x64xbf16, #tpu.memory_space<vmem_shared>>
      tpu.enqueue_dma source(%arg13 : memref<80x64xbf16, #tpu.memory_space<vmem>>) target(%dma_start3A_805 : memref<80x64xbf16, #tpu.memory_space<vmem_shared>>) target_semaphore(%run_scoped3A : memref<!tpu.dma_semaphore, #tpu.memory_space<semaphore_mem>>)
      %dma_wait3A_806 = arith.constant 0 : i32
      %dma_wait3A_807 = tpu.memref_slice %arg18[%add3A_47, %dma_wait3A_806] : memref<10240x64xbf16, #tpu.memory_space<vmem_shared>> -> memref<80x64xbf16, #tpu.memory_space<vmem_shared>>
      %dma_wait3A_808 = arith.constant 0 : i32
      %dma_wait3A_809 = tpu.memref_slice %arg18[%add3A_47, %dma_wait3A_808] : memref<10240x64xbf16, #tpu.memory_space<vmem_shared>> -> memref<80x64xbf16, #tpu.memory_space<vmem_shared>>
      tpu.wait_dma2 semaphore(%run_scoped3A : memref<!tpu.dma_semaphore, #tpu.memory_space<semaphore_mem>>) src(%arg13 : memref<80x64xbf16, #tpu.memory_space<vmem>>) dst(%dma_wait3A_809 : memref<80x64xbf16, #tpu.memory_space<vmem_shared>>)
      tpu.yield
    }) : () -> ()
    %scan3A_48 = arith.constant 0.000000e+00 : f32
    %scan3A_49 = arith.constant 0 : i32
    %scan3A_50 = arith.constant 80 : i32
    %scan3A_51 = arith.addi %scan3A_49, %scan3A_50 : i32
    %scan3A_52 = arith.constant 1 : i32
    %scan3A_53 = scf.for %scan3A_802 = %scan3A_49 to %scan3A_51 step %scan3A_52 iter_args(%scan3A_803 = %scan3A_48) -> (f32)  : i32 {
      %broadcast_in_dim3A = arith.constant 0.000000e+00 : f32
      %broadcast_in_dim3A_804 = vector.broadcast %broadcast_in_dim3A : f32 to vector<16xf32>
      %swap3A_805 = arith.index_cast %scan3A_802 : i32 to index
      %swap3A_806 = arith.constant 0 : index
      %swap3A_807 = tpu.vector_load %arg16[%swap3A_805, %swap3A_806] {strides = array<i32>} : memref<80x16xf32, #tpu.memory_space<vmem>>, vector<1x16xf32>,
      %swap3A_808 = vector.shape_cast %swap3A_807 : vector<1x16xf32> to vector<16xf32>
      %swap3A_809 = vector.shape_cast %broadcast_in_dim3A_804 : vector<16xf32> to vector<1x16xf32>
      tpu.vector_store %arg16[%swap3A_805, %swap3A_806], %swap3A_809 {strides = array<i32>} : memref<80x16xf32, #tpu.memory_space<vmem>>, vector<1x16xf32>,
      %scan3A_810 = arith.constant 0.000000e+00 : f32
      scf.yield %scan3A_810 : f32
    }
    %scan3A_54 = arith.constant 80 : i32
    %mul3A_55 = arith.constant 640 : i32
    %mul3A_56 = arith.muli %arg1, %mul3A_55 : i32
    %add3A_57 = arith.constant 0 : i32
    %add3A_58 = arith.addi %mul3A_56, %add3A_57 : i32
    "tpu.region"() ({
      %run_scoped3A = tpu.sem_alloc : memref<!tpu.dma_semaphore, #tpu.memory_space<semaphore_mem>>
      %dma_start3A_802 = arith.constant 0 : i32
      %dma_start3A_803 = tpu.memref_slice %arg19[%add3A_58, %dma_start3A_802] : memref<10240x16xf32, #tpu.memory_space<vmem_shared>> -> memref<80x16xf32, #tpu.memory_space<vmem_shared>>
      %dma_start3A_804 = arith.constant 0 : i32
      %dma_start3A_805 = tpu.memref_slice %arg19[%add3A_58, %dma_start3A_804] : memref<10240x16xf32, #tpu.memory_space<vmem_shared>> -> memref<80x16xf32, #tpu.memory_space<vmem_shared>>
      tpu.enqueue_dma source(%arg16 : memref<80x16xf32, #tpu.memory_space<vmem>>) target(%dma_start3A_805 : memref<80x16xf32, #tpu.memory_space<vmem_shared>>) target_semaphore(%run_scoped3A : memref<!tpu.dma_semaphore, #tpu.memory_space<semaphore_mem>>)
      %dma_wait3A_806 = arith.constant 0 : i32
      %dma_wait3A_807 = tpu.memref_slice %arg19[%add3A_58, %dma_wait3A_806] : memref<10240x16xf32, #tpu.memory_space<vmem_shared>> -> memref<80x16xf32, #tpu.memory_space<vmem_shared>>
      %dma_wait3A_808 = arith.constant 0 : i32
      %dma_wait3A_809 = tpu.memref_slice %arg19[%add3A_58, %dma_wait3A_808] : memref<10240x16xf32, #tpu.memory_space<vmem_shared>> -> memref<80x16xf32, #tpu.memory_space<vmem_shared>>
      tpu.wait_dma2 semaphore(%run_scoped3A : memref<!tpu.dma_semaphore, #tpu.memory_space<semaphore_mem>>) src(%arg16 : memref<80x16xf32, #tpu.memory_space<vmem>>) dst(%dma_wait3A_809 : memref<80x16xf32, #tpu.memory_space<vmem_shared>>)
      tpu.yield
    }) : () -> ()
    %mul3A_59 = arith.constant 640 : i32
    %mul3A_60 = arith.muli %arg1, %mul3A_59 : i32
    %add3A_61 = arith.constant 80 : i32
    %add3A_62 = arith.addi %mul3A_60, %add3A_61 : i32
    "tpu.region"() ({
      %run_scoped3A = tpu.sem_alloc : memref<!tpu.dma_semaphore, #tpu.memory_space<semaphore_mem>>
      %dma_start3A_802 = arith.constant 0 : i32
      %dma_start3A_803 = tpu.memref_slice %arg19[%add3A_62, %dma_start3A_802] : memref<10240x16xf32, #tpu.memory_space<vmem_shared>> -> memref<80x16xf32, #tpu.memory_space<vmem_shared>>
      %dma_start3A_804 = arith.constant 0 : i32
      %dma_start3A_805 = tpu.memref_slice %arg19[%add3A_62, %dma_start3A_804] : memref<10240x16xf32, #tpu.memory_space<vmem_shared>> -> memref<80x16xf32, #tpu.memory_space<vmem_shared>>
      tpu.enqueue_dma source(%arg16 : memref<80x16xf32, #tpu.memory_space<vmem>>) target(%dma_start3A_805 : memref<80x16xf32, #tpu.memory_space<vmem_shared>>) target_semaphore(%run_scoped3A : memref<!tpu.dma_semaphore, #tpu.memory_space<semaphore_mem>>)
      %dma_wait3A_806 = arith.constant 0 : i32
      %dma_wait3A_807 = tpu.memref_slice %arg19[%add3A_62, %dma_wait3A_806] : memref<10240x16xf32, #tpu.memory_space<vmem_shared>> -> memref<80x16xf32, #tpu.memory_space<vmem_shared>>
      %dma_wait3A_808 = arith.constant 0 : i32
      %dma_wait3A_809 = tpu.memref_slice %arg19[%add3A_62, %dma_wait3A_808] : memref<10240x16xf32, #tpu.memory_space<vmem_shared>> -> memref<80x16xf32, #tpu.memory_space<vmem_shared>>
      tpu.wait_dma2 semaphore(%run_scoped3A : memref<!tpu.dma_semaphore, #tpu.memory_space<semaphore_mem>>) src(%arg16 : memref<80x16xf32, #tpu.memory_space<vmem>>) dst(%dma_wait3A_809 : memref<80x16xf32, #tpu.memory_space<vmem_shared>>)
      tpu.yield
    }) : () -> ()
    %mul3A_63 = arith.constant 640 : i32
    %mul3A_64 = arith.muli %arg1, %mul3A_63 : i32
    %add3A_65 = arith.constant 160 : i32
    %add3A_66 = arith.addi %mul3A_64, %add3A_65 : i32
    "tpu.region"() ({
      %run_scoped3A = tpu.sem_alloc : memref<!tpu.dma_semaphore, #tpu.memory_space<semaphore_mem>>
      %dma_start3A_802 = arith.constant 0 : i32
      %dma_start3A_803 = tpu.memref_slice %arg19[%add3A_66, %dma_start3A_802] : memref<10240x16xf32, #tpu.memory_space<vmem_shared>> -> memref<80x16xf32, #tpu.memory_space<vmem_shared>>
      %dma_start3A_804 = arith.constant 0 : i32
      %dma_start3A_805 = tpu.memref_slice %arg19[%add3A_66, %dma_start3A_804] : memref<10240x16xf32, #tpu.memory_space<vmem_shared>> -> memref<80x16xf32, #tpu.memory_space<vmem_shared>>
      tpu.enqueue_dma source(%arg16 : memref<80x16xf32, #tpu.memory_space<vmem>>) target(%dma_start3A_805 : memref<80x16xf32, #tpu.memory_space<vmem_shared>>) target_semaphore(%run_scoped3A : memref<!tpu.dma_semaphore, #tpu.memory_space<semaphore_mem>>)
      %dma_wait3A_806 = arith.constant 0 : i32
      %dma_wait3A_807 = tpu.memref_slice %arg19[%add3A_66, %dma_wait3A_806] : memref<10240x16xf32, #tpu.memory_space<vmem_shared>> -> memref<80x16xf32, #tpu.memory_space<vmem_shared>>
      %dma_wait3A_808 = arith.constant 0 : i32
      %dma_wait3A_809 = tpu.memref_slice %arg19[%add3A_66, %dma_wait3A_808] : memref<10240x16xf32, #tpu.memory_space<vmem_shared>> -> memref<80x16xf32, #tpu.memory_space<vmem_shared>>
      tpu.wait_dma2 semaphore(%run_scoped3A : memref<!tpu.dma_semaphore, #tpu.memory_space<semaphore_mem>>) src(%arg16 : memref<80x16xf32, #tpu.memory_space<vmem>>) dst(%dma_wait3A_809 : memref<80x16xf32, #tpu.memory_space<vmem_shared>>)
      tpu.yield
    }) : () -> ()
    %mul3A_67 = arith.constant 640 : i32
    %mul3A_68 = arith.muli %arg1, %mul3A_67 : i32
    %add3A_69 = arith.constant 240 : i32
    %add3A_70 = arith.addi %mul3A_68, %add3A_69 : i32
    "tpu.region"() ({
      %run_scoped3A = tpu.sem_alloc : memref<!tpu.dma_semaphore, #tpu.memory_space<semaphore_mem>>
      %dma_start3A_802 = arith.constant 0 : i32
      %dma_start3A_803 = tpu.memref_slice %arg19[%add3A_70, %dma_start3A_802] : memref<10240x16xf32, #tpu.memory_space<vmem_shared>> -> memref<80x16xf32, #tpu.memory_space<vmem_shared>>
      %dma_start3A_804 = arith.constant 0 : i32
      %dma_start3A_805 = tpu.memref_slice %arg19[%add3A_70, %dma_start3A_804] : memref<10240x16xf32, #tpu.memory_space<vmem_shared>> -> memref<80x16xf32, #tpu.memory_space<vmem_shared>>
      tpu.enqueue_dma source(%arg16 : memref<80x16xf32, #tpu.memory_space<vmem>>) target(%dma_start3A_805 : memref<80x16xf32, #tpu.memory_space<vmem_shared>>) target_semaphore(%run_scoped3A : memref<!tpu.dma_semaphore, #tpu.memory_space<semaphore_mem>>)
      %dma_wait3A_806 = arith.constant 0 : i32
      %dma_wait3A_807 = tpu.memref_slice %arg19[%add3A_70, %dma_wait3A_806] : memref<10240x16xf32, #tpu.memory_space<vmem_shared>> -> memref<80x16xf32, #tpu.memory_space<vmem_shared>>
      %dma_wait3A_808 = arith.constant 0 : i32
      %dma_wait3A_809 = tpu.memref_slice %arg19[%add3A_70, %dma_wait3A_808] : memref<10240x16xf32, #tpu.memory_space<vmem_shared>> -> memref<80x16xf32, #tpu.memory_space<vmem_shared>>
      tpu.wait_dma2 semaphore(%run_scoped3A : memref<!tpu.dma_semaphore, #tpu.memory_space<semaphore_mem>>) src(%arg16 : memref<80x16xf32, #tpu.memory_space<vmem>>) dst(%dma_wait3A_809 : memref<80x16xf32, #tpu.memory_space<vmem_shared>>)
      tpu.yield
    }) : () -> ()
    %mul3A_71 = arith.constant 640 : i32
    %mul3A_72 = arith.muli %arg1, %mul3A_71 : i32
    %add3A_73 = arith.constant 320 : i32
    %add3A_74 = arith.addi %mul3A_72, %add3A_73 : i32
    "tpu.region"() ({
      %run_scoped3A = tpu.sem_alloc : memref<!tpu.dma_semaphore, #tpu.memory_space<semaphore_mem>>
      %dma_start3A_802 = arith.constant 0 : i32
      %dma_start3A_803 = tpu.memref_slice %arg19[%add3A_74, %dma_start3A_802] : memref<10240x16xf32, #tpu.memory_space<vmem_shared>> -> memref<80x16xf32, #tpu.memory_space<vmem_shared>>
      %dma_start3A_804 = arith.constant 0 : i32
      %dma_start3A_805 = tpu.memref_slice %arg19[%add3A_74, %dma_start3A_804] : memref<10240x16xf32, #tpu.memory_space<vmem_shared>> -> memref<80x16xf32, #tpu.memory_space<vmem_shared>>
      tpu.enqueue_dma source(%arg16 : memref<80x16xf32, #tpu.memory_space<vmem>>) target(%dma_start3A_805 : memref<80x16xf32, #tpu.memory_space<vmem_shared>>) target_semaphore(%run_scoped3A : memref<!tpu.dma_semaphore, #tpu.memory_space<semaphore_mem>>)
      %dma_wait3A_806 = arith.constant 0 : i32
      %dma_wait3A_807 = tpu.memref_slice %arg19[%add3A_74, %dma_wait3A_806] : memref<10240x16xf32, #tpu.memory_space<vmem_shared>> -> memref<80x16xf32, #tpu.memory_space<vmem_shared>>
      %dma_wait3A_808 = arith.constant 0 : i32
      %dma_wait3A_809 = tpu.memref_slice %arg19[%add3A_74, %dma_wait3A_808] : memref<10240x16xf32, #tpu.memory_space<vmem_shared>> -> memref<80x16xf32, #tpu.memory_space<vmem_shared>>
      tpu.wait_dma2 semaphore(%run_scoped3A : memref<!tpu.dma_semaphore, #tpu.memory_space<semaphore_mem>>) src(%arg16 : memref<80x16xf32, #tpu.memory_space<vmem>>) dst(%dma_wait3A_809 : memref<80x16xf32, #tpu.memory_space<vmem_shared>>)
      tpu.yield
    }) : () -> ()
    %mul3A_75 = arith.constant 640 : i32
    %mul3A_76 = arith.muli %arg1, %mul3A_75 : i32
    %add3A_77 = arith.constant 400 : i32
    %add3A_78 = arith.addi %mul3A_76, %add3A_77 : i32
    "tpu.region"() ({
      %run_scoped3A = tpu.sem_alloc : memref<!tpu.dma_semaphore, #tpu.memory_space<semaphore_mem>>
      %dma_start3A_802 = arith.constant 0 : i32
      %dma_start3A_803 = tpu.memref_slice %arg19[%add3A_78, %dma_start3A_802] : memref<10240x16xf32, #tpu.memory_space<vmem_shared>> -> memref<80x16xf32, #tpu.memory_space<vmem_shared>>
      %dma_start3A_804 = arith.constant 0 : i32
      %dma_start3A_805 = tpu.memref_slice %arg19[%add3A_78, %dma_start3A_804] : memref<10240x16xf32, #tpu.memory_space<vmem_shared>> -> memref<80x16xf32, #tpu.memory_space<vmem_shared>>
      tpu.enqueue_dma source(%arg16 : memref<80x16xf32, #tpu.memory_space<vmem>>) target(%dma_start3A_805 : memref<80x16xf32, #tpu.memory_space<vmem_shared>>) target_semaphore(%run_scoped3A : memref<!tpu.dma_semaphore, #tpu.memory_space<semaphore_mem>>)
      %dma_wait3A_806 = arith.constant 0 : i32
      %dma_wait3A_807 = tpu.memref_slice %arg19[%add3A_78, %dma_wait3A_806] : memref<10240x16xf32, #tpu.memory_space<vmem_shared>> -> memref<80x16xf32, #tpu.memory_space<vmem_shared>>
      %dma_wait3A_808 = arith.constant 0 : i32
      %dma_wait3A_809 = tpu.memref_slice %arg19[%add3A_78, %dma_wait3A_808] : memref<10240x16xf32, #tpu.memory_space<vmem_shared>> -> memref<80x16xf32, #tpu.memory_space<vmem_shared>>
      tpu.wait_dma2 semaphore(%run_scoped3A : memref<!tpu.dma_semaphore, #tpu.memory_space<semaphore_mem>>) src(%arg16 : memref<80x16xf32, #tpu.memory_space<vmem>>) dst(%dma_wait3A_809 : memref<80x16xf32, #tpu.memory_space<vmem_shared>>)
      tpu.yield
    }) : () -> ()
    %mul3A_79 = arith.constant 640 : i32
    %mul3A_80 = arith.muli %arg1, %mul3A_79 : i32
    %add3A_81 = arith.constant 480 : i32
    %add3A_82 = arith.addi %mul3A_80, %add3A_81 : i32
    "tpu.region"() ({
      %run_scoped3A = tpu.sem_alloc : memref<!tpu.dma_semaphore, #tpu.memory_space<semaphore_mem>>
      %dma_start3A_802 = arith.constant 0 : i32
      %dma_start3A_803 = tpu.memref_slice %arg19[%add3A_82, %dma_start3A_802] : memref<10240x16xf32, #tpu.memory_space<vmem_shared>> -> memref<80x16xf32, #tpu.memory_space<vmem_shared>>
      %dma_start3A_804 = arith.constant 0 : i32
      %dma_start3A_805 = tpu.memref_slice %arg19[%add3A_82, %dma_start3A_804] : memref<10240x16xf32, #tpu.memory_space<vmem_shared>> -> memref<80x16xf32, #tpu.memory_space<vmem_shared>>
      tpu.enqueue_dma source(%arg16 : memref<80x16xf32, #tpu.memory_space<vmem>>) target(%dma_start3A_805 : memref<80x16xf32, #tpu.memory_space<vmem_shared>>) target_semaphore(%run_scoped3A : memref<!tpu.dma_semaphore, #tpu.memory_space<semaphore_mem>>)
      %dma_wait3A_806 = arith.constant 0 : i32
      %dma_wait3A_807 = tpu.memref_slice %arg19[%add3A_82, %dma_wait3A_806] : memref<10240x16xf32, #tpu.memory_space<vmem_shared>> -> memref<80x16xf32, #tpu.memory_space<vmem_shared>>
      %dma_wait3A_808 = arith.constant 0 : i32
      %dma_wait3A_809 = tpu.memref_slice %arg19[%add3A_82, %dma_wait3A_808] : memref<10240x16xf32, #tpu.memory_space<vmem_shared>> -> memref<80x16xf32, #tpu.memory_space<vmem_shared>>
      tpu.wait_dma2 semaphore(%run_scoped3A : memref<!tpu.dma_semaphore, #tpu.memory_space<semaphore_mem>>) src(%arg16 : memref<80x16xf32, #tpu.memory_space<vmem>>) dst(%dma_wait3A_809 : memref<80x16xf32, #tpu.memory_space<vmem_shared>>)
      tpu.yield
    }) : () -> ()
    %mul3A_83 = arith.constant 640 : i32
    %mul3A_84 = arith.muli %arg1, %mul3A_83 : i32
    %add3A_85 = arith.constant 560 : i32
    %add3A_86 = arith.addi %mul3A_84, %add3A_85 : i32
    "tpu.region"() ({
      %run_scoped3A = tpu.sem_alloc : memref<!tpu.dma_semaphore, #tpu.memory_space<semaphore_mem>>
      %dma_start3A_802 = arith.constant 0 : i32
      %dma_start3A_803 = tpu.memref_slice %arg19[%add3A_86, %dma_start3A_802] : memref<10240x16xf32, #tpu.memory_space<vmem_shared>> -> memref<80x16xf32, #tpu.memory_space<vmem_shared>>
      %dma_start3A_804 = arith.constant 0 : i32
      %dma_start3A_805 = tpu.memref_slice %arg19[%add3A_86, %dma_start3A_804] : memref<10240x16xf32, #tpu.memory_space<vmem_shared>> -> memref<80x16xf32, #tpu.memory_space<vmem_shared>>
      tpu.enqueue_dma source(%arg16 : memref<80x16xf32, #tpu.memory_space<vmem>>) target(%dma_start3A_805 : memref<80x16xf32, #tpu.memory_space<vmem_shared>>) target_semaphore(%run_scoped3A : memref<!tpu.dma_semaphore, #tpu.memory_space<semaphore_mem>>)
      %dma_wait3A_806 = arith.constant 0 : i32
      %dma_wait3A_807 = tpu.memref_slice %arg19[%add3A_86, %dma_wait3A_806] : memref<10240x16xf32, #tpu.memory_space<vmem_shared>> -> memref<80x16xf32, #tpu.memory_space<vmem_shared>>
      %dma_wait3A_808 = arith.constant 0 : i32
      %dma_wait3A_809 = tpu.memref_slice %arg19[%add3A_86, %dma_wait3A_808] : memref<10240x16xf32, #tpu.memory_space<vmem_shared>> -> memref<80x16xf32, #tpu.memory_space<vmem_shared>>
      tpu.wait_dma2 semaphore(%run_scoped3A : memref<!tpu.dma_semaphore, #tpu.memory_space<semaphore_mem>>) src(%arg16 : memref<80x16xf32, #tpu.memory_space<vmem>>) dst(%dma_wait3A_809 : memref<80x16xf32, #tpu.memory_space<vmem_shared>>)
      tpu.yield
    }) : () -> ()
    %scan3A_87 = arith.constant 1.000000e+00 : f32
    %scan3A_88 = arith.constant 0 : i32
    %scan3A_89 = arith.constant 80 : i32
    %scan3A_90 = arith.addi %scan3A_88, %scan3A_89 : i32
    %scan3A_91 = arith.constant 1 : i32
    %scan3A_92 = scf.for %scan3A_802 = %scan3A_88 to %scan3A_90 step %scan3A_91 iter_args(%scan3A_803 = %scan3A_87) -> (f32)  : i32 {
      %broadcast_in_dim3A = arith.constant 1.000000e+00 : f32
      %broadcast_in_dim3A_804 = vector.broadcast %broadcast_in_dim3A : f32 to vector<16xf32>
      %swap3A_805 = arith.index_cast %scan3A_802 : i32 to index
      %swap3A_806 = arith.constant 0 : index
      %swap3A_807 = tpu.vector_load %arg16[%swap3A_805, %swap3A_806] {strides = array<i32>} : memref<80x16xf32, #tpu.memory_space<vmem>>, vector<1x16xf32>,
      %swap3A_808 = vector.shape_cast %swap3A_807 : vector<1x16xf32> to vector<16xf32>
      %swap3A_809 = vector.shape_cast %broadcast_in_dim3A_804 : vector<16xf32> to vector<1x16xf32>
      tpu.vector_store %arg16[%swap3A_805, %swap3A_806], %swap3A_809 {strides = array<i32>} : memref<80x16xf32, #tpu.memory_space<vmem>>, vector<1x16xf32>,
      %scan3A_810 = arith.constant 1.000000e+00 : f32
      scf.yield %scan3A_810 : f32
    }
    %scan3A_93 = arith.constant 80 : i32
    %dma_wait3A = arith.constant 0 : i32
    %dma_wait3A_94 = arith.constant 0 : i32
    %dma_wait3A_95 = tpu.memref_slice %arg3[%add3A, %dma_wait3A, %dma_wait3A_94] : memref<32x125x80xi32, #tpu.memory_space<hbm>> -> memref<1x125x80xi32, #tpu.memory_space<hbm>>
    %dma_wait3A_96 = tpu.memref_squeeze %dma_wait3A_95 : memref<1x125x80xi32, #tpu.memory_space<hbm>> -> memref<125x80xi32, #tpu.memory_space<hbm>>
    %dma_wait3A_97 = arith.constant 0 : i32
    %dma_wait3A_98 = arith.constant 0 : i32
    %dma_wait3A_99 = tpu.memref_slice %arg3[%add3A, %dma_wait3A_97, %dma_wait3A_98] : memref<32x125x80xi32, #tpu.memory_space<hbm>> -> memref<1x125x80xi32, #tpu.memory_space<hbm>>
    %dma_wait3A_100 = tpu.memref_squeeze %dma_wait3A_99 : memref<1x125x80xi32, #tpu.memory_space<hbm>> -> memref<125x80xi32, #tpu.memory_space<hbm>>
    tpu.wait_dma2 semaphore(%arg20 : memref<!tpu.dma_semaphore, #tpu.memory_space<semaphore_mem>>) src(%dma_wait3A_100 : memref<125x80xi32, #tpu.memory_space<hbm>>) dst(%arg6 : memref<125x80xi32, #tpu.memory_space<vmem>>)
    %eq3A_101 = arith.constant 0 : i32
    %eq3A_102 = arith.cmpi eq, %arg1, %eq3A_101 : i32
    %convert_element_type3A_103 = arith.extui %eq3A_102 : i1 to i32
    %cond3A_104 = arith.constant 0 : i32
    %cond3A_105 = arith.cmpi ne, %convert_element_type3A_103, %cond3A_104 : i32
    scf.if %cond3A_105 {
      tpu.wait_dma2 semaphore(%arg21 : memref<!tpu.dma_semaphore, #tpu.memory_space<semaphore_mem>>) src(%arg2 : memref<10000x64xbf16, #tpu.memory_space<hbm>>) dst(%arg17 : memref<10000x64xbf16, #tpu.memory_space<vmem_shared>>)
    } else {
    }
    %barrier3A = arith.constant 0 : index
    tpu.barrier barrier_id(%barrier3A)
    %get3A = arith.constant 0 : i32
    %get3A_106 = arith.index_cast %get3A : i32 to index
    %get3A_107 = arith.constant 0 : index
    %get3A_108 = tpu.vector_load %arg6[%get3A_106, %get3A_107] {strides = array<i32>} : memref<125x80xi32, #tpu.memory_space<vmem>>, vector<1x16xi32>,
    %get3A_109 = vector.shape_cast %get3A_108 : vector<1x16xi32> to vector<16xi32>
    %shift_right_logical3A = arith.constant 14 : i32
    %shift_right_logical3A_110 = vector.broadcast %shift_right_logical3A : i32 to vector<16xi32>
    %shift_right_logical3A_111 = arith.shrui %get3A_109, %shift_right_logical3A_110 : vector<16xi32>
    %swap3A = arith.constant 0 : index
    %swap3A_112 = tpu.vector_load %arg7[%swap3A] {strides = array<i32>} : memref<80xi32, #tpu.memory_space<vmem>>, vector<16xi32>,
    %swap3A_113 = vector.shape_cast %swap3A_112 : vector<16xi32> to vector<16xi32>
    %swap3A_114 = vector.shape_cast %shift_right_logical3A_111 : vector<16xi32> to vector<16xi32>
    tpu.vector_store %arg7[%swap3A], %swap3A_114 {strides = array<i32>} : memref<80xi32, #tpu.memory_space<vmem>>, vector<16xi32>,
    %get3A_115 = arith.constant 0 : i32
    %get3A_116 = arith.index_cast %get3A_115 : i32 to index
    %get3A_117 = arith.constant 16 : index
    %get3A_118 = tpu.vector_load %arg6[%get3A_116, %get3A_117] {strides = array<i32>} : memref<125x80xi32, #tpu.memory_space<vmem>>, vector<1x16xi32>,
    %get3A_119 = vector.shape_cast %get3A_118 : vector<1x16xi32> to vector<16xi32>
    %shift_right_logical3A_120 = arith.constant 14 : i32
    %shift_right_logical3A_121 = vector.broadcast %shift_right_logical3A_120 : i32 to vector<16xi32>
    %shift_right_logical3A_122 = arith.shrui %get3A_119, %shift_right_logical3A_121 : vector<16xi32>
    %swap3A_123 = arith.constant 16 : index
    %swap3A_124 = tpu.vector_load %arg7[%swap3A_123] {strides = array<i32>} : memref<80xi32, #tpu.memory_space<vmem>>, vector<16xi32>,
    %swap3A_125 = vector.shape_cast %swap3A_124 : vector<16xi32> to vector<16xi32>
    %swap3A_126 = vector.shape_cast %shift_right_logical3A_122 : vector<16xi32> to vector<16xi32>
    tpu.vector_store %arg7[%swap3A_123], %swap3A_126 {strides = array<i32>} : memref<80xi32, #tpu.memory_space<vmem>>, vector<16xi32>,
    %get3A_127 = arith.constant 0 : i32
    %get3A_128 = arith.index_cast %get3A_127 : i32 to index
    %get3A_129 = arith.constant 32 : index
    %get3A_130 = tpu.vector_load %arg6[%get3A_128, %get3A_129] {strides = array<i32>} : memref<125x80xi32, #tpu.memory_space<vmem>>, vector<1x16xi32>,
    %get3A_131 = vector.shape_cast %get3A_130 : vector<1x16xi32> to vector<16xi32>
    %shift_right_logical3A_132 = arith.constant 14 : i32
    %shift_right_logical3A_133 = vector.broadcast %shift_right_logical3A_132 : i32 to vector<16xi32>
    %shift_right_logical3A_134 = arith.shrui %get3A_131, %shift_right_logical3A_133 : vector<16xi32>
    %swap3A_135 = arith.constant 32 : index
    %swap3A_136 = tpu.vector_load %arg7[%swap3A_135] {strides = array<i32>} : memref<80xi32, #tpu.memory_space<vmem>>, vector<16xi32>,
    %swap3A_137 = vector.shape_cast %swap3A_136 : vector<16xi32> to vector<16xi32>
    %swap3A_138 = vector.shape_cast %shift_right_logical3A_134 : vector<16xi32> to vector<16xi32>
    tpu.vector_store %arg7[%swap3A_135], %swap3A_138 {strides = array<i32>} : memref<80xi32, #tpu.memory_space<vmem>>, vector<16xi32>,
    %get3A_139 = arith.constant 0 : i32
    %get3A_140 = arith.index_cast %get3A_139 : i32 to index
    %get3A_141 = arith.constant 48 : index
    %get3A_142 = tpu.vector_load %arg6[%get3A_140, %get3A_141] {strides = array<i32>} : memref<125x80xi32, #tpu.memory_space<vmem>>, vector<1x16xi32>,
    %get3A_143 = vector.shape_cast %get3A_142 : vector<1x16xi32> to vector<16xi32>
    %shift_right_logical3A_144 = arith.constant 14 : i32
    %shift_right_logical3A_145 = vector.broadcast %shift_right_logical3A_144 : i32 to vector<16xi32>
    %shift_right_logical3A_146 = arith.shrui %get3A_143, %shift_right_logical3A_145 : vector<16xi32>
    %swap3A_147 = arith.constant 48 : index
    %swap3A_148 = tpu.vector_load %arg7[%swap3A_147] {strides = array<i32>} : memref<80xi32, #tpu.memory_space<vmem>>, vector<16xi32>,
    %swap3A_149 = vector.shape_cast %swap3A_148 : vector<16xi32> to vector<16xi32>
    %swap3A_150 = vector.shape_cast %shift_right_logical3A_146 : vector<16xi32> to vector<16xi32>
    tpu.vector_store %arg7[%swap3A_147], %swap3A_150 {strides = array<i32>} : memref<80xi32, #tpu.memory_space<vmem>>, vector<16xi32>,
    %get3A_151 = arith.constant 0 : i32
    %get3A_152 = arith.index_cast %get3A_151 : i32 to index
    %get3A_153 = arith.constant 64 : index
    %get3A_154 = tpu.vector_load %arg6[%get3A_152, %get3A_153] {strides = array<i32>} : memref<125x80xi32, #tpu.memory_space<vmem>>, vector<1x16xi32>,
    %get3A_155 = vector.shape_cast %get3A_154 : vector<1x16xi32> to vector<16xi32>
    %shift_right_logical3A_156 = arith.constant 14 : i32
    %shift_right_logical3A_157 = vector.broadcast %shift_right_logical3A_156 : i32 to vector<16xi32>
    %shift_right_logical3A_158 = arith.shrui %get3A_155, %shift_right_logical3A_157 : vector<16xi32>
    %swap3A_159 = arith.constant 64 : index
    %swap3A_160 = tpu.vector_load %arg7[%swap3A_159] {strides = array<i32>} : memref<80xi32, #tpu.memory_space<vmem>>, vector<16xi32>,
    %swap3A_161 = vector.shape_cast %swap3A_160 : vector<16xi32> to vector<16xi32>
    %swap3A_162 = vector.shape_cast %shift_right_logical3A_158 : vector<16xi32> to vector<16xi32>
    tpu.vector_store %arg7[%swap3A_159], %swap3A_162 {strides = array<i32>} : memref<80xi32, #tpu.memory_space<vmem>>, vector<16xi32>,
    %get3A_163 = arith.constant 0 : i32
    %get3A_164 = arith.index_cast %get3A_163 : i32 to index
    %get3A_165 = arith.constant 0 : index
    %get3A_166 = tpu.vector_load %arg6[%get3A_164, %get3A_165] {strides = array<i32>} : memref<125x80xi32, #tpu.memory_space<vmem>>, vector<1x16xi32>,
    %get3A_167 = vector.shape_cast %get3A_166 : vector<1x16xi32> to vector<16xi32>
    %and3A = arith.constant 16383 : i32
    %and3A_168 = vector.broadcast %and3A : i32 to vector<16xi32>
    %and3A_169 = arith.andi %get3A_167, %and3A_168 : vector<16xi32>
    %swap3A_170 = arith.constant 0 : index
    %swap3A_171 = tpu.vector_load %arg10[%swap3A_170] {strides = array<i32>} : memref<80xi32, #tpu.memory_space<vmem>>, vector<16xi32>,
    %swap3A_172 = vector.shape_cast %swap3A_171 : vector<16xi32> to vector<16xi32>
    %swap3A_173 = vector.shape_cast %and3A_169 : vector<16xi32> to vector<16xi32>
    tpu.vector_store %arg10[%swap3A_170], %swap3A_173 {strides = array<i32>} : memref<80xi32, #tpu.memory_space<vmem>>, vector<16xi32>,
    %get3A_174 = arith.constant 0 : i32
    %get3A_175 = arith.index_cast %get3A_174 : i32 to index
    %get3A_176 = arith.constant 16 : index
    %get3A_177 = tpu.vector_load %arg6[%get3A_175, %get3A_176] {strides = array<i32>} : memref<125x80xi32, #tpu.memory_space<vmem>>, vector<1x16xi32>,
    %get3A_178 = vector.shape_cast %get3A_177 : vector<1x16xi32> to vector<16xi32>
    %and3A_179 = arith.constant 16383 : i32
    %and3A_180 = vector.broadcast %and3A_179 : i32 to vector<16xi32>
    %and3A_181 = arith.andi %get3A_178, %and3A_180 : vector<16xi32>
    %swap3A_182 = arith.constant 16 : index
    %swap3A_183 = tpu.vector_load %arg10[%swap3A_182] {strides = array<i32>} : memref<80xi32, #tpu.memory_space<vmem>>, vector<16xi32>,
    %swap3A_184 = vector.shape_cast %swap3A_183 : vector<16xi32> to vector<16xi32>
    %swap3A_185 = vector.shape_cast %and3A_181 : vector<16xi32> to vector<16xi32>
    tpu.vector_store %arg10[%swap3A_182], %swap3A_185 {strides = array<i32>} : memref<80xi32, #tpu.memory_space<vmem>>, vector<16xi32>,
    %get3A_186 = arith.constant 0 : i32
    %get3A_187 = arith.index_cast %get3A_186 : i32 to index
    %get3A_188 = arith.constant 32 : index
    %get3A_189 = tpu.vector_load %arg6[%get3A_187, %get3A_188] {strides = array<i32>} : memref<125x80xi32, #tpu.memory_space<vmem>>, vector<1x16xi32>,
    %get3A_190 = vector.shape_cast %get3A_189 : vector<1x16xi32> to vector<16xi32>
    %and3A_191 = arith.constant 16383 : i32
    %and3A_192 = vector.broadcast %and3A_191 : i32 to vector<16xi32>
    %and3A_193 = arith.andi %get3A_190, %and3A_192 : vector<16xi32>
    %swap3A_194 = arith.constant 32 : index
    %swap3A_195 = tpu.vector_load %arg10[%swap3A_194] {strides = array<i32>} : memref<80xi32, #tpu.memory_space<vmem>>, vector<16xi32>,
    %swap3A_196 = vector.shape_cast %swap3A_195 : vector<16xi32> to vector<16xi32>
    %swap3A_197 = vector.shape_cast %and3A_193 : vector<16xi32> to vector<16xi32>
    tpu.vector_store %arg10[%swap3A_194], %swap3A_197 {strides = array<i32>} : memref<80xi32, #tpu.memory_space<vmem>>, vector<16xi32>,
    %get3A_198 = arith.constant 0 : i32
    %get3A_199 = arith.index_cast %get3A_198 : i32 to index
    %get3A_200 = arith.constant 48 : index
    %get3A_201 = tpu.vector_load %arg6[%get3A_199, %get3A_200] {strides = array<i32>} : memref<125x80xi32, #tpu.memory_space<vmem>>, vector<1x16xi32>,
    %get3A_202 = vector.shape_cast %get3A_201 : vector<1x16xi32> to vector<16xi32>
    %and3A_203 = arith.constant 16383 : i32
    %and3A_204 = vector.broadcast %and3A_203 : i32 to vector<16xi32>
    %and3A_205 = arith.andi %get3A_202, %and3A_204 : vector<16xi32>
    %swap3A_206 = arith.constant 48 : index
    %swap3A_207 = tpu.vector_load %arg10[%swap3A_206] {strides = array<i32>} : memref<80xi32, #tpu.memory_space<vmem>>, vector<16xi32>,
    %swap3A_208 = vector.shape_cast %swap3A_207 : vector<16xi32> to vector<16xi32>
    %swap3A_209 = vector.shape_cast %and3A_205 : vector<16xi32> to vector<16xi32>
    tpu.vector_store %arg10[%swap3A_206], %swap3A_209 {strides = array<i32>} : memref<80xi32, #tpu.memory_space<vmem>>, vector<16xi32>,
    %get3A_210 = arith.constant 0 : i32
    %get3A_211 = arith.index_cast %get3A_210 : i32 to index
    %get3A_212 = arith.constant 64 : index
    %get3A_213 = tpu.vector_load %arg6[%get3A_211, %get3A_212] {strides = array<i32>} : memref<125x80xi32, #tpu.memory_space<vmem>>, vector<1x16xi32>,
    %get3A_214 = vector.shape_cast %get3A_213 : vector<1x16xi32> to vector<16xi32>
    %and3A_215 = arith.constant 16383 : i32
    %and3A_216 = vector.broadcast %and3A_215 : i32 to vector<16xi32>
    %and3A_217 = arith.andi %get3A_214, %and3A_216 : vector<16xi32>
    %swap3A_218 = arith.constant 64 : index
    %swap3A_219 = tpu.vector_load %arg10[%swap3A_218] {strides = array<i32>} : memref<80xi32, #tpu.memory_space<vmem>>, vector<16xi32>,
    %swap3A_220 = vector.shape_cast %swap3A_219 : vector<16xi32> to vector<16xi32>
    %swap3A_221 = vector.shape_cast %and3A_217 : vector<16xi32> to vector<16xi32>
    tpu.vector_store %arg10[%swap3A_218], %swap3A_221 {strides = array<i32>} : memref<80xi32, #tpu.memory_space<vmem>>, vector<16xi32>,
    %dma_start3A_222 = arith.constant 0 : i32
    %dma_start3A_223 = arith.constant 0 : i32
    %dma_start3A_224 = tpu.memref_slice %arg17[%dma_start3A_222, %dma_start3A_223] : memref<10000x64xbf16, #tpu.memory_space<vmem_shared>> -> memref<10000x64xbf16, #tpu.memory_space<vmem_shared>>
    tpu.enqueue_indirect_dma source(%dma_start3A_224 : memref<10000x64xbf16, #tpu.memory_space<vmem_shared>>) target(%arg13 : memref<80x64xbf16, #tpu.memory_space<vmem>>) offsets(%arg7 : memref<80xi32, #tpu.memory_space<vmem>>) semaphore(%arg20 : memref<!tpu.dma_semaphore, #tpu.memory_space<semaphore_mem>>)
    %dma_wait3A_225 = arith.constant 0 : i32
    %dma_wait3A_226 = arith.constant 0 : i32
    %dma_wait3A_227 = tpu.memref_slice %arg17[%dma_wait3A_225, %dma_wait3A_226] : memref<10000x64xbf16, #tpu.memory_space<vmem_shared>> -> memref<10000x64xbf16, #tpu.memory_space<vmem_shared>>
    tpu.wait_indirect_dma semaphore(%arg20 : memref<!tpu.dma_semaphore, #tpu.memory_space<semaphore_mem>>) src(%dma_wait3A_227 : memref<10000x64xbf16, #tpu.memory_space<vmem_shared>>) dst(%arg13 : memref<80x64xbf16, #tpu.memory_space<vmem>>)
    %get3A_228 = arith.constant 1 : i32
    %get3A_229 = arith.index_cast %get3A_228 : i32 to index
    %get3A_230 = arith.constant 0 : index
    %get3A_231 = tpu.vector_load %arg6[%get3A_229, %get3A_230] {strides = array<i32>} : memref<125x80xi32, #tpu.memory_space<vmem>>, vector<1x16xi32>,
    %get3A_232 = vector.shape_cast %get3A_231 : vector<1x16xi32> to vector<16xi32>
    %shift_right_logical3A_233 = arith.constant 14 : i32
    %shift_right_logical3A_234 = vector.broadcast %shift_right_logical3A_233 : i32 to vector<16xi32>
    %shift_right_logical3A_235 = arith.shrui %get3A_232, %shift_right_logical3A_234 : vector<16xi32>
    %swap3A_236 = arith.constant 0 : index
    %swap3A_237 = tpu.vector_load %arg8[%swap3A_236] {strides = array<i32>} : memref<80xi32, #tpu.memory_space<vmem>>, vector<16xi32>,
    %swap3A_238 = vector.shape_cast %swap3A_237 : vector<16xi32> to vector<16xi32>
    %swap3A_239 = vector.shape_cast %shift_right_logical3A_235 : vector<16xi32> to vector<16xi32>
    tpu.vector_store %arg8[%swap3A_236], %swap3A_239 {strides = array<i32>} : memref<80xi32, #tpu.memory_space<vmem>>, vector<16xi32>,
    %get3A_240 = arith.constant 1 : i32
    %get3A_241 = arith.index_cast %get3A_240 : i32 to index
    %get3A_242 = arith.constant 16 : index
    %get3A_243 = tpu.vector_load %arg6[%get3A_241, %get3A_242] {strides = array<i32>} : memref<125x80xi32, #tpu.memory_space<vmem>>, vector<1x16xi32>,
    %get3A_244 = vector.shape_cast %get3A_243 : vector<1x16xi32> to vector<16xi32>
    %shift_right_logical3A_245 = arith.constant 14 : i32
    %shift_right_logical3A_246 = vector.broadcast %shift_right_logical3A_245 : i32 to vector<16xi32>
    %shift_right_logical3A_247 = arith.shrui %get3A_244, %shift_right_logical3A_246 : vector<16xi32>
    %swap3A_248 = arith.constant 16 : index
    %swap3A_249 = tpu.vector_load %arg8[%swap3A_248] {strides = array<i32>} : memref<80xi32, #tpu.memory_space<vmem>>, vector<16xi32>,
    %swap3A_250 = vector.shape_cast %swap3A_249 : vector<16xi32> to vector<16xi32>
    %swap3A_251 = vector.shape_cast %shift_right_logical3A_247 : vector<16xi32> to vector<16xi32>
    tpu.vector_store %arg8[%swap3A_248], %swap3A_251 {strides = array<i32>} : memref<80xi32, #tpu.memory_space<vmem>>, vector<16xi32>,
    %get3A_252 = arith.constant 1 : i32
    %get3A_253 = arith.index_cast %get3A_252 : i32 to index
    %get3A_254 = arith.constant 32 : index
    %get3A_255 = tpu.vector_load %arg6[%get3A_253, %get3A_254] {strides = array<i32>} : memref<125x80xi32, #tpu.memory_space<vmem>>, vector<1x16xi32>,
    %get3A_256 = vector.shape_cast %get3A_255 : vector<1x16xi32> to vector<16xi32>
    %shift_right_logical3A_257 = arith.constant 14 : i32
    %shift_right_logical3A_258 = vector.broadcast %shift_right_logical3A_257 : i32 to vector<16xi32>
    %shift_right_logical3A_259 = arith.shrui %get3A_256, %shift_right_logical3A_258 : vector<16xi32>
    %swap3A_260 = arith.constant 32 : index
    %swap3A_261 = tpu.vector_load %arg8[%swap3A_260] {strides = array<i32>} : memref<80xi32, #tpu.memory_space<vmem>>, vector<16xi32>,
    %swap3A_262 = vector.shape_cast %swap3A_261 : vector<16xi32> to vector<16xi32>
    %swap3A_263 = vector.shape_cast %shift_right_logical3A_259 : vector<16xi32> to vector<16xi32>
    tpu.vector_store %arg8[%swap3A_260], %swap3A_263 {strides = array<i32>} : memref<80xi32, #tpu.memory_space<vmem>>, vector<16xi32>,
    %get3A_264 = arith.constant 1 : i32
    %get3A_265 = arith.index_cast %get3A_264 : i32 to index
    %get3A_266 = arith.constant 48 : index
    %get3A_267 = tpu.vector_load %arg6[%get3A_265, %get3A_266] {strides = array<i32>} : memref<125x80xi32, #tpu.memory_space<vmem>>, vector<1x16xi32>,
    %get3A_268 = vector.shape_cast %get3A_267 : vector<1x16xi32> to vector<16xi32>
    %shift_right_logical3A_269 = arith.constant 14 : i32
    %shift_right_logical3A_270 = vector.broadcast %shift_right_logical3A_269 : i32 to vector<16xi32>
    %shift_right_logical3A_271 = arith.shrui %get3A_268, %shift_right_logical3A_270 : vector<16xi32>
    %swap3A_272 = arith.constant 48 : index
    %swap3A_273 = tpu.vector_load %arg8[%swap3A_272] {strides = array<i32>} : memref<80xi32, #tpu.memory_space<vmem>>, vector<16xi32>,
    %swap3A_274 = vector.shape_cast %swap3A_273 : vector<16xi32> to vector<16xi32>
    %swap3A_275 = vector.shape_cast %shift_right_logical3A_271 : vector<16xi32> to vector<16xi32>
    tpu.vector_store %arg8[%swap3A_272], %swap3A_275 {strides = array<i32>} : memref<80xi32, #tpu.memory_space<vmem>>, vector<16xi32>,
    %get3A_276 = arith.constant 1 : i32
    %get3A_277 = arith.index_cast %get3A_276 : i32 to index
    %get3A_278 = arith.constant 64 : index
    %get3A_279 = tpu.vector_load %arg6[%get3A_277, %get3A_278] {strides = array<i32>} : memref<125x80xi32, #tpu.memory_space<vmem>>, vector<1x16xi32>,
    %get3A_280 = vector.shape_cast %get3A_279 : vector<1x16xi32> to vector<16xi32>
    %shift_right_logical3A_281 = arith.constant 14 : i32
    %shift_right_logical3A_282 = vector.broadcast %shift_right_logical3A_281 : i32 to vector<16xi32>
    %shift_right_logical3A_283 = arith.shrui %get3A_280, %shift_right_logical3A_282 : vector<16xi32>
    %swap3A_284 = arith.constant 64 : index
    %swap3A_285 = tpu.vector_load %arg8[%swap3A_284] {strides = array<i32>} : memref<80xi32, #tpu.memory_space<vmem>>, vector<16xi32>,
    %swap3A_286 = vector.shape_cast %swap3A_285 : vector<16xi32> to vector<16xi32>
    %swap3A_287 = vector.shape_cast %shift_right_logical3A_283 : vector<16xi32> to vector<16xi32>
    tpu.vector_store %arg8[%swap3A_284], %swap3A_287 {strides = array<i32>} : memref<80xi32, #tpu.memory_space<vmem>>, vector<16xi32>,
    %get3A_288 = arith.constant 1 : i32
    %get3A_289 = arith.index_cast %get3A_288 : i32 to index
    %get3A_290 = arith.constant 0 : index
    %get3A_291 = tpu.vector_load %arg6[%get3A_289, %get3A_290] {strides = array<i32>} : memref<125x80xi32, #tpu.memory_space<vmem>>, vector<1x16xi32>,
    %get3A_292 = vector.shape_cast %get3A_291 : vector<1x16xi32> to vector<16xi32>
    %and3A_293 = arith.constant 16383 : i32
    %and3A_294 = vector.broadcast %and3A_293 : i32 to vector<16xi32>
    %and3A_295 = arith.andi %get3A_292, %and3A_294 : vector<16xi32>
    %swap3A_296 = arith.constant 0 : index
    %swap3A_297 = tpu.vector_load %arg11[%swap3A_296] {strides = array<i32>} : memref<80xi32, #tpu.memory_space<vmem>>, vector<16xi32>,
    %swap3A_298 = vector.shape_cast %swap3A_297 : vector<16xi32> to vector<16xi32>
    %swap3A_299 = vector.shape_cast %and3A_295 : vector<16xi32> to vector<16xi32>
    tpu.vector_store %arg11[%swap3A_296], %swap3A_299 {strides = array<i32>} : memref<80xi32, #tpu.memory_space<vmem>>, vector<16xi32>,
    %get3A_300 = arith.constant 1 : i32
    %get3A_301 = arith.index_cast %get3A_300 : i32 to index
    %get3A_302 = arith.constant 16 : index
    %get3A_303 = tpu.vector_load %arg6[%get3A_301, %get3A_302] {strides = array<i32>} : memref<125x80xi32, #tpu.memory_space<vmem>>, vector<1x16xi32>,
    %get3A_304 = vector.shape_cast %get3A_303 : vector<1x16xi32> to vector<16xi32>
    %and3A_305 = arith.constant 16383 : i32
    %and3A_306 = vector.broadcast %and3A_305 : i32 to vector<16xi32>
    %and3A_307 = arith.andi %get3A_304, %and3A_306 : vector<16xi32>
    %swap3A_308 = arith.constant 16 : index
    %swap3A_309 = tpu.vector_load %arg11[%swap3A_308] {strides = array<i32>} : memref<80xi32, #tpu.memory_space<vmem>>, vector<16xi32>,
    %swap3A_310 = vector.shape_cast %swap3A_309 : vector<16xi32> to vector<16xi32>
    %swap3A_311 = vector.shape_cast %and3A_307 : vector<16xi32> to vector<16xi32>
    tpu.vector_store %arg11[%swap3A_308], %swap3A_311 {strides = array<i32>} : memref<80xi32, #tpu.memory_space<vmem>>, vector<16xi32>,
    %get3A_312 = arith.constant 1 : i32
    %get3A_313 = arith.index_cast %get3A_312 : i32 to index
    %get3A_314 = arith.constant 32 : index
    %get3A_315 = tpu.vector_load %arg6[%get3A_313, %get3A_314] {strides = array<i32>} : memref<125x80xi32, #tpu.memory_space<vmem>>, vector<1x16xi32>,
    %get3A_316 = vector.shape_cast %get3A_315 : vector<1x16xi32> to vector<16xi32>
    %and3A_317 = arith.constant 16383 : i32
    %and3A_318 = vector.broadcast %and3A_317 : i32 to vector<16xi32>
    %and3A_319 = arith.andi %get3A_316, %and3A_318 : vector<16xi32>
    %swap3A_320 = arith.constant 32 : index
    %swap3A_321 = tpu.vector_load %arg11[%swap3A_320] {strides = array<i32>} : memref<80xi32, #tpu.memory_space<vmem>>, vector<16xi32>,
    %swap3A_322 = vector.shape_cast %swap3A_321 : vector<16xi32> to vector<16xi32>
    %swap3A_323 = vector.shape_cast %and3A_319 : vector<16xi32> to vector<16xi32>
    tpu.vector_store %arg11[%swap3A_320], %swap3A_323 {strides = array<i32>} : memref<80xi32, #tpu.memory_space<vmem>>, vector<16xi32>,
    %get3A_324 = arith.constant 1 : i32
    %get3A_325 = arith.index_cast %get3A_324 : i32 to index
    %get3A_326 = arith.constant 48 : index
    %get3A_327 = tpu.vector_load %arg6[%get3A_325, %get3A_326] {strides = array<i32>} : memref<125x80xi32, #tpu.memory_space<vmem>>, vector<1x16xi32>,
    %get3A_328 = vector.shape_cast %get3A_327 : vector<1x16xi32> to vector<16xi32>
    %and3A_329 = arith.constant 16383 : i32
    %and3A_330 = vector.broadcast %and3A_329 : i32 to vector<16xi32>
    %and3A_331 = arith.andi %get3A_328, %and3A_330 : vector<16xi32>
    %swap3A_332 = arith.constant 48 : index
    %swap3A_333 = tpu.vector_load %arg11[%swap3A_332] {strides = array<i32>} : memref<80xi32, #tpu.memory_space<vmem>>, vector<16xi32>,
    %swap3A_334 = vector.shape_cast %swap3A_333 : vector<16xi32> to vector<16xi32>
    %swap3A_335 = vector.shape_cast %and3A_331 : vector<16xi32> to vector<16xi32>
    tpu.vector_store %arg11[%swap3A_332], %swap3A_335 {strides = array<i32>} : memref<80xi32, #tpu.memory_space<vmem>>, vector<16xi32>,
    %get3A_336 = arith.constant 1 : i32
    %get3A_337 = arith.index_cast %get3A_336 : i32 to index
    %get3A_338 = arith.constant 64 : index
    %get3A_339 = tpu.vector_load %arg6[%get3A_337, %get3A_338] {strides = array<i32>} : memref<125x80xi32, #tpu.memory_space<vmem>>, vector<1x16xi32>,
    %get3A_340 = vector.shape_cast %get3A_339 : vector<1x16xi32> to vector<16xi32>
    %and3A_341 = arith.constant 16383 : i32
    %and3A_342 = vector.broadcast %and3A_341 : i32 to vector<16xi32>
    %and3A_343 = arith.andi %get3A_340, %and3A_342 : vector<16xi32>
    %swap3A_344 = arith.constant 64 : index
    %swap3A_345 = tpu.vector_load %arg11[%swap3A_344] {strides = array<i32>} : memref<80xi32, #tpu.memory_space<vmem>>, vector<16xi32>,
    %swap3A_346 = vector.shape_cast %swap3A_345 : vector<16xi32> to vector<16xi32>
    %swap3A_347 = vector.shape_cast %and3A_343 : vector<16xi32> to vector<16xi32>
    tpu.vector_store %arg11[%swap3A_344], %swap3A_347 {strides = array<i32>} : memref<80xi32, #tpu.memory_space<vmem>>, vector<16xi32>,
    %dma_start3A_348 = arith.constant 0 : i32
    %dma_start3A_349 = arith.constant 0 : i32
    %dma_start3A_350 = tpu.memref_slice %arg17[%dma_start3A_348, %dma_start3A_349] : memref<10000x64xbf16, #tpu.memory_space<vmem_shared>> -> memref<10000x64xbf16, #tpu.memory_space<vmem_shared>>
    tpu.enqueue_indirect_dma source(%dma_start3A_350 : memref<10000x64xbf16, #tpu.memory_space<vmem_shared>>) target(%arg14 : memref<80x64xbf16, #tpu.memory_space<vmem>>) offsets(%arg8 : memref<80xi32, #tpu.memory_space<vmem>>) semaphore(%arg21 : memref<!tpu.dma_semaphore, #tpu.memory_space<semaphore_mem>>)
    %dma_start3A_351 = arith.constant 0 : i32
    %dma_start3A_352 = arith.constant 0 : i32
    %dma_start3A_353 = tpu.memref_slice %arg18[%dma_start3A_351, %dma_start3A_352] : memref<10240x64xbf16, #tpu.memory_space<vmem_shared>> -> memref<10240x64xbf16, #tpu.memory_space<vmem_shared>>
    tpu.enqueue_indirect_dma source(%arg13 : memref<80x64xbf16, #tpu.memory_space<vmem>>) target(%dma_start3A_353 : memref<10240x64xbf16, #tpu.memory_space<vmem_shared>>) offsets(%arg10 : memref<80xi32, #tpu.memory_space<vmem>>) semaphore(%arg23 : memref<!tpu.dma_semaphore, #tpu.memory_space<semaphore_mem>>) {add = true}
    "tpu.region"() ({
      %run_scoped3A = tpu.sem_alloc : memref<!tpu.dma_semaphore, #tpu.memory_space<semaphore_mem>>
      %dma_start3A_802 = arith.constant 0 : i32
      %dma_start3A_803 = arith.constant 0 : i32
      %dma_start3A_804 = tpu.memref_slice %arg19[%dma_start3A_802, %dma_start3A_803] : memref<10240x16xf32, #tpu.memory_space<vmem_shared>> -> memref<10240x16xf32, #tpu.memory_space<vmem_shared>>
      tpu.enqueue_indirect_dma source(%arg16 : memref<80x16xf32, #tpu.memory_space<vmem>>) target(%dma_start3A_804 : memref<10240x16xf32, #tpu.memory_space<vmem_shared>>) offsets(%arg10 : memref<80xi32, #tpu.memory_space<vmem>>) semaphore(%run_scoped3A : memref<!tpu.dma_semaphore, #tpu.memory_space<semaphore_mem>>) {add = true}
      %dma_wait3A_805 = arith.constant 0 : i32
      %dma_wait3A_806 = arith.constant 0 : i32
      %dma_wait3A_807 = tpu.memref_slice %arg19[%dma_wait3A_805, %dma_wait3A_806] : memref<10240x16xf32, #tpu.memory_space<vmem_shared>> -> memref<10240x16xf32, #tpu.memory_space<vmem_shared>>
      tpu.wait_indirect_dma semaphore(%run_scoped3A : memref<!tpu.dma_semaphore, #tpu.memory_space<semaphore_mem>>) src(%arg16 : memref<80x16xf32, #tpu.memory_space<vmem>>) dst(%dma_wait3A_807 : memref<10240x16xf32, #tpu.memory_space<vmem_shared>>)
      tpu.yield
    }) : () -> ()
    %dma_wait3A_354 = arith.constant 0 : i32
    %dma_wait3A_355 = arith.constant 0 : i32
    %dma_wait3A_356 = tpu.memref_slice %arg17[%dma_wait3A_354, %dma_wait3A_355] : memref<10000x64xbf16, #tpu.memory_space<vmem_shared>> -> memref<10000x64xbf16, #tpu.memory_space<vmem_shared>>
    tpu.wait_indirect_dma semaphore(%arg21 : memref<!tpu.dma_semaphore, #tpu.memory_space<semaphore_mem>>) src(%dma_wait3A_356 : memref<10000x64xbf16, #tpu.memory_space<vmem_shared>>) dst(%arg14 : memref<80x64xbf16, #tpu.memory_space<vmem>>)
    %get3A_357 = arith.constant 2 : i32
    %get3A_358 = arith.index_cast %get3A_357 : i32 to index
    %get3A_359 = arith.constant 0 : index
    %get3A_360 = tpu.vector_load %arg6[%get3A_358, %get3A_359] {strides = array<i32>} : memref<125x80xi32, #tpu.memory_space<vmem>>, vector<1x16xi32>,
    %get3A_361 = vector.shape_cast %get3A_360 : vector<1x16xi32> to vector<16xi32>
    %shift_right_logical3A_362 = arith.constant 14 : i32
    %shift_right_logical3A_363 = vector.broadcast %shift_right_logical3A_362 : i32 to vector<16xi32>
    %shift_right_logical3A_364 = arith.shrui %get3A_361, %shift_right_logical3A_363 : vector<16xi32>
    %swap3A_365 = arith.constant 0 : index
    %swap3A_366 = tpu.vector_load %arg9[%swap3A_365] {strides = array<i32>} : memref<80xi32, #tpu.memory_space<vmem>>, vector<16xi32>,
    %swap3A_367 = vector.shape_cast %swap3A_366 : vector<16xi32> to vector<16xi32>
    %swap3A_368 = vector.shape_cast %shift_right_logical3A_364 : vector<16xi32> to vector<16xi32>
    tpu.vector_store %arg9[%swap3A_365], %swap3A_368 {strides = array<i32>} : memref<80xi32, #tpu.memory_space<vmem>>, vector<16xi32>,
    %get3A_369 = arith.constant 2 : i32
    %get3A_370 = arith.index_cast %get3A_369 : i32 to index
    %get3A_371 = arith.constant 16 : index
    %get3A_372 = tpu.vector_load %arg6[%get3A_370, %get3A_371] {strides = array<i32>} : memref<125x80xi32, #tpu.memory_space<vmem>>, vector<1x16xi32>,
    %get3A_373 = vector.shape_cast %get3A_372 : vector<1x16xi32> to vector<16xi32>
    %shift_right_logical3A_374 = arith.constant 14 : i32
    %shift_right_logical3A_375 = vector.broadcast %shift_right_logical3A_374 : i32 to vector<16xi32>
    %shift_right_logical3A_376 = arith.shrui %get3A_373, %shift_right_logical3A_375 : vector<16xi32>
    %swap3A_377 = arith.constant 16 : index
    %swap3A_378 = tpu.vector_load %arg9[%swap3A_377] {strides = array<i32>} : memref<80xi32, #tpu.memory_space<vmem>>, vector<16xi32>,
    %swap3A_379 = vector.shape_cast %swap3A_378 : vector<16xi32> to vector<16xi32>
    %swap3A_380 = vector.shape_cast %shift_right_logical3A_376 : vector<16xi32> to vector<16xi32>
    tpu.vector_store %arg9[%swap3A_377], %swap3A_380 {strides = array<i32>} : memref<80xi32, #tpu.memory_space<vmem>>, vector<16xi32>,
    %get3A_381 = arith.constant 2 : i32
    %get3A_382 = arith.index_cast %get3A_381 : i32 to index
    %get3A_383 = arith.constant 32 : index
    %get3A_384 = tpu.vector_load %arg6[%get3A_382, %get3A_383] {strides = array<i32>} : memref<125x80xi32, #tpu.memory_space<vmem>>, vector<1x16xi32>,
    %get3A_385 = vector.shape_cast %get3A_384 : vector<1x16xi32> to vector<16xi32>
    %shift_right_logical3A_386 = arith.constant 14 : i32
    %shift_right_logical3A_387 = vector.broadcast %shift_right_logical3A_386 : i32 to vector<16xi32>
    %shift_right_logical3A_388 = arith.shrui %get3A_385, %shift_right_logical3A_387 : vector<16xi32>
    %swap3A_389 = arith.constant 32 : index
    %swap3A_390 = tpu.vector_load %arg9[%swap3A_389] {strides = array<i32>} : memref<80xi32, #tpu.memory_space<vmem>>, vector<16xi32>,
    %swap3A_391 = vector.shape_cast %swap3A_390 : vector<16xi32> to vector<16xi32>
    %swap3A_392 = vector.shape_cast %shift_right_logical3A_388 : vector<16xi32> to vector<16xi32>
    tpu.vector_store %arg9[%swap3A_389], %swap3A_392 {strides = array<i32>} : memref<80xi32, #tpu.memory_space<vmem>>, vector<16xi32>,
    %get3A_393 = arith.constant 2 : i32
    %get3A_394 = arith.index_cast %get3A_393 : i32 to index
    %get3A_395 = arith.constant 48 : index
    %get3A_396 = tpu.vector_load %arg6[%get3A_394, %get3A_395] {strides = array<i32>} : memref<125x80xi32, #tpu.memory_space<vmem>>, vector<1x16xi32>,
    %get3A_397 = vector.shape_cast %get3A_396 : vector<1x16xi32> to vector<16xi32>
    %shift_right_logical3A_398 = arith.constant 14 : i32
    %shift_right_logical3A_399 = vector.broadcast %shift_right_logical3A_398 : i32 to vector<16xi32>
    %shift_right_logical3A_400 = arith.shrui %get3A_397, %shift_right_logical3A_399 : vector<16xi32>
    %swap3A_401 = arith.constant 48 : index
    %swap3A_402 = tpu.vector_load %arg9[%swap3A_401] {strides = array<i32>} : memref<80xi32, #tpu.memory_space<vmem>>, vector<16xi32>,
    %swap3A_403 = vector.shape_cast %swap3A_402 : vector<16xi32> to vector<16xi32>
    %swap3A_404 = vector.shape_cast %shift_right_logical3A_400 : vector<16xi32> to vector<16xi32>
    tpu.vector_store %arg9[%swap3A_401], %swap3A_404 {strides = array<i32>} : memref<80xi32, #tpu.memory_space<vmem>>, vector<16xi32>,
    %get3A_405 = arith.constant 2 : i32
    %get3A_406 = arith.index_cast %get3A_405 : i32 to index
    %get3A_407 = arith.constant 64 : index
    %get3A_408 = tpu.vector_load %arg6[%get3A_406, %get3A_407] {strides = array<i32>} : memref<125x80xi32, #tpu.memory_space<vmem>>, vector<1x16xi32>,
    %get3A_409 = vector.shape_cast %get3A_408 : vector<1x16xi32> to vector<16xi32>
    %shift_right_logical3A_410 = arith.constant 14 : i32
    %shift_right_logical3A_411 = vector.broadcast %shift_right_logical3A_410 : i32 to vector<16xi32>
    %shift_right_logical3A_412 = arith.shrui %get3A_409, %shift_right_logical3A_411 : vector<16xi32>
    %swap3A_413 = arith.constant 64 : index
    %swap3A_414 = tpu.vector_load %arg9[%swap3A_413] {strides = array<i32>} : memref<80xi32, #tpu.memory_space<vmem>>, vector<16xi32>,
    %swap3A_415 = vector.shape_cast %swap3A_414 : vector<16xi32> to vector<16xi32>
    %swap3A_416 = vector.shape_cast %shift_right_logical3A_412 : vector<16xi32> to vector<16xi32>
    tpu.vector_store %arg9[%swap3A_413], %swap3A_416 {strides = array<i32>} : memref<80xi32, #tpu.memory_space<vmem>>, vector<16xi32>,
    %get3A_417 = arith.constant 2 : i32
    %get3A_418 = arith.index_cast %get3A_417 : i32 to index
    %get3A_419 = arith.constant 0 : index
    %get3A_420 = tpu.vector_load %arg6[%get3A_418, %get3A_419] {strides = array<i32>} : memref<125x80xi32, #tpu.memory_space<vmem>>, vector<1x16xi32>,
    %get3A_421 = vector.shape_cast %get3A_420 : vector<1x16xi32> to vector<16xi32>
    %and3A_422 = arith.constant 16383 : i32
    %and3A_423 = vector.broadcast %and3A_422 : i32 to vector<16xi32>
    %and3A_424 = arith.andi %get3A_421, %and3A_423 : vector<16xi32>
    %swap3A_425 = arith.constant 0 : index
    %swap3A_426 = tpu.vector_load %arg12[%swap3A_425] {strides = array<i32>} : memref<80xi32, #tpu.memory_space<vmem>>, vector<16xi32>,
    %swap3A_427 = vector.shape_cast %swap3A_426 : vector<16xi32> to vector<16xi32>
    %swap3A_428 = vector.shape_cast %and3A_424 : vector<16xi32> to vector<16xi32>
    tpu.vector_store %arg12[%swap3A_425], %swap3A_428 {strides = array<i32>} : memref<80xi32, #tpu.memory_space<vmem>>, vector<16xi32>,
    %get3A_429 = arith.constant 2 : i32
    %get3A_430 = arith.index_cast %get3A_429 : i32 to index
    %get3A_431 = arith.constant 16 : index
    %get3A_432 = tpu.vector_load %arg6[%get3A_430, %get3A_431] {strides = array<i32>} : memref<125x80xi32, #tpu.memory_space<vmem>>, vector<1x16xi32>,
    %get3A_433 = vector.shape_cast %get3A_432 : vector<1x16xi32> to vector<16xi32>
    %and3A_434 = arith.constant 16383 : i32
    %and3A_435 = vector.broadcast %and3A_434 : i32 to vector<16xi32>
    %and3A_436 = arith.andi %get3A_433, %and3A_435 : vector<16xi32>
    %swap3A_437 = arith.constant 16 : index
    %swap3A_438 = tpu.vector_load %arg12[%swap3A_437] {strides = array<i32>} : memref<80xi32, #tpu.memory_space<vmem>>, vector<16xi32>,
    %swap3A_439 = vector.shape_cast %swap3A_438 : vector<16xi32> to vector<16xi32>
    %swap3A_440 = vector.shape_cast %and3A_436 : vector<16xi32> to vector<16xi32>
    tpu.vector_store %arg12[%swap3A_437], %swap3A_440 {strides = array<i32>} : memref<80xi32, #tpu.memory_space<vmem>>, vector<16xi32>,
    %get3A_441 = arith.constant 2 : i32
    %get3A_442 = arith.index_cast %get3A_441 : i32 to index
    %get3A_443 = arith.constant 32 : index
    %get3A_444 = tpu.vector_load %arg6[%get3A_442, %get3A_443] {strides = array<i32>} : memref<125x80xi32, #tpu.memory_space<vmem>>, vector<1x16xi32>,
    %get3A_445 = vector.shape_cast %get3A_444 : vector<1x16xi32> to vector<16xi32>
    %and3A_446 = arith.constant 16383 : i32
    %and3A_447 = vector.broadcast %and3A_446 : i32 to vector<16xi32>
    %and3A_448 = arith.andi %get3A_445, %and3A_447 : vector<16xi32>
    %swap3A_449 = arith.constant 32 : index
    %swap3A_450 = tpu.vector_load %arg12[%swap3A_449] {strides = array<i32>} : memref<80xi32, #tpu.memory_space<vmem>>, vector<16xi32>,
    %swap3A_451 = vector.shape_cast %swap3A_450 : vector<16xi32> to vector<16xi32>
    %swap3A_452 = vector.shape_cast %and3A_448 : vector<16xi32> to vector<16xi32>
    tpu.vector_store %arg12[%swap3A_449], %swap3A_452 {strides = array<i32>} : memref<80xi32, #tpu.memory_space<vmem>>, vector<16xi32>,
    %get3A_453 = arith.constant 2 : i32
    %get3A_454 = arith.index_cast %get3A_453 : i32 to index
    %get3A_455 = arith.constant 48 : index
    %get3A_456 = tpu.vector_load %arg6[%get3A_454, %get3A_455] {strides = array<i32>} : memref<125x80xi32, #tpu.memory_space<vmem>>, vector<1x16xi32>,
    %get3A_457 = vector.shape_cast %get3A_456 : vector<1x16xi32> to vector<16xi32>
    %and3A_458 = arith.constant 16383 : i32
    %and3A_459 = vector.broadcast %and3A_458 : i32 to vector<16xi32>
    %and3A_460 = arith.andi %get3A_457, %and3A_459 : vector<16xi32>
    %swap3A_461 = arith.constant 48 : index
    %swap3A_462 = tpu.vector_load %arg12[%swap3A_461] {strides = array<i32>} : memref<80xi32, #tpu.memory_space<vmem>>, vector<16xi32>,
    %swap3A_463 = vector.shape_cast %swap3A_462 : vector<16xi32> to vector<16xi32>
    %swap3A_464 = vector.shape_cast %and3A_460 : vector<16xi32> to vector<16xi32>
    tpu.vector_store %arg12[%swap3A_461], %swap3A_464 {strides = array<i32>} : memref<80xi32, #tpu.memory_space<vmem>>, vector<16xi32>,
    %get3A_465 = arith.constant 2 : i32
    %get3A_466 = arith.index_cast %get3A_465 : i32 to index
    %get3A_467 = arith.constant 64 : index
    %get3A_468 = tpu.vector_load %arg6[%get3A_466, %get3A_467] {strides = array<i32>} : memref<125x80xi32, #tpu.memory_space<vmem>>, vector<1x16xi32>,
    %get3A_469 = vector.shape_cast %get3A_468 : vector<1x16xi32> to vector<16xi32>
    %and3A_470 = arith.constant 16383 : i32
    %and3A_471 = vector.broadcast %and3A_470 : i32 to vector<16xi32>
    %and3A_472 = arith.andi %get3A_469, %and3A_471 : vector<16xi32>
    %swap3A_473 = arith.constant 64 : index
    %swap3A_474 = tpu.vector_load %arg12[%swap3A_473] {strides = array<i32>} : memref<80xi32, #tpu.memory_space<vmem>>, vector<16xi32>,
    %swap3A_475 = vector.shape_cast %swap3A_474 : vector<16xi32> to vector<16xi32>
    %swap3A_476 = vector.shape_cast %and3A_472 : vector<16xi32> to vector<16xi32>
    tpu.vector_store %arg12[%swap3A_473], %swap3A_476 {strides = array<i32>} : memref<80xi32, #tpu.memory_space<vmem>>, vector<16xi32>,
    %dma_start3A_477 = arith.constant 0 : i32
    %dma_start3A_478 = arith.constant 0 : i32
    %dma_start3A_479 = tpu.memref_slice %arg17[%dma_start3A_477, %dma_start3A_478] : memref<10000x64xbf16, #tpu.memory_space<vmem_shared>> -> memref<10000x64xbf16, #tpu.memory_space<vmem_shared>>
    tpu.enqueue_indirect_dma source(%dma_start3A_479 : memref<10000x64xbf16, #tpu.memory_space<vmem_shared>>) target(%arg15 : memref<80x64xbf16, #tpu.memory_space<vmem>>) offsets(%arg9 : memref<80xi32, #tpu.memory_space<vmem>>) semaphore(%arg22 : memref<!tpu.dma_semaphore, #tpu.memory_space<semaphore_mem>>)
    %dma_start3A_480 = arith.constant 0 : i32
    %dma_start3A_481 = arith.constant 0 : i32
    %dma_start3A_482 = tpu.memref_slice %arg18[%dma_start3A_480, %dma_start3A_481] : memref<10240x64xbf16, #tpu.memory_space<vmem_shared>> -> memref<10240x64xbf16, #tpu.memory_space<vmem_shared>>
    tpu.enqueue_indirect_dma source(%arg14 : memref<80x64xbf16, #tpu.memory_space<vmem>>) target(%dma_start3A_482 : memref<10240x64xbf16, #tpu.memory_space<vmem_shared>>) offsets(%arg11 : memref<80xi32, #tpu.memory_space<vmem>>) semaphore(%arg24 : memref<!tpu.dma_semaphore, #tpu.memory_space<semaphore_mem>>) {add = true}
    "tpu.region"() ({
      %run_scoped3A = tpu.sem_alloc : memref<!tpu.dma_semaphore, #tpu.memory_space<semaphore_mem>>
      %dma_start3A_802 = arith.constant 0 : i32
      %dma_start3A_803 = arith.constant 0 : i32
      %dma_start3A_804 = tpu.memref_slice %arg19[%dma_start3A_802, %dma_start3A_803] : memref<10240x16xf32, #tpu.memory_space<vmem_shared>> -> memref<10240x16xf32, #tpu.memory_space<vmem_shared>>
      tpu.enqueue_indirect_dma source(%arg16 : memref<80x16xf32, #tpu.memory_space<vmem>>) target(%dma_start3A_804 : memref<10240x16xf32, #tpu.memory_space<vmem_shared>>) offsets(%arg11 : memref<80xi32, #tpu.memory_space<vmem>>) semaphore(%run_scoped3A : memref<!tpu.dma_semaphore, #tpu.memory_space<semaphore_mem>>) {add = true}
      %dma_wait3A_805 = arith.constant 0 : i32
      %dma_wait3A_806 = arith.constant 0 : i32
      %dma_wait3A_807 = tpu.memref_slice %arg19[%dma_wait3A_805, %dma_wait3A_806] : memref<10240x16xf32, #tpu.memory_space<vmem_shared>> -> memref<10240x16xf32, #tpu.memory_space<vmem_shared>>
      tpu.wait_indirect_dma semaphore(%run_scoped3A : memref<!tpu.dma_semaphore, #tpu.memory_space<semaphore_mem>>) src(%arg16 : memref<80x16xf32, #tpu.memory_space<vmem>>) dst(%dma_wait3A_807 : memref<10240x16xf32, #tpu.memory_space<vmem_shared>>)
      tpu.yield
    }) : () -> ()
    %scan3A_483 = arith.constant 0 : i32
    %scan3A_484 = arith.constant 0 : i32
    %scan3A_485 = arith.constant 40 : i32
    %scan3A_486 = arith.addi %scan3A_484, %scan3A_485 : i32
    %scan3A_487 = arith.constant 1 : i32
    %scan3A_488 = scf.for %scan3A_802 = %scan3A_484 to %scan3A_486 step %scan3A_487 iter_args(%scan3A_803 = %scan3A_483) -> (i32)  : i32 {
      %mul3A_804 = arith.constant 3 : i32
      %mul3A_805 = arith.muli %mul3A_804, %scan3A_802 : i32
      %add3A_806 = arith.constant 2 : i32
      %add3A_807 = arith.addi %mul3A_805, %add3A_806 : i32
      %dma_wait3A_808 = arith.constant 0 : i32
      %dma_wait3A_809 = arith.constant 0 : i32
      %dma_wait3A_810 = tpu.memref_slice %arg17[%dma_wait3A_808, %dma_wait3A_809] : memref<10000x64xbf16, #tpu.memory_space<vmem_shared>> -> memref<10000x64xbf16, #tpu.memory_space<vmem_shared>>
      tpu.wait_indirect_dma semaphore(%arg22 : memref<!tpu.dma_semaphore, #tpu.memory_space<semaphore_mem>>) src(%dma_wait3A_810 : memref<10000x64xbf16, #tpu.memory_space<vmem_shared>>) dst(%arg15 : memref<80x64xbf16, #tpu.memory_space<vmem>>)
      %dma_wait3A_811 = arith.constant 0 : i32
      %dma_wait3A_812 = arith.constant 0 : i32
      %dma_wait3A_813 = tpu.memref_slice %arg18[%dma_wait3A_811, %dma_wait3A_812] : memref<10240x64xbf16, #tpu.memory_space<vmem_shared>> -> memref<10240x64xbf16, #tpu.memory_space<vmem_shared>>
      tpu.wait_indirect_dma semaphore(%arg23 : memref<!tpu.dma_semaphore, #tpu.memory_space<semaphore_mem>>) src(%arg13 : memref<80x64xbf16, #tpu.memory_space<vmem>>) dst(%dma_wait3A_813 : memref<10240x64xbf16, #tpu.memory_space<vmem_shared>>)
      %add3A_814 = arith.constant 0 : i32
      %add3A_815 = arith.addi %add3A_807, %add3A_814 : i32
      %add3A_816 = arith.constant 1 : i32
      %add3A_817 = arith.addi %add3A_815, %add3A_816 : i32
      %get3A_818 = arith.index_cast %add3A_817 : i32 to index
      %get3A_819 = arith.constant 0 : index
      %get3A_820 = tpu.vector_load %arg6[%get3A_818, %get3A_819] {strides = array<i32>} : memref<125x80xi32, #tpu.memory_space<vmem>>, vector<1x16xi32>,
      %get3A_821 = vector.shape_cast %get3A_820 : vector<1x16xi32> to vector<16xi32>
      %shift_right_logical3A_822 = arith.constant 14 : i32
      %shift_right_logical3A_823 = vector.broadcast %shift_right_logical3A_822 : i32 to vector<16xi32>
      %shift_right_logical3A_824 = arith.shrui %get3A_821, %shift_right_logical3A_823 : vector<16xi32>
      %swap3A_825 = arith.constant 0 : index
      %swap3A_826 = tpu.vector_load %arg7[%swap3A_825] {strides = array<i32>} : memref<80xi32, #tpu.memory_space<vmem>>, vector<16xi32>,
      %swap3A_827 = vector.shape_cast %swap3A_826 : vector<16xi32> to vector<16xi32>
      %swap3A_828 = vector.shape_cast %shift_right_logical3A_824 : vector<16xi32> to vector<16xi32>
      tpu.vector_store %arg7[%swap3A_825], %swap3A_828 {strides = array<i32>} : memref<80xi32, #tpu.memory_space<vmem>>, vector<16xi32>,
      %get3A_829 = arith.index_cast %add3A_817 : i32 to index
      %get3A_830 = arith.constant 16 : index
      %get3A_831 = tpu.vector_load %arg6[%get3A_829, %get3A_830] {strides = array<i32>} : memref<125x80xi32, #tpu.memory_space<vmem>>, vector<1x16xi32>,
      %get3A_832 = vector.shape_cast %get3A_831 : vector<1x16xi32> to vector<16xi32>
      %shift_right_logical3A_833 = arith.constant 14 : i32
      %shift_right_logical3A_834 = vector.broadcast %shift_right_logical3A_833 : i32 to vector<16xi32>
      %shift_right_logical3A_835 = arith.shrui %get3A_832, %shift_right_logical3A_834 : vector<16xi32>
      %swap3A_836 = arith.constant 16 : index
      %swap3A_837 = tpu.vector_load %arg7[%swap3A_836] {strides = array<i32>} : memref<80xi32, #tpu.memory_space<vmem>>, vector<16xi32>,
      %swap3A_838 = vector.shape_cast %swap3A_837 : vector<16xi32> to vector<16xi32>
      %swap3A_839 = vector.shape_cast %shift_right_logical3A_835 : vector<16xi32> to vector<16xi32>
      tpu.vector_store %arg7[%swap3A_836], %swap3A_839 {strides = array<i32>} : memref<80xi32, #tpu.memory_space<vmem>>, vector<16xi32>,
      %get3A_840 = arith.index_cast %add3A_817 : i32 to index
      %get3A_841 = arith.constant 32 : index
      %get3A_842 = tpu.vector_load %arg6[%get3A_840, %get3A_841] {strides = array<i32>} : memref<125x80xi32, #tpu.memory_space<vmem>>, vector<1x16xi32>,
      %get3A_843 = vector.shape_cast %get3A_842 : vector<1x16xi32> to vector<16xi32>
      %shift_right_logical3A_844 = arith.constant 14 : i32
      %shift_right_logical3A_845 = vector.broadcast %shift_right_logical3A_844 : i32 to vector<16xi32>
      %shift_right_logical3A_846 = arith.shrui %get3A_843, %shift_right_logical3A_845 : vector<16xi32>
      %swap3A_847 = arith.constant 32 : index
      %swap3A_848 = tpu.vector_load %arg7[%swap3A_847] {strides = array<i32>} : memref<80xi32, #tpu.memory_space<vmem>>, vector<16xi32>,
      %swap3A_849 = vector.shape_cast %swap3A_848 : vector<16xi32> to vector<16xi32>
      %swap3A_850 = vector.shape_cast %shift_right_logical3A_846 : vector<16xi32> to vector<16xi32>
      tpu.vector_store %arg7[%swap3A_847], %swap3A_850 {strides = array<i32>} : memref<80xi32, #tpu.memory_space<vmem>>, vector<16xi32>,
      %get3A_851 = arith.index_cast %add3A_817 : i32 to index
      %get3A_852 = arith.constant 48 : index
      %get3A_853 = tpu.vector_load %arg6[%get3A_851, %get3A_852] {strides = array<i32>} : memref<125x80xi32, #tpu.memory_space<vmem>>, vector<1x16xi32>,
      %get3A_854 = vector.shape_cast %get3A_853 : vector<1x16xi32> to vector<16xi32>
      %shift_right_logical3A_855 = arith.constant 14 : i32
      %shift_right_logical3A_856 = vector.broadcast %shift_right_logical3A_855 : i32 to vector<16xi32>
      %shift_right_logical3A_857 = arith.shrui %get3A_854, %shift_right_logical3A_856 : vector<16xi32>
      %swap3A_858 = arith.constant 48 : index
      %swap3A_859 = tpu.vector_load %arg7[%swap3A_858] {strides = array<i32>} : memref<80xi32, #tpu.memory_space<vmem>>, vector<16xi32>,
      %swap3A_860 = vector.shape_cast %swap3A_859 : vector<16xi32> to vector<16xi32>
      %swap3A_861 = vector.shape_cast %shift_right_logical3A_857 : vector<16xi32> to vector<16xi32>
      tpu.vector_store %arg7[%swap3A_858], %swap3A_861 {strides = array<i32>} : memref<80xi32, #tpu.memory_space<vmem>>, vector<16xi32>,
      %get3A_862 = arith.index_cast %add3A_817 : i32 to index
      %get3A_863 = arith.constant 64 : index
      %get3A_864 = tpu.vector_load %arg6[%get3A_862, %get3A_863] {strides = array<i32>} : memref<125x80xi32, #tpu.memory_space<vmem>>, vector<1x16xi32>,
      %get3A_865 = vector.shape_cast %get3A_864 : vector<1x16xi32> to vector<16xi32>
      %shift_right_logical3A_866 = arith.constant 14 : i32
      %shift_right_logical3A_867 = vector.broadcast %shift_right_logical3A_866 : i32 to vector<16xi32>
      %shift_right_logical3A_868 = arith.shrui %get3A_865, %shift_right_logical3A_867 : vector<16xi32>
      %swap3A_869 = arith.constant 64 : index
      %swap3A_870 = tpu.vector_load %arg7[%swap3A_869] {strides = array<i32>} : memref<80xi32, #tpu.memory_space<vmem>>, vector<16xi32>,
      %swap3A_871 = vector.shape_cast %swap3A_870 : vector<16xi32> to vector<16xi32>
      %swap3A_872 = vector.shape_cast %shift_right_logical3A_868 : vector<16xi32> to vector<16xi32>
      tpu.vector_store %arg7[%swap3A_869], %swap3A_872 {strides = array<i32>} : memref<80xi32, #tpu.memory_space<vmem>>, vector<16xi32>,
      %add3A_873 = arith.constant 0 : i32
      %add3A_874 = arith.addi %add3A_807, %add3A_873 : i32
      %add3A_875 = arith.constant 1 : i32
      %add3A_876 = arith.addi %add3A_874, %add3A_875 : i32
      %get3A_877 = arith.index_cast %add3A_876 : i32 to index
      %get3A_878 = arith.constant 0 : index
      %get3A_879 = tpu.vector_load %arg6[%get3A_877, %get3A_878] {strides = array<i32>} : memref<125x80xi32, #tpu.memory_space<vmem>>, vector<1x16xi32>,
      %get3A_880 = vector.shape_cast %get3A_879 : vector<1x16xi32> to vector<16xi32>
      %and3A_881 = arith.constant 16383 : i32
      %and3A_882 = vector.broadcast %and3A_881 : i32 to vector<16xi32>
      %and3A_883 = arith.andi %get3A_880, %and3A_882 : vector<16xi32>
      %swap3A_884 = arith.constant 0 : index
      %swap3A_885 = tpu.vector_load %arg10[%swap3A_884] {strides = array<i32>} : memref<80xi32, #tpu.memory_space<vmem>>, vector<16xi32>,
      %swap3A_886 = vector.shape_cast %swap3A_885 : vector<16xi32> to vector<16xi32>
      %swap3A_887 = vector.shape_cast %and3A_883 : vector<16xi32> to vector<16xi32>
      tpu.vector_store %arg10[%swap3A_884], %swap3A_887 {strides = array<i32>} : memref<80xi32, #tpu.memory_space<vmem>>, vector<16xi32>,
      %get3A_888 = arith.index_cast %add3A_876 : i32 to index
      %get3A_889 = arith.constant 16 : index
      %get3A_890 = tpu.vector_load %arg6[%get3A_888, %get3A_889] {strides = array<i32>} : memref<125x80xi32, #tpu.memory_space<vmem>>, vector<1x16xi32>,
      %get3A_891 = vector.shape_cast %get3A_890 : vector<1x16xi32> to vector<16xi32>
      %and3A_892 = arith.constant 16383 : i32
      %and3A_893 = vector.broadcast %and3A_892 : i32 to vector<16xi32>
      %and3A_894 = arith.andi %get3A_891, %and3A_893 : vector<16xi32>
      %swap3A_895 = arith.constant 16 : index
      %swap3A_896 = tpu.vector_load %arg10[%swap3A_895] {strides = array<i32>} : memref<80xi32, #tpu.memory_space<vmem>>, vector<16xi32>,
      %swap3A_897 = vector.shape_cast %swap3A_896 : vector<16xi32> to vector<16xi32>
      %swap3A_898 = vector.shape_cast %and3A_894 : vector<16xi32> to vector<16xi32>
      tpu.vector_store %arg10[%swap3A_895], %swap3A_898 {strides = array<i32>} : memref<80xi32, #tpu.memory_space<vmem>>, vector<16xi32>,
      %get3A_899 = arith.index_cast %add3A_876 : i32 to index
      %get3A_900 = arith.constant 32 : index
      %get3A_901 = tpu.vector_load %arg6[%get3A_899, %get3A_900] {strides = array<i32>} : memref<125x80xi32, #tpu.memory_space<vmem>>, vector<1x16xi32>,
      %get3A_902 = vector.shape_cast %get3A_901 : vector<1x16xi32> to vector<16xi32>
      %and3A_903 = arith.constant 16383 : i32
      %and3A_904 = vector.broadcast %and3A_903 : i32 to vector<16xi32>
      %and3A_905 = arith.andi %get3A_902, %and3A_904 : vector<16xi32>
      %swap3A_906 = arith.constant 32 : index
      %swap3A_907 = tpu.vector_load %arg10[%swap3A_906] {strides = array<i32>} : memref<80xi32, #tpu.memory_space<vmem>>, vector<16xi32>,
      %swap3A_908 = vector.shape_cast %swap3A_907 : vector<16xi32> to vector<16xi32>
      %swap3A_909 = vector.shape_cast %and3A_905 : vector<16xi32> to vector<16xi32>
      tpu.vector_store %arg10[%swap3A_906], %swap3A_909 {strides = array<i32>} : memref<80xi32, #tpu.memory_space<vmem>>, vector<16xi32>,
      %get3A_910 = arith.index_cast %add3A_876 : i32 to index
      %get3A_911 = arith.constant 48 : index
      %get3A_912 = tpu.vector_load %arg6[%get3A_910, %get3A_911] {strides = array<i32>} : memref<125x80xi32, #tpu.memory_space<vmem>>, vector<1x16xi32>,
      %get3A_913 = vector.shape_cast %get3A_912 : vector<1x16xi32> to vector<16xi32>
      %and3A_914 = arith.constant 16383 : i32
      %and3A_915 = vector.broadcast %and3A_914 : i32 to vector<16xi32>
      %and3A_916 = arith.andi %get3A_913, %and3A_915 : vector<16xi32>
      %swap3A_917 = arith.constant 48 : index
      %swap3A_918 = tpu.vector_load %arg10[%swap3A_917] {strides = array<i32>} : memref<80xi32, #tpu.memory_space<vmem>>, vector<16xi32>,
      %swap3A_919 = vector.shape_cast %swap3A_918 : vector<16xi32> to vector<16xi32>
      %swap3A_920 = vector.shape_cast %and3A_916 : vector<16xi32> to vector<16xi32>
      tpu.vector_store %arg10[%swap3A_917], %swap3A_920 {strides = array<i32>} : memref<80xi32, #tpu.memory_space<vmem>>, vector<16xi32>,
      %get3A_921 = arith.index_cast %add3A_876 : i32 to index
      %get3A_922 = arith.constant 64 : index
      %get3A_923 = tpu.vector_load %arg6[%get3A_921, %get3A_922] {strides = array<i32>} : memref<125x80xi32, #tpu.memory_space<vmem>>, vector<1x16xi32>,
      %get3A_924 = vector.shape_cast %get3A_923 : vector<1x16xi32> to vector<16xi32>
      %and3A_925 = arith.constant 16383 : i32
      %and3A_926 = vector.broadcast %and3A_925 : i32 to vector<16xi32>
      %and3A_927 = arith.andi %get3A_924, %and3A_926 : vector<16xi32>
      %swap3A_928 = arith.constant 64 : index
      %swap3A_929 = tpu.vector_load %arg10[%swap3A_928] {strides = array<i32>} : memref<80xi32, #tpu.memory_space<vmem>>, vector<16xi32>,
      %swap3A_930 = vector.shape_cast %swap3A_929 : vector<16xi32> to vector<16xi32>
      %swap3A_931 = vector.shape_cast %and3A_927 : vector<16xi32> to vector<16xi32>
      tpu.vector_store %arg10[%swap3A_928], %swap3A_931 {strides = array<i32>} : memref<80xi32, #tpu.memory_space<vmem>>, vector<16xi32>,
      %add3A_932 = arith.constant 0 : i32
      %add3A_933 = arith.addi %add3A_807, %add3A_932 : i32
      %add3A_934 = arith.constant 1 : i32
      %add3A_935 = arith.addi %add3A_933, %add3A_934 : i32
      %dma_start3A_936 = arith.constant 0 : i32
      %dma_start3A_937 = arith.constant 0 : i32
      %dma_start3A_938 = tpu.memref_slice %arg17[%dma_start3A_936, %dma_start3A_937] : memref<10000x64xbf16, #tpu.memory_space<vmem_shared>> -> memref<10000x64xbf16, #tpu.memory_space<vmem_shared>>
      tpu.enqueue_indirect_dma source(%dma_start3A_938 : memref<10000x64xbf16, #tpu.memory_space<vmem_shared>>) target(%arg13 : memref<80x64xbf16, #tpu.memory_space<vmem>>) offsets(%arg7 : memref<80xi32, #tpu.memory_space<vmem>>) semaphore(%arg20 : memref<!tpu.dma_semaphore, #tpu.memory_space<semaphore_mem>>)
      %dma_start3A_939 = arith.constant 0 : i32
      %dma_start3A_940 = arith.constant 0 : i32
      %dma_start3A_941 = tpu.memref_slice %arg18[%dma_start3A_939, %dma_start3A_940] : memref<10240x64xbf16, #tpu.memory_space<vmem_shared>> -> memref<10240x64xbf16, #tpu.memory_space<vmem_shared>>
      tpu.enqueue_indirect_dma source(%arg15 : memref<80x64xbf16, #tpu.memory_space<vmem>>) target(%dma_start3A_941 : memref<10240x64xbf16, #tpu.memory_space<vmem_shared>>) offsets(%arg12 : memref<80xi32, #tpu.memory_space<vmem>>) semaphore(%arg25 : memref<!tpu.dma_semaphore, #tpu.memory_space<semaphore_mem>>) {add = true}
      "tpu.region"() ({
        %run_scoped3A = tpu.sem_alloc : memref<!tpu.dma_semaphore, #tpu.memory_space<semaphore_mem>>
        %dma_start3A_1211 = arith.constant 0 : i32
        %dma_start3A_1212 = arith.constant 0 : i32
        %dma_start3A_1213 = tpu.memref_slice %arg19[%dma_start3A_1211, %dma_start3A_1212] : memref<10240x16xf32, #tpu.memory_space<vmem_shared>> -> memref<10240x16xf32, #tpu.memory_space<vmem_shared>>
        tpu.enqueue_indirect_dma source(%arg16 : memref<80x16xf32, #tpu.memory_space<vmem>>) target(%dma_start3A_1213 : memref<10240x16xf32, #tpu.memory_space<vmem_shared>>) offsets(%arg12 : memref<80xi32, #tpu.memory_space<vmem>>) semaphore(%run_scoped3A : memref<!tpu.dma_semaphore, #tpu.memory_space<semaphore_mem>>) {add = true}
        %dma_wait3A_1214 = arith.constant 0 : i32
        %dma_wait3A_1215 = arith.constant 0 : i32
        %dma_wait3A_1216 = tpu.memref_slice %arg19[%dma_wait3A_1214, %dma_wait3A_1215] : memref<10240x16xf32, #tpu.memory_space<vmem_shared>> -> memref<10240x16xf32, #tpu.memory_space<vmem_shared>>
        tpu.wait_indirect_dma semaphore(%run_scoped3A : memref<!tpu.dma_semaphore, #tpu.memory_space<semaphore_mem>>) src(%arg16 : memref<80x16xf32, #tpu.memory_space<vmem>>) dst(%dma_wait3A_1216 : memref<10240x16xf32, #tpu.memory_space<vmem_shared>>)
        tpu.yield
      }) : () -> ()
      %dma_wait3A_942 = arith.constant 0 : i32
      %dma_wait3A_943 = arith.constant 0 : i32
      %dma_wait3A_944 = tpu.memref_slice %arg17[%dma_wait3A_942, %dma_wait3A_943] : memref<10000x64xbf16, #tpu.memory_space<vmem_shared>> -> memref<10000x64xbf16, #tpu.memory_space<vmem_shared>>
      tpu.wait_indirect_dma semaphore(%arg20 : memref<!tpu.dma_semaphore, #tpu.memory_space<semaphore_mem>>) src(%dma_wait3A_944 : memref<10000x64xbf16, #tpu.memory_space<vmem_shared>>) dst(%arg13 : memref<80x64xbf16, #tpu.memory_space<vmem>>)
      %dma_wait3A_945 = arith.constant 0 : i32
      %dma_wait3A_946 = arith.constant 0 : i32
      %dma_wait3A_947 = tpu.memref_slice %arg18[%dma_wait3A_945, %dma_wait3A_946] : memref<10240x64xbf16, #tpu.memory_space<vmem_shared>> -> memref<10240x64xbf16, #tpu.memory_space<vmem_shared>>
      tpu.wait_indirect_dma semaphore(%arg24 : memref<!tpu.dma_semaphore, #tpu.memory_space<semaphore_mem>>) src(%arg14 : memref<80x64xbf16, #tpu.memory_space<vmem>>) dst(%dma_wait3A_947 : memref<10240x64xbf16, #tpu.memory_space<vmem_shared>>)
      %add3A_948 = arith.constant 1 : i32
      %add3A_949 = arith.addi %add3A_807, %add3A_948 : i32
      %add3A_950 = arith.constant 1 : i32
      %add3A_951 = arith.addi %add3A_949, %add3A_950 : i32
      %get3A_952 = arith.index_cast %add3A_951 : i32 to index
      %get3A_953 = arith.constant 0 : index
      %get3A_954 = tpu.vector_load %arg6[%get3A_952, %get3A_953] {strides = array<i32>} : memref<125x80xi32, #tpu.memory_space<vmem>>, vector<1x16xi32>,
      %get3A_955 = vector.shape_cast %get3A_954 : vector<1x16xi32> to vector<16xi32>
      %shift_right_logical3A_956 = arith.constant 14 : i32
      %shift_right_logical3A_957 = vector.broadcast %shift_right_logical3A_956 : i32 to vector<16xi32>
      %shift_right_logical3A_958 = arith.shrui %get3A_955, %shift_right_logical3A_957 : vector<16xi32>
      %swap3A_959 = arith.constant 0 : index
      %swap3A_960 = tpu.vector_load %arg8[%swap3A_959] {strides = array<i32>} : memref<80xi32, #tpu.memory_space<vmem>>, vector<16xi32>,
      %swap3A_961 = vector.shape_cast %swap3A_960 : vector<16xi32> to vector<16xi32>
      %swap3A_962 = vector.shape_cast %shift_right_logical3A_958 : vector<16xi32> to vector<16xi32>
      tpu.vector_store %arg8[%swap3A_959], %swap3A_962 {strides = array<i32>} : memref<80xi32, #tpu.memory_space<vmem>>, vector<16xi32>,
      %get3A_963 = arith.index_cast %add3A_951 : i32 to index
      %get3A_964 = arith.constant 16 : index
      %get3A_965 = tpu.vector_load %arg6[%get3A_963, %get3A_964] {strides = array<i32>} : memref<125x80xi32, #tpu.memory_space<vmem>>, vector<1x16xi32>,
      %get3A_966 = vector.shape_cast %get3A_965 : vector<1x16xi32> to vector<16xi32>
      %shift_right_logical3A_967 = arith.constant 14 : i32
      %shift_right_logical3A_968 = vector.broadcast %shift_right_logical3A_967 : i32 to vector<16xi32>
      %shift_right_logical3A_969 = arith.shrui %get3A_966, %shift_right_logical3A_968 : vector<16xi32>
      %swap3A_970 = arith.constant 16 : index
      %swap3A_971 = tpu.vector_load %arg8[%swap3A_970] {strides = array<i32>} : memref<80xi32, #tpu.memory_space<vmem>>, vector<16xi32>,
      %swap3A_972 = vector.shape_cast %swap3A_971 : vector<16xi32> to vector<16xi32>
      %swap3A_973 = vector.shape_cast %shift_right_logical3A_969 : vector<16xi32> to vector<16xi32>
      tpu.vector_store %arg8[%swap3A_970], %swap3A_973 {strides = array<i32>} : memref<80xi32, #tpu.memory_space<vmem>>, vector<16xi32>,
      %get3A_974 = arith.index_cast %add3A_951 : i32 to index
      %get3A_975 = arith.constant 32 : index
      %get3A_976 = tpu.vector_load %arg6[%get3A_974, %get3A_975] {strides = array<i32>} : memref<125x80xi32, #tpu.memory_space<vmem>>, vector<1x16xi32>,
      %get3A_977 = vector.shape_cast %get3A_976 : vector<1x16xi32> to vector<16xi32>
      %shift_right_logical3A_978 = arith.constant 14 : i32
      %shift_right_logical3A_979 = vector.broadcast %shift_right_logical3A_978 : i32 to vector<16xi32>
      %shift_right_logical3A_980 = arith.shrui %get3A_977, %shift_right_logical3A_979 : vector<16xi32>
      %swap3A_981 = arith.constant 32 : index
      %swap3A_982 = tpu.vector_load %arg8[%swap3A_981] {strides = array<i32>} : memref<80xi32, #tpu.memory_space<vmem>>, vector<16xi32>,
      %swap3A_983 = vector.shape_cast %swap3A_982 : vector<16xi32> to vector<16xi32>
      %swap3A_984 = vector.shape_cast %shift_right_logical3A_980 : vector<16xi32> to vector<16xi32>
      tpu.vector_store %arg8[%swap3A_981], %swap3A_984 {strides = array<i32>} : memref<80xi32, #tpu.memory_space<vmem>>, vector<16xi32>,
      %get3A_985 = arith.index_cast %add3A_951 : i32 to index
      %get3A_986 = arith.constant 48 : index
      %get3A_987 = tpu.vector_load %arg6[%get3A_985, %get3A_986] {strides = array<i32>} : memref<125x80xi32, #tpu.memory_space<vmem>>, vector<1x16xi32>,
      %get3A_988 = vector.shape_cast %get3A_987 : vector<1x16xi32> to vector<16xi32>
      %shift_right_logical3A_989 = arith.constant 14 : i32
      %shift_right_logical3A_990 = vector.broadcast %shift_right_logical3A_989 : i32 to vector<16xi32>
      %shift_right_logical3A_991 = arith.shrui %get3A_988, %shift_right_logical3A_990 : vector<16xi32>
      %swap3A_992 = arith.constant 48 : index
      %swap3A_993 = tpu.vector_load %arg8[%swap3A_992] {strides = array<i32>} : memref<80xi32, #tpu.memory_space<vmem>>, vector<16xi32>,
      %swap3A_994 = vector.shape_cast %swap3A_993 : vector<16xi32> to vector<16xi32>
      %swap3A_995 = vector.shape_cast %shift_right_logical3A_991 : vector<16xi32> to vector<16xi32>
      tpu.vector_store %arg8[%swap3A_992], %swap3A_995 {strides = array<i32>} : memref<80xi32, #tpu.memory_space<vmem>>, vector<16xi32>,
      %get3A_996 = arith.index_cast %add3A_951 : i32 to index
      %get3A_997 = arith.constant 64 : index
      %get3A_998 = tpu.vector_load %arg6[%get3A_996, %get3A_997] {strides = array<i32>} : memref<125x80xi32, #tpu.memory_space<vmem>>, vector<1x16xi32>,
      %get3A_999 = vector.shape_cast %get3A_998 : vector<1x16xi32> to vector<16xi32>
      %shift_right_logical3A_1000 = arith.constant 14 : i32
      %shift_right_logical3A_1001 = vector.broadcast %shift_right_logical3A_1000 : i32 to vector<16xi32>
      %shift_right_logical3A_1002 = arith.shrui %get3A_999, %shift_right_logical3A_1001 : vector<16xi32>
      %swap3A_1003 = arith.constant 64 : index
      %swap3A_1004 = tpu.vector_load %arg8[%swap3A_1003] {strides = array<i32>} : memref<80xi32, #tpu.memory_space<vmem>>, vector<16xi32>,
      %swap3A_1005 = vector.shape_cast %swap3A_1004 : vector<16xi32> to vector<16xi32>
      %swap3A_1006 = vector.shape_cast %shift_right_logical3A_1002 : vector<16xi32> to vector<16xi32>
      tpu.vector_store %arg8[%swap3A_1003], %swap3A_1006 {strides = array<i32>} : memref<80xi32, #tpu.memory_space<vmem>>, vector<16xi32>,
      %add3A_1007 = arith.constant 1 : i32
      %add3A_1008 = arith.addi %add3A_807, %add3A_1007 : i32
      %add3A_1009 = arith.constant 1 : i32
      %add3A_1010 = arith.addi %add3A_1008, %add3A_1009 : i32
      %get3A_1011 = arith.index_cast %add3A_1010 : i32 to index
      %get3A_1012 = arith.constant 0 : index
      %get3A_1013 = tpu.vector_load %arg6[%get3A_1011, %get3A_1012] {strides = array<i32>} : memref<125x80xi32, #tpu.memory_space<vmem>>, vector<1x16xi32>,
      %get3A_1014 = vector.shape_cast %get3A_1013 : vector<1x16xi32> to vector<16xi32>
      %and3A_1015 = arith.constant 16383 : i32
      %and3A_1016 = vector.broadcast %and3A_1015 : i32 to vector<16xi32>
      %and3A_1017 = arith.andi %get3A_1014, %and3A_1016 : vector<16xi32>
      %swap3A_1018 = arith.constant 0 : index
      %swap3A_1019 = tpu.vector_load %arg11[%swap3A_1018] {strides = array<i32>} : memref<80xi32, #tpu.memory_space<vmem>>, vector<16xi32>,
      %swap3A_1020 = vector.shape_cast %swap3A_1019 : vector<16xi32> to vector<16xi32>
      %swap3A_1021 = vector.shape_cast %and3A_1017 : vector<16xi32> to vector<16xi32>
      tpu.vector_store %arg11[%swap3A_1018], %swap3A_1021 {strides = array<i32>} : memref<80xi32, #tpu.memory_space<vmem>>, vector<16xi32>,
      %get3A_1022 = arith.index_cast %add3A_1010 : i32 to index
      %get3A_1023 = arith.constant 16 : index
      %get3A_1024 = tpu.vector_load %arg6[%get3A_1022, %get3A_1023] {strides = array<i32>} : memref<125x80xi32, #tpu.memory_space<vmem>>, vector<1x16xi32>,
      %get3A_1025 = vector.shape_cast %get3A_1024 : vector<1x16xi32> to vector<16xi32>
      %and3A_1026 = arith.constant 16383 : i32
      %and3A_1027 = vector.broadcast %and3A_1026 : i32 to vector<16xi32>
      %and3A_1028 = arith.andi %get3A_1025, %and3A_1027 : vector<16xi32>
      %swap3A_1029 = arith.constant 16 : index
      %swap3A_1030 = tpu.vector_load %arg11[%swap3A_1029] {strides = array<i32>} : memref<80xi32, #tpu.memory_space<vmem>>, vector<16xi32>,
      %swap3A_1031 = vector.shape_cast %swap3A_1030 : vector<16xi32> to vector<16xi32>
      %swap3A_1032 = vector.shape_cast %and3A_1028 : vector<16xi32> to vector<16xi32>
      tpu.vector_store %arg11[%swap3A_1029], %swap3A_1032 {strides = array<i32>} : memref<80xi32, #tpu.memory_space<vmem>>, vector<16xi32>,
      %get3A_1033 = arith.index_cast %add3A_1010 : i32 to index
      %get3A_1034 = arith.constant 32 : index
      %get3A_1035 = tpu.vector_load %arg6[%get3A_1033, %get3A_1034] {strides = array<i32>} : memref<125x80xi32, #tpu.memory_space<vmem>>, vector<1x16xi32>,
      %get3A_1036 = vector.shape_cast %get3A_1035 : vector<1x16xi32> to vector<16xi32>
      %and3A_1037 = arith.constant 16383 : i32
      %and3A_1038 = vector.broadcast %and3A_1037 : i32 to vector<16xi32>
      %and3A_1039 = arith.andi %get3A_1036, %and3A_1038 : vector<16xi32>
      %swap3A_1040 = arith.constant 32 : index
      %swap3A_1041 = tpu.vector_load %arg11[%swap3A_1040] {strides = array<i32>} : memref<80xi32, #tpu.memory_space<vmem>>, vector<16xi32>,
      %swap3A_1042 = vector.shape_cast %swap3A_1041 : vector<16xi32> to vector<16xi32>
      %swap3A_1043 = vector.shape_cast %and3A_1039 : vector<16xi32> to vector<16xi32>
      tpu.vector_store %arg11[%swap3A_1040], %swap3A_1043 {strides = array<i32>} : memref<80xi32, #tpu.memory_space<vmem>>, vector<16xi32>,
      %get3A_1044 = arith.index_cast %add3A_1010 : i32 to index
      %get3A_1045 = arith.constant 48 : index
      %get3A_1046 = tpu.vector_load %arg6[%get3A_1044, %get3A_1045] {strides = array<i32>} : memref<125x80xi32, #tpu.memory_space<vmem>>, vector<1x16xi32>,
      %get3A_1047 = vector.shape_cast %get3A_1046 : vector<1x16xi32> to vector<16xi32>
      %and3A_1048 = arith.constant 16383 : i32
      %and3A_1049 = vector.broadcast %and3A_1048 : i32 to vector<16xi32>
      %and3A_1050 = arith.andi %get3A_1047, %and3A_1049 : vector<16xi32>
      %swap3A_1051 = arith.constant 48 : index
      %swap3A_1052 = tpu.vector_load %arg11[%swap3A_1051] {strides = array<i32>} : memref<80xi32, #tpu.memory_space<vmem>>, vector<16xi32>,
      %swap3A_1053 = vector.shape_cast %swap3A_1052 : vector<16xi32> to vector<16xi32>
      %swap3A_1054 = vector.shape_cast %and3A_1050 : vector<16xi32> to vector<16xi32>
      tpu.vector_store %arg11[%swap3A_1051], %swap3A_1054 {strides = array<i32>} : memref<80xi32, #tpu.memory_space<vmem>>, vector<16xi32>,
      %get3A_1055 = arith.index_cast %add3A_1010 : i32 to index
      %get3A_1056 = arith.constant 64 : index
      %get3A_1057 = tpu.vector_load %arg6[%get3A_1055, %get3A_1056] {strides = array<i32>} : memref<125x80xi32, #tpu.memory_space<vmem>>, vector<1x16xi32>,
      %get3A_1058 = vector.shape_cast %get3A_1057 : vector<1x16xi32> to vector<16xi32>
      %and3A_1059 = arith.constant 16383 : i32
      %and3A_1060 = vector.broadcast %and3A_1059 : i32 to vector<16xi32>
      %and3A_1061 = arith.andi %get3A_1058, %and3A_1060 : vector<16xi32>
      %swap3A_1062 = arith.constant 64 : index
      %swap3A_1063 = tpu.vector_load %arg11[%swap3A_1062] {strides = array<i32>} : memref<80xi32, #tpu.memory_space<vmem>>, vector<16xi32>,
      %swap3A_1064 = vector.shape_cast %swap3A_1063 : vector<16xi32> to vector<16xi32>
      %swap3A_1065 = vector.shape_cast %and3A_1061 : vector<16xi32> to vector<16xi32>
      tpu.vector_store %arg11[%swap3A_1062], %swap3A_1065 {strides = array<i32>} : memref<80xi32, #tpu.memory_space<vmem>>, vector<16xi32>,
      %add3A_1066 = arith.constant 1 : i32
      %add3A_1067 = arith.addi %add3A_807, %add3A_1066 : i32
      %add3A_1068 = arith.constant 1 : i32
      %add3A_1069 = arith.addi %add3A_1067, %add3A_1068 : i32
      %dma_start3A_1070 = arith.constant 0 : i32
      %dma_start3A_1071 = arith.constant 0 : i32
      %dma_start3A_1072 = tpu.memref_slice %arg17[%dma_start3A_1070, %dma_start3A_1071] : memref<10000x64xbf16, #tpu.memory_space<vmem_shared>> -> memref<10000x64xbf16, #tpu.memory_space<vmem_shared>>
      tpu.enqueue_indirect_dma source(%dma_start3A_1072 : memref<10000x64xbf16, #tpu.memory_space<vmem_shared>>) target(%arg14 : memref<80x64xbf16, #tpu.memory_space<vmem>>) offsets(%arg8 : memref<80xi32, #tpu.memory_space<vmem>>) semaphore(%arg21 : memref<!tpu.dma_semaphore, #tpu.memory_space<semaphore_mem>>)
      %dma_start3A_1073 = arith.constant 0 : i32
      %dma_start3A_1074 = arith.constant 0 : i32
      %dma_start3A_1075 = tpu.memref_slice %arg18[%dma_start3A_1073, %dma_start3A_1074] : memref<10240x64xbf16, #tpu.memory_space<vmem_shared>> -> memref<10240x64xbf16, #tpu.memory_space<vmem_shared>>
      tpu.enqueue_indirect_dma source(%arg13 : memref<80x64xbf16, #tpu.memory_space<vmem>>) target(%dma_start3A_1075 : memref<10240x64xbf16, #tpu.memory_space<vmem_shared>>) offsets(%arg10 : memref<80xi32, #tpu.memory_space<vmem>>) semaphore(%arg23 : memref<!tpu.dma_semaphore, #tpu.memory_space<semaphore_mem>>) {add = true}
      "tpu.region"() ({
        %run_scoped3A = tpu.sem_alloc : memref<!tpu.dma_semaphore, #tpu.memory_space<semaphore_mem>>
        %dma_start3A_1211 = arith.constant 0 : i32
        %dma_start3A_1212 = arith.constant 0 : i32
        %dma_start3A_1213 = tpu.memref_slice %arg19[%dma_start3A_1211, %dma_start3A_1212] : memref<10240x16xf32, #tpu.memory_space<vmem_shared>> -> memref<10240x16xf32, #tpu.memory_space<vmem_shared>>
        tpu.enqueue_indirect_dma source(%arg16 : memref<80x16xf32, #tpu.memory_space<vmem>>) target(%dma_start3A_1213 : memref<10240x16xf32, #tpu.memory_space<vmem_shared>>) offsets(%arg10 : memref<80xi32, #tpu.memory_space<vmem>>) semaphore(%run_scoped3A : memref<!tpu.dma_semaphore, #tpu.memory_space<semaphore_mem>>) {add = true}
        %dma_wait3A_1214 = arith.constant 0 : i32
        %dma_wait3A_1215 = arith.constant 0 : i32
        %dma_wait3A_1216 = tpu.memref_slice %arg19[%dma_wait3A_1214, %dma_wait3A_1215] : memref<10240x16xf32, #tpu.memory_space<vmem_shared>> -> memref<10240x16xf32, #tpu.memory_space<vmem_shared>>
        tpu.wait_indirect_dma semaphore(%run_scoped3A : memref<!tpu.dma_semaphore, #tpu.memory_space<semaphore_mem>>) src(%arg16 : memref<80x16xf32, #tpu.memory_space<vmem>>) dst(%dma_wait3A_1216 : memref<10240x16xf32, #tpu.memory_space<vmem_shared>>)
        tpu.yield
      }) : () -> ()
      %dma_wait3A_1076 = arith.constant 0 : i32
      %dma_wait3A_1077 = arith.constant 0 : i32
      %dma_wait3A_1078 = tpu.memref_slice %arg17[%dma_wait3A_1076, %dma_wait3A_1077] : memref<10000x64xbf16, #tpu.memory_space<vmem_shared>> -> memref<10000x64xbf16, #tpu.memory_space<vmem_shared>>
      tpu.wait_indirect_dma semaphore(%arg21 : memref<!tpu.dma_semaphore, #tpu.memory_space<semaphore_mem>>) src(%dma_wait3A_1078 : memref<10000x64xbf16, #tpu.memory_space<vmem_shared>>) dst(%arg14 : memref<80x64xbf16, #tpu.memory_space<vmem>>)
      %dma_wait3A_1079 = arith.constant 0 : i32
      %dma_wait3A_1080 = arith.constant 0 : i32
      %dma_wait3A_1081 = tpu.memref_slice %arg18[%dma_wait3A_1079, %dma_wait3A_1080] : memref<10240x64xbf16, #tpu.memory_space<vmem_shared>> -> memref<10240x64xbf16, #tpu.memory_space<vmem_shared>>
      tpu.wait_indirect_dma semaphore(%arg25 : memref<!tpu.dma_semaphore, #tpu.memory_space<semaphore_mem>>) src(%arg15 : memref<80x64xbf16, #tpu.memory_space<vmem>>) dst(%dma_wait3A_1081 : memref<10240x64xbf16, #tpu.memory_space<vmem_shared>>)
      %add3A_1082 = arith.constant 2 : i32
      %add3A_1083 = arith.addi %add3A_807, %add3A_1082 : i32
      %add3A_1084 = arith.constant 1 : i32
      %add3A_1085 = arith.addi %add3A_1083, %add3A_1084 : i32
      %get3A_1086 = arith.index_cast %add3A_1085 : i32 to index
      %get3A_1087 = arith.constant 0 : index
      %get3A_1088 = tpu.vector_load %arg6[%get3A_1086, %get3A_1087] {strides = array<i32>} : memref<125x80xi32, #tpu.memory_space<vmem>>, vector<1x16xi32>,
      %get3A_1089 = vector.shape_cast %get3A_1088 : vector<1x16xi32> to vector<16xi32>
      %shift_right_logical3A_1090 = arith.constant 14 : i32
      %shift_right_logical3A_1091 = vector.broadcast %shift_right_logical3A_1090 : i32 to vector<16xi32>
      %shift_right_logical3A_1092 = arith.shrui %get3A_1089, %shift_right_logical3A_1091 : vector<16xi32>
      %swap3A_1093 = arith.constant 0 : index
      %swap3A_1094 = tpu.vector_load %arg9[%swap3A_1093] {strides = array<i32>} : memref<80xi32, #tpu.memory_space<vmem>>, vector<16xi32>,
      %swap3A_1095 = vector.shape_cast %swap3A_1094 : vector<16xi32> to vector<16xi32>
      %swap3A_1096 = vector.shape_cast %shift_right_logical3A_1092 : vector<16xi32> to vector<16xi32>
      tpu.vector_store %arg9[%swap3A_1093], %swap3A_1096 {strides = array<i32>} : memref<80xi32, #tpu.memory_space<vmem>>, vector<16xi32>,
      %get3A_1097 = arith.index_cast %add3A_1085 : i32 to index
      %get3A_1098 = arith.constant 16 : index
      %get3A_1099 = tpu.vector_load %arg6[%get3A_1097, %get3A_1098] {strides = array<i32>} : memref<125x80xi32, #tpu.memory_space<vmem>>, vector<1x16xi32>,
      %get3A_1100 = vector.shape_cast %get3A_1099 : vector<1x16xi32> to vector<16xi32>
      %shift_right_logical3A_1101 = arith.constant 14 : i32
      %shift_right_logical3A_1102 = vector.broadcast %shift_right_logical3A_1101 : i32 to vector<16xi32>
      %shift_right_logical3A_1103 = arith.shrui %get3A_1100, %shift_right_logical3A_1102 : vector<16xi32>
      %swap3A_1104 = arith.constant 16 : index
      %swap3A_1105 = tpu.vector_load %arg9[%swap3A_1104] {strides = array<i32>} : memref<80xi32, #tpu.memory_space<vmem>>, vector<16xi32>,
      %swap3A_1106 = vector.shape_cast %swap3A_1105 : vector<16xi32> to vector<16xi32>
      %swap3A_1107 = vector.shape_cast %shift_right_logical3A_1103 : vector<16xi32> to vector<16xi32>
      tpu.vector_store %arg9[%swap3A_1104], %swap3A_1107 {strides = array<i32>} : memref<80xi32, #tpu.memory_space<vmem>>, vector<16xi32>,
      %get3A_1108 = arith.index_cast %add3A_1085 : i32 to index
      %get3A_1109 = arith.constant 32 : index
      %get3A_1110 = tpu.vector_load %arg6[%get3A_1108, %get3A_1109] {strides = array<i32>} : memref<125x80xi32, #tpu.memory_space<vmem>>, vector<1x16xi32>,
      %get3A_1111 = vector.shape_cast %get3A_1110 : vector<1x16xi32> to vector<16xi32>
      %shift_right_logical3A_1112 = arith.constant 14 : i32
      %shift_right_logical3A_1113 = vector.broadcast %shift_right_logical3A_1112 : i32 to vector<16xi32>
      %shift_right_logical3A_1114 = arith.shrui %get3A_1111, %shift_right_logical3A_1113 : vector<16xi32>
      %swap3A_1115 = arith.constant 32 : index
      %swap3A_1116 = tpu.vector_load %arg9[%swap3A_1115] {strides = array<i32>} : memref<80xi32, #tpu.memory_space<vmem>>, vector<16xi32>,
      %swap3A_1117 = vector.shape_cast %swap3A_1116 : vector<16xi32> to vector<16xi32>
      %swap3A_1118 = vector.shape_cast %shift_right_logical3A_1114 : vector<16xi32> to vector<16xi32>
      tpu.vector_store %arg9[%swap3A_1115], %swap3A_1118 {strides = array<i32>} : memref<80xi32, #tpu.memory_space<vmem>>, vector<16xi32>,
      %get3A_1119 = arith.index_cast %add3A_1085 : i32 to index
      %get3A_1120 = arith.constant 48 : index
      %get3A_1121 = tpu.vector_load %arg6[%get3A_1119, %get3A_1120] {strides = array<i32>} : memref<125x80xi32, #tpu.memory_space<vmem>>, vector<1x16xi32>,
      %get3A_1122 = vector.shape_cast %get3A_1121 : vector<1x16xi32> to vector<16xi32>
      %shift_right_logical3A_1123 = arith.constant 14 : i32
      %shift_right_logical3A_1124 = vector.broadcast %shift_right_logical3A_1123 : i32 to vector<16xi32>
      %shift_right_logical3A_1125 = arith.shrui %get3A_1122, %shift_right_logical3A_1124 : vector<16xi32>
      %swap3A_1126 = arith.constant 48 : index
      %swap3A_1127 = tpu.vector_load %arg9[%swap3A_1126] {strides = array<i32>} : memref<80xi32, #tpu.memory_space<vmem>>, vector<16xi32>,
      %swap3A_1128 = vector.shape_cast %swap3A_1127 : vector<16xi32> to vector<16xi32>
      %swap3A_1129 = vector.shape_cast %shift_right_logical3A_1125 : vector<16xi32> to vector<16xi32>
      tpu.vector_store %arg9[%swap3A_1126], %swap3A_1129 {strides = array<i32>} : memref<80xi32, #tpu.memory_space<vmem>>, vector<16xi32>,
      %get3A_1130 = arith.index_cast %add3A_1085 : i32 to index
      %get3A_1131 = arith.constant 64 : index
      %get3A_1132 = tpu.vector_load %arg6[%get3A_1130, %get3A_1131] {strides = array<i32>} : memref<125x80xi32, #tpu.memory_space<vmem>>, vector<1x16xi32>,
      %get3A_1133 = vector.shape_cast %get3A_1132 : vector<1x16xi32> to vector<16xi32>
      %shift_right_logical3A_1134 = arith.constant 14 : i32
      %shift_right_logical3A_1135 = vector.broadcast %shift_right_logical3A_1134 : i32 to vector<16xi32>
      %shift_right_logical3A_1136 = arith.shrui %get3A_1133, %shift_right_logical3A_1135 : vector<16xi32>
      %swap3A_1137 = arith.constant 64 : index
      %swap3A_1138 = tpu.vector_load %arg9[%swap3A_1137] {strides = array<i32>} : memref<80xi32, #tpu.memory_space<vmem>>, vector<16xi32>,
      %swap3A_1139 = vector.shape_cast %swap3A_1138 : vector<16xi32> to vector<16xi32>
      %swap3A_1140 = vector.shape_cast %shift_right_logical3A_1136 : vector<16xi32> to vector<16xi32>
      tpu.vector_store %arg9[%swap3A_1137], %swap3A_1140 {strides = array<i32>} : memref<80xi32, #tpu.memory_space<vmem>>, vector<16xi32>,
      %add3A_1141 = arith.constant 2 : i32
      %add3A_1142 = arith.addi %add3A_807, %add3A_1141 : i32
      %add3A_1143 = arith.constant 1 : i32
      %add3A_1144 = arith.addi %add3A_1142, %add3A_1143 : i32
      %get3A_1145 = arith.index_cast %add3A_1144 : i32 to index
      %get3A_1146 = arith.constant 0 : index
      %get3A_1147 = tpu.vector_load %arg6[%get3A_1145, %get3A_1146] {strides = array<i32>} : memref<125x80xi32, #tpu.memory_space<vmem>>, vector<1x16xi32>,
      %get3A_1148 = vector.shape_cast %get3A_1147 : vector<1x16xi32> to vector<16xi32>
      %and3A_1149 = arith.constant 16383 : i32
      %and3A_1150 = vector.broadcast %and3A_1149 : i32 to vector<16xi32>
      %and3A_1151 = arith.andi %get3A_1148, %and3A_1150 : vector<16xi32>
      %swap3A_1152 = arith.constant 0 : index
      %swap3A_1153 = tpu.vector_load %arg12[%swap3A_1152] {strides = array<i32>} : memref<80xi32, #tpu.memory_space<vmem>>, vector<16xi32>,
      %swap3A_1154 = vector.shape_cast %swap3A_1153 : vector<16xi32> to vector<16xi32>
      %swap3A_1155 = vector.shape_cast %and3A_1151 : vector<16xi32> to vector<16xi32>
      tpu.vector_store %arg12[%swap3A_1152], %swap3A_1155 {strides = array<i32>} : memref<80xi32, #tpu.memory_space<vmem>>, vector<16xi32>,
      %get3A_1156 = arith.index_cast %add3A_1144 : i32 to index
      %get3A_1157 = arith.constant 16 : index
      %get3A_1158 = tpu.vector_load %arg6[%get3A_1156, %get3A_1157] {strides = array<i32>} : memref<125x80xi32, #tpu.memory_space<vmem>>, vector<1x16xi32>,
      %get3A_1159 = vector.shape_cast %get3A_1158 : vector<1x16xi32> to vector<16xi32>
      %and3A_1160 = arith.constant 16383 : i32
      %and3A_1161 = vector.broadcast %and3A_1160 : i32 to vector<16xi32>
      %and3A_1162 = arith.andi %get3A_1159, %and3A_1161 : vector<16xi32>
      %swap3A_1163 = arith.constant 16 : index
      %swap3A_1164 = tpu.vector_load %arg12[%swap3A_1163] {strides = array<i32>} : memref<80xi32, #tpu.memory_space<vmem>>, vector<16xi32>,
      %swap3A_1165 = vector.shape_cast %swap3A_1164 : vector<16xi32> to vector<16xi32>
      %swap3A_1166 = vector.shape_cast %and3A_1162 : vector<16xi32> to vector<16xi32>
      tpu.vector_store %arg12[%swap3A_1163], %swap3A_1166 {strides = array<i32>} : memref<80xi32, #tpu.memory_space<vmem>>, vector<16xi32>,
      %get3A_1167 = arith.index_cast %add3A_1144 : i32 to index
      %get3A_1168 = arith.constant 32 : index
      %get3A_1169 = tpu.vector_load %arg6[%get3A_1167, %get3A_1168] {strides = array<i32>} : memref<125x80xi32, #tpu.memory_space<vmem>>, vector<1x16xi32>,
      %get3A_1170 = vector.shape_cast %get3A_1169 : vector<1x16xi32> to vector<16xi32>
      %and3A_1171 = arith.constant 16383 : i32
      %and3A_1172 = vector.broadcast %and3A_1171 : i32 to vector<16xi32>
      %and3A_1173 = arith.andi %get3A_1170, %and3A_1172 : vector<16xi32>
      %swap3A_1174 = arith.constant 32 : index
      %swap3A_1175 = tpu.vector_load %arg12[%swap3A_1174] {strides = array<i32>} : memref<80xi32, #tpu.memory_space<vmem>>, vector<16xi32>,
      %swap3A_1176 = vector.shape_cast %swap3A_1175 : vector<16xi32> to vector<16xi32>
      %swap3A_1177 = vector.shape_cast %and3A_1173 : vector<16xi32> to vector<16xi32>
      tpu.vector_store %arg12[%swap3A_1174], %swap3A_1177 {strides = array<i32>} : memref<80xi32, #tpu.memory_space<vmem>>, vector<16xi32>,
      %get3A_1178 = arith.index_cast %add3A_1144 : i32 to index
      %get3A_1179 = arith.constant 48 : index
      %get3A_1180 = tpu.vector_load %arg6[%get3A_1178, %get3A_1179] {strides = array<i32>} : memref<125x80xi32, #tpu.memory_space<vmem>>, vector<1x16xi32>,
      %get3A_1181 = vector.shape_cast %get3A_1180 : vector<1x16xi32> to vector<16xi32>
      %and3A_1182 = arith.constant 16383 : i32
      %and3A_1183 = vector.broadcast %and3A_1182 : i32 to vector<16xi32>
      %and3A_1184 = arith.andi %get3A_1181, %and3A_1183 : vector<16xi32>
      %swap3A_1185 = arith.constant 48 : index
      %swap3A_1186 = tpu.vector_load %arg12[%swap3A_1185] {strides = array<i32>} : memref<80xi32, #tpu.memory_space<vmem>>, vector<16xi32>,
      %swap3A_1187 = vector.shape_cast %swap3A_1186 : vector<16xi32> to vector<16xi32>
      %swap3A_1188 = vector.shape_cast %and3A_1184 : vector<16xi32> to vector<16xi32>
      tpu.vector_store %arg12[%swap3A_1185], %swap3A_1188 {strides = array<i32>} : memref<80xi32, #tpu.memory_space<vmem>>, vector<16xi32>,
      %get3A_1189 = arith.index_cast %add3A_1144 : i32 to index
      %get3A_1190 = arith.constant 64 : index
      %get3A_1191 = tpu.vector_load %arg6[%get3A_1189, %get3A_1190] {strides = array<i32>} : memref<125x80xi32, #tpu.memory_space<vmem>>, vector<1x16xi32>,
      %get3A_1192 = vector.shape_cast %get3A_1191 : vector<1x16xi32> to vector<16xi32>
      %and3A_1193 = arith.constant 16383 : i32
      %and3A_1194 = vector.broadcast %and3A_1193 : i32 to vector<16xi32>
      %and3A_1195 = arith.andi %get3A_1192, %and3A_1194 : vector<16xi32>
      %swap3A_1196 = arith.constant 64 : index
      %swap3A_1197 = tpu.vector_load %arg12[%swap3A_1196] {strides = array<i32>} : memref<80xi32, #tpu.memory_space<vmem>>, vector<16xi32>,
      %swap3A_1198 = vector.shape_cast %swap3A_1197 : vector<16xi32> to vector<16xi32>
      %swap3A_1199 = vector.shape_cast %and3A_1195 : vector<16xi32> to vector<16xi32>
      tpu.vector_store %arg12[%swap3A_1196], %swap3A_1199 {strides = array<i32>} : memref<80xi32, #tpu.memory_space<vmem>>, vector<16xi32>,
      %add3A_1200 = arith.constant 2 : i32
      %add3A_1201 = arith.addi %add3A_807, %add3A_1200 : i32
      %add3A_1202 = arith.constant 1 : i32
      %add3A_1203 = arith.addi %add3A_1201, %add3A_1202 : i32
      %dma_start3A_1204 = arith.constant 0 : i32
      %dma_start3A_1205 = arith.constant 0 : i32
      %dma_start3A_1206 = tpu.memref_slice %arg17[%dma_start3A_1204, %dma_start3A_1205] : memref<10000x64xbf16, #tpu.memory_space<vmem_shared>> -> memref<10000x64xbf16, #tpu.memory_space<vmem_shared>>
      tpu.enqueue_indirect_dma source(%dma_start3A_1206 : memref<10000x64xbf16, #tpu.memory_space<vmem_shared>>) target(%arg15 : memref<80x64xbf16, #tpu.memory_space<vmem>>) offsets(%arg9 : memref<80xi32, #tpu.memory_space<vmem>>) semaphore(%arg22 : memref<!tpu.dma_semaphore, #tpu.memory_space<semaphore_mem>>)
      %dma_start3A_1207 = arith.constant 0 : i32
      %dma_start3A_1208 = arith.constant 0 : i32
      %dma_start3A_1209 = tpu.memref_slice %arg18[%dma_start3A_1207, %dma_start3A_1208] : memref<10240x64xbf16, #tpu.memory_space<vmem_shared>> -> memref<10240x64xbf16, #tpu.memory_space<vmem_shared>>
      tpu.enqueue_indirect_dma source(%arg14 : memref<80x64xbf16, #tpu.memory_space<vmem>>) target(%dma_start3A_1209 : memref<10240x64xbf16, #tpu.memory_space<vmem_shared>>) offsets(%arg11 : memref<80xi32, #tpu.memory_space<vmem>>) semaphore(%arg24 : memref<!tpu.dma_semaphore, #tpu.memory_space<semaphore_mem>>) {add = true}
      "tpu.region"() ({
        %run_scoped3A = tpu.sem_alloc : memref<!tpu.dma_semaphore, #tpu.memory_space<semaphore_mem>>
        %dma_start3A_1211 = arith.constant 0 : i32
        %dma_start3A_1212 = arith.constant 0 : i32
        %dma_start3A_1213 = tpu.memref_slice %arg19[%dma_start3A_1211, %dma_start3A_1212] : memref<10240x16xf32, #tpu.memory_space<vmem_shared>> -> memref<10240x16xf32, #tpu.memory_space<vmem_shared>>
        tpu.enqueue_indirect_dma source(%arg16 : memref<80x16xf32, #tpu.memory_space<vmem>>) target(%dma_start3A_1213 : memref<10240x16xf32, #tpu.memory_space<vmem_shared>>) offsets(%arg11 : memref<80xi32, #tpu.memory_space<vmem>>) semaphore(%run_scoped3A : memref<!tpu.dma_semaphore, #tpu.memory_space<semaphore_mem>>) {add = true}
        %dma_wait3A_1214 = arith.constant 0 : i32
        %dma_wait3A_1215 = arith.constant 0 : i32
        %dma_wait3A_1216 = tpu.memref_slice %arg19[%dma_wait3A_1214, %dma_wait3A_1215] : memref<10240x16xf32, #tpu.memory_space<vmem_shared>> -> memref<10240x16xf32, #tpu.memory_space<vmem_shared>>
        tpu.wait_indirect_dma semaphore(%run_scoped3A : memref<!tpu.dma_semaphore, #tpu.memory_space<semaphore_mem>>) src(%arg16 : memref<80x16xf32, #tpu.memory_space<vmem>>) dst(%dma_wait3A_1216 : memref<10240x16xf32, #tpu.memory_space<vmem_shared>>)
        tpu.yield
      }) : () -> ()
      %scan3A_1210 = arith.constant 0 : i32
      scf.yield %scan3A_1210 : i32
    }
    %scan3A_489 = arith.constant 40 : i32
    %dma_wait3A_490 = arith.constant 0 : i32
    %dma_wait3A_491 = arith.constant 0 : i32
    %dma_wait3A_492 = tpu.memref_slice %arg17[%dma_wait3A_490, %dma_wait3A_491] : memref<10000x64xbf16, #tpu.memory_space<vmem_shared>> -> memref<10000x64xbf16, #tpu.memory_space<vmem_shared>>
    tpu.wait_indirect_dma semaphore(%arg22 : memref<!tpu.dma_semaphore, #tpu.memory_space<semaphore_mem>>) src(%dma_wait3A_492 : memref<10000x64xbf16, #tpu.memory_space<vmem_shared>>) dst(%arg15 : memref<80x64xbf16, #tpu.memory_space<vmem>>)
    %dma_wait3A_493 = arith.constant 0 : i32
    %dma_wait3A_494 = arith.constant 0 : i32
    %dma_wait3A_495 = tpu.memref_slice %arg18[%dma_wait3A_493, %dma_wait3A_494] : memref<10240x64xbf16, #tpu.memory_space<vmem_shared>> -> memref<10240x64xbf16, #tpu.memory_space<vmem_shared>>
    tpu.wait_indirect_dma semaphore(%arg23 : memref<!tpu.dma_semaphore, #tpu.memory_space<semaphore_mem>>) src(%arg13 : memref<80x64xbf16, #tpu.memory_space<vmem>>) dst(%dma_wait3A_495 : memref<10240x64xbf16, #tpu.memory_space<vmem_shared>>)
    %get3A_496 = arith.constant 123 : i32
    %get3A_497 = arith.index_cast %get3A_496 : i32 to index
    %get3A_498 = arith.constant 0 : index
    %get3A_499 = tpu.vector_load %arg6[%get3A_497, %get3A_498] {strides = array<i32>} : memref<125x80xi32, #tpu.memory_space<vmem>>, vector<1x16xi32>,
    %get3A_500 = vector.shape_cast %get3A_499 : vector<1x16xi32> to vector<16xi32>
    %shift_right_logical3A_501 = arith.constant 14 : i32
    %shift_right_logical3A_502 = vector.broadcast %shift_right_logical3A_501 : i32 to vector<16xi32>
    %shift_right_logical3A_503 = arith.shrui %get3A_500, %shift_right_logical3A_502 : vector<16xi32>
    %swap3A_504 = arith.constant 0 : index
    %swap3A_505 = tpu.vector_load %arg7[%swap3A_504] {strides = array<i32>} : memref<80xi32, #tpu.memory_space<vmem>>, vector<16xi32>,
    %swap3A_506 = vector.shape_cast %swap3A_505 : vector<16xi32> to vector<16xi32>
    %swap3A_507 = vector.shape_cast %shift_right_logical3A_503 : vector<16xi32> to vector<16xi32>
    tpu.vector_store %arg7[%swap3A_504], %swap3A_507 {strides = array<i32>} : memref<80xi32, #tpu.memory_space<vmem>>, vector<16xi32>,
    %get3A_508 = arith.constant 123 : i32
    %get3A_509 = arith.index_cast %get3A_508 : i32 to index
    %get3A_510 = arith.constant 16 : index
    %get3A_511 = tpu.vector_load %arg6[%get3A_509, %get3A_510] {strides = array<i32>} : memref<125x80xi32, #tpu.memory_space<vmem>>, vector<1x16xi32>,
    %get3A_512 = vector.shape_cast %get3A_511 : vector<1x16xi32> to vector<16xi32>
    %shift_right_logical3A_513 = arith.constant 14 : i32
    %shift_right_logical3A_514 = vector.broadcast %shift_right_logical3A_513 : i32 to vector<16xi32>
    %shift_right_logical3A_515 = arith.shrui %get3A_512, %shift_right_logical3A_514 : vector<16xi32>
    %swap3A_516 = arith.constant 16 : index
    %swap3A_517 = tpu.vector_load %arg7[%swap3A_516] {strides = array<i32>} : memref<80xi32, #tpu.memory_space<vmem>>, vector<16xi32>,
    %swap3A_518 = vector.shape_cast %swap3A_517 : vector<16xi32> to vector<16xi32>
    %swap3A_519 = vector.shape_cast %shift_right_logical3A_515 : vector<16xi32> to vector<16xi32>
    tpu.vector_store %arg7[%swap3A_516], %swap3A_519 {strides = array<i32>} : memref<80xi32, #tpu.memory_space<vmem>>, vector<16xi32>,
    %get3A_520 = arith.constant 123 : i32
    %get3A_521 = arith.index_cast %get3A_520 : i32 to index
    %get3A_522 = arith.constant 32 : index
    %get3A_523 = tpu.vector_load %arg6[%get3A_521, %get3A_522] {strides = array<i32>} : memref<125x80xi32, #tpu.memory_space<vmem>>, vector<1x16xi32>,
    %get3A_524 = vector.shape_cast %get3A_523 : vector<1x16xi32> to vector<16xi32>
    %shift_right_logical3A_525 = arith.constant 14 : i32
    %shift_right_logical3A_526 = vector.broadcast %shift_right_logical3A_525 : i32 to vector<16xi32>
    %shift_right_logical3A_527 = arith.shrui %get3A_524, %shift_right_logical3A_526 : vector<16xi32>
    %swap3A_528 = arith.constant 32 : index
    %swap3A_529 = tpu.vector_load %arg7[%swap3A_528] {strides = array<i32>} : memref<80xi32, #tpu.memory_space<vmem>>, vector<16xi32>,
    %swap3A_530 = vector.shape_cast %swap3A_529 : vector<16xi32> to vector<16xi32>
    %swap3A_531 = vector.shape_cast %shift_right_logical3A_527 : vector<16xi32> to vector<16xi32>
    tpu.vector_store %arg7[%swap3A_528], %swap3A_531 {strides = array<i32>} : memref<80xi32, #tpu.memory_space<vmem>>, vector<16xi32>,
    %get3A_532 = arith.constant 123 : i32
    %get3A_533 = arith.index_cast %get3A_532 : i32 to index
    %get3A_534 = arith.constant 48 : index
    %get3A_535 = tpu.vector_load %arg6[%get3A_533, %get3A_534] {strides = array<i32>} : memref<125x80xi32, #tpu.memory_space<vmem>>, vector<1x16xi32>,
    %get3A_536 = vector.shape_cast %get3A_535 : vector<1x16xi32> to vector<16xi32>
    %shift_right_logical3A_537 = arith.constant 14 : i32
    %shift_right_logical3A_538 = vector.broadcast %shift_right_logical3A_537 : i32 to vector<16xi32>
    %shift_right_logical3A_539 = arith.shrui %get3A_536, %shift_right_logical3A_538 : vector<16xi32>
    %swap3A_540 = arith.constant 48 : index
    %swap3A_541 = tpu.vector_load %arg7[%swap3A_540] {strides = array<i32>} : memref<80xi32, #tpu.memory_space<vmem>>, vector<16xi32>,
    %swap3A_542 = vector.shape_cast %swap3A_541 : vector<16xi32> to vector<16xi32>
    %swap3A_543 = vector.shape_cast %shift_right_logical3A_539 : vector<16xi32> to vector<16xi32>
    tpu.vector_store %arg7[%swap3A_540], %swap3A_543 {strides = array<i32>} : memref<80xi32, #tpu.memory_space<vmem>>, vector<16xi32>,
    %get3A_544 = arith.constant 123 : i32
    %get3A_545 = arith.index_cast %get3A_544 : i32 to index
    %get3A_546 = arith.constant 64 : index
    %get3A_547 = tpu.vector_load %arg6[%get3A_545, %get3A_546] {strides = array<i32>} : memref<125x80xi32, #tpu.memory_space<vmem>>, vector<1x16xi32>,
    %get3A_548 = vector.shape_cast %get3A_547 : vector<1x16xi32> to vector<16xi32>
    %shift_right_logical3A_549 = arith.constant 14 : i32
    %shift_right_logical3A_550 = vector.broadcast %shift_right_logical3A_549 : i32 to vector<16xi32>
    %shift_right_logical3A_551 = arith.shrui %get3A_548, %shift_right_logical3A_550 : vector<16xi32>
    %swap3A_552 = arith.constant 64 : index
    %swap3A_553 = tpu.vector_load %arg7[%swap3A_552] {strides = array<i32>} : memref<80xi32, #tpu.memory_space<vmem>>, vector<16xi32>,
    %swap3A_554 = vector.shape_cast %swap3A_553 : vector<16xi32> to vector<16xi32>
    %swap3A_555 = vector.shape_cast %shift_right_logical3A_551 : vector<16xi32> to vector<16xi32>
    tpu.vector_store %arg7[%swap3A_552], %swap3A_555 {strides = array<i32>} : memref<80xi32, #tpu.memory_space<vmem>>, vector<16xi32>,
    %get3A_556 = arith.constant 123 : i32
    %get3A_557 = arith.index_cast %get3A_556 : i32 to index
    %get3A_558 = arith.constant 0 : index
    %get3A_559 = tpu.vector_load %arg6[%get3A_557, %get3A_558] {strides = array<i32>} : memref<125x80xi32, #tpu.memory_space<vmem>>, vector<1x16xi32>,
    %get3A_560 = vector.shape_cast %get3A_559 : vector<1x16xi32> to vector<16xi32>
    %and3A_561 = arith.constant 16383 : i32
    %and3A_562 = vector.broadcast %and3A_561 : i32 to vector<16xi32>
    %and3A_563 = arith.andi %get3A_560, %and3A_562 : vector<16xi32>
    %swap3A_564 = arith.constant 0 : index
    %swap3A_565 = tpu.vector_load %arg10[%swap3A_564] {strides = array<i32>} : memref<80xi32, #tpu.memory_space<vmem>>, vector<16xi32>,
    %swap3A_566 = vector.shape_cast %swap3A_565 : vector<16xi32> to vector<16xi32>
    %swap3A_567 = vector.shape_cast %and3A_563 : vector<16xi32> to vector<16xi32>
    tpu.vector_store %arg10[%swap3A_564], %swap3A_567 {strides = array<i32>} : memref<80xi32, #tpu.memory_space<vmem>>, vector<16xi32>,
    %get3A_568 = arith.constant 123 : i32
    %get3A_569 = arith.index_cast %get3A_568 : i32 to index
    %get3A_570 = arith.constant 16 : index
    %get3A_571 = tpu.vector_load %arg6[%get3A_569, %get3A_570] {strides = array<i32>} : memref<125x80xi32, #tpu.memory_space<vmem>>, vector<1x16xi32>,
    %get3A_572 = vector.shape_cast %get3A_571 : vector<1x16xi32> to vector<16xi32>
    %and3A_573 = arith.constant 16383 : i32
    %and3A_574 = vector.broadcast %and3A_573 : i32 to vector<16xi32>
    %and3A_575 = arith.andi %get3A_572, %and3A_574 : vector<16xi32>
    %swap3A_576 = arith.constant 16 : index
    %swap3A_577 = tpu.vector_load %arg10[%swap3A_576] {strides = array<i32>} : memref<80xi32, #tpu.memory_space<vmem>>, vector<16xi32>,
    %swap3A_578 = vector.shape_cast %swap3A_577 : vector<16xi32> to vector<16xi32>
    %swap3A_579 = vector.shape_cast %and3A_575 : vector<16xi32> to vector<16xi32>
    tpu.vector_store %arg10[%swap3A_576], %swap3A_579 {strides = array<i32>} : memref<80xi32, #tpu.memory_space<vmem>>, vector<16xi32>,
    %get3A_580 = arith.constant 123 : i32
    %get3A_581 = arith.index_cast %get3A_580 : i32 to index
    %get3A_582 = arith.constant 32 : index
    %get3A_583 = tpu.vector_load %arg6[%get3A_581, %get3A_582] {strides = array<i32>} : memref<125x80xi32, #tpu.memory_space<vmem>>, vector<1x16xi32>,
    %get3A_584 = vector.shape_cast %get3A_583 : vector<1x16xi32> to vector<16xi32>
    %and3A_585 = arith.constant 16383 : i32
    %and3A_586 = vector.broadcast %and3A_585 : i32 to vector<16xi32>
    %and3A_587 = arith.andi %get3A_584, %and3A_586 : vector<16xi32>
    %swap3A_588 = arith.constant 32 : index
    %swap3A_589 = tpu.vector_load %arg10[%swap3A_588] {strides = array<i32>} : memref<80xi32, #tpu.memory_space<vmem>>, vector<16xi32>,
    %swap3A_590 = vector.shape_cast %swap3A_589 : vector<16xi32> to vector<16xi32>
    %swap3A_591 = vector.shape_cast %and3A_587 : vector<16xi32> to vector<16xi32>
    tpu.vector_store %arg10[%swap3A_588], %swap3A_591 {strides = array<i32>} : memref<80xi32, #tpu.memory_space<vmem>>, vector<16xi32>,
    %get3A_592 = arith.constant 123 : i32
    %get3A_593 = arith.index_cast %get3A_592 : i32 to index
    %get3A_594 = arith.constant 48 : index
    %get3A_595 = tpu.vector_load %arg6[%get3A_593, %get3A_594] {strides = array<i32>} : memref<125x80xi32, #tpu.memory_space<vmem>>, vector<1x16xi32>,
    %get3A_596 = vector.shape_cast %get3A_595 : vector<1x16xi32> to vector<16xi32>
    %and3A_597 = arith.constant 16383 : i32
    %and3A_598 = vector.broadcast %and3A_597 : i32 to vector<16xi32>
    %and3A_599 = arith.andi %get3A_596, %and3A_598 : vector<16xi32>
    %swap3A_600 = arith.constant 48 : index
    %swap3A_601 = tpu.vector_load %arg10[%swap3A_600] {strides = array<i32>} : memref<80xi32, #tpu.memory_space<vmem>>, vector<16xi32>,
    %swap3A_602 = vector.shape_cast %swap3A_601 : vector<16xi32> to vector<16xi32>
    %swap3A_603 = vector.shape_cast %and3A_599 : vector<16xi32> to vector<16xi32>
    tpu.vector_store %arg10[%swap3A_600], %swap3A_603 {strides = array<i32>} : memref<80xi32, #tpu.memory_space<vmem>>, vector<16xi32>,
    %get3A_604 = arith.constant 123 : i32
    %get3A_605 = arith.index_cast %get3A_604 : i32 to index
    %get3A_606 = arith.constant 64 : index
    %get3A_607 = tpu.vector_load %arg6[%get3A_605, %get3A_606] {strides = array<i32>} : memref<125x80xi32, #tpu.memory_space<vmem>>, vector<1x16xi32>,
    %get3A_608 = vector.shape_cast %get3A_607 : vector<1x16xi32> to vector<16xi32>
    %and3A_609 = arith.constant 16383 : i32
    %and3A_610 = vector.broadcast %and3A_609 : i32 to vector<16xi32>
    %and3A_611 = arith.andi %get3A_608, %and3A_610 : vector<16xi32>
    %swap3A_612 = arith.constant 64 : index
    %swap3A_613 = tpu.vector_load %arg10[%swap3A_612] {strides = array<i32>} : memref<80xi32, #tpu.memory_space<vmem>>, vector<16xi32>,
    %swap3A_614 = vector.shape_cast %swap3A_613 : vector<16xi32> to vector<16xi32>
    %swap3A_615 = vector.shape_cast %and3A_611 : vector<16xi32> to vector<16xi32>
    tpu.vector_store %arg10[%swap3A_612], %swap3A_615 {strides = array<i32>} : memref<80xi32, #tpu.memory_space<vmem>>, vector<16xi32>,
    %dma_start3A_616 = arith.constant 0 : i32
    %dma_start3A_617 = arith.constant 0 : i32
    %dma_start3A_618 = tpu.memref_slice %arg17[%dma_start3A_616, %dma_start3A_617] : memref<10000x64xbf16, #tpu.memory_space<vmem_shared>> -> memref<10000x64xbf16, #tpu.memory_space<vmem_shared>>
    tpu.enqueue_indirect_dma source(%dma_start3A_618 : memref<10000x64xbf16, #tpu.memory_space<vmem_shared>>) target(%arg13 : memref<80x64xbf16, #tpu.memory_space<vmem>>) offsets(%arg7 : memref<80xi32, #tpu.memory_space<vmem>>) semaphore(%arg20 : memref<!tpu.dma_semaphore, #tpu.memory_space<semaphore_mem>>)
    %dma_start3A_619 = arith.constant 0 : i32
    %dma_start3A_620 = arith.constant 0 : i32
    %dma_start3A_621 = tpu.memref_slice %arg18[%dma_start3A_619, %dma_start3A_620] : memref<10240x64xbf16, #tpu.memory_space<vmem_shared>> -> memref<10240x64xbf16, #tpu.memory_space<vmem_shared>>
    tpu.enqueue_indirect_dma source(%arg15 : memref<80x64xbf16, #tpu.memory_space<vmem>>) target(%dma_start3A_621 : memref<10240x64xbf16, #tpu.memory_space<vmem_shared>>) offsets(%arg12 : memref<80xi32, #tpu.memory_space<vmem>>) semaphore(%arg25 : memref<!tpu.dma_semaphore, #tpu.memory_space<semaphore_mem>>) {add = true}
    "tpu.region"() ({
      %run_scoped3A = tpu.sem_alloc : memref<!tpu.dma_semaphore, #tpu.memory_space<semaphore_mem>>
      %dma_start3A_802 = arith.constant 0 : i32
      %dma_start3A_803 = arith.constant 0 : i32
      %dma_start3A_804 = tpu.memref_slice %arg19[%dma_start3A_802, %dma_start3A_803] : memref<10240x16xf32, #tpu.memory_space<vmem_shared>> -> memref<10240x16xf32, #tpu.memory_space<vmem_shared>>
      tpu.enqueue_indirect_dma source(%arg16 : memref<80x16xf32, #tpu.memory_space<vmem>>) target(%dma_start3A_804 : memref<10240x16xf32, #tpu.memory_space<vmem_shared>>) offsets(%arg12 : memref<80xi32, #tpu.memory_space<vmem>>) semaphore(%run_scoped3A : memref<!tpu.dma_semaphore, #tpu.memory_space<semaphore_mem>>) {add = true}
      %dma_wait3A_805 = arith.constant 0 : i32
      %dma_wait3A_806 = arith.constant 0 : i32
      %dma_wait3A_807 = tpu.memref_slice %arg19[%dma_wait3A_805, %dma_wait3A_806] : memref<10240x16xf32, #tpu.memory_space<vmem_shared>> -> memref<10240x16xf32, #tpu.memory_space<vmem_shared>>
      tpu.wait_indirect_dma semaphore(%run_scoped3A : memref<!tpu.dma_semaphore, #tpu.memory_space<semaphore_mem>>) src(%arg16 : memref<80x16xf32, #tpu.memory_space<vmem>>) dst(%dma_wait3A_807 : memref<10240x16xf32, #tpu.memory_space<vmem_shared>>)
      tpu.yield
    }) : () -> ()
    %dma_wait3A_622 = arith.constant 0 : i32
    %dma_wait3A_623 = arith.constant 0 : i32
    %dma_wait3A_624 = tpu.memref_slice %arg17[%dma_wait3A_622, %dma_wait3A_623] : memref<10000x64xbf16, #tpu.memory_space<vmem_shared>> -> memref<10000x64xbf16, #tpu.memory_space<vmem_shared>>
    tpu.wait_indirect_dma semaphore(%arg20 : memref<!tpu.dma_semaphore, #tpu.memory_space<semaphore_mem>>) src(%dma_wait3A_624 : memref<10000x64xbf16, #tpu.memory_space<vmem_shared>>) dst(%arg13 : memref<80x64xbf16, #tpu.memory_space<vmem>>)
    %dma_wait3A_625 = arith.constant 0 : i32
    %dma_wait3A_626 = arith.constant 0 : i32
    %dma_wait3A_627 = tpu.memref_slice %arg18[%dma_wait3A_625, %dma_wait3A_626] : memref<10240x64xbf16, #tpu.memory_space<vmem_shared>> -> memref<10240x64xbf16, #tpu.memory_space<vmem_shared>>
    tpu.wait_indirect_dma semaphore(%arg24 : memref<!tpu.dma_semaphore, #tpu.memory_space<semaphore_mem>>) src(%arg14 : memref<80x64xbf16, #tpu.memory_space<vmem>>) dst(%dma_wait3A_627 : memref<10240x64xbf16, #tpu.memory_space<vmem_shared>>)
    %get3A_628 = arith.constant 124 : i32
    %get3A_629 = arith.index_cast %get3A_628 : i32 to index
    %get3A_630 = arith.constant 0 : index
    %get3A_631 = tpu.vector_load %arg6[%get3A_629, %get3A_630] {strides = array<i32>} : memref<125x80xi32, #tpu.memory_space<vmem>>, vector<1x16xi32>,
    %get3A_632 = vector.shape_cast %get3A_631 : vector<1x16xi32> to vector<16xi32>
    %shift_right_logical3A_633 = arith.constant 14 : i32
    %shift_right_logical3A_634 = vector.broadcast %shift_right_logical3A_633 : i32 to vector<16xi32>
    %shift_right_logical3A_635 = arith.shrui %get3A_632, %shift_right_logical3A_634 : vector<16xi32>
    %swap3A_636 = arith.constant 0 : index
    %swap3A_637 = tpu.vector_load %arg8[%swap3A_636] {strides = array<i32>} : memref<80xi32, #tpu.memory_space<vmem>>, vector<16xi32>,
    %swap3A_638 = vector.shape_cast %swap3A_637 : vector<16xi32> to vector<16xi32>
    %swap3A_639 = vector.shape_cast %shift_right_logical3A_635 : vector<16xi32> to vector<16xi32>
    tpu.vector_store %arg8[%swap3A_636], %swap3A_639 {strides = array<i32>} : memref<80xi32, #tpu.memory_space<vmem>>, vector<16xi32>,
    %get3A_640 = arith.constant 124 : i32
    %get3A_641 = arith.index_cast %get3A_640 : i32 to index
    %get3A_642 = arith.constant 16 : index
    %get3A_643 = tpu.vector_load %arg6[%get3A_641, %get3A_642] {strides = array<i32>} : memref<125x80xi32, #tpu.memory_space<vmem>>, vector<1x16xi32>,
    %get3A_644 = vector.shape_cast %get3A_643 : vector<1x16xi32> to vector<16xi32>
    %shift_right_logical3A_645 = arith.constant 14 : i32
    %shift_right_logical3A_646 = vector.broadcast %shift_right_logical3A_645 : i32 to vector<16xi32>
    %shift_right_logical3A_647 = arith.shrui %get3A_644, %shift_right_logical3A_646 : vector<16xi32>
    %swap3A_648 = arith.constant 16 : index
    %swap3A_649 = tpu.vector_load %arg8[%swap3A_648] {strides = array<i32>} : memref<80xi32, #tpu.memory_space<vmem>>, vector<16xi32>,
    %swap3A_650 = vector.shape_cast %swap3A_649 : vector<16xi32> to vector<16xi32>
    %swap3A_651 = vector.shape_cast %shift_right_logical3A_647 : vector<16xi32> to vector<16xi32>
    tpu.vector_store %arg8[%swap3A_648], %swap3A_651 {strides = array<i32>} : memref<80xi32, #tpu.memory_space<vmem>>, vector<16xi32>,
    %get3A_652 = arith.constant 124 : i32
    %get3A_653 = arith.index_cast %get3A_652 : i32 to index
    %get3A_654 = arith.constant 32 : index
    %get3A_655 = tpu.vector_load %arg6[%get3A_653, %get3A_654] {strides = array<i32>} : memref<125x80xi32, #tpu.memory_space<vmem>>, vector<1x16xi32>,
    %get3A_656 = vector.shape_cast %get3A_655 : vector<1x16xi32> to vector<16xi32>
    %shift_right_logical3A_657 = arith.constant 14 : i32
    %shift_right_logical3A_658 = vector.broadcast %shift_right_logical3A_657 : i32 to vector<16xi32>
    %shift_right_logical3A_659 = arith.shrui %get3A_656, %shift_right_logical3A_658 : vector<16xi32>
    %swap3A_660 = arith.constant 32 : index
    %swap3A_661 = tpu.vector_load %arg8[%swap3A_660] {strides = array<i32>} : memref<80xi32, #tpu.memory_space<vmem>>, vector<16xi32>,
    %swap3A_662 = vector.shape_cast %swap3A_661 : vector<16xi32> to vector<16xi32>
    %swap3A_663 = vector.shape_cast %shift_right_logical3A_659 : vector<16xi32> to vector<16xi32>
    tpu.vector_store %arg8[%swap3A_660], %swap3A_663 {strides = array<i32>} : memref<80xi32, #tpu.memory_space<vmem>>, vector<16xi32>,
    %get3A_664 = arith.constant 124 : i32
    %get3A_665 = arith.index_cast %get3A_664 : i32 to index
    %get3A_666 = arith.constant 48 : index
    %get3A_667 = tpu.vector_load %arg6[%get3A_665, %get3A_666] {strides = array<i32>} : memref<125x80xi32, #tpu.memory_space<vmem>>, vector<1x16xi32>,
    %get3A_668 = vector.shape_cast %get3A_667 : vector<1x16xi32> to vector<16xi32>
    %shift_right_logical3A_669 = arith.constant 14 : i32
    %shift_right_logical3A_670 = vector.broadcast %shift_right_logical3A_669 : i32 to vector<16xi32>
    %shift_right_logical3A_671 = arith.shrui %get3A_668, %shift_right_logical3A_670 : vector<16xi32>
    %swap3A_672 = arith.constant 48 : index
    %swap3A_673 = tpu.vector_load %arg8[%swap3A_672] {strides = array<i32>} : memref<80xi32, #tpu.memory_space<vmem>>, vector<16xi32>,
    %swap3A_674 = vector.shape_cast %swap3A_673 : vector<16xi32> to vector<16xi32>
    %swap3A_675 = vector.shape_cast %shift_right_logical3A_671 : vector<16xi32> to vector<16xi32>
    tpu.vector_store %arg8[%swap3A_672], %swap3A_675 {strides = array<i32>} : memref<80xi32, #tpu.memory_space<vmem>>, vector<16xi32>,
    %get3A_676 = arith.constant 124 : i32
    %get3A_677 = arith.index_cast %get3A_676 : i32 to index
    %get3A_678 = arith.constant 64 : index
    %get3A_679 = tpu.vector_load %arg6[%get3A_677, %get3A_678] {strides = array<i32>} : memref<125x80xi32, #tpu.memory_space<vmem>>, vector<1x16xi32>,
    %get3A_680 = vector.shape_cast %get3A_679 : vector<1x16xi32> to vector<16xi32>
    %shift_right_logical3A_681 = arith.constant 14 : i32
    %shift_right_logical3A_682 = vector.broadcast %shift_right_logical3A_681 : i32 to vector<16xi32>
    %shift_right_logical3A_683 = arith.shrui %get3A_680, %shift_right_logical3A_682 : vector<16xi32>
    %swap3A_684 = arith.constant 64 : index
    %swap3A_685 = tpu.vector_load %arg8[%swap3A_684] {strides = array<i32>} : memref<80xi32, #tpu.memory_space<vmem>>, vector<16xi32>,
    %swap3A_686 = vector.shape_cast %swap3A_685 : vector<16xi32> to vector<16xi32>
    %swap3A_687 = vector.shape_cast %shift_right_logical3A_683 : vector<16xi32> to vector<16xi32>
    tpu.vector_store %arg8[%swap3A_684], %swap3A_687 {strides = array<i32>} : memref<80xi32, #tpu.memory_space<vmem>>, vector<16xi32>,
    %get3A_688 = arith.constant 124 : i32
    %get3A_689 = arith.index_cast %get3A_688 : i32 to index
    %get3A_690 = arith.constant 0 : index
    %get3A_691 = tpu.vector_load %arg6[%get3A_689, %get3A_690] {strides = array<i32>} : memref<125x80xi32, #tpu.memory_space<vmem>>, vector<1x16xi32>,
    %get3A_692 = vector.shape_cast %get3A_691 : vector<1x16xi32> to vector<16xi32>
    %and3A_693 = arith.constant 16383 : i32
    %and3A_694 = vector.broadcast %and3A_693 : i32 to vector<16xi32>
    %and3A_695 = arith.andi %get3A_692, %and3A_694 : vector<16xi32>
    %swap3A_696 = arith.constant 0 : index
    %swap3A_697 = tpu.vector_load %arg11[%swap3A_696] {strides = array<i32>} : memref<80xi32, #tpu.memory_space<vmem>>, vector<16xi32>,
    %swap3A_698 = vector.shape_cast %swap3A_697 : vector<16xi32> to vector<16xi32>
    %swap3A_699 = vector.shape_cast %and3A_695 : vector<16xi32> to vector<16xi32>
    tpu.vector_store %arg11[%swap3A_696], %swap3A_699 {strides = array<i32>} : memref<80xi32, #tpu.memory_space<vmem>>, vector<16xi32>,
    %get3A_700 = arith.constant 124 : i32
    %get3A_701 = arith.index_cast %get3A_700 : i32 to index
    %get3A_702 = arith.constant 16 : index
    %get3A_703 = tpu.vector_load %arg6[%get3A_701, %get3A_702] {strides = array<i32>} : memref<125x80xi32, #tpu.memory_space<vmem>>, vector<1x16xi32>,
    %get3A_704 = vector.shape_cast %get3A_703 : vector<1x16xi32> to vector<16xi32>
    %and3A_705 = arith.constant 16383 : i32
    %and3A_706 = vector.broadcast %and3A_705 : i32 to vector<16xi32>
    %and3A_707 = arith.andi %get3A_704, %and3A_706 : vector<16xi32>
    %swap3A_708 = arith.constant 16 : index
    %swap3A_709 = tpu.vector_load %arg11[%swap3A_708] {strides = array<i32>} : memref<80xi32, #tpu.memory_space<vmem>>, vector<16xi32>,
    %swap3A_710 = vector.shape_cast %swap3A_709 : vector<16xi32> to vector<16xi32>
    %swap3A_711 = vector.shape_cast %and3A_707 : vector<16xi32> to vector<16xi32>
    tpu.vector_store %arg11[%swap3A_708], %swap3A_711 {strides = array<i32>} : memref<80xi32, #tpu.memory_space<vmem>>, vector<16xi32>,
    %get3A_712 = arith.constant 124 : i32
    %get3A_713 = arith.index_cast %get3A_712 : i32 to index
    %get3A_714 = arith.constant 32 : index
    %get3A_715 = tpu.vector_load %arg6[%get3A_713, %get3A_714] {strides = array<i32>} : memref<125x80xi32, #tpu.memory_space<vmem>>, vector<1x16xi32>,
    %get3A_716 = vector.shape_cast %get3A_715 : vector<1x16xi32> to vector<16xi32>
    %and3A_717 = arith.constant 16383 : i32
    %and3A_718 = vector.broadcast %and3A_717 : i32 to vector<16xi32>
    %and3A_719 = arith.andi %get3A_716, %and3A_718 : vector<16xi32>
    %swap3A_720 = arith.constant 32 : index
    %swap3A_721 = tpu.vector_load %arg11[%swap3A_720] {strides = array<i32>} : memref<80xi32, #tpu.memory_space<vmem>>, vector<16xi32>,
    %swap3A_722 = vector.shape_cast %swap3A_721 : vector<16xi32> to vector<16xi32>
    %swap3A_723 = vector.shape_cast %and3A_719 : vector<16xi32> to vector<16xi32>
    tpu.vector_store %arg11[%swap3A_720], %swap3A_723 {strides = array<i32>} : memref<80xi32, #tpu.memory_space<vmem>>, vector<16xi32>,
    %get3A_724 = arith.constant 124 : i32
    %get3A_725 = arith.index_cast %get3A_724 : i32 to index
    %get3A_726 = arith.constant 48 : index
    %get3A_727 = tpu.vector_load %arg6[%get3A_725, %get3A_726] {strides = array<i32>} : memref<125x80xi32, #tpu.memory_space<vmem>>, vector<1x16xi32>,
    %get3A_728 = vector.shape_cast %get3A_727 : vector<1x16xi32> to vector<16xi32>
    %and3A_729 = arith.constant 16383 : i32
    %and3A_730 = vector.broadcast %and3A_729 : i32 to vector<16xi32>
    %and3A_731 = arith.andi %get3A_728, %and3A_730 : vector<16xi32>
    %swap3A_732 = arith.constant 48 : index
    %swap3A_733 = tpu.vector_load %arg11[%swap3A_732] {strides = array<i32>} : memref<80xi32, #tpu.memory_space<vmem>>, vector<16xi32>,
    %swap3A_734 = vector.shape_cast %swap3A_733 : vector<16xi32> to vector<16xi32>
    %swap3A_735 = vector.shape_cast %and3A_731 : vector<16xi32> to vector<16xi32>
    tpu.vector_store %arg11[%swap3A_732], %swap3A_735 {strides = array<i32>} : memref<80xi32, #tpu.memory_space<vmem>>, vector<16xi32>,
    %get3A_736 = arith.constant 124 : i32
    %get3A_737 = arith.index_cast %get3A_736 : i32 to index
    %get3A_738 = arith.constant 64 : index
    %get3A_739 = tpu.vector_load %arg6[%get3A_737, %get3A_738] {strides = array<i32>} : memref<125x80xi32, #tpu.memory_space<vmem>>, vector<1x16xi32>,
    %get3A_740 = vector.shape_cast %get3A_739 : vector<1x16xi32> to vector<16xi32>
    %and3A_741 = arith.constant 16383 : i32
    %and3A_742 = vector.broadcast %and3A_741 : i32 to vector<16xi32>
    %and3A_743 = arith.andi %get3A_740, %and3A_742 : vector<16xi32>
    %swap3A_744 = arith.constant 64 : index
    %swap3A_745 = tpu.vector_load %arg11[%swap3A_744] {strides = array<i32>} : memref<80xi32, #tpu.memory_space<vmem>>, vector<16xi32>,
    %swap3A_746 = vector.shape_cast %swap3A_745 : vector<16xi32> to vector<16xi32>
    %swap3A_747 = vector.shape_cast %and3A_743 : vector<16xi32> to vector<16xi32>
    tpu.vector_store %arg11[%swap3A_744], %swap3A_747 {strides = array<i32>} : memref<80xi32, #tpu.memory_space<vmem>>, vector<16xi32>,
    %dma_start3A_748 = arith.constant 0 : i32
    %dma_start3A_749 = arith.constant 0 : i32
    %dma_start3A_750 = tpu.memref_slice %arg17[%dma_start3A_748, %dma_start3A_749] : memref<10000x64xbf16, #tpu.memory_space<vmem_shared>> -> memref<10000x64xbf16, #tpu.memory_space<vmem_shared>>
    tpu.enqueue_indirect_dma source(%dma_start3A_750 : memref<10000x64xbf16, #tpu.memory_space<vmem_shared>>) target(%arg14 : memref<80x64xbf16, #tpu.memory_space<vmem>>) offsets(%arg8 : memref<80xi32, #tpu.memory_space<vmem>>) semaphore(%arg21 : memref<!tpu.dma_semaphore, #tpu.memory_space<semaphore_mem>>)
    %dma_start3A_751 = arith.constant 0 : i32
    %dma_start3A_752 = arith.constant 0 : i32
    %dma_start3A_753 = tpu.memref_slice %arg18[%dma_start3A_751, %dma_start3A_752] : memref<10240x64xbf16, #tpu.memory_space<vmem_shared>> -> memref<10240x64xbf16, #tpu.memory_space<vmem_shared>>
    tpu.enqueue_indirect_dma source(%arg13 : memref<80x64xbf16, #tpu.memory_space<vmem>>) target(%dma_start3A_753 : memref<10240x64xbf16, #tpu.memory_space<vmem_shared>>) offsets(%arg10 : memref<80xi32, #tpu.memory_space<vmem>>) semaphore(%arg23 : memref<!tpu.dma_semaphore, #tpu.memory_space<semaphore_mem>>) {add = true}
    "tpu.region"() ({
      %run_scoped3A = tpu.sem_alloc : memref<!tpu.dma_semaphore, #tpu.memory_space<semaphore_mem>>
      %dma_start3A_802 = arith.constant 0 : i32
      %dma_start3A_803 = arith.constant 0 : i32
      %dma_start3A_804 = tpu.memref_slice %arg19[%dma_start3A_802, %dma_start3A_803] : memref<10240x16xf32, #tpu.memory_space<vmem_shared>> -> memref<10240x16xf32, #tpu.memory_space<vmem_shared>>
      tpu.enqueue_indirect_dma source(%arg16 : memref<80x16xf32, #tpu.memory_space<vmem>>) target(%dma_start3A_804 : memref<10240x16xf32, #tpu.memory_space<vmem_shared>>) offsets(%arg10 : memref<80xi32, #tpu.memory_space<vmem>>) semaphore(%run_scoped3A : memref<!tpu.dma_semaphore, #tpu.memory_space<semaphore_mem>>) {add = true}
      %dma_wait3A_805 = arith.constant 0 : i32
      %dma_wait3A_806 = arith.constant 0 : i32
      %dma_wait3A_807 = tpu.memref_slice %arg19[%dma_wait3A_805, %dma_wait3A_806] : memref<10240x16xf32, #tpu.memory_space<vmem_shared>> -> memref<10240x16xf32, #tpu.memory_space<vmem_shared>>
      tpu.wait_indirect_dma semaphore(%run_scoped3A : memref<!tpu.dma_semaphore, #tpu.memory_space<semaphore_mem>>) src(%arg16 : memref<80x16xf32, #tpu.memory_space<vmem>>) dst(%dma_wait3A_807 : memref<10240x16xf32, #tpu.memory_space<vmem_shared>>)
      tpu.yield
    }) : () -> ()
    %dma_wait3A_754 = arith.constant 0 : i32
    %dma_wait3A_755 = arith.constant 0 : i32
    %dma_wait3A_756 = tpu.memref_slice %arg17[%dma_wait3A_754, %dma_wait3A_755] : memref<10000x64xbf16, #tpu.memory_space<vmem_shared>> -> memref<10000x64xbf16, #tpu.memory_space<vmem_shared>>
    tpu.wait_indirect_dma semaphore(%arg21 : memref<!tpu.dma_semaphore, #tpu.memory_space<semaphore_mem>>) src(%dma_wait3A_756 : memref<10000x64xbf16, #tpu.memory_space<vmem_shared>>) dst(%arg14 : memref<80x64xbf16, #tpu.memory_space<vmem>>)
    %dma_start3A_757 = arith.constant 0 : i32
    %dma_start3A_758 = arith.constant 0 : i32
    %dma_start3A_759 = tpu.memref_slice %arg18[%dma_start3A_757, %dma_start3A_758] : memref<10240x64xbf16, #tpu.memory_space<vmem_shared>> -> memref<10240x64xbf16, #tpu.memory_space<vmem_shared>>
    tpu.enqueue_indirect_dma source(%arg14 : memref<80x64xbf16, #tpu.memory_space<vmem>>) target(%dma_start3A_759 : memref<10240x64xbf16, #tpu.memory_space<vmem_shared>>) offsets(%arg11 : memref<80xi32, #tpu.memory_space<vmem>>) semaphore(%arg24 : memref<!tpu.dma_semaphore, #tpu.memory_space<semaphore_mem>>) {add = true}
    "tpu.region"() ({
      %run_scoped3A = tpu.sem_alloc : memref<!tpu.dma_semaphore, #tpu.memory_space<semaphore_mem>>
      %dma_start3A_802 = arith.constant 0 : i32
      %dma_start3A_803 = arith.constant 0 : i32
      %dma_start3A_804 = tpu.memref_slice %arg19[%dma_start3A_802, %dma_start3A_803] : memref<10240x16xf32, #tpu.memory_space<vmem_shared>> -> memref<10240x16xf32, #tpu.memory_space<vmem_shared>>
      tpu.enqueue_indirect_dma source(%arg16 : memref<80x16xf32, #tpu.memory_space<vmem>>) target(%dma_start3A_804 : memref<10240x16xf32, #tpu.memory_space<vmem_shared>>) offsets(%arg11 : memref<80xi32, #tpu.memory_space<vmem>>) semaphore(%run_scoped3A : memref<!tpu.dma_semaphore, #tpu.memory_space<semaphore_mem>>) {add = true}
      %dma_wait3A_805 = arith.constant 0 : i32
      %dma_wait3A_806 = arith.constant 0 : i32
      %dma_wait3A_807 = tpu.memref_slice %arg19[%dma_wait3A_805, %dma_wait3A_806] : memref<10240x16xf32, #tpu.memory_space<vmem_shared>> -> memref<10240x16xf32, #tpu.memory_space<vmem_shared>>
      tpu.wait_indirect_dma semaphore(%run_scoped3A : memref<!tpu.dma_semaphore, #tpu.memory_space<semaphore_mem>>) src(%arg16 : memref<80x16xf32, #tpu.memory_space<vmem>>) dst(%dma_wait3A_807 : memref<10240x16xf32, #tpu.memory_space<vmem_shared>>)
      tpu.yield
    }) : () -> ()
    %dma_wait3A_760 = arith.constant 0 : i32
    %dma_wait3A_761 = arith.constant 0 : i32
    %dma_wait3A_762 = tpu.memref_slice %arg18[%dma_wait3A_760, %dma_wait3A_761] : memref<10240x64xbf16, #tpu.memory_space<vmem_shared>> -> memref<10240x64xbf16, #tpu.memory_space<vmem_shared>>
    tpu.wait_indirect_dma semaphore(%arg25 : memref<!tpu.dma_semaphore, #tpu.memory_space<semaphore_mem>>) src(%arg15 : memref<80x64xbf16, #tpu.memory_space<vmem>>) dst(%dma_wait3A_762 : memref<10240x64xbf16, #tpu.memory_space<vmem_shared>>)
    %dma_wait3A_763 = arith.constant 0 : i32
    %dma_wait3A_764 = arith.constant 0 : i32
    %dma_wait3A_765 = tpu.memref_slice %arg18[%dma_wait3A_763, %dma_wait3A_764] : memref<10240x64xbf16, #tpu.memory_space<vmem_shared>> -> memref<10240x64xbf16, #tpu.memory_space<vmem_shared>>
    tpu.wait_indirect_dma semaphore(%arg23 : memref<!tpu.dma_semaphore, #tpu.memory_space<semaphore_mem>>) src(%arg13 : memref<80x64xbf16, #tpu.memory_space<vmem>>) dst(%dma_wait3A_765 : memref<10240x64xbf16, #tpu.memory_space<vmem_shared>>)
    %dma_wait3A_766 = arith.constant 0 : i32
    %dma_wait3A_767 = arith.constant 0 : i32
    %dma_wait3A_768 = tpu.memref_slice %arg18[%dma_wait3A_766, %dma_wait3A_767] : memref<10240x64xbf16, #tpu.memory_space<vmem_shared>> -> memref<10240x64xbf16, #tpu.memory_space<vmem_shared>>
    tpu.wait_indirect_dma semaphore(%arg24 : memref<!tpu.dma_semaphore, #tpu.memory_space<semaphore_mem>>) src(%arg14 : memref<80x64xbf16, #tpu.memory_space<vmem>>) dst(%dma_wait3A_768 : memref<10240x64xbf16, #tpu.memory_space<vmem_shared>>)
    %barrier3A_769 = arith.constant 0 : index
    tpu.barrier barrier_id(%barrier3A_769)
    %mul3A_770 = arith.constant 640 : i32
    %mul3A_771 = arith.muli %arg1, %mul3A_770 : i32
    %add3A_772 = arith.constant 0 : i32
    %add3A_773 = arith.addi %mul3A_771, %add3A_772 : i32
    "tpu.region"() ({
      %run_scoped3A = tpu.sem_alloc : memref<!tpu.dma_semaphore, #tpu.memory_space<semaphore_mem>>
      %dma_start3A_802 = arith.constant 0 : i32
      %dma_start3A_803 = tpu.memref_slice %arg18[%add3A_773, %dma_start3A_802] : memref<10240x64xbf16, #tpu.memory_space<vmem_shared>> -> memref<80x64xbf16, #tpu.memory_space<vmem_shared>>
      %dma_start3A_804 = arith.constant 0 : i32
      %dma_start3A_805 = tpu.memref_slice %arg18[%add3A_773, %dma_start3A_804] : memref<10240x64xbf16, #tpu.memory_space<vmem_shared>> -> memref<80x64xbf16, #tpu.memory_space<vmem_shared>>
      tpu.enqueue_dma source(%dma_start3A_805 : memref<80x64xbf16, #tpu.memory_space<vmem_shared>>) target(%arg13 : memref<80x64xbf16, #tpu.memory_space<vmem>>) target_semaphore(%run_scoped3A : memref<!tpu.dma_semaphore, #tpu.memory_space<semaphore_mem>>)
      %dma_wait3A_806 = arith.constant 0 : i32
      %dma_wait3A_807 = tpu.memref_slice %arg18[%add3A_773, %dma_wait3A_806] : memref<10240x64xbf16, #tpu.memory_space<vmem_shared>> -> memref<80x64xbf16, #tpu.memory_space<vmem_shared>>
      %dma_wait3A_808 = arith.constant 0 : i32
      %dma_wait3A_809 = tpu.memref_slice %arg18[%add3A_773, %dma_wait3A_808] : memref<10240x64xbf16, #tpu.memory_space<vmem_shared>> -> memref<80x64xbf16, #tpu.memory_space<vmem_shared>>
      tpu.wait_dma2 semaphore(%run_scoped3A : memref<!tpu.dma_semaphore, #tpu.memory_space<semaphore_mem>>) src(%dma_wait3A_809 : memref<80x64xbf16, #tpu.memory_space<vmem_shared>>) dst(%arg13 : memref<80x64xbf16, #tpu.memory_space<vmem>>)
      tpu.yield
    }) : () -> ()
    "tpu.region"() ({
      %run_scoped3A = tpu.sem_alloc : memref<!tpu.dma_semaphore, #tpu.memory_space<semaphore_mem>>
      %dma_start3A_802 = arith.constant 0 : i32
      %dma_start3A_803 = tpu.memref_slice %arg4[%arg0, %add3A_773, %dma_start3A_802] : memref<2x10240x64xbf16, #tpu.memory_space<hbm>> -> memref<1x80x64xbf16, #tpu.memory_space<hbm>>
      %dma_start3A_804 = tpu.memref_squeeze %dma_start3A_803 : memref<1x80x64xbf16, #tpu.memory_space<hbm>> -> memref<80x64xbf16, #tpu.memory_space<hbm>>
      %dma_start3A_805 = arith.constant 0 : i32
      %dma_start3A_806 = tpu.memref_slice %arg4[%arg0, %add3A_773, %dma_start3A_805] : memref<2x10240x64xbf16, #tpu.memory_space<hbm>> -> memref<1x80x64xbf16, #tpu.memory_space<hbm>>
      %dma_start3A_807 = tpu.memref_squeeze %dma_start3A_806 : memref<1x80x64xbf16, #tpu.memory_space<hbm>> -> memref<80x64xbf16, #tpu.memory_space<hbm>>
      tpu.enqueue_dma source(%arg13 : memref<80x64xbf16, #tpu.memory_space<vmem>>) target(%dma_start3A_807 : memref<80x64xbf16, #tpu.memory_space<hbm>>) target_semaphore(%run_scoped3A : memref<!tpu.dma_semaphore, #tpu.memory_space<semaphore_mem>>)
      %dma_wait3A_808 = arith.constant 0 : i32
      %dma_wait3A_809 = tpu.memref_slice %arg4[%arg0, %add3A_773, %dma_wait3A_808] : memref<2x10240x64xbf16, #tpu.memory_space<hbm>> -> memref<1x80x64xbf16, #tpu.memory_space<hbm>>
      %dma_wait3A_810 = tpu.memref_squeeze %dma_wait3A_809 : memref<1x80x64xbf16, #tpu.memory_space<hbm>> -> memref<80x64xbf16, #tpu.memory_space<hbm>>
      %dma_wait3A_811 = arith.constant 0 : i32
      %dma_wait3A_812 = tpu.memref_slice %arg4[%arg0, %add3A_773, %dma_wait3A_811] : memref<2x10240x64xbf16, #tpu.memory_space<hbm>> -> memref<1x80x64xbf16, #tpu.memory_space<hbm>>
      %dma_wait3A_813 = tpu.memref_squeeze %dma_wait3A_812 : memref<1x80x64xbf16, #tpu.memory_space<hbm>> -> memref<80x64xbf16, #tpu.memory_space<hbm>>
      tpu.wait_dma2 semaphore(%run_scoped3A : memref<!tpu.dma_semaphore, #tpu.memory_space<semaphore_mem>>) src(%arg13 : memref<80x64xbf16, #tpu.memory_space<vmem>>) dst(%dma_wait3A_813 : memref<80x64xbf16, #tpu.memory_space<hbm>>)
      tpu.yield
    }) : () -> ()
    "tpu.region"() ({
      %run_scoped3A = tpu.sem_alloc : memref<!tpu.dma_semaphore, #tpu.memory_space<semaphore_mem>>
      %dma_start3A_802 = arith.constant 0 : i32
      %dma_start3A_803 = tpu.memref_slice %arg19[%add3A_773, %dma_start3A_802] : memref<10240x16xf32, #tpu.memory_space<vmem_shared>> -> memref<80x16xf32, #tpu.memory_space<vmem_shared>>
      %dma_start3A_804 = arith.constant 0 : i32
      %dma_start3A_805 = tpu.memref_slice %arg19[%add3A_773, %dma_start3A_804] : memref<10240x16xf32, #tpu.memory_space<vmem_shared>> -> memref<80x16xf32, #tpu.memory_space<vmem_shared>>
      tpu.enqueue_dma source(%dma_start3A_805 : memref<80x16xf32, #tpu.memory_space<vmem_shared>>) target(%arg16 : memref<80x16xf32, #tpu.memory_space<vmem>>) target_semaphore(%run_scoped3A : memref<!tpu.dma_semaphore, #tpu.memory_space<semaphore_mem>>)
      %dma_wait3A_806 = arith.constant 0 : i32
      %dma_wait3A_807 = tpu.memref_slice %arg19[%add3A_773, %dma_wait3A_806] : memref<10240x16xf32, #tpu.memory_space<vmem_shared>> -> memref<80x16xf32, #tpu.memory_space<vmem_shared>>
      %dma_wait3A_808 = arith.constant 0 : i32
      %dma_wait3A_809 = tpu.memref_slice %arg19[%add3A_773, %dma_wait3A_808] : memref<10240x16xf32, #tpu.memory_space<vmem_shared>> -> memref<80x16xf32, #tpu.memory_space<vmem_shared>>
      tpu.wait_dma2 semaphore(%run_scoped3A : memref<!tpu.dma_semaphore, #tpu.memory_space<semaphore_mem>>) src(%dma_wait3A_809 : memref<80x16xf32, #tpu.memory_space<vmem_shared>>) dst(%arg16 : memref<80x16xf32, #tpu.memory_space<vmem>>)
      tpu.yield
    }) : () -> ()
    "tpu.region"() ({
      %run_scoped3A = tpu.sem_alloc : memref<!tpu.dma_semaphore, #tpu.memory_space<semaphore_mem>>
      %dma_start3A_802 = arith.constant 0 : i32
      %dma_start3A_803 = tpu.memref_slice %arg5[%arg0, %add3A_773, %dma_start3A_802] : memref<2x10240x16xf32, #tpu.memory_space<hbm>> -> memref<1x80x16xf32, #tpu.memory_space<hbm>>
      %dma_start3A_804 = tpu.memref_squeeze %dma_start3A_803 : memref<1x80x16xf32, #tpu.memory_space<hbm>> -> memref<80x16xf32, #tpu.memory_space<hbm>>
      %dma_start3A_805 = arith.constant 0 : i32
      %dma_start3A_806 = tpu.memref_slice %arg5[%arg0, %add3A_773, %dma_start3A_805] : memref<2x10240x16xf32, #tpu.memory_space<hbm>> -> memref<1x80x16xf32, #tpu.memory_space<hbm>>
      %dma_start3A_807 = tpu.memref_squeeze %dma_start3A_806 : memref<1x80x16xf32, #tpu.memory_space<hbm>> -> memref<80x16xf32, #tpu.memory_space<hbm>>
      tpu.enqueue_dma source(%arg16 : memref<80x16xf32, #tpu.memory_space<vmem>>) target(%dma_start3A_807 : memref<80x16xf32, #tpu.memory_space<hbm>>) target_semaphore(%run_scoped3A : memref<!tpu.dma_semaphore, #tpu.memory_space<semaphore_mem>>)
      %dma_wait3A_808 = arith.constant 0 : i32
      %dma_wait3A_809 = tpu.memref_slice %arg5[%arg0, %add3A_773, %dma_wait3A_808] : memref<2x10240x16xf32, #tpu.memory_space<hbm>> -> memref<1x80x16xf32, #tpu.memory_space<hbm>>
      %dma_wait3A_810 = tpu.memref_squeeze %dma_wait3A_809 : memref<1x80x16xf32, #tpu.memory_space<hbm>> -> memref<80x16xf32, #tpu.memory_space<hbm>>
      %dma_wait3A_811 = arith.constant 0 : i32
      %dma_wait3A_812 = tpu.memref_slice %arg5[%arg0, %add3A_773, %dma_wait3A_811] : memref<2x10240x16xf32, #tpu.memory_space<hbm>> -> memref<1x80x16xf32, #tpu.memory_space<hbm>>
      %dma_wait3A_813 = tpu.memref_squeeze %dma_wait3A_812 : memref<1x80x16xf32, #tpu.memory_space<hbm>> -> memref<80x16xf32, #tpu.memory_space<hbm>>
      tpu.wait_dma2 semaphore(%run_scoped3A : memref<!tpu.dma_semaphore, #tpu.memory_space<semaphore_mem>>) src(%arg16 : memref<80x16xf32, #tpu.memory_space<vmem>>) dst(%dma_wait3A_813 : memref<80x16xf32, #tpu.memory_space<hbm>>)
      tpu.yield
    }) : () -> ()
    %mul3A_774 = arith.constant 640 : i32
    %mul3A_775 = arith.muli %arg1, %mul3A_774 : i32
    %add3A_776 = arith.constant 80 : i32
    %add3A_777 = arith.addi %mul3A_775, %add3A_776 : i32
    "tpu.region"() ({
      %run_scoped3A = tpu.sem_alloc : memref<!tpu.dma_semaphore, #tpu.memory_space<semaphore_mem>>
      %dma_start3A_802 = arith.constant 0 : i32
      %dma_start3A_803 = tpu.memref_slice %arg18[%add3A_777, %dma_start3A_802] : memref<10240x64xbf16, #tpu.memory_space<vmem_shared>> -> memref<80x64xbf16, #tpu.memory_space<vmem_shared>>
      %dma_start3A_804 = arith.constant 0 : i32
      %dma_start3A_805 = tpu.memref_slice %arg18[%add3A_777, %dma_start3A_804] : memref<10240x64xbf16, #tpu.memory_space<vmem_shared>> -> memref<80x64xbf16, #tpu.memory_space<vmem_shared>>
      tpu.enqueue_dma source(%dma_start3A_805 : memref<80x64xbf16, #tpu.memory_space<vmem_shared>>) target(%arg13 : memref<80x64xbf16, #tpu.memory_space<vmem>>) target_semaphore(%run_scoped3A : memref<!tpu.dma_semaphore, #tpu.memory_space<semaphore_mem>>)
      %dma_wait3A_806 = arith.constant 0 : i32
      %dma_wait3A_807 = tpu.memref_slice %arg18[%add3A_777, %dma_wait3A_806] : memref<10240x64xbf16, #tpu.memory_space<vmem_shared>> -> memref<80x64xbf16, #tpu.memory_space<vmem_shared>>
      %dma_wait3A_808 = arith.constant 0 : i32
      %dma_wait3A_809 = tpu.memref_slice %arg18[%add3A_777, %dma_wait3A_808] : memref<10240x64xbf16, #tpu.memory_space<vmem_shared>> -> memref<80x64xbf16, #tpu.memory_space<vmem_shared>>
      tpu.wait_dma2 semaphore(%run_scoped3A : memref<!tpu.dma_semaphore, #tpu.memory_space<semaphore_mem>>) src(%dma_wait3A_809 : memref<80x64xbf16, #tpu.memory_space<vmem_shared>>) dst(%arg13 : memref<80x64xbf16, #tpu.memory_space<vmem>>)
      tpu.yield
    }) : () -> ()
    "tpu.region"() ({
      %run_scoped3A = tpu.sem_alloc : memref<!tpu.dma_semaphore, #tpu.memory_space<semaphore_mem>>
      %dma_start3A_802 = arith.constant 0 : i32
      %dma_start3A_803 = tpu.memref_slice %arg4[%arg0, %add3A_777, %dma_start3A_802] : memref<2x10240x64xbf16, #tpu.memory_space<hbm>> -> memref<1x80x64xbf16, #tpu.memory_space<hbm>>
      %dma_start3A_804 = tpu.memref_squeeze %dma_start3A_803 : memref<1x80x64xbf16, #tpu.memory_space<hbm>> -> memref<80x64xbf16, #tpu.memory_space<hbm>>
      %dma_start3A_805 = arith.constant 0 : i32
      %dma_start3A_806 = tpu.memref_slice %arg4[%arg0, %add3A_777, %dma_start3A_805] : memref<2x10240x64xbf16, #tpu.memory_space<hbm>> -> memref<1x80x64xbf16, #tpu.memory_space<hbm>>
      %dma_start3A_807 = tpu.memref_squeeze %dma_start3A_806 : memref<1x80x64xbf16, #tpu.memory_space<hbm>> -> memref<80x64xbf16, #tpu.memory_space<hbm>>
      tpu.enqueue_dma source(%arg13 : memref<80x64xbf16, #tpu.memory_space<vmem>>) target(%dma_start3A_807 : memref<80x64xbf16, #tpu.memory_space<hbm>>) target_semaphore(%run_scoped3A : memref<!tpu.dma_semaphore, #tpu.memory_space<semaphore_mem>>)
      %dma_wait3A_808 = arith.constant 0 : i32
      %dma_wait3A_809 = tpu.memref_slice %arg4[%arg0, %add3A_777, %dma_wait3A_808] : memref<2x10240x64xbf16, #tpu.memory_space<hbm>> -> memref<1x80x64xbf16, #tpu.memory_space<hbm>>
      %dma_wait3A_810 = tpu.memref_squeeze %dma_wait3A_809 : memref<1x80x64xbf16, #tpu.memory_space<hbm>> -> memref<80x64xbf16, #tpu.memory_space<hbm>>
      %dma_wait3A_811 = arith.constant 0 : i32
      %dma_wait3A_812 = tpu.memref_slice %arg4[%arg0, %add3A_777, %dma_wait3A_811] : memref<2x10240x64xbf16, #tpu.memory_space<hbm>> -> memref<1x80x64xbf16, #tpu.memory_space<hbm>>
      %dma_wait3A_813 = tpu.memref_squeeze %dma_wait3A_812 : memref<1x80x64xbf16, #tpu.memory_space<hbm>> -> memref<80x64xbf16, #tpu.memory_space<hbm>>
      tpu.wait_dma2 semaphore(%run_scoped3A : memref<!tpu.dma_semaphore, #tpu.memory_space<semaphore_mem>>) src(%arg13 : memref<80x64xbf16, #tpu.memory_space<vmem>>) dst(%dma_wait3A_813 : memref<80x64xbf16, #tpu.memory_space<hbm>>)
      tpu.yield
    }) : () -> ()
    "tpu.region"() ({
      %run_scoped3A = tpu.sem_alloc : memref<!tpu.dma_semaphore, #tpu.memory_space<semaphore_mem>>
      %dma_start3A_802 = arith.constant 0 : i32
      %dma_start3A_803 = tpu.memref_slice %arg19[%add3A_777, %dma_start3A_802] : memref<10240x16xf32, #tpu.memory_space<vmem_shared>> -> memref<80x16xf32, #tpu.memory_space<vmem_shared>>
      %dma_start3A_804 = arith.constant 0 : i32
      %dma_start3A_805 = tpu.memref_slice %arg19[%add3A_777, %dma_start3A_804] : memref<10240x16xf32, #tpu.memory_space<vmem_shared>> -> memref<80x16xf32, #tpu.memory_space<vmem_shared>>
      tpu.enqueue_dma source(%dma_start3A_805 : memref<80x16xf32, #tpu.memory_space<vmem_shared>>) target(%arg16 : memref<80x16xf32, #tpu.memory_space<vmem>>) target_semaphore(%run_scoped3A : memref<!tpu.dma_semaphore, #tpu.memory_space<semaphore_mem>>)
      %dma_wait3A_806 = arith.constant 0 : i32
      %dma_wait3A_807 = tpu.memref_slice %arg19[%add3A_777, %dma_wait3A_806] : memref<10240x16xf32, #tpu.memory_space<vmem_shared>> -> memref<80x16xf32, #tpu.memory_space<vmem_shared>>
      %dma_wait3A_808 = arith.constant 0 : i32
      %dma_wait3A_809 = tpu.memref_slice %arg19[%add3A_777, %dma_wait3A_808] : memref<10240x16xf32, #tpu.memory_space<vmem_shared>> -> memref<80x16xf32, #tpu.memory_space<vmem_shared>>
      tpu.wait_dma2 semaphore(%run_scoped3A : memref<!tpu.dma_semaphore, #tpu.memory_space<semaphore_mem>>) src(%dma_wait3A_809 : memref<80x16xf32, #tpu.memory_space<vmem_shared>>) dst(%arg16 : memref<80x16xf32, #tpu.memory_space<vmem>>)
      tpu.yield
    }) : () -> ()
    "tpu.region"() ({
      %run_scoped3A = tpu.sem_alloc : memref<!tpu.dma_semaphore, #tpu.memory_space<semaphore_mem>>
      %dma_start3A_802 = arith.constant 0 : i32
      %dma_start3A_803 = tpu.memref_slice %arg5[%arg0, %add3A_777, %dma_start3A_802] : memref<2x10240x16xf32, #tpu.memory_space<hbm>> -> memref<1x80x16xf32, #tpu.memory_space<hbm>>
      %dma_start3A_804 = tpu.memref_squeeze %dma_start3A_803 : memref<1x80x16xf32, #tpu.memory_space<hbm>> -> memref<80x16xf32, #tpu.memory_space<hbm>>
      %dma_start3A_805 = arith.constant 0 : i32
      %dma_start3A_806 = tpu.memref_slice %arg5[%arg0, %add3A_777, %dma_start3A_805] : memref<2x10240x16xf32, #tpu.memory_space<hbm>> -> memref<1x80x16xf32, #tpu.memory_space<hbm>>
      %dma_start3A_807 = tpu.memref_squeeze %dma_start3A_806 : memref<1x80x16xf32, #tpu.memory_space<hbm>> -> memref<80x16xf32, #tpu.memory_space<hbm>>
      tpu.enqueue_dma source(%arg16 : memref<80x16xf32, #tpu.memory_space<vmem>>) target(%dma_start3A_807 : memref<80x16xf32, #tpu.memory_space<hbm>>) target_semaphore(%run_scoped3A : memref<!tpu.dma_semaphore, #tpu.memory_space<semaphore_mem>>)
      %dma_wait3A_808 = arith.constant 0 : i32
      %dma_wait3A_809 = tpu.memref_slice %arg5[%arg0, %add3A_777, %dma_wait3A_808] : memref<2x10240x16xf32, #tpu.memory_space<hbm>> -> memref<1x80x16xf32, #tpu.memory_space<hbm>>
      %dma_wait3A_810 = tpu.memref_squeeze %dma_wait3A_809 : memref<1x80x16xf32, #tpu.memory_space<hbm>> -> memref<80x16xf32, #tpu.memory_space<hbm>>
      %dma_wait3A_811 = arith.constant 0 : i32
      %dma_wait3A_812 = tpu.memref_slice %arg5[%arg0, %add3A_777, %dma_wait3A_811] : memref<2x10240x16xf32, #tpu.memory_space<hbm>> -> memref<1x80x16xf32, #tpu.memory_space<hbm>>
      %dma_wait3A_813 = tpu.memref_squeeze %dma_wait3A_812 : memref<1x80x16xf32, #tpu.memory_space<hbm>> -> memref<80x16xf32, #tpu.memory_space<hbm>>
      tpu.wait_dma2 semaphore(%run_scoped3A : memref<!tpu.dma_semaphore, #tpu.memory_space<semaphore_mem>>) src(%arg16 : memref<80x16xf32, #tpu.memory_space<vmem>>) dst(%dma_wait3A_813 : memref<80x16xf32, #tpu.memory_space<hbm>>)
      tpu.yield
    }) : () -> ()
    %mul3A_778 = arith.constant 640 : i32
    %mul3A_779 = arith.muli %arg1, %mul3A_778 : i32
    %add3A_780 = arith.constant 160 : i32
    %add3A_781 = arith.addi %mul3A_779, %add3A_780 : i32
    "tpu.region"() ({
      %run_scoped3A = tpu.sem_alloc : memref<!tpu.dma_semaphore, #tpu.memory_space<semaphore_mem>>
      %dma_start3A_802 = arith.constant 0 : i32
      %dma_start3A_803 = tpu.memref_slice %arg18[%add3A_781, %dma_start3A_802] : memref<10240x64xbf16, #tpu.memory_space<vmem_shared>> -> memref<80x64xbf16, #tpu.memory_space<vmem_shared>>
      %dma_start3A_804 = arith.constant 0 : i32
      %dma_start3A_805 = tpu.memref_slice %arg18[%add3A_781, %dma_start3A_804] : memref<10240x64xbf16, #tpu.memory_space<vmem_shared>> -> memref<80x64xbf16, #tpu.memory_space<vmem_shared>>
      tpu.enqueue_dma source(%dma_start3A_805 : memref<80x64xbf16, #tpu.memory_space<vmem_shared>>) target(%arg13 : memref<80x64xbf16, #tpu.memory_space<vmem>>) target_semaphore(%run_scoped3A : memref<!tpu.dma_semaphore, #tpu.memory_space<semaphore_mem>>)
      %dma_wait3A_806 = arith.constant 0 : i32
      %dma_wait3A_807 = tpu.memref_slice %arg18[%add3A_781, %dma_wait3A_806] : memref<10240x64xbf16, #tpu.memory_space<vmem_shared>> -> memref<80x64xbf16, #tpu.memory_space<vmem_shared>>
      %dma_wait3A_808 = arith.constant 0 : i32
      %dma_wait3A_809 = tpu.memref_slice %arg18[%add3A_781, %dma_wait3A_808] : memref<10240x64xbf16, #tpu.memory_space<vmem_shared>> -> memref<80x64xbf16, #tpu.memory_space<vmem_shared>>
      tpu.wait_dma2 semaphore(%run_scoped3A : memref<!tpu.dma_semaphore, #tpu.memory_space<semaphore_mem>>) src(%dma_wait3A_809 : memref<80x64xbf16, #tpu.memory_space<vmem_shared>>) dst(%arg13 : memref<80x64xbf16, #tpu.memory_space<vmem>>)
      tpu.yield
    }) : () -> ()
    "tpu.region"() ({
      %run_scoped3A = tpu.sem_alloc : memref<!tpu.dma_semaphore, #tpu.memory_space<semaphore_mem>>
      %dma_start3A_802 = arith.constant 0 : i32
      %dma_start3A_803 = tpu.memref_slice %arg4[%arg0, %add3A_781, %dma_start3A_802] : memref<2x10240x64xbf16, #tpu.memory_space<hbm>> -> memref<1x80x64xbf16, #tpu.memory_space<hbm>>
      %dma_start3A_804 = tpu.memref_squeeze %dma_start3A_803 : memref<1x80x64xbf16, #tpu.memory_space<hbm>> -> memref<80x64xbf16, #tpu.memory_space<hbm>>
      %dma_start3A_805 = arith.constant 0 : i32
      %dma_start3A_806 = tpu.memref_slice %arg4[%arg0, %add3A_781, %dma_start3A_805] : memref<2x10240x64xbf16, #tpu.memory_space<hbm>> -> memref<1x80x64xbf16, #tpu.memory_space<hbm>>
      %dma_start3A_807 = tpu.memref_squeeze %dma_start3A_806 : memref<1x80x64xbf16, #tpu.memory_space<hbm>> -> memref<80x64xbf16, #tpu.memory_space<hbm>>
      tpu.enqueue_dma source(%arg13 : memref<80x64xbf16, #tpu.memory_space<vmem>>) target(%dma_start3A_807 : memref<80x64xbf16, #tpu.memory_space<hbm>>) target_semaphore(%run_scoped3A : memref<!tpu.dma_semaphore, #tpu.memory_space<semaphore_mem>>)
      %dma_wait3A_808 = arith.constant 0 : i32
      %dma_wait3A_809 = tpu.memref_slice %arg4[%arg0, %add3A_781, %dma_wait3A_808] : memref<2x10240x64xbf16, #tpu.memory_space<hbm>> -> memref<1x80x64xbf16, #tpu.memory_space<hbm>>
      %dma_wait3A_810 = tpu.memref_squeeze %dma_wait3A_809 : memref<1x80x64xbf16, #tpu.memory_space<hbm>> -> memref<80x64xbf16, #tpu.memory_space<hbm>>
      %dma_wait3A_811 = arith.constant 0 : i32
      %dma_wait3A_812 = tpu.memref_slice %arg4[%arg0, %add3A_781, %dma_wait3A_811] : memref<2x10240x64xbf16, #tpu.memory_space<hbm>> -> memref<1x80x64xbf16, #tpu.memory_space<hbm>>
      %dma_wait3A_813 = tpu.memref_squeeze %dma_wait3A_812 : memref<1x80x64xbf16, #tpu.memory_space<hbm>> -> memref<80x64xbf16, #tpu.memory_space<hbm>>
      tpu.wait_dma2 semaphore(%run_scoped3A : memref<!tpu.dma_semaphore, #tpu.memory_space<semaphore_mem>>) src(%arg13 : memref<80x64xbf16, #tpu.memory_space<vmem>>) dst(%dma_wait3A_813 : memref<80x64xbf16, #tpu.memory_space<hbm>>)
      tpu.yield
    }) : () -> ()
    "tpu.region"() ({
      %run_scoped3A = tpu.sem_alloc : memref<!tpu.dma_semaphore, #tpu.memory_space<semaphore_mem>>
      %dma_start3A_802 = arith.constant 0 : i32
      %dma_start3A_803 = tpu.memref_slice %arg19[%add3A_781, %dma_start3A_802] : memref<10240x16xf32, #tpu.memory_space<vmem_shared>> -> memref<80x16xf32, #tpu.memory_space<vmem_shared>>
      %dma_start3A_804 = arith.constant 0 : i32
      %dma_start3A_805 = tpu.memref_slice %arg19[%add3A_781, %dma_start3A_804] : memref<10240x16xf32, #tpu.memory_space<vmem_shared>> -> memref<80x16xf32, #tpu.memory_space<vmem_shared>>
      tpu.enqueue_dma source(%dma_start3A_805 : memref<80x16xf32, #tpu.memory_space<vmem_shared>>) target(%arg16 : memref<80x16xf32, #tpu.memory_space<vmem>>) target_semaphore(%run_scoped3A : memref<!tpu.dma_semaphore, #tpu.memory_space<semaphore_mem>>)
      %dma_wait3A_806 = arith.constant 0 : i32
      %dma_wait3A_807 = tpu.memref_slice %arg19[%add3A_781, %dma_wait3A_806] : memref<10240x16xf32, #tpu.memory_space<vmem_shared>> -> memref<80x16xf32, #tpu.memory_space<vmem_shared>>
      %dma_wait3A_808 = arith.constant 0 : i32
      %dma_wait3A_809 = tpu.memref_slice %arg19[%add3A_781, %dma_wait3A_808] : memref<10240x16xf32, #tpu.memory_space<vmem_shared>> -> memref<80x16xf32, #tpu.memory_space<vmem_shared>>
      tpu.wait_dma2 semaphore(%run_scoped3A : memref<!tpu.dma_semaphore, #tpu.memory_space<semaphore_mem>>) src(%dma_wait3A_809 : memref<80x16xf32, #tpu.memory_space<vmem_shared>>) dst(%arg16 : memref<80x16xf32, #tpu.memory_space<vmem>>)
      tpu.yield
    }) : () -> ()
    "tpu.region"() ({
      %run_scoped3A = tpu.sem_alloc : memref<!tpu.dma_semaphore, #tpu.memory_space<semaphore_mem>>
      %dma_start3A_802 = arith.constant 0 : i32
      %dma_start3A_803 = tpu.memref_slice %arg5[%arg0, %add3A_781, %dma_start3A_802] : memref<2x10240x16xf32, #tpu.memory_space<hbm>> -> memref<1x80x16xf32, #tpu.memory_space<hbm>>
      %dma_start3A_804 = tpu.memref_squeeze %dma_start3A_803 : memref<1x80x16xf32, #tpu.memory_space<hbm>> -> memref<80x16xf32, #tpu.memory_space<hbm>>
      %dma_start3A_805 = arith.constant 0 : i32
      %dma_start3A_806 = tpu.memref_slice %arg5[%arg0, %add3A_781, %dma_start3A_805] : memref<2x10240x16xf32, #tpu.memory_space<hbm>> -> memref<1x80x16xf32, #tpu.memory_space<hbm>>
      %dma_start3A_807 = tpu.memref_squeeze %dma_start3A_806 : memref<1x80x16xf32, #tpu.memory_space<hbm>> -> memref<80x16xf32, #tpu.memory_space<hbm>>
      tpu.enqueue_dma source(%arg16 : memref<80x16xf32, #tpu.memory_space<vmem>>) target(%dma_start3A_807 : memref<80x16xf32, #tpu.memory_space<hbm>>) target_semaphore(%run_scoped3A : memref<!tpu.dma_semaphore, #tpu.memory_space<semaphore_mem>>)
      %dma_wait3A_808 = arith.constant 0 : i32
      %dma_wait3A_809 = tpu.memref_slice %arg5[%arg0, %add3A_781, %dma_wait3A_808] : memref<2x10240x16xf32, #tpu.memory_space<hbm>> -> memref<1x80x16xf32, #tpu.memory_space<hbm>>
      %dma_wait3A_810 = tpu.memref_squeeze %dma_wait3A_809 : memref<1x80x16xf32, #tpu.memory_space<hbm>> -> memref<80x16xf32, #tpu.memory_space<hbm>>
      %dma_wait3A_811 = arith.constant 0 : i32
      %dma_wait3A_812 = tpu.memref_slice %arg5[%arg0, %add3A_781, %dma_wait3A_811] : memref<2x10240x16xf32, #tpu.memory_space<hbm>> -> memref<1x80x16xf32, #tpu.memory_space<hbm>>
      %dma_wait3A_813 = tpu.memref_squeeze %dma_wait3A_812 : memref<1x80x16xf32, #tpu.memory_space<hbm>> -> memref<80x16xf32, #tpu.memory_space<hbm>>
      tpu.wait_dma2 semaphore(%run_scoped3A : memref<!tpu.dma_semaphore, #tpu.memory_space<semaphore_mem>>) src(%arg16 : memref<80x16xf32, #tpu.memory_space<vmem>>) dst(%dma_wait3A_813 : memref<80x16xf32, #tpu.memory_space<hbm>>)
      tpu.yield
    }) : () -> ()
    %mul3A_782 = arith.constant 640 : i32
    %mul3A_783 = arith.muli %arg1, %mul3A_782 : i32
    %add3A_784 = arith.constant 240 : i32
    %add3A_785 = arith.addi %mul3A_783, %add3A_784 : i32
    "tpu.region"() ({
      %run_scoped3A = tpu.sem_alloc : memref<!tpu.dma_semaphore, #tpu.memory_space<semaphore_mem>>
      %dma_start3A_802 = arith.constant 0 : i32
      %dma_start3A_803 = tpu.memref_slice %arg18[%add3A_785, %dma_start3A_802] : memref<10240x64xbf16, #tpu.memory_space<vmem_shared>> -> memref<80x64xbf16, #tpu.memory_space<vmem_shared>>
      %dma_start3A_804 = arith.constant 0 : i32
      %dma_start3A_805 = tpu.memref_slice %arg18[%add3A_785, %dma_start3A_804] : memref<10240x64xbf16, #tpu.memory_space<vmem_shared>> -> memref<80x64xbf16, #tpu.memory_space<vmem_shared>>
      tpu.enqueue_dma source(%dma_start3A_805 : memref<80x64xbf16, #tpu.memory_space<vmem_shared>>) target(%arg13 : memref<80x64xbf16, #tpu.memory_space<vmem>>) target_semaphore(%run_scoped3A : memref<!tpu.dma_semaphore, #tpu.memory_space<semaphore_mem>>)
      %dma_wait3A_806 = arith.constant 0 : i32
      %dma_wait3A_807 = tpu.memref_slice %arg18[%add3A_785, %dma_wait3A_806] : memref<10240x64xbf16, #tpu.memory_space<vmem_shared>> -> memref<80x64xbf16, #tpu.memory_space<vmem_shared>>
      %dma_wait3A_808 = arith.constant 0 : i32
      %dma_wait3A_809 = tpu.memref_slice %arg18[%add3A_785, %dma_wait3A_808] : memref<10240x64xbf16, #tpu.memory_space<vmem_shared>> -> memref<80x64xbf16, #tpu.memory_space<vmem_shared>>
      tpu.wait_dma2 semaphore(%run_scoped3A : memref<!tpu.dma_semaphore, #tpu.memory_space<semaphore_mem>>) src(%dma_wait3A_809 : memref<80x64xbf16, #tpu.memory_space<vmem_shared>>) dst(%arg13 : memref<80x64xbf16, #tpu.memory_space<vmem>>)
      tpu.yield
    }) : () -> ()
    "tpu.region"() ({
      %run_scoped3A = tpu.sem_alloc : memref<!tpu.dma_semaphore, #tpu.memory_space<semaphore_mem>>
      %dma_start3A_802 = arith.constant 0 : i32
      %dma_start3A_803 = tpu.memref_slice %arg4[%arg0, %add3A_785, %dma_start3A_802] : memref<2x10240x64xbf16, #tpu.memory_space<hbm>> -> memref<1x80x64xbf16, #tpu.memory_space<hbm>>
      %dma_start3A_804 = tpu.memref_squeeze %dma_start3A_803 : memref<1x80x64xbf16, #tpu.memory_space<hbm>> -> memref<80x64xbf16, #tpu.memory_space<hbm>>
      %dma_start3A_805 = arith.constant 0 : i32
      %dma_start3A_806 = tpu.memref_slice %arg4[%arg0, %add3A_785, %dma_start3A_805] : memref<2x10240x64xbf16, #tpu.memory_space<hbm>> -> memref<1x80x64xbf16, #tpu.memory_space<hbm>>
      %dma_start3A_807 = tpu.memref_squeeze %dma_start3A_806 : memref<1x80x64xbf16, #tpu.memory_space<hbm>> -> memref<80x64xbf16, #tpu.memory_space<hbm>>
      tpu.enqueue_dma source(%arg13 : memref<80x64xbf16, #tpu.memory_space<vmem>>) target(%dma_start3A_807 : memref<80x64xbf16, #tpu.memory_space<hbm>>) target_semaphore(%run_scoped3A : memref<!tpu.dma_semaphore, #tpu.memory_space<semaphore_mem>>)
      %dma_wait3A_808 = arith.constant 0 : i32
      %dma_wait3A_809 = tpu.memref_slice %arg4[%arg0, %add3A_785, %dma_wait3A_808] : memref<2x10240x64xbf16, #tpu.memory_space<hbm>> -> memref<1x80x64xbf16, #tpu.memory_space<hbm>>
      %dma_wait3A_810 = tpu.memref_squeeze %dma_wait3A_809 : memref<1x80x64xbf16, #tpu.memory_space<hbm>> -> memref<80x64xbf16, #tpu.memory_space<hbm>>
      %dma_wait3A_811 = arith.constant 0 : i32
      %dma_wait3A_812 = tpu.memref_slice %arg4[%arg0, %add3A_785, %dma_wait3A_811] : memref<2x10240x64xbf16, #tpu.memory_space<hbm>> -> memref<1x80x64xbf16, #tpu.memory_space<hbm>>
      %dma_wait3A_813 = tpu.memref_squeeze %dma_wait3A_812 : memref<1x80x64xbf16, #tpu.memory_space<hbm>> -> memref<80x64xbf16, #tpu.memory_space<hbm>>
      tpu.wait_dma2 semaphore(%run_scoped3A : memref<!tpu.dma_semaphore, #tpu.memory_space<semaphore_mem>>) src(%arg13 : memref<80x64xbf16, #tpu.memory_space<vmem>>) dst(%dma_wait3A_813 : memref<80x64xbf16, #tpu.memory_space<hbm>>)
      tpu.yield
    }) : () -> ()
    "tpu.region"() ({
      %run_scoped3A = tpu.sem_alloc : memref<!tpu.dma_semaphore, #tpu.memory_space<semaphore_mem>>
      %dma_start3A_802 = arith.constant 0 : i32
      %dma_start3A_803 = tpu.memref_slice %arg19[%add3A_785, %dma_start3A_802] : memref<10240x16xf32, #tpu.memory_space<vmem_shared>> -> memref<80x16xf32, #tpu.memory_space<vmem_shared>>
      %dma_start3A_804 = arith.constant 0 : i32
      %dma_start3A_805 = tpu.memref_slice %arg19[%add3A_785, %dma_start3A_804] : memref<10240x16xf32, #tpu.memory_space<vmem_shared>> -> memref<80x16xf32, #tpu.memory_space<vmem_shared>>
      tpu.enqueue_dma source(%dma_start3A_805 : memref<80x16xf32, #tpu.memory_space<vmem_shared>>) target(%arg16 : memref<80x16xf32, #tpu.memory_space<vmem>>) target_semaphore(%run_scoped3A : memref<!tpu.dma_semaphore, #tpu.memory_space<semaphore_mem>>)
      %dma_wait3A_806 = arith.constant 0 : i32
      %dma_wait3A_807 = tpu.memref_slice %arg19[%add3A_785, %dma_wait3A_806] : memref<10240x16xf32, #tpu.memory_space<vmem_shared>> -> memref<80x16xf32, #tpu.memory_space<vmem_shared>>
      %dma_wait3A_808 = arith.constant 0 : i32
      %dma_wait3A_809 = tpu.memref_slice %arg19[%add3A_785, %dma_wait3A_808] : memref<10240x16xf32, #tpu.memory_space<vmem_shared>> -> memref<80x16xf32, #tpu.memory_space<vmem_shared>>
      tpu.wait_dma2 semaphore(%run_scoped3A : memref<!tpu.dma_semaphore, #tpu.memory_space<semaphore_mem>>) src(%dma_wait3A_809 : memref<80x16xf32, #tpu.memory_space<vmem_shared>>) dst(%arg16 : memref<80x16xf32, #tpu.memory_space<vmem>>)
      tpu.yield
    }) : () -> ()
    "tpu.region"() ({
      %run_scoped3A = tpu.sem_alloc : memref<!tpu.dma_semaphore, #tpu.memory_space<semaphore_mem>>
      %dma_start3A_802 = arith.constant 0 : i32
      %dma_start3A_803 = tpu.memref_slice %arg5[%arg0, %add3A_785, %dma_start3A_802] : memref<2x10240x16xf32, #tpu.memory_space<hbm>> -> memref<1x80x16xf32, #tpu.memory_space<hbm>>
      %dma_start3A_804 = tpu.memref_squeeze %dma_start3A_803 : memref<1x80x16xf32, #tpu.memory_space<hbm>> -> memref<80x16xf32, #tpu.memory_space<hbm>>
      %dma_start3A_805 = arith.constant 0 : i32
      %dma_start3A_806 = tpu.memref_slice %arg5[%arg0, %add3A_785, %dma_start3A_805] : memref<2x10240x16xf32, #tpu.memory_space<hbm>> -> memref<1x80x16xf32, #tpu.memory_space<hbm>>
      %dma_start3A_807 = tpu.memref_squeeze %dma_start3A_806 : memref<1x80x16xf32, #tpu.memory_space<hbm>> -> memref<80x16xf32, #tpu.memory_space<hbm>>
      tpu.enqueue_dma source(%arg16 : memref<80x16xf32, #tpu.memory_space<vmem>>) target(%dma_start3A_807 : memref<80x16xf32, #tpu.memory_space<hbm>>) target_semaphore(%run_scoped3A : memref<!tpu.dma_semaphore, #tpu.memory_space<semaphore_mem>>)
      %dma_wait3A_808 = arith.constant 0 : i32
      %dma_wait3A_809 = tpu.memref_slice %arg5[%arg0, %add3A_785, %dma_wait3A_808] : memref<2x10240x16xf32, #tpu.memory_space<hbm>> -> memref<1x80x16xf32, #tpu.memory_space<hbm>>
      %dma_wait3A_810 = tpu.memref_squeeze %dma_wait3A_809 : memref<1x80x16xf32, #tpu.memory_space<hbm>> -> memref<80x16xf32, #tpu.memory_space<hbm>>
      %dma_wait3A_811 = arith.constant 0 : i32
      %dma_wait3A_812 = tpu.memref_slice %arg5[%arg0, %add3A_785, %dma_wait3A_811] : memref<2x10240x16xf32, #tpu.memory_space<hbm>> -> memref<1x80x16xf32, #tpu.memory_space<hbm>>
      %dma_wait3A_813 = tpu.memref_squeeze %dma_wait3A_812 : memref<1x80x16xf32, #tpu.memory_space<hbm>> -> memref<80x16xf32, #tpu.memory_space<hbm>>
      tpu.wait_dma2 semaphore(%run_scoped3A : memref<!tpu.dma_semaphore, #tpu.memory_space<semaphore_mem>>) src(%arg16 : memref<80x16xf32, #tpu.memory_space<vmem>>) dst(%dma_wait3A_813 : memref<80x16xf32, #tpu.memory_space<hbm>>)
      tpu.yield
    }) : () -> ()
    %mul3A_786 = arith.constant 640 : i32
    %mul3A_787 = arith.muli %arg1, %mul3A_786 : i32
    %add3A_788 = arith.constant 320 : i32
    %add3A_789 = arith.addi %mul3A_787, %add3A_788 : i32
    "tpu.region"() ({
      %run_scoped3A = tpu.sem_alloc : memref<!tpu.dma_semaphore, #tpu.memory_space<semaphore_mem>>
      %dma_start3A_802 = arith.constant 0 : i32
      %dma_start3A_803 = tpu.memref_slice %arg18[%add3A_789, %dma_start3A_802] : memref<10240x64xbf16, #tpu.memory_space<vmem_shared>> -> memref<80x64xbf16, #tpu.memory_space<vmem_shared>>
      %dma_start3A_804 = arith.constant 0 : i32
      %dma_start3A_805 = tpu.memref_slice %arg18[%add3A_789, %dma_start3A_804] : memref<10240x64xbf16, #tpu.memory_space<vmem_shared>> -> memref<80x64xbf16, #tpu.memory_space<vmem_shared>>
      tpu.enqueue_dma source(%dma_start3A_805 : memref<80x64xbf16, #tpu.memory_space<vmem_shared>>) target(%arg13 : memref<80x64xbf16, #tpu.memory_space<vmem>>) target_semaphore(%run_scoped3A : memref<!tpu.dma_semaphore, #tpu.memory_space<semaphore_mem>>)
      %dma_wait3A_806 = arith.constant 0 : i32
      %dma_wait3A_807 = tpu.memref_slice %arg18[%add3A_789, %dma_wait3A_806] : memref<10240x64xbf16, #tpu.memory_space<vmem_shared>> -> memref<80x64xbf16, #tpu.memory_space<vmem_shared>>
      %dma_wait3A_808 = arith.constant 0 : i32
      %dma_wait3A_809 = tpu.memref_slice %arg18[%add3A_789, %dma_wait3A_808] : memref<10240x64xbf16, #tpu.memory_space<vmem_shared>> -> memref<80x64xbf16, #tpu.memory_space<vmem_shared>>
      tpu.wait_dma2 semaphore(%run_scoped3A : memref<!tpu.dma_semaphore, #tpu.memory_space<semaphore_mem>>) src(%dma_wait3A_809 : memref<80x64xbf16, #tpu.memory_space<vmem_shared>>) dst(%arg13 : memref<80x64xbf16, #tpu.memory_space<vmem>>)
      tpu.yield
    }) : () -> ()
    "tpu.region"() ({
      %run_scoped3A = tpu.sem_alloc : memref<!tpu.dma_semaphore, #tpu.memory_space<semaphore_mem>>
      %dma_start3A_802 = arith.constant 0 : i32
      %dma_start3A_803 = tpu.memref_slice %arg4[%arg0, %add3A_789, %dma_start3A_802] : memref<2x10240x64xbf16, #tpu.memory_space<hbm>> -> memref<1x80x64xbf16, #tpu.memory_space<hbm>>
      %dma_start3A_804 = tpu.memref_squeeze %dma_start3A_803 : memref<1x80x64xbf16, #tpu.memory_space<hbm>> -> memref<80x64xbf16, #tpu.memory_space<hbm>>
      %dma_start3A_805 = arith.constant 0 : i32
      %dma_start3A_806 = tpu.memref_slice %arg4[%arg0, %add3A_789, %dma_start3A_805] : memref<2x10240x64xbf16, #tpu.memory_space<hbm>> -> memref<1x80x64xbf16, #tpu.memory_space<hbm>>
      %dma_start3A_807 = tpu.memref_squeeze %dma_start3A_806 : memref<1x80x64xbf16, #tpu.memory_space<hbm>> -> memref<80x64xbf16, #tpu.memory_space<hbm>>
      tpu.enqueue_dma source(%arg13 : memref<80x64xbf16, #tpu.memory_space<vmem>>) target(%dma_start3A_807 : memref<80x64xbf16, #tpu.memory_space<hbm>>) target_semaphore(%run_scoped3A : memref<!tpu.dma_semaphore, #tpu.memory_space<semaphore_mem>>)
      %dma_wait3A_808 = arith.constant 0 : i32
      %dma_wait3A_809 = tpu.memref_slice %arg4[%arg0, %add3A_789, %dma_wait3A_808] : memref<2x10240x64xbf16, #tpu.memory_space<hbm>> -> memref<1x80x64xbf16, #tpu.memory_space<hbm>>
      %dma_wait3A_810 = tpu.memref_squeeze %dma_wait3A_809 : memref<1x80x64xbf16, #tpu.memory_space<hbm>> -> memref<80x64xbf16, #tpu.memory_space<hbm>>
      %dma_wait3A_811 = arith.constant 0 : i32
      %dma_wait3A_812 = tpu.memref_slice %arg4[%arg0, %add3A_789, %dma_wait3A_811] : memref<2x10240x64xbf16, #tpu.memory_space<hbm>> -> memref<1x80x64xbf16, #tpu.memory_space<hbm>>
      %dma_wait3A_813 = tpu.memref_squeeze %dma_wait3A_812 : memref<1x80x64xbf16, #tpu.memory_space<hbm>> -> memref<80x64xbf16, #tpu.memory_space<hbm>>
      tpu.wait_dma2 semaphore(%run_scoped3A : memref<!tpu.dma_semaphore, #tpu.memory_space<semaphore_mem>>) src(%arg13 : memref<80x64xbf16, #tpu.memory_space<vmem>>) dst(%dma_wait3A_813 : memref<80x64xbf16, #tpu.memory_space<hbm>>)
      tpu.yield
    }) : () -> ()
    "tpu.region"() ({
      %run_scoped3A = tpu.sem_alloc : memref<!tpu.dma_semaphore, #tpu.memory_space<semaphore_mem>>
      %dma_start3A_802 = arith.constant 0 : i32
      %dma_start3A_803 = tpu.memref_slice %arg19[%add3A_789, %dma_start3A_802] : memref<10240x16xf32, #tpu.memory_space<vmem_shared>> -> memref<80x16xf32, #tpu.memory_space<vmem_shared>>
      %dma_start3A_804 = arith.constant 0 : i32
      %dma_start3A_805 = tpu.memref_slice %arg19[%add3A_789, %dma_start3A_804] : memref<10240x16xf32, #tpu.memory_space<vmem_shared>> -> memref<80x16xf32, #tpu.memory_space<vmem_shared>>
      tpu.enqueue_dma source(%dma_start3A_805 : memref<80x16xf32, #tpu.memory_space<vmem_shared>>) target(%arg16 : memref<80x16xf32, #tpu.memory_space<vmem>>) target_semaphore(%run_scoped3A : memref<!tpu.dma_semaphore, #tpu.memory_space<semaphore_mem>>)
      %dma_wait3A_806 = arith.constant 0 : i32
      %dma_wait3A_807 = tpu.memref_slice %arg19[%add3A_789, %dma_wait3A_806] : memref<10240x16xf32, #tpu.memory_space<vmem_shared>> -> memref<80x16xf32, #tpu.memory_space<vmem_shared>>
      %dma_wait3A_808 = arith.constant 0 : i32
      %dma_wait3A_809 = tpu.memref_slice %arg19[%add3A_789, %dma_wait3A_808] : memref<10240x16xf32, #tpu.memory_space<vmem_shared>> -> memref<80x16xf32, #tpu.memory_space<vmem_shared>>
      tpu.wait_dma2 semaphore(%run_scoped3A : memref<!tpu.dma_semaphore, #tpu.memory_space<semaphore_mem>>) src(%dma_wait3A_809 : memref<80x16xf32, #tpu.memory_space<vmem_shared>>) dst(%arg16 : memref<80x16xf32, #tpu.memory_space<vmem>>)
      tpu.yield
    }) : () -> ()
    "tpu.region"() ({
      %run_scoped3A = tpu.sem_alloc : memref<!tpu.dma_semaphore, #tpu.memory_space<semaphore_mem>>
      %dma_start3A_802 = arith.constant 0 : i32
      %dma_start3A_803 = tpu.memref_slice %arg5[%arg0, %add3A_789, %dma_start3A_802] : memref<2x10240x16xf32, #tpu.memory_space<hbm>> -> memref<1x80x16xf32, #tpu.memory_space<hbm>>
      %dma_start3A_804 = tpu.memref_squeeze %dma_start3A_803 : memref<1x80x16xf32, #tpu.memory_space<hbm>> -> memref<80x16xf32, #tpu.memory_space<hbm>>
      %dma_start3A_805 = arith.constant 0 : i32
      %dma_start3A_806 = tpu.memref_slice %arg5[%arg0, %add3A_789, %dma_start3A_805] : memref<2x10240x16xf32, #tpu.memory_space<hbm>> -> memref<1x80x16xf32, #tpu.memory_space<hbm>>
      %dma_start3A_807 = tpu.memref_squeeze %dma_start3A_806 : memref<1x80x16xf32, #tpu.memory_space<hbm>> -> memref<80x16xf32, #tpu.memory_space<hbm>>
      tpu.enqueue_dma source(%arg16 : memref<80x16xf32, #tpu.memory_space<vmem>>) target(%dma_start3A_807 : memref<80x16xf32, #tpu.memory_space<hbm>>) target_semaphore(%run_scoped3A : memref<!tpu.dma_semaphore, #tpu.memory_space<semaphore_mem>>)
      %dma_wait3A_808 = arith.constant 0 : i32
      %dma_wait3A_809 = tpu.memref_slice %arg5[%arg0, %add3A_789, %dma_wait3A_808] : memref<2x10240x16xf32, #tpu.memory_space<hbm>> -> memref<1x80x16xf32, #tpu.memory_space<hbm>>
      %dma_wait3A_810 = tpu.memref_squeeze %dma_wait3A_809 : memref<1x80x16xf32, #tpu.memory_space<hbm>> -> memref<80x16xf32, #tpu.memory_space<hbm>>
      %dma_wait3A_811 = arith.constant 0 : i32
      %dma_wait3A_812 = tpu.memref_slice %arg5[%arg0, %add3A_789, %dma_wait3A_811] : memref<2x10240x16xf32, #tpu.memory_space<hbm>> -> memref<1x80x16xf32, #tpu.memory_space<hbm>>
      %dma_wait3A_813 = tpu.memref_squeeze %dma_wait3A_812 : memref<1x80x16xf32, #tpu.memory_space<hbm>> -> memref<80x16xf32, #tpu.memory_space<hbm>>
      tpu.wait_dma2 semaphore(%run_scoped3A : memref<!tpu.dma_semaphore, #tpu.memory_space<semaphore_mem>>) src(%arg16 : memref<80x16xf32, #tpu.memory_space<vmem>>) dst(%dma_wait3A_813 : memref<80x16xf32, #tpu.memory_space<hbm>>)
      tpu.yield
    }) : () -> ()
    %mul3A_790 = arith.constant 640 : i32
    %mul3A_791 = arith.muli %arg1, %mul3A_790 : i32
    %add3A_792 = arith.constant 400 : i32
    %add3A_793 = arith.addi %mul3A_791, %add3A_792 : i32
    "tpu.region"() ({
      %run_scoped3A = tpu.sem_alloc : memref<!tpu.dma_semaphore, #tpu.memory_space<semaphore_mem>>
      %dma_start3A_802 = arith.constant 0 : i32
      %dma_start3A_803 = tpu.memref_slice %arg18[%add3A_793, %dma_start3A_802] : memref<10240x64xbf16, #tpu.memory_space<vmem_shared>> -> memref<80x64xbf16, #tpu.memory_space<vmem_shared>>
      %dma_start3A_804 = arith.constant 0 : i32
      %dma_start3A_805 = tpu.memref_slice %arg18[%add3A_793, %dma_start3A_804] : memref<10240x64xbf16, #tpu.memory_space<vmem_shared>> -> memref<80x64xbf16, #tpu.memory_space<vmem_shared>>
      tpu.enqueue_dma source(%dma_start3A_805 : memref<80x64xbf16, #tpu.memory_space<vmem_shared>>) target(%arg13 : memref<80x64xbf16, #tpu.memory_space<vmem>>) target_semaphore(%run_scoped3A : memref<!tpu.dma_semaphore, #tpu.memory_space<semaphore_mem>>)
      %dma_wait3A_806 = arith.constant 0 : i32
      %dma_wait3A_807 = tpu.memref_slice %arg18[%add3A_793, %dma_wait3A_806] : memref<10240x64xbf16, #tpu.memory_space<vmem_shared>> -> memref<80x64xbf16, #tpu.memory_space<vmem_shared>>
      %dma_wait3A_808 = arith.constant 0 : i32
      %dma_wait3A_809 = tpu.memref_slice %arg18[%add3A_793, %dma_wait3A_808] : memref<10240x64xbf16, #tpu.memory_space<vmem_shared>> -> memref<80x64xbf16, #tpu.memory_space<vmem_shared>>
      tpu.wait_dma2 semaphore(%run_scoped3A : memref<!tpu.dma_semaphore, #tpu.memory_space<semaphore_mem>>) src(%dma_wait3A_809 : memref<80x64xbf16, #tpu.memory_space<vmem_shared>>) dst(%arg13 : memref<80x64xbf16, #tpu.memory_space<vmem>>)
      tpu.yield
    }) : () -> ()
    "tpu.region"() ({
      %run_scoped3A = tpu.sem_alloc : memref<!tpu.dma_semaphore, #tpu.memory_space<semaphore_mem>>
      %dma_start3A_802 = arith.constant 0 : i32
      %dma_start3A_803 = tpu.memref_slice %arg4[%arg0, %add3A_793, %dma_start3A_802] : memref<2x10240x64xbf16, #tpu.memory_space<hbm>> -> memref<1x80x64xbf16, #tpu.memory_space<hbm>>
      %dma_start3A_804 = tpu.memref_squeeze %dma_start3A_803 : memref<1x80x64xbf16, #tpu.memory_space<hbm>> -> memref<80x64xbf16, #tpu.memory_space<hbm>>
      %dma_start3A_805 = arith.constant 0 : i32
      %dma_start3A_806 = tpu.memref_slice %arg4[%arg0, %add3A_793, %dma_start3A_805] : memref<2x10240x64xbf16, #tpu.memory_space<hbm>> -> memref<1x80x64xbf16, #tpu.memory_space<hbm>>
      %dma_start3A_807 = tpu.memref_squeeze %dma_start3A_806 : memref<1x80x64xbf16, #tpu.memory_space<hbm>> -> memref<80x64xbf16, #tpu.memory_space<hbm>>
      tpu.enqueue_dma source(%arg13 : memref<80x64xbf16, #tpu.memory_space<vmem>>) target(%dma_start3A_807 : memref<80x64xbf16, #tpu.memory_space<hbm>>) target_semaphore(%run_scoped3A : memref<!tpu.dma_semaphore, #tpu.memory_space<semaphore_mem>>)
      %dma_wait3A_808 = arith.constant 0 : i32
      %dma_wait3A_809 = tpu.memref_slice %arg4[%arg0, %add3A_793, %dma_wait3A_808] : memref<2x10240x64xbf16, #tpu.memory_space<hbm>> -> memref<1x80x64xbf16, #tpu.memory_space<hbm>>
      %dma_wait3A_810 = tpu.memref_squeeze %dma_wait3A_809 : memref<1x80x64xbf16, #tpu.memory_space<hbm>> -> memref<80x64xbf16, #tpu.memory_space<hbm>>
      %dma_wait3A_811 = arith.constant 0 : i32
      %dma_wait3A_812 = tpu.memref_slice %arg4[%arg0, %add3A_793, %dma_wait3A_811] : memref<2x10240x64xbf16, #tpu.memory_space<hbm>> -> memref<1x80x64xbf16, #tpu.memory_space<hbm>>
      %dma_wait3A_813 = tpu.memref_squeeze %dma_wait3A_812 : memref<1x80x64xbf16, #tpu.memory_space<hbm>> -> memref<80x64xbf16, #tpu.memory_space<hbm>>
      tpu.wait_dma2 semaphore(%run_scoped3A : memref<!tpu.dma_semaphore, #tpu.memory_space<semaphore_mem>>) src(%arg13 : memref<80x64xbf16, #tpu.memory_space<vmem>>) dst(%dma_wait3A_813 : memref<80x64xbf16, #tpu.memory_space<hbm>>)
      tpu.yield
    }) : () -> ()
    "tpu.region"() ({
      %run_scoped3A = tpu.sem_alloc : memref<!tpu.dma_semaphore, #tpu.memory_space<semaphore_mem>>
      %dma_start3A_802 = arith.constant 0 : i32
      %dma_start3A_803 = tpu.memref_slice %arg19[%add3A_793, %dma_start3A_802] : memref<10240x16xf32, #tpu.memory_space<vmem_shared>> -> memref<80x16xf32, #tpu.memory_space<vmem_shared>>
      %dma_start3A_804 = arith.constant 0 : i32
      %dma_start3A_805 = tpu.memref_slice %arg19[%add3A_793, %dma_start3A_804] : memref<10240x16xf32, #tpu.memory_space<vmem_shared>> -> memref<80x16xf32, #tpu.memory_space<vmem_shared>>
      tpu.enqueue_dma source(%dma_start3A_805 : memref<80x16xf32, #tpu.memory_space<vmem_shared>>) target(%arg16 : memref<80x16xf32, #tpu.memory_space<vmem>>) target_semaphore(%run_scoped3A : memref<!tpu.dma_semaphore, #tpu.memory_space<semaphore_mem>>)
      %dma_wait3A_806 = arith.constant 0 : i32
      %dma_wait3A_807 = tpu.memref_slice %arg19[%add3A_793, %dma_wait3A_806] : memref<10240x16xf32, #tpu.memory_space<vmem_shared>> -> memref<80x16xf32, #tpu.memory_space<vmem_shared>>
      %dma_wait3A_808 = arith.constant 0 : i32
      %dma_wait3A_809 = tpu.memref_slice %arg19[%add3A_793, %dma_wait3A_808] : memref<10240x16xf32, #tpu.memory_space<vmem_shared>> -> memref<80x16xf32, #tpu.memory_space<vmem_shared>>
      tpu.wait_dma2 semaphore(%run_scoped3A : memref<!tpu.dma_semaphore, #tpu.memory_space<semaphore_mem>>) src(%dma_wait3A_809 : memref<80x16xf32, #tpu.memory_space<vmem_shared>>) dst(%arg16 : memref<80x16xf32, #tpu.memory_space<vmem>>)
      tpu.yield
    }) : () -> ()
    "tpu.region"() ({
      %run_scoped3A = tpu.sem_alloc : memref<!tpu.dma_semaphore, #tpu.memory_space<semaphore_mem>>
      %dma_start3A_802 = arith.constant 0 : i32
      %dma_start3A_803 = tpu.memref_slice %arg5[%arg0, %add3A_793, %dma_start3A_802] : memref<2x10240x16xf32, #tpu.memory_space<hbm>> -> memref<1x80x16xf32, #tpu.memory_space<hbm>>
      %dma_start3A_804 = tpu.memref_squeeze %dma_start3A_803 : memref<1x80x16xf32, #tpu.memory_space<hbm>> -> memref<80x16xf32, #tpu.memory_space<hbm>>
      %dma_start3A_805 = arith.constant 0 : i32
      %dma_start3A_806 = tpu.memref_slice %arg5[%arg0, %add3A_793, %dma_start3A_805] : memref<2x10240x16xf32, #tpu.memory_space<hbm>> -> memref<1x80x16xf32, #tpu.memory_space<hbm>>
      %dma_start3A_807 = tpu.memref_squeeze %dma_start3A_806 : memref<1x80x16xf32, #tpu.memory_space<hbm>> -> memref<80x16xf32, #tpu.memory_space<hbm>>
      tpu.enqueue_dma source(%arg16 : memref<80x16xf32, #tpu.memory_space<vmem>>) target(%dma_start3A_807 : memref<80x16xf32, #tpu.memory_space<hbm>>) target_semaphore(%run_scoped3A : memref<!tpu.dma_semaphore, #tpu.memory_space<semaphore_mem>>)
      %dma_wait3A_808 = arith.constant 0 : i32
      %dma_wait3A_809 = tpu.memref_slice %arg5[%arg0, %add3A_793, %dma_wait3A_808] : memref<2x10240x16xf32, #tpu.memory_space<hbm>> -> memref<1x80x16xf32, #tpu.memory_space<hbm>>
      %dma_wait3A_810 = tpu.memref_squeeze %dma_wait3A_809 : memref<1x80x16xf32, #tpu.memory_space<hbm>> -> memref<80x16xf32, #tpu.memory_space<hbm>>
      %dma_wait3A_811 = arith.constant 0 : i32
      %dma_wait3A_812 = tpu.memref_slice %arg5[%arg0, %add3A_793, %dma_wait3A_811] : memref<2x10240x16xf32, #tpu.memory_space<hbm>> -> memref<1x80x16xf32, #tpu.memory_space<hbm>>
      %dma_wait3A_813 = tpu.memref_squeeze %dma_wait3A_812 : memref<1x80x16xf32, #tpu.memory_space<hbm>> -> memref<80x16xf32, #tpu.memory_space<hbm>>
      tpu.wait_dma2 semaphore(%run_scoped3A : memref<!tpu.dma_semaphore, #tpu.memory_space<semaphore_mem>>) src(%arg16 : memref<80x16xf32, #tpu.memory_space<vmem>>) dst(%dma_wait3A_813 : memref<80x16xf32, #tpu.memory_space<hbm>>)
      tpu.yield
    }) : () -> ()
    %mul3A_794 = arith.constant 640 : i32
    %mul3A_795 = arith.muli %arg1, %mul3A_794 : i32
    %add3A_796 = arith.constant 480 : i32
    %add3A_797 = arith.addi %mul3A_795, %add3A_796 : i32
    "tpu.region"() ({
      %run_scoped3A = tpu.sem_alloc : memref<!tpu.dma_semaphore, #tpu.memory_space<semaphore_mem>>
      %dma_start3A_802 = arith.constant 0 : i32
      %dma_start3A_803 = tpu.memref_slice %arg18[%add3A_797, %dma_start3A_802] : memref<10240x64xbf16, #tpu.memory_space<vmem_shared>> -> memref<80x64xbf16, #tpu.memory_space<vmem_shared>>
      %dma_start3A_804 = arith.constant 0 : i32
      %dma_start3A_805 = tpu.memref_slice %arg18[%add3A_797, %dma_start3A_804] : memref<10240x64xbf16, #tpu.memory_space<vmem_shared>> -> memref<80x64xbf16, #tpu.memory_space<vmem_shared>>
      tpu.enqueue_dma source(%dma_start3A_805 : memref<80x64xbf16, #tpu.memory_space<vmem_shared>>) target(%arg13 : memref<80x64xbf16, #tpu.memory_space<vmem>>) target_semaphore(%run_scoped3A : memref<!tpu.dma_semaphore, #tpu.memory_space<semaphore_mem>>)
      %dma_wait3A_806 = arith.constant 0 : i32
      %dma_wait3A_807 = tpu.memref_slice %arg18[%add3A_797, %dma_wait3A_806] : memref<10240x64xbf16, #tpu.memory_space<vmem_shared>> -> memref<80x64xbf16, #tpu.memory_space<vmem_shared>>
      %dma_wait3A_808 = arith.constant 0 : i32
      %dma_wait3A_809 = tpu.memref_slice %arg18[%add3A_797, %dma_wait3A_808] : memref<10240x64xbf16, #tpu.memory_space<vmem_shared>> -> memref<80x64xbf16, #tpu.memory_space<vmem_shared>>
      tpu.wait_dma2 semaphore(%run_scoped3A : memref<!tpu.dma_semaphore, #tpu.memory_space<semaphore_mem>>) src(%dma_wait3A_809 : memref<80x64xbf16, #tpu.memory_space<vmem_shared>>) dst(%arg13 : memref<80x64xbf16, #tpu.memory_space<vmem>>)
      tpu.yield
    }) : () -> ()
    "tpu.region"() ({
      %run_scoped3A = tpu.sem_alloc : memref<!tpu.dma_semaphore, #tpu.memory_space<semaphore_mem>>
      %dma_start3A_802 = arith.constant 0 : i32
      %dma_start3A_803 = tpu.memref_slice %arg4[%arg0, %add3A_797, %dma_start3A_802] : memref<2x10240x64xbf16, #tpu.memory_space<hbm>> -> memref<1x80x64xbf16, #tpu.memory_space<hbm>>
      %dma_start3A_804 = tpu.memref_squeeze %dma_start3A_803 : memref<1x80x64xbf16, #tpu.memory_space<hbm>> -> memref<80x64xbf16, #tpu.memory_space<hbm>>
      %dma_start3A_805 = arith.constant 0 : i32
      %dma_start3A_806 = tpu.memref_slice %arg4[%arg0, %add3A_797, %dma_start3A_805] : memref<2x10240x64xbf16, #tpu.memory_space<hbm>> -> memref<1x80x64xbf16, #tpu.memory_space<hbm>>
      %dma_start3A_807 = tpu.memref_squeeze %dma_start3A_806 : memref<1x80x64xbf16, #tpu.memory_space<hbm>> -> memref<80x64xbf16, #tpu.memory_space<hbm>>
      tpu.enqueue_dma source(%arg13 : memref<80x64xbf16, #tpu.memory_space<vmem>>) target(%dma_start3A_807 : memref<80x64xbf16, #tpu.memory_space<hbm>>) target_semaphore(%run_scoped3A : memref<!tpu.dma_semaphore, #tpu.memory_space<semaphore_mem>>)
      %dma_wait3A_808 = arith.constant 0 : i32
      %dma_wait3A_809 = tpu.memref_slice %arg4[%arg0, %add3A_797, %dma_wait3A_808] : memref<2x10240x64xbf16, #tpu.memory_space<hbm>> -> memref<1x80x64xbf16, #tpu.memory_space<hbm>>
      %dma_wait3A_810 = tpu.memref_squeeze %dma_wait3A_809 : memref<1x80x64xbf16, #tpu.memory_space<hbm>> -> memref<80x64xbf16, #tpu.memory_space<hbm>>
      %dma_wait3A_811 = arith.constant 0 : i32
      %dma_wait3A_812 = tpu.memref_slice %arg4[%arg0, %add3A_797, %dma_wait3A_811] : memref<2x10240x64xbf16, #tpu.memory_space<hbm>> -> memref<1x80x64xbf16, #tpu.memory_space<hbm>>
      %dma_wait3A_813 = tpu.memref_squeeze %dma_wait3A_812 : memref<1x80x64xbf16, #tpu.memory_space<hbm>> -> memref<80x64xbf16, #tpu.memory_space<hbm>>
      tpu.wait_dma2 semaphore(%run_scoped3A : memref<!tpu.dma_semaphore, #tpu.memory_space<semaphore_mem>>) src(%arg13 : memref<80x64xbf16, #tpu.memory_space<vmem>>) dst(%dma_wait3A_813 : memref<80x64xbf16, #tpu.memory_space<hbm>>)
      tpu.yield
    }) : () -> ()
    "tpu.region"() ({
      %run_scoped3A = tpu.sem_alloc : memref<!tpu.dma_semaphore, #tpu.memory_space<semaphore_mem>>
      %dma_start3A_802 = arith.constant 0 : i32
      %dma_start3A_803 = tpu.memref_slice %arg19[%add3A_797, %dma_start3A_802] : memref<10240x16xf32, #tpu.memory_space<vmem_shared>> -> memref<80x16xf32, #tpu.memory_space<vmem_shared>>
      %dma_start3A_804 = arith.constant 0 : i32
      %dma_start3A_805 = tpu.memref_slice %arg19[%add3A_797, %dma_start3A_804] : memref<10240x16xf32, #tpu.memory_space<vmem_shared>> -> memref<80x16xf32, #tpu.memory_space<vmem_shared>>
      tpu.enqueue_dma source(%dma_start3A_805 : memref<80x16xf32, #tpu.memory_space<vmem_shared>>) target(%arg16 : memref<80x16xf32, #tpu.memory_space<vmem>>) target_semaphore(%run_scoped3A : memref<!tpu.dma_semaphore, #tpu.memory_space<semaphore_mem>>)
      %dma_wait3A_806 = arith.constant 0 : i32
      %dma_wait3A_807 = tpu.memref_slice %arg19[%add3A_797, %dma_wait3A_806] : memref<10240x16xf32, #tpu.memory_space<vmem_shared>> -> memref<80x16xf32, #tpu.memory_space<vmem_shared>>
      %dma_wait3A_808 = arith.constant 0 : i32
      %dma_wait3A_809 = tpu.memref_slice %arg19[%add3A_797, %dma_wait3A_808] : memref<10240x16xf32, #tpu.memory_space<vmem_shared>> -> memref<80x16xf32, #tpu.memory_space<vmem_shared>>
      tpu.wait_dma2 semaphore(%run_scoped3A : memref<!tpu.dma_semaphore, #tpu.memory_space<semaphore_mem>>) src(%dma_wait3A_809 : memref<80x16xf32, #tpu.memory_space<vmem_shared>>) dst(%arg16 : memref<80x16xf32, #tpu.memory_space<vmem>>)
      tpu.yield
    }) : () -> ()
    "tpu.region"() ({
      %run_scoped3A = tpu.sem_alloc : memref<!tpu.dma_semaphore, #tpu.memory_space<semaphore_mem>>
      %dma_start3A_802 = arith.constant 0 : i32
      %dma_start3A_803 = tpu.memref_slice %arg5[%arg0, %add3A_797, %dma_start3A_802] : memref<2x10240x16xf32, #tpu.memory_space<hbm>> -> memref<1x80x16xf32, #tpu.memory_space<hbm>>
      %dma_start3A_804 = tpu.memref_squeeze %dma_start3A_803 : memref<1x80x16xf32, #tpu.memory_space<hbm>> -> memref<80x16xf32, #tpu.memory_space<hbm>>
      %dma_start3A_805 = arith.constant 0 : i32
      %dma_start3A_806 = tpu.memref_slice %arg5[%arg0, %add3A_797, %dma_start3A_805] : memref<2x10240x16xf32, #tpu.memory_space<hbm>> -> memref<1x80x16xf32, #tpu.memory_space<hbm>>
      %dma_start3A_807 = tpu.memref_squeeze %dma_start3A_806 : memref<1x80x16xf32, #tpu.memory_space<hbm>> -> memref<80x16xf32, #tpu.memory_space<hbm>>
      tpu.enqueue_dma source(%arg16 : memref<80x16xf32, #tpu.memory_space<vmem>>) target(%dma_start3A_807 : memref<80x16xf32, #tpu.memory_space<hbm>>) target_semaphore(%run_scoped3A : memref<!tpu.dma_semaphore, #tpu.memory_space<semaphore_mem>>)
      %dma_wait3A_808 = arith.constant 0 : i32
      %dma_wait3A_809 = tpu.memref_slice %arg5[%arg0, %add3A_797, %dma_wait3A_808] : memref<2x10240x16xf32, #tpu.memory_space<hbm>> -> memref<1x80x16xf32, #tpu.memory_space<hbm>>
      %dma_wait3A_810 = tpu.memref_squeeze %dma_wait3A_809 : memref<1x80x16xf32, #tpu.memory_space<hbm>> -> memref<80x16xf32, #tpu.memory_space<hbm>>
      %dma_wait3A_811 = arith.constant 0 : i32
      %dma_wait3A_812 = tpu.memref_slice %arg5[%arg0, %add3A_797, %dma_wait3A_811] : memref<2x10240x16xf32, #tpu.memory_space<hbm>> -> memref<1x80x16xf32, #tpu.memory_space<hbm>>
      %dma_wait3A_813 = tpu.memref_squeeze %dma_wait3A_812 : memref<1x80x16xf32, #tpu.memory_space<hbm>> -> memref<80x16xf32, #tpu.memory_space<hbm>>
      tpu.wait_dma2 semaphore(%run_scoped3A : memref<!tpu.dma_semaphore, #tpu.memory_space<semaphore_mem>>) src(%arg16 : memref<80x16xf32, #tpu.memory_space<vmem>>) dst(%dma_wait3A_813 : memref<80x16xf32, #tpu.memory_space<hbm>>)
      tpu.yield
    }) : () -> ()
    %mul3A_798 = arith.constant 640 : i32
    %mul3A_799 = arith.muli %arg1, %mul3A_798 : i32
    %add3A_800 = arith.constant 560 : i32
    %add3A_801 = arith.addi %mul3A_799, %add3A_800 : i32
    "tpu.region"() ({
      %run_scoped3A = tpu.sem_alloc : memref<!tpu.dma_semaphore, #tpu.memory_space<semaphore_mem>>
      %dma_start3A_802 = arith.constant 0 : i32
      %dma_start3A_803 = tpu.memref_slice %arg18[%add3A_801, %dma_start3A_802] : memref<10240x64xbf16, #tpu.memory_space<vmem_shared>> -> memref<80x64xbf16, #tpu.memory_space<vmem_shared>>
      %dma_start3A_804 = arith.constant 0 : i32
      %dma_start3A_805 = tpu.memref_slice %arg18[%add3A_801, %dma_start3A_804] : memref<10240x64xbf16, #tpu.memory_space<vmem_shared>> -> memref<80x64xbf16, #tpu.memory_space<vmem_shared>>
      tpu.enqueue_dma source(%dma_start3A_805 : memref<80x64xbf16, #tpu.memory_space<vmem_shared>>) target(%arg13 : memref<80x64xbf16, #tpu.memory_space<vmem>>) target_semaphore(%run_scoped3A : memref<!tpu.dma_semaphore, #tpu.memory_space<semaphore_mem>>)
      %dma_wait3A_806 = arith.constant 0 : i32
      %dma_wait3A_807 = tpu.memref_slice %arg18[%add3A_801, %dma_wait3A_806] : memref<10240x64xbf16, #tpu.memory_space<vmem_shared>> -> memref<80x64xbf16, #tpu.memory_space<vmem_shared>>
      %dma_wait3A_808 = arith.constant 0 : i32
      %dma_wait3A_809 = tpu.memref_slice %arg18[%add3A_801, %dma_wait3A_808] : memref<10240x64xbf16, #tpu.memory_space<vmem_shared>> -> memref<80x64xbf16, #tpu.memory_space<vmem_shared>>
      tpu.wait_dma2 semaphore(%run_scoped3A : memref<!tpu.dma_semaphore, #tpu.memory_space<semaphore_mem>>) src(%dma_wait3A_809 : memref<80x64xbf16, #tpu.memory_space<vmem_shared>>) dst(%arg13 : memref<80x64xbf16, #tpu.memory_space<vmem>>)
      tpu.yield
    }) : () -> ()
    "tpu.region"() ({
      %run_scoped3A = tpu.sem_alloc : memref<!tpu.dma_semaphore, #tpu.memory_space<semaphore_mem>>
      %dma_start3A_802 = arith.constant 0 : i32
      %dma_start3A_803 = tpu.memref_slice %arg4[%arg0, %add3A_801, %dma_start3A_802] : memref<2x10240x64xbf16, #tpu.memory_space<hbm>> -> memref<1x80x64xbf16, #tpu.memory_space<hbm>>
      %dma_start3A_804 = tpu.memref_squeeze %dma_start3A_803 : memref<1x80x64xbf16, #tpu.memory_space<hbm>> -> memref<80x64xbf16, #tpu.memory_space<hbm>>
      %dma_start3A_805 = arith.constant 0 : i32
      %dma_start3A_806 = tpu.memref_slice %arg4[%arg0, %add3A_801, %dma_start3A_805] : memref<2x10240x64xbf16, #tpu.memory_space<hbm>> -> memref<1x80x64xbf16, #tpu.memory_space<hbm>>
      %dma_start3A_807 = tpu.memref_squeeze %dma_start3A_806 : memref<1x80x64xbf16, #tpu.memory_space<hbm>> -> memref<80x64xbf16, #tpu.memory_space<hbm>>
      tpu.enqueue_dma source(%arg13 : memref<80x64xbf16, #tpu.memory_space<vmem>>) target(%dma_start3A_807 : memref<80x64xbf16, #tpu.memory_space<hbm>>) target_semaphore(%run_scoped3A : memref<!tpu.dma_semaphore, #tpu.memory_space<semaphore_mem>>)
      %dma_wait3A_808 = arith.constant 0 : i32
      %dma_wait3A_809 = tpu.memref_slice %arg4[%arg0, %add3A_801, %dma_wait3A_808] : memref<2x10240x64xbf16, #tpu.memory_space<hbm>> -> memref<1x80x64xbf16, #tpu.memory_space<hbm>>
      %dma_wait3A_810 = tpu.memref_squeeze %dma_wait3A_809 : memref<1x80x64xbf16, #tpu.memory_space<hbm>> -> memref<80x64xbf16, #tpu.memory_space<hbm>>
      %dma_wait3A_811 = arith.constant 0 : i32
      %dma_wait3A_812 = tpu.memref_slice %arg4[%arg0, %add3A_801, %dma_wait3A_811] : memref<2x10240x64xbf16, #tpu.memory_space<hbm>> -> memref<1x80x64xbf16, #tpu.memory_space<hbm>>
      %dma_wait3A_813 = tpu.memref_squeeze %dma_wait3A_812 : memref<1x80x64xbf16, #tpu.memory_space<hbm>> -> memref<80x64xbf16, #tpu.memory_space<hbm>>
      tpu.wait_dma2 semaphore(%run_scoped3A : memref<!tpu.dma_semaphore, #tpu.memory_space<semaphore_mem>>) src(%arg13 : memref<80x64xbf16, #tpu.memory_space<vmem>>) dst(%dma_wait3A_813 : memref<80x64xbf16, #tpu.memory_space<hbm>>)
      tpu.yield
    }) : () -> ()
    "tpu.region"() ({
      %run_scoped3A = tpu.sem_alloc : memref<!tpu.dma_semaphore, #tpu.memory_space<semaphore_mem>>
      %dma_start3A_802 = arith.constant 0 : i32
      %dma_start3A_803 = tpu.memref_slice %arg19[%add3A_801, %dma_start3A_802] : memref<10240x16xf32, #tpu.memory_space<vmem_shared>> -> memref<80x16xf32, #tpu.memory_space<vmem_shared>>
      %dma_start3A_804 = arith.constant 0 : i32
      %dma_start3A_805 = tpu.memref_slice %arg19[%add3A_801, %dma_start3A_804] : memref<10240x16xf32, #tpu.memory_space<vmem_shared>> -> memref<80x16xf32, #tpu.memory_space<vmem_shared>>
      tpu.enqueue_dma source(%dma_start3A_805 : memref<80x16xf32, #tpu.memory_space<vmem_shared>>) target(%arg16 : memref<80x16xf32, #tpu.memory_space<vmem>>) target_semaphore(%run_scoped3A : memref<!tpu.dma_semaphore, #tpu.memory_space<semaphore_mem>>)
      %dma_wait3A_806 = arith.constant 0 : i32
      %dma_wait3A_807 = tpu.memref_slice %arg19[%add3A_801, %dma_wait3A_806] : memref<10240x16xf32, #tpu.memory_space<vmem_shared>> -> memref<80x16xf32, #tpu.memory_space<vmem_shared>>
      %dma_wait3A_808 = arith.constant 0 : i32
      %dma_wait3A_809 = tpu.memref_slice %arg19[%add3A_801, %dma_wait3A_808] : memref<10240x16xf32, #tpu.memory_space<vmem_shared>> -> memref<80x16xf32, #tpu.memory_space<vmem_shared>>
      tpu.wait_dma2 semaphore(%run_scoped3A : memref<!tpu.dma_semaphore, #tpu.memory_space<semaphore_mem>>) src(%dma_wait3A_809 : memref<80x16xf32, #tpu.memory_space<vmem_shared>>) dst(%arg16 : memref<80x16xf32, #tpu.memory_space<vmem>>)
      tpu.yield
    }) : () -> ()
    "tpu.region"() ({
      %run_scoped3A = tpu.sem_alloc : memref<!tpu.dma_semaphore, #tpu.memory_space<semaphore_mem>>
      %dma_start3A_802 = arith.constant 0 : i32
      %dma_start3A_803 = tpu.memref_slice %arg5[%arg0, %add3A_801, %dma_start3A_802] : memref<2x10240x16xf32, #tpu.memory_space<hbm>> -> memref<1x80x16xf32, #tpu.memory_space<hbm>>
      %dma_start3A_804 = tpu.memref_squeeze %dma_start3A_803 : memref<1x80x16xf32, #tpu.memory_space<hbm>> -> memref<80x16xf32, #tpu.memory_space<hbm>>
      %dma_start3A_805 = arith.constant 0 : i32
      %dma_start3A_806 = tpu.memref_slice %arg5[%arg0, %add3A_801, %dma_start3A_805] : memref<2x10240x16xf32, #tpu.memory_space<hbm>> -> memref<1x80x16xf32, #tpu.memory_space<hbm>>
      %dma_start3A_807 = tpu.memref_squeeze %dma_start3A_806 : memref<1x80x16xf32, #tpu.memory_space<hbm>> -> memref<80x16xf32, #tpu.memory_space<hbm>>
      tpu.enqueue_dma source(%arg16 : memref<80x16xf32, #tpu.memory_space<vmem>>) target(%dma_start3A_807 : memref<80x16xf32, #tpu.memory_space<hbm>>) target_semaphore(%run_scoped3A : memref<!tpu.dma_semaphore, #tpu.memory_space<semaphore_mem>>)
      %dma_wait3A_808 = arith.constant 0 : i32
      %dma_wait3A_809 = tpu.memref_slice %arg5[%arg0, %add3A_801, %dma_wait3A_808] : memref<2x10240x16xf32, #tpu.memory_space<hbm>> -> memref<1x80x16xf32, #tpu.memory_space<hbm>>
      %dma_wait3A_810 = tpu.memref_squeeze %dma_wait3A_809 : memref<1x80x16xf32, #tpu.memory_space<hbm>> -> memref<80x16xf32, #tpu.memory_space<hbm>>
      %dma_wait3A_811 = arith.constant 0 : i32
      %dma_wait3A_812 = tpu.memref_slice %arg5[%arg0, %add3A_801, %dma_wait3A_811] : memref<2x10240x16xf32, #tpu.memory_space<hbm>> -> memref<1x80x16xf32, #tpu.memory_space<hbm>>
      %dma_wait3A_813 = tpu.memref_squeeze %dma_wait3A_812 : memref<1x80x16xf32, #tpu.memory_space<hbm>> -> memref<80x16xf32, #tpu.memory_space<hbm>>
      tpu.wait_dma2 semaphore(%run_scoped3A : memref<!tpu.dma_semaphore, #tpu.memory_space<semaphore_mem>>) src(%arg16 : memref<80x16xf32, #tpu.memory_space<vmem>>) dst(%dma_wait3A_813 : memref<80x16xf32, #tpu.memory_space<hbm>>)
      tpu.yield
    }) : () -> ()
    return
  }
}

module attributes {stable_mosaic.version = 14 : i64} {
  func.func @_tc1_body(%arg0: memref<10000x128xf32, #tpu.memory_space<vmem>>, %arg1: memref<64x128xf32, #tpu.memory_space<vmem>>, %arg2: memref<64x128xf32, #tpu.memory_space<vmem>>, %arg3: memref<2x320000xi32, #tpu.memory_space<vmem>>, %arg4: memref<10000x64xbf16, #tpu.memory_space<vmem>>, %arg5: memref<10000x64xf32, #tpu.memory_space<vmem>>, %arg6: memref<320000xi32, #tpu.memory_space<vmem>>) attributes {dimension_semantics = [], scalar_prefetch = 0 : i64, scratch_operands = 0 : i64, tpu.core_type = #tpu.core_type<tc>} {
    %get3A = arith.constant 0 : index
    %get3A_0 = arith.constant 0 : index
    %get3A_1 = vector.load %arg0[%get3A, %get3A_0] : memref<10000x128xf32, #tpu.memory_space<vmem>>, vector<10000x128xf32>
    %get3A_2 = arith.constant 0 : index
    %get3A_3 = arith.constant 0 : index
    %get3A_4 = vector.load %arg1[%get3A_2, %get3A_3] : memref<64x128xf32, #tpu.memory_space<vmem>>, vector<64x128xf32>
    %dot_general3A = arith.constant dense<0.000000e+00> : vector<10000x64xf32>
    %dot_general3A_5 = tpu.matmul %get3A_1, %get3A_4, %dot_general3A {dimension_numbers = #tpu.dot_dimension_numbers<[1], [1], [0], [0], [0, 0, 1, 0], [], []>, transpose_lhs_hint = false} : vector<10000x128xf32>, vector<64x128xf32>, vector<10000x64xf32> -> vector<10000x64xf32>
    %convert_element_type3A = arith.truncf %dot_general3A_5 : vector<10000x64xf32> to vector<10000x64xbf16>
    %swap3A = arith.constant 0 : index
    %swap3A_6 = arith.constant 0 : index
    %swap3A_7 = vector.load %arg4[%swap3A, %swap3A_6] : memref<10000x64xbf16, #tpu.memory_space<vmem>>, vector<10000x64xbf16>
    tpu.vector_store %arg4[%swap3A, %swap3A_6], %convert_element_type3A {strides = array<i32>} : memref<10000x64xbf16, #tpu.memory_space<vmem>>, vector<10000x64xbf16>,
    %get3A_8 = arith.constant 0 : index
    %get3A_9 = arith.constant 0 : index
    %get3A_10 = vector.load %arg2[%get3A_8, %get3A_9] : memref<64x128xf32, #tpu.memory_space<vmem>>, vector<64x128xf32>
    %dot_general3A_11 = arith.constant dense<0.000000e+00> : vector<10000x64xf32>
    %dot_general3A_12 = tpu.matmul %get3A_1, %get3A_10, %dot_general3A_11 {dimension_numbers = #tpu.dot_dimension_numbers<[1], [1], [0], [0], [0, 0, 1, 0], [], []>, transpose_lhs_hint = false} : vector<10000x128xf32>, vector<64x128xf32>, vector<10000x64xf32> -> vector<10000x64xf32>
    %swap3A_13 = arith.constant 0 : index
    %swap3A_14 = arith.constant 0 : index
    %swap3A_15 = vector.load %arg5[%swap3A_13, %swap3A_14] : memref<10000x64xf32, #tpu.memory_space<vmem>>, vector<10000x64xf32>
    tpu.vector_store %arg5[%swap3A_13, %swap3A_14], %dot_general3A_12 {strides = array<i32>} : memref<10000x64xf32, #tpu.memory_space<vmem>>, vector<10000x64xf32>,
    %get3A_16 = arith.constant 0 : index
    %get3A_17 = arith.constant 0 : index
    %get3A_18 = vector.load %arg3[%get3A_16, %get3A_17] : memref<2x320000xi32, #tpu.memory_space<vmem>>, vector<1x320000xi32>
    %get3A_19 = vector.shape_cast %get3A_18 : vector<1x320000xi32> to vector<320000xi32>
    %shift_left3A = arith.constant 14 : i32
    %shift_left3A_20 = vector.broadcast %shift_left3A : i32 to vector<320000xi32>
    %shift_left3A_21 = arith.shli %get3A_19, %shift_left3A_20 : vector<320000xi32>
    %get3A_22 = arith.constant 1 : index
    %get3A_23 = arith.constant 0 : index
    %get3A_24 = vector.load %arg3[%get3A_22, %get3A_23] : memref<2x320000xi32, #tpu.memory_space<vmem>>, vector<1x320000xi32>
    %get3A_25 = vector.shape_cast %get3A_24 : vector<1x320000xi32> to vector<320000xi32>
    %or3A = arith.ori %shift_left3A_21, %get3A_25 : vector<320000xi32>
    %swap3A_26 = arith.constant 0 : index
    %swap3A_27 = vector.load %arg6[%swap3A_26] : memref<320000xi32, #tpu.memory_space<vmem>>, vector<320000xi32>
    tpu.vector_store %arg6[%swap3A_26], %or3A {strides = array<i32>} : memref<320000xi32, #tpu.memory_space<vmem>>, vector<320000xi32>,
    return
  }
}

module attributes {stable_mosaic.version = 14 : i64} {
  func.func @_tc2_body(%arg0: memref<2x10240x64xbf16, #tpu.memory_space<vmem>>, %arg1: memref<2x10240x16xf32, #tpu.memory_space<vmem>>, %arg2: memref<10000x64xf32, #tpu.memory_space<vmem>>, %arg3: memref<1x64xf32, #tpu.memory_space<vmem>>, %arg4: memref<64x64xf32, #tpu.memory_space<vmem>>, %arg5: memref<64x64xf32, #tpu.memory_space<vmem>>, %arg6: memref<10000x64xbf16, #tpu.memory_space<vmem>>, %arg7: memref<10000x80xf32, #tpu.memory_space<vmem>>) attributes {dimension_semantics = [], scalar_prefetch = 0 : i64, scratch_operands = 0 : i64, tpu.core_type = #tpu.core_type<tc>} {
    %get3A = arith.constant 0 : index
    %get3A_0 = arith.constant 0 : index
    %get3A_1 = arith.constant 0 : index
    %get3A_2 = vector.load %arg0[%get3A, %get3A_0, %get3A_1] : memref<2x10240x64xbf16, #tpu.memory_space<vmem>>, vector<1x10000x64xbf16>
    %get3A_3 = vector.shape_cast %get3A_2 : vector<1x10000x64xbf16> to vector<10000x64xbf16>
    %get3A_4 = arith.constant 1 : index
    %get3A_5 = arith.constant 0 : index
    %get3A_6 = arith.constant 0 : index
    %get3A_7 = vector.load %arg0[%get3A_4, %get3A_5, %get3A_6] : memref<2x10240x64xbf16, #tpu.memory_space<vmem>>, vector<1x10000x64xbf16>
    %get3A_8 = vector.shape_cast %get3A_7 : vector<1x10000x64xbf16> to vector<10000x64xbf16>
    %add3A = arith.addf %get3A_3, %get3A_8 : vector<10000x64xbf16>
    %convert_element_type3A = arith.extf %add3A : vector<10000x64xbf16> to vector<10000x64xf32>
    %get3A_9 = arith.constant 0 : index
    %get3A_10 = arith.constant 0 : index
    %get3A_11 = arith.constant 0 : index
    %get3A_12 = vector.load %arg1[%get3A_9, %get3A_10, %get3A_11] : memref<2x10240x16xf32, #tpu.memory_space<vmem>>, vector<1x10000x16xf32>
    %get3A_13 = vector.shape_cast %get3A_12 : vector<1x10000x16xf32> to vector<10000x16xf32>
    %get3A_14 = arith.constant 1 : index
    %get3A_15 = arith.constant 0 : index
    %get3A_16 = arith.constant 0 : index
    %get3A_17 = vector.load %arg1[%get3A_14, %get3A_15, %get3A_16] : memref<2x10240x16xf32, #tpu.memory_space<vmem>>, vector<1x10000x16xf32>
    %get3A_18 = vector.shape_cast %get3A_17 : vector<1x10000x16xf32> to vector<10000x16xf32>
    %add3A_19 = arith.addf %get3A_13, %get3A_18 : vector<10000x16xf32>
    %reduce_max3A = arith.constant dense<0xFF800000> : vector<10000xf32>
    %reduce_max3A_20 = vector.multi_reduction <maximumf>, %add3A_19, %reduce_max3A [1] : vector<10000x16xf32> to vector<10000xf32>
    %broadcast_in_dim3A = vector.shape_cast %reduce_max3A_20 : vector<10000xf32> to vector<10000x1xf32>
    %max3A = arith.constant 1.000000e+00 : f32
    %max3A_21 = vector.broadcast %max3A : f32 to vector<10000x1xf32>
    %max3A_22 = arith.maximumf %broadcast_in_dim3A, %max3A_21 : vector<10000x1xf32>
    %div3A = arith.constant 1.000000e+00 : f32
    %div3A_23 = vector.broadcast %div3A : f32 to vector<10000x1xf32>
    %div3A_24 = arith.divf %div3A_23, %max3A_22 : vector<10000x1xf32>
    %mul3A = vector.broadcast %div3A_24 : vector<10000x1xf32> to vector<10000x64xf32>
    %mul3A_25 = arith.mulf %convert_element_type3A, %mul3A : vector<10000x64xf32>
    %get3A_26 = arith.constant 0 : index
    %get3A_27 = arith.constant 0 : index
    %get3A_28 = vector.load %arg3[%get3A_26, %get3A_27] : memref<1x64xf32, #tpu.memory_space<vmem>>, vector<1x64xf32>
    %add3A_29 = vector.broadcast %get3A_28 : vector<1x64xf32> to vector<10000x64xf32>
    %add3A_30 = arith.addf %mul3A_25, %add3A_29 : vector<10000x64xf32>
    %get3A_31 = arith.constant 0 : index
    %get3A_32 = arith.constant 0 : index
    %get3A_33 = vector.load %arg2[%get3A_31, %get3A_32] : memref<10000x64xf32, #tpu.memory_space<vmem>>, vector<10000x64xf32>
    %add3A_34 = arith.addf %add3A_30, %get3A_33 : vector<10000x64xf32>
    %max3A_35 = arith.constant 0.000000e+00 : f32
    %max3A_36 = vector.broadcast %max3A_35 : f32 to vector<10000x64xf32>
    %max3A_37 = arith.maximumf %add3A_34, %max3A_36 : vector<10000x64xf32>
    %get3A_38 = arith.constant 0 : index
    %get3A_39 = arith.constant 0 : index
    %get3A_40 = vector.load %arg4[%get3A_38, %get3A_39] : memref<64x64xf32, #tpu.memory_space<vmem>>, vector<64x64xf32>
    %dot_general3A = arith.constant dense<0.000000e+00> : vector<10000x64xf32>
    %dot_general3A_41 = tpu.matmul %max3A_37, %get3A_40, %dot_general3A {dimension_numbers = #tpu.dot_dimension_numbers<[1], [1], [0], [0], [0, 0, 1, 0], [], []>, transpose_lhs_hint = false} : vector<10000x64xf32>, vector<64x64xf32>, vector<10000x64xf32> -> vector<10000x64xf32>
    %convert_element_type3A_42 = arith.truncf %dot_general3A_41 : vector<10000x64xf32> to vector<10000x64xbf16>
    %swap3A = arith.constant 0 : index
    %swap3A_43 = arith.constant 0 : index
    %swap3A_44 = vector.load %arg6[%swap3A, %swap3A_43] : memref<10000x64xbf16, #tpu.memory_space<vmem>>, vector<10000x64xbf16>
    tpu.vector_store %arg6[%swap3A, %swap3A_43], %convert_element_type3A_42 {strides = array<i32>} : memref<10000x64xbf16, #tpu.memory_space<vmem>>, vector<10000x64xbf16>,
    %get3A_45 = arith.constant 0 : index
    %get3A_46 = arith.constant 0 : index
    %get3A_47 = vector.load %arg5[%get3A_45, %get3A_46] : memref<64x64xf32, #tpu.memory_space<vmem>>, vector<64x64xf32>
    %dot_general3A_48 = arith.constant dense<0.000000e+00> : vector<10000x64xf32>
    %dot_general3A_49 = tpu.matmul %max3A_37, %get3A_47, %dot_general3A_48 {dimension_numbers = #tpu.dot_dimension_numbers<[1], [1], [0], [0], [0, 0, 1, 0], [], []>, transpose_lhs_hint = false} : vector<10000x64xf32>, vector<64x64xf32>, vector<10000x64xf32> -> vector<10000x64xf32>
    %broadcast_in_dim3A_50 = vector.shape_cast %div3A_24 : vector<10000x1xf32> to vector<10000x1xf32>
    %broadcast_in_dim3A_51 = vector.broadcast %broadcast_in_dim3A_50 : vector<10000x1xf32> to vector<10000x16xf32>
    %concatenate3A = tpu.concatenate %dot_general3A_49, %broadcast_in_dim3A_51 in 1 : vector<10000x64xf32>, vector<10000x16xf32> -> vector<10000x80xf32>
    %swap3A_52 = arith.constant 0 : index
    %swap3A_53 = arith.constant 0 : index
    %swap3A_54 = vector.load %arg7[%swap3A_52, %swap3A_53] : memref<10000x80xf32, #tpu.memory_space<vmem>>, vector<10000x80xf32>
    tpu.vector_store %arg7[%swap3A_52, %swap3A_53], %concatenate3A {strides = array<i32>} : memref<10000x80xf32, #tpu.memory_space<vmem>>, vector<10000x80xf32>,
    return
  }
}

module attributes {stable_mosaic.version = 14 : i64} {
  func.func @_tc3_body(%arg0: memref<2x10240x64xbf16, #tpu.memory_space<vmem>>, %arg1: memref<10000x80xf32, #tpu.memory_space<vmem>>, %arg2: memref<1x64xf32, #tpu.memory_space<vmem>>, %arg3: memref<64x64xf32, #tpu.memory_space<vmem>>, %arg4: memref<1x64xf32, #tpu.memory_space<vmem>>, %arg5: memref<10x64xf32, #tpu.memory_space<vmem>>, %arg6: memref<1x10xf32, #tpu.memory_space<vmem>>, %arg7: memref<1x10xf32, #tpu.memory_space<vmem>>) attributes {dimension_semantics = [], scalar_prefetch = 0 : i64, scratch_operands = 0 : i64, tpu.core_type = #tpu.core_type<tc>} {
    %get3A = arith.constant 0 : index
    %get3A_0 = arith.constant 0 : index
    %get3A_1 = arith.constant 0 : index
    %get3A_2 = vector.load %arg0[%get3A, %get3A_0, %get3A_1] : memref<2x10240x64xbf16, #tpu.memory_space<vmem>>, vector<1x10000x64xbf16>
    %get3A_3 = vector.shape_cast %get3A_2 : vector<1x10000x64xbf16> to vector<10000x64xbf16>
    %get3A_4 = arith.constant 1 : index
    %get3A_5 = arith.constant 0 : index
    %get3A_6 = arith.constant 0 : index
    %get3A_7 = vector.load %arg0[%get3A_4, %get3A_5, %get3A_6] : memref<2x10240x64xbf16, #tpu.memory_space<vmem>>, vector<1x10000x64xbf16>
    %get3A_8 = vector.shape_cast %get3A_7 : vector<1x10000x64xbf16> to vector<10000x64xbf16>
    %add3A = arith.addf %get3A_3, %get3A_8 : vector<10000x64xbf16>
    %convert_element_type3A = arith.extf %add3A : vector<10000x64xbf16> to vector<10000x64xf32>
    %get3A_9 = arith.constant 0 : index
    %get3A_10 = arith.constant 64 : index
    %get3A_11 = vector.load %arg1[%get3A_9, %get3A_10] : memref<10000x80xf32, #tpu.memory_space<vmem>>, vector<10000x1xf32>
    %mul3A = vector.broadcast %get3A_11 : vector<10000x1xf32> to vector<10000x64xf32>
    %mul3A_12 = arith.mulf %convert_element_type3A, %mul3A : vector<10000x64xf32>
    %get3A_13 = arith.constant 0 : index
    %get3A_14 = arith.constant 0 : index
    %get3A_15 = vector.load %arg2[%get3A_13, %get3A_14] : memref<1x64xf32, #tpu.memory_space<vmem>>, vector<1x64xf32>
    %add3A_16 = vector.broadcast %get3A_15 : vector<1x64xf32> to vector<10000x64xf32>
    %add3A_17 = arith.addf %mul3A_12, %add3A_16 : vector<10000x64xf32>
    %get3A_18 = arith.constant 0 : index
    %get3A_19 = arith.constant 0 : index
    %get3A_20 = vector.load %arg1[%get3A_18, %get3A_19] : memref<10000x80xf32, #tpu.memory_space<vmem>>, vector<10000x64xf32>
    %add3A_21 = arith.addf %add3A_17, %get3A_20 : vector<10000x64xf32>
    %max3A = arith.constant 0.000000e+00 : f32
    %max3A_22 = vector.broadcast %max3A : f32 to vector<10000x64xf32>
    %max3A_23 = arith.maximumf %add3A_21, %max3A_22 : vector<10000x64xf32>
    %reduce_sum3A = arith.constant dense<0.000000e+00> : vector<64xf32>
    %reduce_sum3A_24 = vector.multi_reduction <add>, %max3A_23, %reduce_sum3A [0] : vector<10000x64xf32> to vector<64xf32>
    %broadcast_in_dim3A = vector.shape_cast %reduce_sum3A_24 : vector<64xf32> to vector<1x64xf32>
    %mul3A_25 = arith.constant 9.99999974E-5 : f32
    %mul3A_26 = vector.broadcast %mul3A_25 : f32 to vector<1x64xf32>
    %mul3A_27 = arith.mulf %broadcast_in_dim3A, %mul3A_26 : vector<1x64xf32>
    %get3A_28 = arith.constant 0 : index
    %get3A_29 = arith.constant 0 : index
    %get3A_30 = vector.load %arg3[%get3A_28, %get3A_29] : memref<64x64xf32, #tpu.memory_space<vmem>>, vector<64x64xf32>
    %dot_general3A = arith.constant dense<0.000000e+00> : vector<1x64xf32>
    %dot_general3A_31 = tpu.matmul %mul3A_27, %get3A_30, %dot_general3A {dimension_numbers = #tpu.dot_dimension_numbers<[1], [1], [0], [0], [0, 0, 1, 0], [], []>, transpose_lhs_hint = false} : vector<1x64xf32>, vector<64x64xf32>, vector<1x64xf32> -> vector<1x64xf32>
    %get3A_32 = arith.constant 0 : index
    %get3A_33 = arith.constant 0 : index
    %get3A_34 = vector.load %arg4[%get3A_32, %get3A_33] : memref<1x64xf32, #tpu.memory_space<vmem>>, vector<1x64xf32>
    %add3A_35 = arith.addf %dot_general3A_31, %get3A_34 : vector<1x64xf32>
    %max3A_36 = arith.constant 0.000000e+00 : f32
    %max3A_37 = vector.broadcast %max3A_36 : f32 to vector<1x64xf32>
    %max3A_38 = arith.maximumf %add3A_35, %max3A_37 : vector<1x64xf32>
    %get3A_39 = arith.constant 0 : index
    %get3A_40 = arith.constant 0 : index
    %get3A_41 = vector.load %arg5[%get3A_39, %get3A_40] : memref<10x64xf32, #tpu.memory_space<vmem>>, vector<10x64xf32>
    %dot_general3A_42 = arith.constant dense<0.000000e+00> : vector<1x10xf32>
    %dot_general3A_43 = tpu.matmul %max3A_38, %get3A_41, %dot_general3A_42 {dimension_numbers = #tpu.dot_dimension_numbers<[1], [1], [0], [0], [0, 0, 1, 0], [], []>, transpose_lhs_hint = false} : vector<1x64xf32>, vector<10x64xf32>, vector<1x10xf32> -> vector<1x10xf32>
    %get3A_44 = arith.constant 0 : index
    %get3A_45 = arith.constant 0 : index
    %get3A_46 = vector.load %arg6[%get3A_44, %get3A_45] : memref<1x10xf32, #tpu.memory_space<vmem>>, vector<1x10xf32>
    %add3A_47 = arith.addf %dot_general3A_43, %get3A_46 : vector<1x10xf32>
    %reduce_max3A = arith.constant dense<0xFF800000> : vector<1xf32>
    %reduce_max3A_48 = vector.multi_reduction <maximumf>, %add3A_47, %reduce_max3A [1] : vector<1x10xf32> to vector<1xf32>
    %broadcast_in_dim3A_49 = vector.shape_cast %reduce_max3A_48 : vector<1xf32> to vector<1x1xf32>
    %sub3A = vector.broadcast %broadcast_in_dim3A_49 : vector<1x1xf32> to vector<1x10xf32>
    %sub3A_50 = arith.subf %add3A_47, %sub3A : vector<1x10xf32>
    %exp3A = math.exp %sub3A_50 : vector<1x10xf32>
    %reduce_sum3A_51 = arith.constant dense<0.000000e+00> : vector<1xf32>
    %reduce_sum3A_52 = vector.multi_reduction <add>, %exp3A, %reduce_sum3A_51 [1] : vector<1x10xf32> to vector<1xf32>
    %broadcast_in_dim3A_53 = vector.shape_cast %reduce_sum3A_52 : vector<1xf32> to vector<1x1xf32>
    %div3A = vector.broadcast %broadcast_in_dim3A_53 : vector<1x1xf32> to vector<1x10xf32>
    %div3A_54 = arith.divf %exp3A, %div3A : vector<1x10xf32>
    %swap3A = arith.constant 0 : index
    %swap3A_55 = arith.constant 0 : index
    %swap3A_56 = vector.load %arg7[%swap3A, %swap3A_55] : memref<1x10xf32, #tpu.memory_space<vmem>>, vector<1x10xf32>
    tpu.vector_store %arg7[%swap3A, %swap3A_55], %div3A_54 {strides = array<i32>} : memref<1x10xf32, #tpu.memory_space<vmem>>, vector<1x10xf32>,
    return
  }
}

</mosaic_0001>

<sc_bundles>
// kernel: kernel.10.cloned.1.call-start
scs
__scs_entry_jumppad:
0x0: {  	(pc) =	sbr.rel $0x88, $3  }
0x1: {  	(tag) =	ssettag $0x0;
	lr =	simm.s32 $0x1  }
0x2: {  	[smem:$0x3F95] =	sst lr;
	_ =	strace $0xD0000000  }
0x3: {  	_ = 	snop  }
0x4: {  	_ = 	snop  }
0x5: {  	_ = 	snop  }
0x6: {  	_ = 	snop  }
0x7: {  	_ = 	snop  }
__scs_overlays_trampoline_lowered:
0x8: {  	[smem:$0x3FA4] =	sst s0  }
0x9: {  	[smem:$0x3FA5] =	sst s1  }
0xa: {  	[smem:$0x3FA6] =	sst s2  }
0xb: {  	[smem:$0x3FA7] =	sst s3  }
0xc: {  	[smem:$0x3FA8] =	sst s4  }
0xd: {  	[smem:$0x3FA9] =	sst s5  }
0xe: {  	[smem:$0x3FAA] =	sst s6  }
0xf: {  	[smem:$0x3FAB] =	sst s7  }
0x10: {  	[smem:$0x3FAC] =	sst s8  }
0x11: {  	[smem:$0x3FAD] =	sst s9;
	s0 =	simm.s32 @!p0 $0x0  }
0x12: {  	s1 =	sld [smem:$0x3F93];
	s0 =	simm.s32 @p0 $0x1  }
0x13: {  	[smem:$0x3FAE] =	sst s0;
	s0 =	simm.s32 @!p1 $0x0  }
0x14: {  	s2 =	sld [smem:$0x3F92];
	s0 =	simm.s32 @p1 $0x1  }
0x15: {  	[smem:$0x3FAF] =	sst s0;
	s0 =	simm.s32 @!p2 $0x0  }
0x16: {  	s3 =	sld [smem:$0x3FDB];
	s0 =	simm.s32 @p2 $0x1  }
0x17: {  	s4 =	simm.s32 $0x1BF5;
	[smem:$0x3FB1] =	sst s0  }
0x18: {  	s0 =	sld [smem:$0x3F94];
	_ =	swait.ge [sflag:s4], $0x0  }
0x19: {  	s7 =	sld [smem:$0x3F95]  }
0x1a: {  	s8 =	sadd.s32 $0xFFFFE003, lr  }
0x1b: {  	s9 =	sadd.s32 $0xFFFFFEF7, lr;
	s5 =	simm.s32 $0xFFFFFFFF;
	p2 =	slt.u32 s8, $0xFFFFF086  }
0x1c: {  	p1 =	slt.u32 s9, $0xF7A;
	s5 =	simm.s32 @!p2 $0x0  }
0x1d: {  	s5 =	simm.s32 @p1 $0x1;
	p0 =	seq.s32 s7, s2  }
0x1e: {  	s7 =	smul.u32 @!p0 $0xF7A, s2;
	p2 =	seq.s32 @!p0 s5, $0x0  }
0x1f: {  	s9 =	smul.u32 $0xF7A, s1;
	s8 =	simm.s32 @!p0 $0x1BF5;
	p2 =	por !p2, p0  }
0x20: {  	[sflag:s8] =	ssyncset.s32 @!p0 $0xFFFFF086;
	s6 =	sadd.s32 @!p0 s3, s7;
	s7 =	simm.s32 @!p0 $0x108  }
0x21: {  	s3 =	sadd.s32 s3, s9;
	s6 =	sadd.s32 @!p0 $0x88, s6;
	s7 =	simm.s32 @p2 $0x1082  }
0x22: {  	[simem:s7], [sflag:s8] =	dma.local @!p0 [hbm:s6], $0xF7A  }
0x23: {  	s9 =	sor.u32 $0xD0000000, s2;
	s6 =	simm.s32 $0x108;
	_ =	swait.ge @!p0 [sflag:s8], $0x0  }
0x24: {  	s3 =	sadd.s32 $0x88, s3;
	s6 =	simm.s32 @!p1 $0x1082;
	[sflag:s4] =	ssyncset.s32 $0xFFFFF086  }
0x25: {  	[simem:s6], [sflag:s4] =	dma.local [hbm:s3], $0xF7A  }
0x26: {  	[smem:$0x3F95] =	sst s1;
	(tag) =	ssettag s2;
	_ =	strace s9  }
0x27: {  	s1 =	sld [smem:$0x3FA5]  }
0x28: {  	s2 =	sld [smem:$0x3FA6]  }
0x29: {  	s4 =	sld [smem:$0x3FA8]  }
0x2a: {  	p0 =	seq.s32 s5, $0x0;
	s5 =	sld [smem:$0x3FA9]  }
0x2b: {  	s6 =	sld [smem:$0x3FAA]  }
0x2c: {  	s7 =	sld [smem:$0x3FAB]  }
0x2d: {  	s3 =	simm.s32 $0x108;
	s8 =	sld [smem:$0x3FAC]  }
0x2e: {  	s3 =	simm.s32 @!p0 $0x1082;
	s9 =	sld [smem:$0x3FAD]  }
0x2f: {  	lr =	sadd.s32 s0, s3;
	s0 =	sld [smem:$0x3FA4]  }
0x30: {  	s3 =	sld [smem:$0x3FA7]  }
0x31: {  	[smem:$0x3FB0] =	sst s10  }
0x32: {  	s10 =	sld [smem:$0x3FAE];
	_ =	sdelay $0x3  }
0x33: {  	p0 =	seq.s32 s10, $0x1;
	s10 =	sld [smem:$0x3FB0];
	_ =	sdelay $0x3  }
0x34: {  	[smem:$0x3FB0] =	sst s10  }
0x35: {  	s10 =	sld [smem:$0x3FAF];
	_ =	sdelay $0x3  }
0x36: {  	p1 =	seq.s32 s10, $0x1;
	s10 =	sld [smem:$0x3FB0];
	_ =	sdelay $0x3  }
0x37: {  	[smem:$0x3FB0] =	sst s10  }
0x38: {  	s10 =	sld [smem:$0x3FB1]  }
0x39: {  	_ = 	snop;
	(pc) =	sbr.ind lr, $3  }
0x3a: {  	_ = 	snop  }
0x3b: {  	_ = 	snop  }
0x3c: {  	p2 =	seq.s32 s10, $0x1;
	s10 =	sld [smem:$0x3FB0]  }
0x3d: {  	_ =	shalt  }
0x3e: {  	_ =	shalt  }
0x3f: {  	_ =	shalt  }
0x40: {  	_ =	shalt  }
0x41: {  	_ =	shalt  }
0x42: {  	_ =	shalt  }
0x43: {  	_ =	shalt  }
0x44: {  	_ =	shalt  }
0x45: {  	_ =	shalt  }
0x46: {  	_ =	shalt  }
0x47: {  	_ =	shalt  }
0x48: {  	_ =	shalt  }
0x49: {  	_ =	shalt  }
0x4a: {  	_ =	shalt  }
0x4b: {  	_ =	shalt  }
0x4c: {  	_ =	shalt  }
0x4d: {  	_ =	shalt  }
0x4e: {  	_ =	shalt  }
0x4f: {  	_ =	shalt  }
0x50: {  	_ =	shalt  }
0x51: {  	_ =	shalt  }
0x52: {  	_ =	shalt  }
0x53: {  	_ =	shalt  }
0x54: {  	_ =	shalt  }
0x55: {  	_ =	shalt  }
0x56: {  	_ =	shalt  }
0x57: {  	_ =	shalt  }
0x58: {  	_ =	shalt  }
0x59: {  	_ =	shalt  }
0x5a: {  	_ =	shalt  }
0x5b: {  	_ =	shalt  }
0x5c: {  	_ =	shalt  }
0x5d: {  	_ =	shalt  }
0x5e: {  	_ =	shalt  }
0x5f: {  	_ =	shalt  }
0x60: {  	_ =	shalt  }
0x61: {  	_ =	shalt  }
0x62: {  	_ =	shalt  }
0x63: {  	_ =	shalt  }
0x64: {  	_ =	shalt  }
0x65: {  	_ =	shalt  }
0x66: {  	_ =	shalt  }
0x67: {  	_ =	shalt  }
0x68: {  	_ =	shalt  }
0x69: {  	_ =	shalt  }
0x6a: {  	_ =	shalt  }
0x6b: {  	_ =	shalt  }
0x6c: {  	_ =	shalt  }
0x6d: {  	_ =	shalt  }
0x6e: {  	_ =	shalt  }
0x6f: {  	_ =	shalt  }
0x70: {  	_ =	shalt  }
0x71: {  	_ =	shalt  }
0x72: {  	_ =	shalt  }
0x73: {  	_ =	shalt  }
0x74: {  	_ =	shalt  }
0x75: {  	_ =	shalt  }
0x76: {  	_ =	shalt  }
0x77: {  	_ =	shalt  }
0x78: {  	_ =	shalt  }
0x79: {  	_ =	shalt  }
0x7a: {  	_ =	shalt  }
0x7b: {  	_ =	shalt  }
0x7c: {  	_ =	shalt  }
0x7d: {  	_ =	shalt  }
0x7e: {  	_ =	shalt  }
0x7f: {  	_ =	shalt  }
0x80: {  	_ =	shalt  }
0x81: {  	_ =	shalt  }
0x82: {  	_ =	shalt  }
0x83: {  	_ =	shalt  }
0x84: {  	_ =	shalt  }
0x85: {  	_ =	shalt  }
0x86: {  	_ =	shalt  }
0x87: {  	_ =	shalt  }
.Lfunc_end0:
.L_simem_size_0:
called_computation.1_lowered:
.L_overlay_start_0:
0x88: {  	s2 =	sld [smem:$0x3FD9]  }
0x89: {  	s3 =	sld [smem:$0x3FFE];
	_ =	sdelay $0x1  }
0x8a: {  	s1 =	srdreg.scid  }
0x8b: {  	s0 =	sand.u32 $0x1, s1  }
0x8c: {  	s16 =	sshll.u32 s0, $0xA;
	s2 =	sadd.s32 s3, s2  }
0x8d: {  	s2 =	sadd.s32 s2, s16  }
0x8e: {  	[smem:$0x3FBC] =	sst s2  }
0x8f: {  	_ = 	snop  }
0x90: {  	(tm) =	ssettm $0x1  }
0x91: {  	s17 =	sld [smem:$0x3FFB];
	_ =	sdelay $0x3  }
0x92: {  	_ =	strace s17  }
0x93: {  	s2 =	sld [smem:$0x3FFC];
	_ =	sdelay $0x3  }
0x94: {  	_ =	strace s2  }
0x95: {  	s2 =	sld [smem:$0x3FFD];
	_ =	sdelay $0x3  }
0x96: {  	_ =	strace s2  }
0x97: {  	_ =	strace $0x8FFFFFFF  }
0x98: {  	s18 =	sld [smem:$0x3FDB];
	_ =	sdelay $0x1  }
0x99: {  	s19 =	simm.s32 $_scs_section_size  }
0x9a: {  	s4 =	simm.s32 $_size__tile_overlayer_lowered;
	s5 =	simm.s32 $_tile_overlayer_lowered  }
0x9b: {  	s22 =	simm.s32 $0x1BFF;
	s21 =	sshll.u32 s5, $0x1;
	s2 =	sadd.s32 s19, s18  }
0x9c: {  	s6 =	simm.s32 $0x0;
	s20 =	sshll.u32 s4, $0x1;
	s4 =	sadd.s32 s21, s2  }
0x9d: {  	[timem:s6], [sflag:s22] =	dma.local [hbm:s4], s20  }
0x9e: {  	_ =	swait.ge [sflag:s22], s20  }
0x9f: {  	s3 =	ssub.s32 $0x0, s20;
	[sflag:s22] =	ssyncset.done $0x0  }
0xa0: {  	[sflag:s22] =	ssyncadd.s32 s3;
	_ =	sdelay $0x1  }
0xa1: {  	s23 =	simm.s32 $0x1B8B  }
0xa2: {  	_ =	swait.ge [sflag:s23], $0x1  }
0xa3: {  	[sflag:s23] =	ssyncset.done $0x0  }
0xa4: {  	s25 =	simm.s32 $0x1B8E;
	s24 =	sld [smem:$0x3FFE];
	[sflag:s23] =	ssyncadd.s32 $0xFFFFFFFF  }
0xa5: {  	s26 =	simm.s32 $execute0_lowered;
	[smem:$0x3FD2] =	sst s25  }
0xa6: {  	s4 =	sshll.u32 s26, $0x1;
	_ =	strace $0x80000049;
	[dreg:$0x1] =	wrdreg $0xFFFFFFFF  }
0xa7: {  	s28 =	simm.s32 $_size_execute0_lowered;
	s2 =	sadd.s32 s2, s4;
	[dreg:$0x0] =	wrdreg $0x0  }
0xa8: {  	s4 =	sshll.u32 s28, $0x1;
	[dreg:$0x2] =	wrdreg s2  }
0xa9: {  	[dreg:$0x3] =	wrdreg s4  }
0xaa: {  	[dreg:$0x4] =	wrdreg $0xC0  }
0xab: {  	_ =	task [dreg:s6], $0x5FFFF  }
0xac: {  	[dreg:$0x1] =	wrdreg $0xFFFFFFFF  }
0xad: {  	[dreg:$0x0] =	wrdreg $0x60  }
0xae: {  	[dreg:$0x2] =	wrdreg s24  }
0xaf: {  	[dreg:$0x3] =	wrdreg $0x46F00  }
0xb0: {  	[dreg:$0x4] =	wrdreg $0x95100  }
0xb1: {  	[dreg:$0x5] =	wrdreg $0x9  }
0xb2: {  	_ =	task.clear_ibuf [dreg:s6], $0x6FFFF;
	_ =	strace $0x90000049  }
0xb3: {  	s29 =	simm.s32 $0x9;
	_ =	strace $0x8000004B  }
0xb4: {  	_ =	swait.ge [sflag:s29], $0x1  }
0xb5: {  	[sflag:s29] =	ssyncadd.s32 $0xFFFFFFFF  }
0xb6: {  	_ =	strace $0x9000004B  }
0xb7: {  	_ =	sfence  }
0xb8: {  	s30 =	sld [smem:$0x0];
	_ =	sdelay $0x2  }
0xb9: {  	s31 =	sshll.u32 s1, $0xD;
	s1 =	sshrl.u32 s1, $0x2  }
0xba: {  	s3 =	sand.u32 $0x4000, s31;
	s1 =	sadd.s32 s1, s30  }
0xbb: {  	s0 =	sor.u32 s3, s0;
	s1 =	sshll.u32 s1, $0x11  }
0xbc: {  	s0 =	sor.u32 s1, s0  }
0xbd: {  	s0 =	sadd.s32 $0x8F2B, s0  }
0xbe: {  	[sflag:s0] =	ssyncadd.remote.s32 $0x1  }
0xbf: {  	_ =	sfence.sel $0xFFFF  }
0xc0: {  	[dreg:$0x0] =	wrdreg $0xFFFFFFFF;
	(pc) =	sbr.abs _section_cstart, $3  }
0xc1: {  	[dreg:$0x1] =	wrdreg $0xFFFFFFFF  }
0xc2: {  	_ =	task.clear_ibuf [dreg:s6], $0x2FFFF;
	_ =	strace $0x9FFFFFFF  }
0xc3: {  	(tm) =	ssettm $0x7FFFFFFF  }
tec
execute0_lowered:
.L_overlay_start_1:
0x0: {  	(tag) =	ssettag $0x1  }
0x1: {  	s4 =	rddreg [dreg:$0x0]  }
0x2: {  	s1 =	rddreg [dreg:$0x1]  }
0x3: {  	s2 =	rddreg [dreg:$0x2];
	s5 =	srdreg.scid  }
0x4: {  	s0 =	stileid.u32;
	s3 =	simm.s32 $0x0;
	s28 =	simm.s32 $0x2710  }
0x5: {  	s29 =	simm.s32 $0x2760;
	s30 =	simm.s32 $0x32F0;
	s31 =	simm.s32 $0x2800  }
0x6: {  	s5 =	sand.u32 $0x1, s5;
	s6 =	sshll.u32 s0, $0x1;
	[smem:$0x7FF] =	sst s3  }
0x7: {  	s8 =	sadd.s32 $0xCA00, s4;
	s13 =	smul.u32 $0xA000, s0;
	p0 =	sne.s32 s0, $0x0  }
0x8: {  	s0 =	simm.s32 $0x2;
	s6 =	sor.u32 s5, s6;
	_ =	strace $0x8000004A  }
0x9: {  	s7 =	ssub.s32 $0x2, s5;
	[dreg:$0x4] =	wrdreg s8;
	s5 =	smul.u32 $0xA0000, s5  }
0xa: {  	s6 =	smul.u32 $0x4E2, s6;
	s18 =	sshrl.u32 s7, $0x1;
	s19 =	sshrl.u32 s13, $0x1  }
0xb: {  	s15 =	sor.u32 $0x1400, s13;
	s16 =	sadd.s32 $0x2800, s13;
	s17 =	sadd.s32 $0x3C00, s13  }
0xc: {  	s14 =	ssub.s32 s7, s18;
	s20 =	sshrl.u32 s15, $0x1;
	s21 =	sshrl.u32 s16, $0x1  }
0xd: {  	s9 =	sshrl.u32 s17, $0x1;
	s18 =	sadd.s32 $0x5000, s13;
	s15 =	sadd.s32 s5, s15  }
0xe: {  	s24 =	sadd.s32 s5, s16;
	s25 =	sadd.s32 s5, s17;
	s6 =	sadd.s32 s6, s4  }
0xf: {  	s4 =	sadd.s32 $0x16800, s4;
	s7 =	sadd.s32 s20, s2;
	s8 =	sadd.s32 s21, s2  }
0x10: {  	s9 =	sadd.s32 s9, s2;
	s10 =	sshrl.u32 s18, $0x1;
	s20 =	sadd.s32 $0x7800, s13  }
0x11: {  	s21 =	sadd.s32 $0x8C00, s13;
	s15 =	sshrl.u32 s15, $0x4;
	s16 =	sshrl.u32 s25, $0x4  }
0x12: {  	s26 =	sadd.s32 s5, s18;
	s6 =	sadd.s32 $0x2C00, s6;
	s10 =	sadd.s32 s10, s2  }
0x13: {  	s12 =	sshrl.u32 s20, $0x1;
	s22 =	sshrl.u32 s21, $0x1;
	s16 =	sadd.s32 s4, s16  }
0x14: {  	s17 =	sshrl.u32 s26, $0x4;
	s26 =	smax.u32 s14, $0x1;
	s14 =	simm.s32 $0x2850  }
0x15: {  	[dreg:$0x5] =	wrdreg s6;
	s6 =	sadd.s32 s19, s2;
	s19 =	sadd.s32 $0x6400, s13  }
0x16: {  	s12 =	sadd.s32 s12, s2;
	s13 =	sadd.s32 s13, s5;
	[dreg:$0xa] =	wrdreg s16  }
0x17: {  	s18 =	sadd.s32 s4, s17;
	[dreg:$0xf] =	wrdreg s26;
	s26 =	simm.s32 $0x50  }
0x18: {  	s17 =	simm.s32 $0x28A0;
	[dreg:$0x6] =	wrdreg s6;
	s11 =	sshrl.u32 s19, $0x1  }
0x19: {  	s23 =	sshrl.u32 s13, $0x4;
	s13 =	sadd.s32 s22, s2;
	[dreg:$0xb] =	wrdreg s18  }
0x1a: {  	s18 =	simm.s32 $0x5;
	s11 =	sadd.s32 s11, s2;
	s22 =	sadd.s32 s4, s23  }
0x1b: {  	s23 =	sadd.s32 s4, s15;
	s15 =	sshrl.u32 s24, $0x4;
	[dreg:$0x7] =	wrdreg s22  }
0x1c: {  	[dreg:$0x8] =	wrdreg s23;
	s15 =	sadd.s32 s4, s15;
	s22 =	sadd.s32 s5, s19  }
0x1d: {  	s23 =	sadd.s32 s5, s20;
	s5 =	sadd.s32 s5, s21;
	s19 =	simm.s32 $0x6  }
0x1e: {  	s20 =	simm.s32 $0x0;
	[dreg:$0x9] =	wrdreg s15;
	s15 =	sshrl.u32 s22, $0x4  }
0x1f: {  	s16 =	sshrl.u32 s23, $0x4;
	s5 =	sshrl.u32 s5, $0x4;
	s24 =	sadd.s32 s4, s15  }
0x20: {  	s23 =	simm.s32 $0x28F0;
	s25 =	sadd.s32 s4, s16;
	[dreg:$0xc] =	wrdreg s24  }
0x21: {  	s4 =	sadd.s32 s4, s5;
	s5 =	simm.s32 $0x3CF0;
	[dreg:$0xd] =	wrdreg s25  }
0x22: {  	s15 =	simm.s32 $0x3;
	s16 =	simm.s32 $0x4;
	[dreg:$0xe] =	wrdreg s4  }
0x23: {  	v0 =	vimm.bf16 $0.0e+00;
	s24 =	simm.s32 $0x7;
	s25 =	simm.s32 $0x1;
	s4 =	simm.s32 $0x27B0  }
.LBB2_1:
0x24: {  	s21 =	sshrl.u32 @!p0 s1, $0x3;
	s22 =	simm.s32 @!p0 $0x1C02;
	s6 =	rddreg [dreg:$0x4]  }
0x25: {  	[spmem:s21], [sflag:s22] =	dma.local @!p0 [hbm:s6], $0x9C40  }
0x26: {  	s21 =	simm.s32 $0x80;
	s22 =	simm.s32 $0x0;
	s6 =	rddreg [dreg:$0x5]  }
0x27: {  	[tilespmem:s3], [sflag:$0x1] =	stream.linear.gather [hbm4b:s6+s3], $0x2710, $0x38;
	[tilespmem:$0xE510] =	vst v63  }
.LBB2_2:
0x28: {  	p1 =	sne.s32 s21, $0x2780;
	[tilespmem:s22+$0x28F0] =	vst v0;
	s6 =	smov.u32 s21;
	s21 =	sadd.s32 $0x80, s21  }
.Ltmp0:
0x29: {  	[tilespmem:s22+$0x2900] =	vst v0;
	(pc) =	sbr.rel @p1 .LBB2_2-.Ltmp0, $2  }
0x2a: {  	_ =	sdelay $0x2  }
0x2b: {  	s22 =	sshra.s32 s6, $0x2  }
0x2c: {  	[tilespmem:s22+$0x28F0] =	vst v0  }
0x2d: {  	[tilespmem:s22+$0x2900] =	vst v0;
	s6 =	rddreg [dreg:$0x6]  }
0x2e: {  	[spmem:s6] =	stream.linear.scatter [tilespmem:s23], [sflag:$0x7], $0xA00, $0x38;
	[tilespmem:$0xE510] =	vst v63  }
0x2f: {  	_ =	swait.ge [sflag:s24], $0xA00  }
0x30: {  	[sflag:s24] =	ssyncset.done $0x0  }
0x31: {  	[sflag:s24] =	ssyncadd.s32 $0xFFFFF600  }
0x32: {  	[spmem:s7] =	stream.linear.scatter [tilespmem:s23], [sflag:$0x7], $0xA00, $0x38;
	[tilespmem:$0xE510] =	vst v63  }
0x33: {  	_ =	swait.ge [sflag:s24], $0xA00  }
0x34: {  	[sflag:s24] =	ssyncset.done $0x0  }
0x35: {  	[sflag:s24] =	ssyncadd.s32 $0xFFFFF600  }
0x36: {  	[spmem:s8] =	stream.linear.scatter [tilespmem:s23], [sflag:$0x7], $0xA00, $0x38;
	[tilespmem:$0xE510] =	vst v63  }
0x37: {  	_ =	swait.ge [sflag:s24], $0xA00  }
0x38: {  	[sflag:s24] =	ssyncset.done $0x0  }
0x39: {  	[sflag:s24] =	ssyncadd.s32 $0xFFFFF600  }
0x3a: {  	[spmem:s9] =	stream.linear.scatter [tilespmem:s23], [sflag:$0x7], $0xA00, $0x38;
	[tilespmem:$0xE510] =	vst v63  }
0x3b: {  	_ =	swait.ge [sflag:s24], $0xA00  }
0x3c: {  	[sflag:s24] =	ssyncset.done $0x0  }
0x3d: {  	[sflag:s24] =	ssyncadd.s32 $0xFFFFF600  }
0x3e: {  	[spmem:s10] =	stream.linear.scatter [tilespmem:s23], [sflag:$0x7], $0xA00, $0x38;
	[tilespmem:$0xE510] =	vst v63  }
0x3f: {  	_ =	swait.ge [sflag:s24], $0xA00  }
0x40: {  	[sflag:s24] =	ssyncset.done $0x0  }
0x41: {  	[sflag:s24] =	ssyncadd.s32 $0xFFFFF600  }
0x42: {  	[spmem:s11] =	stream.linear.scatter [tilespmem:s23], [sflag:$0x7], $0xA00, $0x38;
	[tilespmem:$0xE510] =	vst v63  }
0x43: {  	_ =	swait.ge [sflag:s24], $0xA00  }
0x44: {  	[sflag:s24] =	ssyncset.done $0x0  }
0x45: {  	[sflag:s24] =	ssyncadd.s32 $0xFFFFF600  }
0x46: {  	[spmem:s12] =	stream.linear.scatter [tilespmem:s23], [sflag:$0x7], $0xA00, $0x38;
	[tilespmem:$0xE510] =	vst v63  }
0x47: {  	_ =	swait.ge [sflag:s24], $0xA00  }
0x48: {  	[sflag:s24] =	ssyncset.done $0x0  }
0x49: {  	[sflag:s24] =	ssyncadd.s32 $0xFFFFF600  }
0x4a: {  	[spmem:s13] =	stream.linear.scatter [tilespmem:s23], [sflag:$0x7], $0xA00, $0x38;
	[tilespmem:$0xE510] =	vst v63  }
0x4b: {  	_ =	swait.ge [sflag:s24], $0xA00  }
0x4c: {  	[sflag:s24] =	ssyncset.done $0x0  }
0x4d: {  	[sflag:s24] =	ssyncadd.s32 $0xFFFFF600  }
0x4e: {  	_ =	swait.ge [sflag:s25], $0x2710  }
0x4f: {  	[sflag:s25] =	ssyncset.done $0x0  }
0x50: {  	s6 =	simm.s32 @!p0 $0x2;
	[sflag:s25] =	ssyncadd.s32 $0xFFFFD8F0  }
0x51: {  	_ =	swait.ge @!p0 [sflag:s6], $0x9C40  }
0x52: {  	[sflag:s6] =	ssyncset.done @!p0 $0x0  }
0x53: {  	[sflag:s6] =	ssyncadd.s32 @!p0 $0xFFFF63C0  }
0x54: {  	[bflag:$0x0] =	sbarrier.arrive $0xFFFF  }
0x55: {  	v1 =	vld [tilespmem:$0x0]  }
0x56: {  	v2 =	vld [tilespmem:$0x10]  }
0x57: {  	v3 =	vld [tilespmem:$0x20]  }
0x58: {  	v4 =	vld [tilespmem:$0x30]  }
0x59: {  	v5 =	vld [tilespmem:$0x40]  }
0x5a: {  	v6 =	vld [tilespmem:$0x0];
	v1 =	vshrl.u32 v1, $0xE  }
0x5b: {  	[tilespmem:$0x2710] =	vst v1;
	v1 =	vshrl.u32 v2, $0xE;
	v2 =	vld [tilespmem:$0x10]  }
0x5c: {  	[tilespmem:$0x2720] =	vst v1;
	v1 =	vshrl.u32 v3, $0xE;
	v3 =	vld [tilespmem:$0x20]  }
0x5d: {  	v52 =	vld [tilespmem:$0x30];
	[tilespmem:$0x2730] =	vst v1;
	v1 =	vshrl.u32 v4, $0xE  }
0x5e: {  	v53 =	vld [tilespmem:$0x40];
	[tilespmem:$0x2740] =	vst v1;
	v1 =	vshrl.u32 v5, $0xE  }
0x5f: {  	[tilespmem:$0x2750] =	vst v1;
	v1 =	vand.u32 $0x3FFF, v6  }
0x60: {  	[tilespmem:$0x2800] =	vst v1;
	v1 =	vand.u32 $0x3FFF, v2  }
0x61: {  	[tilespmem:$0x2810] =	vst v1;
	v1 =	vand.u32 $0x3FFF, v3  }
0x62: {  	[tilespmem:$0x2820] =	vst v1;
	v1 =	vand.u32 $0x3FFF, v52  }
0x63: {  	[tilespmem:$0x2830] =	vst v1;
	v1 =	vand.u32 $0x3FFF, v53  }
0x64: {  	[tilespmem:$0x2840] =	vst v1  }
0x65: {  	[tilespmem:s23], [sflag:$0x1] =	stream.indirect.gather [spmem:s1], $0x20, s28, s26, $0xb8;
	[tilespmem:$0xE510] =	vst v63  }
0x66: {  	_ =	swait.ge [sflag:s25], $0xA00  }
0x67: {  	[sflag:s25] =	ssyncset.done $0x0  }
0x68: {  	[sflag:s25] =	ssyncadd.s32 $0xFFFFF600  }
0x69: {  	v1 =	vld [tilespmem:$0x50]  }
0x6a: {  	v2 =	vld [tilespmem:$0x60]  }
0x6b: {  	v3 =	vld [tilespmem:$0x70]  }
0x6c: {  	v54 =	vld [tilespmem:$0x80]  }
0x6d: {  	v55 =	vld [tilespmem:$0x90]  }
0x6e: {  	v56 =	vld [tilespmem:$0x50];
	v1 =	vshrl.u32 v1, $0xE  }
0x6f: {  	[tilespmem:$0x2760] =	vst v1;
	v1 =	vshrl.u32 v2, $0xE;
	v2 =	vld [tilespmem:$0x60]  }
0x70: {  	[tilespmem:$0x2770] =	vst v1;
	v1 =	vshrl.u32 v3, $0xE;
	v3 =	vld [tilespmem:$0x70]  }
0x71: {  	v57 =	vld [tilespmem:$0x80];
	[tilespmem:$0x2780] =	vst v1;
	v1 =	vshrl.u32 v54, $0xE  }
0x72: {  	v58 =	vld [tilespmem:$0x90];
	[tilespmem:$0x2790] =	vst v1;
	v1 =	vshrl.u32 v55, $0xE  }
0x73: {  	[tilespmem:$0x27A0] =	vst v1;
	v1 =	vand.u32 $0x3FFF, v56  }
0x74: {  	[tilespmem:$0x2850] =	vst v1;
	v1 =	vand.u32 $0x3FFF, v2  }
0x75: {  	[tilespmem:$0x2860] =	vst v1;
	v1 =	vand.u32 $0x3FFF, v3  }
0x76: {  	[tilespmem:$0x2870] =	vst v1;
	v1 =	vand.u32 $0x3FFF, v57  }
0x77: {  	[tilespmem:$0x2880] =	vst v1;
	v1 =	vand.u32 $0x3FFF, v58  }
0x78: {  	[tilespmem:$0x2890] =	vst v1  }
0x79: {  	[tilespmem:s30], [sflag:$0x2] =	stream.indirect.gather [spmem:s1], $0x20, s29, s26, $0xb8;
	[tilespmem:$0xE510] =	vst v63  }
0x7a: {  	_ = 	snop  }
0x7b: {  	[spmem:s2] =	stream.indirect.scatter.add.bf16 [tilespmem:s23], [sflag:$0x4], $0x20, s31, s26, $0xb8;
	[tilespmem:$0xE510] =	vst v63  }
0x7c: {  	_ =	swait.ge [sflag:s0], $0xA00  }
0x7d: {  	[sflag:s0] =	ssyncset.done $0x0  }
0x7e: {  	[sflag:s0] =	ssyncadd.s32 $0xFFFFF600  }
0x7f: {  	v1 =	vld [tilespmem:$0xA0]  }
0x80: {  	v2 =	vld [tilespmem:$0xB0]  }
0x81: {  	v3 =	vld [tilespmem:$0xC0]  }
0x82: {  	v59 =	vld [tilespmem:$0xD0]  }
0x83: {  	v60 =	vld [tilespmem:$0xE0]  }
0x84: {  	v61 =	vld [tilespmem:$0xA0];
	v1 =	vshrl.u32 v1, $0xE  }
0x85: {  	[tilespmem:$0x27B0] =	vst v1;
	v1 =	vshrl.u32 v2, $0xE;
	v2 =	vld [tilespmem:$0xB0]  }
0x86: {  	[tilespmem:$0x27C0] =	vst v1;
	v1 =	vshrl.u32 v3, $0xE;
	v3 =	vld [tilespmem:$0xC0]  }
0x87: {  	v62 =	vld [tilespmem:$0xD0];
	[tilespmem:$0x27D0] =	vst v1;
	v1 =	vshrl.u32 v59, $0xE  }
0x88: {  	v63 =	vld [tilespmem:$0xE0];
	[tilespmem:$0x27E0] =	vst v1;
	v1 =	vshrl.u32 v60, $0xE  }
0x89: {  	[tilespmem:$0x27F0] =	vst v1;
	v1 =	vand.u32 $0x3FFF, v61  }
0x8a: {  	[tilespmem:$0x28A0] =	vst v1;
	v1 =	vand.u32 $0x3FFF, v2  }
0x8b: {  	[tilespmem:$0x28B0] =	vst v1;
	v1 =	vand.u32 $0x3FFF, v3  }
0x8c: {  	[tilespmem:$0x28C0] =	vst v1;
	v1 =	vand.u32 $0x3FFF, v62  }
0x8d: {  	[tilespmem:$0x28D0] =	vst v1;
	v1 =	vand.u32 $0x3FFF, v63  }
0x8e: {  	[tilespmem:$0x28E0] =	vst v1  }
0x8f: {  	[tilespmem:s5], [sflag:$0x3] =	stream.indirect.gather [spmem:s1], $0x20, s4, s26, $0xb8;
	[tilespmem:$0xE510] =	vst v63  }
0x90: {  	_ = 	snop  }
0x91: {  	[spmem:s2] =	stream.indirect.scatter.add.bf16 [tilespmem:s30], [sflag:$0x5], $0x20, s14, s26, $0xb8;
	[tilespmem:$0xE510] =	vst v63  }
0x92: {  	_ =	swait.ge [sflag:s15], $0xA00  }
0x93: {  	[sflag:s15] =	ssyncset.done $0x0  }
0x94: {  	[sflag:s15] =	ssyncadd.s32 $0xFFFFF600  }
0x95: {  	_ =	swait.ge [sflag:s16], $0xA00  }
0x96: {  	[sflag:s16] =	ssyncset.done $0x0  }
0x97: {  	s21 =	simm.s32 $0x1D0;
	[sflag:s16] =	ssyncadd.s32 $0xFFFFF600  }
0x98: {  	v1 =	vld [tilespmem:s21+$0xFFFFFF20];
	_ =	sdelay $0x4  }
0x99: {  	v1 =	vshrl.u32 v1, $0xE  }
0x9a: {  	[tilespmem:$0x2710] =	vst v1  }
0x9b: {  	v1 =	vld [tilespmem:s21+$0xFFFFFF30];
	_ =	sdelay $0x4  }
0x9c: {  	v1 =	vshrl.u32 v1, $0xE  }
0x9d: {  	[tilespmem:$0x2720] =	vst v1  }
0x9e: {  	v1 =	vld [tilespmem:s21+$0xFFFFFF40];
	_ =	sdelay $0x4  }
0x9f: {  	v1 =	vshrl.u32 v1, $0xE  }
0xa0: {  	[tilespmem:$0x2730] =	vst v1  }
0xa1: {  	v1 =	vld [tilespmem:s21+$0xFFFFFF50];
	_ =	sdelay $0x4  }
0xa2: {  	v1 =	vshrl.u32 v1, $0xE  }
0xa3: {  	[tilespmem:$0x2740] =	vst v1  }
0xa4: {  	v1 =	vld [tilespmem:s21+$0xFFFFFF60];
	_ =	sdelay $0x4  }
0xa5: {  	v1 =	vshrl.u32 v1, $0xE  }
0xa6: {  	[tilespmem:$0x2750] =	vst v1  }
0xa7: {  	v1 =	vld [tilespmem:s21+$0xFFFFFF20];
	_ =	sdelay $0x4  }
0xa8: {  	v1 =	vand.u32 $0x3FFF, v1  }
0xa9: {  	[tilespmem:$0x2800] =	vst v1  }
0xaa: {  	v1 =	vld [tilespmem:s21+$0xFFFFFF30];
	_ =	sdelay $0x4  }
0xab: {  	v1 =	vand.u32 $0x3FFF, v1  }
0xac: {  	[tilespmem:$0x2810] =	vst v1  }
0xad: {  	v1 =	vld [tilespmem:s21+$0xFFFFFF40];
	_ =	sdelay $0x4  }
0xae: {  	v1 =	vand.u32 $0x3FFF, v1  }
0xaf: {  	[tilespmem:$0x2820] =	vst v1  }
0xb0: {  	v1 =	vld [tilespmem:s21+$0xFFFFFF50];
	_ =	sdelay $0x4  }
0xb1: {  	v1 =	vand.u32 $0x3FFF, v1  }
0xb2: {  	[tilespmem:$0x2830] =	vst v1  }
0xb3: {  	v1 =	vld [tilespmem:s21+$0xFFFFFF60];
	_ =	sdelay $0x4  }
0xb4: {  	v1 =	vand.u32 $0x3FFF, v1  }
0xb5: {  	[tilespmem:$0x2840] =	vst v1  }
0xb6: {  	[tilespmem:s23], [sflag:$0x1] =	stream.indirect.gather [spmem:s1], $0x20, s28, s26, $0xb8;
	[tilespmem:$0xE510] =	vst v63  }
0xb7: {  	_ = 	snop  }
0xb8: {  	[spmem:s2] =	stream.indirect.scatter.add.bf16 [tilespmem:s5], [sflag:$0x6], $0x20, s17, s26, $0xb8;
	[tilespmem:$0xE510] =	vst v63  }
0xb9: {  	_ =	swait.ge [sflag:s25], $0xA00  }
0xba: {  	[sflag:s25] =	ssyncset.done $0x0  }
0xbb: {  	[sflag:s25] =	ssyncadd.s32 $0xFFFFF600  }
0xbc: {  	_ =	swait.ge [sflag:s18], $0xA00  }
0xbd: {  	[sflag:s18] =	ssyncset.done $0x0  }
0xbe: {  	[sflag:s18] =	ssyncadd.s32 $0xFFFFF600  }
0xbf: {  	v1 =	vld [tilespmem:s21+$0xFFFFFF70];
	_ =	sdelay $0x4  }
0xc0: {  	v1 =	vshrl.u32 v1, $0xE  }
0xc1: {  	[tilespmem:$0x2760] =	vst v1  }
0xc2: {  	v1 =	vld [tilespmem:s21+$0xFFFFFF80];
	_ =	sdelay $0x4  }
0xc3: {  	v1 =	vshrl.u32 v1, $0xE  }
0xc4: {  	[tilespmem:$0x2770] =	vst v1  }
0xc5: {  	v1 =	vld [tilespmem:s21+$0xFFFFFF90];
	_ =	sdelay $0x4  }
0xc6: {  	v1 =	vshrl.u32 v1, $0xE  }
0xc7: {  	[tilespmem:$0x2780] =	vst v1  }
0xc8: {  	v1 =	vld [tilespmem:s21+$0xFFFFFFA0];
	_ =	sdelay $0x4  }
0xc9: {  	v1 =	vshrl.u32 v1, $0xE  }
0xca: {  	[tilespmem:$0x2790] =	vst v1  }
0xcb: {  	v1 =	vld [tilespmem:s21+$0xFFFFFFB0];
	_ =	sdelay $0x4  }
0xcc: {  	v1 =	vshrl.u32 v1, $0xE  }
0xcd: {  	[tilespmem:$0x27A0] =	vst v1  }
0xce: {  	v1 =	vld [tilespmem:s21+$0xFFFFFF70];
	_ =	sdelay $0x4  }
0xcf: {  	v1 =	vand.u32 $0x3FFF, v1  }
0xd0: {  	[tilespmem:$0x2850] =	vst v1  }
0xd1: {  	v1 =	vld [tilespmem:s21+$0xFFFFFF80];
	_ =	sdelay $0x4  }
0xd2: {  	v1 =	vand.u32 $0x3FFF, v1  }
0xd3: {  	[tilespmem:$0x2860] =	vst v1  }
0xd4: {  	v1 =	vld [tilespmem:s21+$0xFFFFFF90];
	_ =	sdelay $0x4  }
0xd5: {  	v1 =	vand.u32 $0x3FFF, v1  }
0xd6: {  	[tilespmem:$0x2870] =	vst v1  }
0xd7: {  	v1 =	vld [tilespmem:s21+$0xFFFFFFA0];
	_ =	sdelay $0x4  }
0xd8: {  	v1 =	vand.u32 $0x3FFF, v1  }
0xd9: {  	[tilespmem:$0x2880] =	vst v1  }
0xda: {  	v1 =	vld [tilespmem:s21+$0xFFFFFFB0];
	_ =	sdelay $0x4  }
0xdb: {  	v1 =	vand.u32 $0x3FFF, v1  }
0xdc: {  	[tilespmem:$0x2890] =	vst v1  }
0xdd: {  	[tilespmem:s30], [sflag:$0x2] =	stream.indirect.gather [spmem:s1], $0x20, s29, s26, $0xb8;
	[tilespmem:$0xE510] =	vst v63  }
0xde: {  	_ = 	snop  }
0xdf: {  	[spmem:s2] =	stream.indirect.scatter.add.bf16 [tilespmem:s23], [sflag:$0x4], $0x20, s31, s26, $0xb8;
	[tilespmem:$0xE510] =	vst v63  }
0xe0: {  	_ =	swait.ge [sflag:s0], $0xA00  }
0xe1: {  	[sflag:s0] =	ssyncset.done $0x0  }
0xe2: {  	[sflag:s0] =	ssyncadd.s32 $0xFFFFF600  }
0xe3: {  	_ =	swait.ge [sflag:s19], $0xA00  }
0xe4: {  	[sflag:s19] =	ssyncset.done $0x0  }
0xe5: {  	[sflag:s19] =	ssyncadd.s32 $0xFFFFF600  }
0xe6: {  	v1 =	vld [tilespmem:s21+$0xFFFFFFC0];
	_ =	sdelay $0x4  }
0xe7: {  	v1 =	vshrl.u32 v1, $0xE  }
0xe8: {  	[tilespmem:$0x27B0] =	vst v1  }
0xe9: {  	v1 =	vld [tilespmem:s21+$0xFFFFFFD0];
	_ =	sdelay $0x4  }
0xea: {  	v1 =	vshrl.u32 v1, $0xE  }
0xeb: {  	[tilespmem:$0x27C0] =	vst v1  }
0xec: {  	v1 =	vld [tilespmem:s21+$0xFFFFFFE0];
	_ =	sdelay $0x4  }
0xed: {  	v1 =	vshrl.u32 v1, $0xE  }
0xee: {  	[tilespmem:$0x27D0] =	vst v1  }
0xef: {  	v1 =	vld [tilespmem:s21+$0xFFFFFFF0];
	_ =	sdelay $0x4  }
0xf0: {  	v1 =	vshrl.u32 v1, $0xE  }
0xf1: {  	[tilespmem:$0x27E0] =	vst v1  }
0xf2: {  	v1 =	vld [tilespmem:s21+$0x0];
	_ =	sdelay $0x4  }
0xf3: {  	v1 =	vshrl.u32 v1, $0xE  }
0xf4: {  	[tilespmem:$0x27F0] =	vst v1  }
0xf5: {  	v1 =	vld [tilespmem:s21+$0xFFFFFFC0];
	_ =	sdelay $0x4  }
0xf6: {  	v1 =	vand.u32 $0x3FFF, v1  }
0xf7: {  	[tilespmem:$0x28A0] =	vst v1  }
0xf8: {  	v1 =	vld [tilespmem:s21+$0xFFFFFFD0];
	_ =	sdelay $0x4  }
0xf9: {  	v1 =	vand.u32 $0x3FFF, v1  }
0xfa: {  	[tilespmem:$0x28B0] =	vst v1  }
0xfb: {  	v1 =	vld [tilespmem:s21+$0xFFFFFFE0];
	_ =	sdelay $0x4  }
0xfc: {  	v1 =	vand.u32 $0x3FFF, v1  }
0xfd: {  	[tilespmem:$0x28C0] =	vst v1  }
0xfe: {  	v1 =	vld [tilespmem:s21+$0xFFFFFFF0];
	_ =	sdelay $0x4  }
0xff: {  	v1 =	vand.u32 $0x3FFF, v1  }
0x100: {  	[tilespmem:$0x28D0] =	vst v1  }
0x101: {  	v1 =	vld [tilespmem:s21+$0x0];
	_ =	sdelay $0x4  }
0x102: {  	v1 =	vand.u32 $0x3FFF, v1  }
0x103: {  	s21 =	simm.s32 $0xB00;
	[tilespmem:$0x28E0] =	vst v1  }
0x104: {  	[tilespmem:s5], [sflag:$0x3] =	stream.indirect.gather [spmem:s1], $0x20, s4, s26, $0xb8;
	[tilespmem:$0xE510] =	vst v63  }
.LBB2_4:
0x105: {  	[spmem:s2] =	stream.indirect.scatter.add.bf16 [tilespmem:s30], [sflag:$0x5], $0x20, s14, s26, $0xb8;
	[tilespmem:$0xE510] =	vst v63  }
0x106: {  	s6 =	smov.u32 s21  }
0x107: {  	p1 =	sne.s32 s21, $0x9980;
	s21 =	sadd.s32 $0x3C0, s21;
	_ =	swait.ge [sflag:s15], $0xA00  }
0x108: {  	[sflag:s15] =	ssyncset.done $0x0  }
0x109: {  	[sflag:s15] =	ssyncadd.s32 $0xFFFFF600  }
0x10a: {  	_ =	swait.ge [sflag:s16], $0xA00  }
0x10b: {  	[sflag:s16] =	ssyncset.done $0x0  }
0x10c: {  	s22 =	sshra.s32 s6, $0x2;
	[sflag:s16] =	ssyncadd.s32 $0xFFFFF600  }
0x10d: {  	v1 =	vld [tilespmem:s22+$0xFFFFFF20];
	_ =	sdelay $0x4  }
0x10e: {  	v1 =	vshrl.u32 v1, $0xE  }
0x10f: {  	[tilespmem:$0x2710] =	vst v1  }
0x110: {  	v1 =	vld [tilespmem:s22+$0xFFFFFF30];
	_ =	sdelay $0x4  }
0x111: {  	v1 =	vshrl.u32 v1, $0xE  }
0x112: {  	[tilespmem:$0x2720] =	vst v1  }
0x113: {  	v1 =	vld [tilespmem:s22+$0xFFFFFF40];
	_ =	sdelay $0x4  }
0x114: {  	v1 =	vshrl.u32 v1, $0xE  }
0x115: {  	[tilespmem:$0x2730] =	vst v1  }
0x116: {  	v1 =	vld [tilespmem:s22+$0xFFFFFF50];
	_ =	sdelay $0x4  }
0x117: {  	v1 =	vshrl.u32 v1, $0xE  }
0x118: {  	[tilespmem:$0x2740] =	vst v1  }
0x119: {  	v1 =	vld [tilespmem:s22+$0xFFFFFF60];
	_ =	sdelay $0x4  }
0x11a: {  	v1 =	vshrl.u32 v1, $0xE  }
0x11b: {  	[tilespmem:$0x2750] =	vst v1  }
0x11c: {  	v1 =	vld [tilespmem:s22+$0xFFFFFF20];
	_ =	sdelay $0x4  }
0x11d: {  	v1 =	vand.u32 $0x3FFF, v1  }
0x11e: {  	[tilespmem:$0x2800] =	vst v1  }
0x11f: {  	v1 =	vld [tilespmem:s22+$0xFFFFFF30];
	_ =	sdelay $0x4  }
0x120: {  	v1 =	vand.u32 $0x3FFF, v1  }
0x121: {  	[tilespmem:$0x2810] =	vst v1  }
0x122: {  	v1 =	vld [tilespmem:s22+$0xFFFFFF40];
	_ =	sdelay $0x4  }
0x123: {  	v1 =	vand.u32 $0x3FFF, v1  }
0x124: {  	[tilespmem:$0x2820] =	vst v1  }
0x125: {  	v1 =	vld [tilespmem:s22+$0xFFFFFF50];
	_ =	sdelay $0x4  }
0x126: {  	v1 =	vand.u32 $0x3FFF, v1  }
0x127: {  	[tilespmem:$0x2830] =	vst v1  }
0x128: {  	v1 =	vld [tilespmem:s22+$0xFFFFFF60];
	_ =	sdelay $0x4  }
0x129: {  	v1 =	vand.u32 $0x3FFF, v1  }
0x12a: {  	[tilespmem:$0x2840] =	vst v1  }
0x12b: {  	[tilespmem:s23], [sflag:$0x1] =	stream.indirect.gather [spmem:s1], $0x20, s28, s26, $0xb8;
	[tilespmem:$0xE510] =	vst v63  }
0x12c: {  	_ = 	snop  }
0x12d: {  	[spmem:s2] =	stream.indirect.scatter.add.bf16 [tilespmem:s5], [sflag:$0x6], $0x20, s17, s26, $0xb8;
	[tilespmem:$0xE510] =	vst v63  }
0x12e: {  	_ =	swait.ge [sflag:s25], $0xA00  }
0x12f: {  	[sflag:s25] =	ssyncset.done $0x0  }
0x130: {  	[sflag:s25] =	ssyncadd.s32 $0xFFFFF600  }
0x131: {  	_ =	swait.ge [sflag:s18], $0xA00  }
0x132: {  	[sflag:s18] =	ssyncset.done $0x0  }
0x133: {  	[sflag:s18] =	ssyncadd.s32 $0xFFFFF600  }
0x134: {  	v1 =	vld [tilespmem:s22+$0xFFFFFF70];
	_ =	sdelay $0x4  }
0x135: {  	v1 =	vshrl.u32 v1, $0xE  }
0x136: {  	[tilespmem:$0x2760] =	vst v1  }
0x137: {  	v1 =	vld [tilespmem:s22+$0xFFFFFF80];
	_ =	sdelay $0x4  }
0x138: {  	v1 =	vshrl.u32 v1, $0xE  }
0x139: {  	[tilespmem:$0x2770] =	vst v1  }
0x13a: {  	v1 =	vld [tilespmem:s22+$0xFFFFFF90];
	_ =	sdelay $0x4  }
0x13b: {  	v1 =	vshrl.u32 v1, $0xE  }
0x13c: {  	[tilespmem:$0x2780] =	vst v1  }
0x13d: {  	v1 =	vld [tilespmem:s22+$0xFFFFFFA0];
	_ =	sdelay $0x4  }
0x13e: {  	v1 =	vshrl.u32 v1, $0xE  }
0x13f: {  	[tilespmem:$0x2790] =	vst v1  }
0x140: {  	v1 =	vld [tilespmem:s22+$0xFFFFFFB0];
	_ =	sdelay $0x4  }
0x141: {  	v1 =	vshrl.u32 v1, $0xE  }
0x142: {  	[tilespmem:$0x27A0] =	vst v1  }
0x143: {  	v1 =	vld [tilespmem:s22+$0xFFFFFF70];
	_ =	sdelay $0x4  }
0x144: {  	v1 =	vand.u32 $0x3FFF, v1  }
0x145: {  	[tilespmem:$0x2850] =	vst v1  }
0x146: {  	v1 =	vld [tilespmem:s22+$0xFFFFFF80];
	_ =	sdelay $0x4  }
0x147: {  	v1 =	vand.u32 $0x3FFF, v1  }
0x148: {  	[tilespmem:$0x2860] =	vst v1  }
0x149: {  	v1 =	vld [tilespmem:s22+$0xFFFFFF90];
	_ =	sdelay $0x4  }
0x14a: {  	v1 =	vand.u32 $0x3FFF, v1  }
0x14b: {  	[tilespmem:$0x2870] =	vst v1  }
0x14c: {  	v1 =	vld [tilespmem:s22+$0xFFFFFFA0];
	_ =	sdelay $0x4  }
0x14d: {  	v1 =	vand.u32 $0x3FFF, v1  }
0x14e: {  	[tilespmem:$0x2880] =	vst v1  }
0x14f: {  	v1 =	vld [tilespmem:s22+$0xFFFFFFB0];
	_ =	sdelay $0x4  }
0x150: {  	v1 =	vand.u32 $0x3FFF, v1  }
0x151: {  	[tilespmem:$0x2890] =	vst v1  }
0x152: {  	[tilespmem:s30], [sflag:$0x2] =	stream.indirect.gather [spmem:s1], $0x20, s29, s26, $0xb8;
	[tilespmem:$0xE510] =	vst v63  }
0x153: {  	_ = 	snop  }
0x154: {  	[spmem:s2] =	stream.indirect.scatter.add.bf16 [tilespmem:s23], [sflag:$0x4], $0x20, s31, s26, $0xb8;
	[tilespmem:$0xE510] =	vst v63  }
0x155: {  	_ =	swait.ge [sflag:s0], $0xA00  }
0x156: {  	[sflag:s0] =	ssyncset.done $0x0  }
0x157: {  	[sflag:s0] =	ssyncadd.s32 $0xFFFFF600  }
0x158: {  	_ =	swait.ge [sflag:s19], $0xA00  }
0x159: {  	[sflag:s19] =	ssyncset.done $0x0  }
0x15a: {  	[sflag:s19] =	ssyncadd.s32 $0xFFFFF600  }
0x15b: {  	v1 =	vld [tilespmem:s22+$0xFFFFFFC0];
	_ =	sdelay $0x4  }
0x15c: {  	v1 =	vshrl.u32 v1, $0xE  }
0x15d: {  	[tilespmem:$0x27B0] =	vst v1  }
0x15e: {  	v1 =	vld [tilespmem:s22+$0xFFFFFFD0];
	_ =	sdelay $0x4  }
0x15f: {  	v1 =	vshrl.u32 v1, $0xE  }
0x160: {  	[tilespmem:$0x27C0] =	vst v1  }
0x161: {  	v1 =	vld [tilespmem:s22+$0xFFFFFFE0];
	_ =	sdelay $0x4  }
0x162: {  	v1 =	vshrl.u32 v1, $0xE  }
0x163: {  	[tilespmem:$0x27D0] =	vst v1  }
0x164: {  	v1 =	vld [tilespmem:s22+$0xFFFFFFF0];
	_ =	sdelay $0x4  }
0x165: {  	v1 =	vshrl.u32 v1, $0xE  }
0x166: {  	[tilespmem:$0x27E0] =	vst v1  }
0x167: {  	v1 =	vld [tilespmem:s22+$0x0];
	_ =	sdelay $0x4  }
0x168: {  	v1 =	vshrl.u32 v1, $0xE  }
0x169: {  	[tilespmem:$0x27F0] =	vst v1  }
0x16a: {  	v1 =	vld [tilespmem:s22+$0xFFFFFFC0];
	_ =	sdelay $0x4  }
0x16b: {  	v1 =	vand.u32 $0x3FFF, v1  }
0x16c: {  	[tilespmem:$0x28A0] =	vst v1  }
0x16d: {  	v1 =	vld [tilespmem:s22+$0xFFFFFFD0];
	_ =	sdelay $0x4  }
0x16e: {  	v1 =	vand.u32 $0x3FFF, v1  }
0x16f: {  	[tilespmem:$0x28B0] =	vst v1  }
0x170: {  	v1 =	vld [tilespmem:s22+$0xFFFFFFE0];
	_ =	sdelay $0x4  }
0x171: {  	v1 =	vand.u32 $0x3FFF, v1  }
0x172: {  	[tilespmem:$0x28C0] =	vst v1  }
0x173: {  	v1 =	vld [tilespmem:s22+$0xFFFFFFF0];
	_ =	sdelay $0x4  }
0x174: {  	v1 =	vand.u32 $0x3FFF, v1  }
0x175: {  	[tilespmem:$0x28D0] =	vst v1  }
0x176: {  	v1 =	vld [tilespmem:s22+$0x0];
	_ =	sdelay $0x2  }
.Ltmp1:
0x177: {  	(pc) =	sbr.rel @p1 .LBB2_4-.Ltmp1, $4  }
0x178: {  	_ = 	snop  }
0x179: {  	v1 =	vand.u32 $0x3FFF, v1  }
0x17a: {  	[tilespmem:$0x28E0] =	vst v1  }
0x17b: {  	[tilespmem:s5], [sflag:$0x3] =	stream.indirect.gather [spmem:s1], $0x20, s4, s26, $0xb8;
	[tilespmem:$0xE510] =	vst v63  }
0x17c: {  	[spmem:s2] =	stream.indirect.scatter.add.bf16 [tilespmem:s30], [sflag:$0x5], $0x20, s14, s26, $0xb8;
	[tilespmem:$0xE510] =	vst v63  }
0x17d: {  	_ =	swait.ge [sflag:s15], $0xA00  }
0x17e: {  	[sflag:s15] =	ssyncset.done $0x0  }
0x17f: {  	[sflag:s15] =	ssyncadd.s32 $0xFFFFF600  }
0x180: {  	_ =	swait.ge [sflag:s16], $0xA00  }
0x181: {  	[sflag:s16] =	ssyncset.done $0x0  }
0x182: {  	[sflag:s16] =	ssyncadd.s32 $0xFFFFF600  }
0x183: {  	v1 =	vld [tilespmem:$0x2670]  }
0x184: {  	v2 =	vld [tilespmem:$0x2680]  }
0x185: {  	v3 =	vld [tilespmem:$0x2690]  }
0x186: {  	v4 =	vld [tilespmem:$0x26A0]  }
0x187: {  	v5 =	vld [tilespmem:$0x26B0]  }
0x188: {  	v6 =	vld [tilespmem:$0x2670];
	v1 =	vshrl.u32 v1, $0xE  }
0x189: {  	[tilespmem:$0x2710] =	vst v1;
	v1 =	vshrl.u32 v2, $0xE;
	v2 =	vld [tilespmem:$0x2680]  }
0x18a: {  	[tilespmem:$0x2720] =	vst v1;
	v1 =	vshrl.u32 v3, $0xE;
	v3 =	vld [tilespmem:$0x2690]  }
0x18b: {  	v57 =	vld [tilespmem:$0x26A0];
	[tilespmem:$0x2730] =	vst v1;
	v1 =	vshrl.u32 v4, $0xE  }
0x18c: {  	v58 =	vld [tilespmem:$0x26B0];
	[tilespmem:$0x2740] =	vst v1;
	v1 =	vshrl.u32 v5, $0xE  }
0x18d: {  	[tilespmem:$0x2750] =	vst v1;
	v1 =	vand.u32 $0x3FFF, v6  }
0x18e: {  	[tilespmem:$0x2800] =	vst v1;
	v1 =	vand.u32 $0x3FFF, v2  }
0x18f: {  	[tilespmem:$0x2810] =	vst v1;
	v1 =	vand.u32 $0x3FFF, v3  }
0x190: {  	[tilespmem:$0x2820] =	vst v1;
	v1 =	vand.u32 $0x3FFF, v57  }
0x191: {  	[tilespmem:$0x2830] =	vst v1;
	v1 =	vand.u32 $0x3FFF, v58  }
0x192: {  	[tilespmem:$0x2840] =	vst v1  }
0x193: {  	[tilespmem:s23], [sflag:$0x1] =	stream.indirect.gather [spmem:s1], $0x20, s28, s26, $0xb8;
	[tilespmem:$0xE510] =	vst v63  }
0x194: {  	_ = 	snop  }
0x195: {  	[spmem:s2] =	stream.indirect.scatter.add.bf16 [tilespmem:s5], [sflag:$0x6], $0x20, s17, s26, $0xb8;
	[tilespmem:$0xE510] =	vst v63  }
0x196: {  	_ =	swait.ge [sflag:s25], $0xA00  }
0x197: {  	[sflag:s25] =	ssyncset.done $0x0  }
0x198: {  	[sflag:s25] =	ssyncadd.s32 $0xFFFFF600  }
0x199: {  	_ =	swait.ge [sflag:s18], $0xA00  }
0x19a: {  	[sflag:s18] =	ssyncset.done $0x0  }
0x19b: {  	[sflag:s18] =	ssyncadd.s32 $0xFFFFF600  }
0x19c: {  	v1 =	vld [tilespmem:$0x26C0]  }
0x19d: {  	v2 =	vld [tilespmem:$0x26D0]  }
0x19e: {  	v3 =	vld [tilespmem:$0x26E0]  }
0x19f: {  	v59 =	vld [tilespmem:$0x26F0]  }
0x1a0: {  	v60 =	vld [tilespmem:$0x2700]  }
0x1a1: {  	v61 =	vld [tilespmem:$0x26C0];
	v1 =	vshrl.u32 v1, $0xE  }
0x1a2: {  	[tilespmem:$0x2760] =	vst v1;
	v1 =	vshrl.u32 v2, $0xE;
	v2 =	vld [tilespmem:$0x26D0]  }
0x1a3: {  	[tilespmem:$0x2770] =	vst v1;
	v1 =	vshrl.u32 v3, $0xE;
	v3 =	vld [tilespmem:$0x26E0]  }
0x1a4: {  	v62 =	vld [tilespmem:$0x26F0];
	[tilespmem:$0x2780] =	vst v1;
	v1 =	vshrl.u32 v59, $0xE  }
0x1a5: {  	v63 =	vld [tilespmem:$0x2700];
	[tilespmem:$0x2790] =	vst v1;
	v1 =	vshrl.u32 v60, $0xE  }
0x1a6: {  	[tilespmem:$0x27A0] =	vst v1;
	v1 =	vand.u32 $0x3FFF, v61  }
0x1a7: {  	[tilespmem:$0x2850] =	vst v1;
	v1 =	vand.u32 $0x3FFF, v2  }
0x1a8: {  	[tilespmem:$0x2860] =	vst v1;
	v1 =	vand.u32 $0x3FFF, v3  }
0x1a9: {  	[tilespmem:$0x2870] =	vst v1;
	v1 =	vand.u32 $0x3FFF, v62  }
0x1aa: {  	[tilespmem:$0x2880] =	vst v1;
	v1 =	vand.u32 $0x3FFF, v63  }
0x1ab: {  	[tilespmem:$0x2890] =	vst v1  }
0x1ac: {  	[tilespmem:s30], [sflag:$0x2] =	stream.indirect.gather [spmem:s1], $0x20, s29, s26, $0xb8;
	[tilespmem:$0xE510] =	vst v63  }
0x1ad: {  	_ = 	snop  }
0x1ae: {  	[spmem:s2] =	stream.indirect.scatter.add.bf16 [tilespmem:s23], [sflag:$0x4], $0x20, s31, s26, $0xb8;
	[tilespmem:$0xE510] =	vst v63  }
0x1af: {  	_ =	swait.ge [sflag:s0], $0xA00  }
0x1b0: {  	[sflag:s0] =	ssyncset.done $0x0  }
0x1b1: {  	[sflag:s0] =	ssyncadd.s32 $0xFFFFF600  }
0x1b2: {  	[spmem:s2] =	stream.indirect.scatter.add.bf16 [tilespmem:s30], [sflag:$0x5], $0x20, s14, s26, $0xb8;
	[tilespmem:$0xE510] =	vst v63  }
0x1b3: {  	_ =	swait.ge [sflag:s19], $0xA00  }
0x1b4: {  	[sflag:s19] =	ssyncset.done $0x0  }
0x1b5: {  	[sflag:s19] =	ssyncadd.s32 $0xFFFFF600  }
0x1b6: {  	_ =	swait.ge [sflag:s16], $0xA00  }
0x1b7: {  	[sflag:s16] =	ssyncset.done $0x0  }
0x1b8: {  	[sflag:s16] =	ssyncadd.s32 $0xFFFFF600  }
0x1b9: {  	_ =	swait.ge [sflag:s18], $0xA00  }
0x1ba: {  	[sflag:s18] =	ssyncset.done $0x0  }
0x1bb: {  	[sflag:s18] =	ssyncadd.s32 $0xFFFFF600  }
0x1bc: {  	[bflag:$0x0] =	sbarrier.arrive $0xFFFF  }
0x1bd: {  	s6 =	rddreg [dreg:$0x6]  }
0x1be: {  	[tilespmem:s23], [sflag:$0x7] =	stream.linear.gather [spmem:s6], $0xA00, $0x38;
	[tilespmem:$0xE510] =	vst v63  }
0x1bf: {  	_ =	swait.ge [sflag:s24], $0xA00  }
0x1c0: {  	[sflag:s24] =	ssyncset.done $0x0  }
0x1c1: {  	s22 =	rddreg [dreg:$0x7];
	[sflag:s24] =	ssyncadd.s32 $0xFFFFF600  }
0x1c2: {  	[hbm4b:s22+s3] =	stream.linear.scatter [tilespmem:s23], [sflag:$0x7], $0xA00, $0x38;
	[tilespmem:$0xE510] =	vst v63  }
0x1c3: {  	_ =	swait.ge [sflag:s24], $0xA00  }
0x1c4: {  	[sflag:s24] =	ssyncset.done $0x0  }
0x1c5: {  	[sflag:s24] =	ssyncadd.s32 $0xFFFFF600  }
0x1c6: {  	[tilespmem:s23], [sflag:$0x7] =	stream.linear.gather [spmem:s7], $0xA00, $0x38;
	[tilespmem:$0xE510] =	vst v63  }
0x1c7: {  	_ =	swait.ge [sflag:s24], $0xA00  }
0x1c8: {  	[sflag:s24] =	ssyncset.done $0x0  }
0x1c9: {  	s21 =	rddreg [dreg:$0x8];
	[sflag:s24] =	ssyncadd.s32 $0xFFFFF600  }
0x1ca: {  	[hbm4b:s21+s3] =	stream.linear.scatter [tilespmem:s23], [sflag:$0x7], $0xA00, $0x38;
	[tilespmem:$0xE510] =	vst v63  }
0x1cb: {  	_ =	swait.ge [sflag:s24], $0xA00  }
0x1cc: {  	[sflag:s24] =	ssyncset.done $0x0  }
0x1cd: {  	[sflag:s24] =	ssyncadd.s32 $0xFFFFF600  }
0x1ce: {  	[tilespmem:s23], [sflag:$0x7] =	stream.linear.gather [spmem:s8], $0xA00, $0x38;
	[tilespmem:$0xE510] =	vst v63  }
0x1cf: {  	_ =	swait.ge [sflag:s24], $0xA00  }
0x1d0: {  	[sflag:s24] =	ssyncset.done $0x0  }
0x1d1: {  	s22 =	rddreg [dreg:$0x9];
	[sflag:s24] =	ssyncadd.s32 $0xFFFFF600  }
0x1d2: {  	[hbm4b:s22+s3] =	stream.linear.scatter [tilespmem:s23], [sflag:$0x7], $0xA00, $0x38;
	[tilespmem:$0xE510] =	vst v63  }
0x1d3: {  	_ =	swait.ge [sflag:s24], $0xA00  }
0x1d4: {  	[sflag:s24] =	ssyncset.done $0x0  }
0x1d5: {  	[sflag:s24] =	ssyncadd.s32 $0xFFFFF600  }
0x1d6: {  	[tilespmem:s23], [sflag:$0x7] =	stream.linear.gather [spmem:s9], $0xA00, $0x38;
	[tilespmem:$0xE510] =	vst v63  }
0x1d7: {  	_ =	swait.ge [sflag:s24], $0xA00  }
0x1d8: {  	[sflag:s24] =	ssyncset.done $0x0  }
0x1d9: {  	s21 =	rddreg [dreg:$0xa];
	[sflag:s24] =	ssyncadd.s32 $0xFFFFF600  }
0x1da: {  	[hbm4b:s21+s3] =	stream.linear.scatter [tilespmem:s23], [sflag:$0x7], $0xA00, $0x38;
	[tilespmem:$0xE510] =	vst v63  }
0x1db: {  	_ =	swait.ge [sflag:s24], $0xA00  }
0x1dc: {  	[sflag:s24] =	ssyncset.done $0x0  }
0x1dd: {  	[sflag:s24] =	ssyncadd.s32 $0xFFFFF600  }
0x1de: {  	[tilespmem:s23], [sflag:$0x7] =	stream.linear.gather [spmem:s10], $0xA00, $0x38;
	[tilespmem:$0xE510] =	vst v63  }
0x1df: {  	_ =	swait.ge [sflag:s24], $0xA00  }
0x1e0: {  	[sflag:s24] =	ssyncset.done $0x0  }
0x1e1: {  	s22 =	rddreg [dreg:$0xb];
	[sflag:s24] =	ssyncadd.s32 $0xFFFFF600  }
0x1e2: {  	[hbm4b:s22+s3] =	stream.linear.scatter [tilespmem:s23], [sflag:$0x7], $0xA00, $0x38;
	[tilespmem:$0xE510] =	vst v63  }
0x1e3: {  	_ =	swait.ge [sflag:s24], $0xA00  }
0x1e4: {  	[sflag:s24] =	ssyncset.done $0x0  }
0x1e5: {  	[sflag:s24] =	ssyncadd.s32 $0xFFFFF600  }
0x1e6: {  	[tilespmem:s23], [sflag:$0x7] =	stream.linear.gather [spmem:s11], $0xA00, $0x38;
	[tilespmem:$0xE510] =	vst v63  }
0x1e7: {  	_ =	swait.ge [sflag:s24], $0xA00  }
0x1e8: {  	[sflag:s24] =	ssyncset.done $0x0  }
0x1e9: {  	s21 =	rddreg [dreg:$0xc];
	[sflag:s24] =	ssyncadd.s32 $0xFFFFF600  }
0x1ea: {  	[hbm4b:s21+s3] =	stream.linear.scatter [tilespmem:s23], [sflag:$0x7], $0xA00, $0x38;
	[tilespmem:$0xE510] =	vst v63  }
0x1eb: {  	_ =	swait.ge [sflag:s24], $0xA00  }
0x1ec: {  	[sflag:s24] =	ssyncset.done $0x0  }
0x1ed: {  	[sflag:s24] =	ssyncadd.s32 $0xFFFFF600  }
0x1ee: {  	[tilespmem:s23], [sflag:$0x7] =	stream.linear.gather [spmem:s12], $0xA00, $0x38;
	[tilespmem:$0xE510] =	vst v63  }
0x1ef: {  	_ =	swait.ge [sflag:s24], $0xA00  }
0x1f0: {  	[sflag:s24] =	ssyncset.done $0x0  }
0x1f1: {  	s22 =	rddreg [dreg:$0xd];
	[sflag:s24] =	ssyncadd.s32 $0xFFFFF600  }
0x1f2: {  	[hbm4b:s22+s3] =	stream.linear.scatter [tilespmem:s23], [sflag:$0x7], $0xA00, $0x38;
	[tilespmem:$0xE510] =	vst v63  }
0x1f3: {  	_ =	swait.ge [sflag:s24], $0xA00  }
0x1f4: {  	[sflag:s24] =	ssyncset.done $0x0  }
0x1f5: {  	[sflag:s24] =	ssyncadd.s32 $0xFFFFF600  }
0x1f6: {  	[tilespmem:s23], [sflag:$0x7] =	stream.linear.gather [spmem:s13], $0xA00, $0x38;
	[tilespmem:$0xE510] =	vst v63  }
0x1f7: {  	_ =	swait.ge [sflag:s24], $0xA00  }
0x1f8: {  	[sflag:s24] =	ssyncset.done $0x0  }
0x1f9: {  	s21 =	rddreg [dreg:$0xe];
	[sflag:s24] =	ssyncadd.s32 $0xFFFFF600  }
0x1fa: {  	[hbm4b:s21+s3] =	stream.linear.scatter [tilespmem:s23], [sflag:$0x7], $0xA00, $0x38;
	[tilespmem:$0xE510] =	vst v63  }
0x1fb: {  	_ =	swait.ge [sflag:s24], $0xA00  }
0x1fc: {  	s20 =	sadd.s32 $0x1, s20;
	s22 =	rddreg [dreg:$0xf]  }
0x1fd: {  	p1 =	sne.s32 s20, s22  }
.Ltmp2:
0x1fe: {  	_ = 	snop;
	(pc) =	sbr.rel @p1 .LBB2_1-.Ltmp2, $3  }
0x1ff: {  	_ =	sdelay $0x1  }
0x200: {  	[sflag:s24] =	ssyncset.done $0x0  }
0x201: {  	[sflag:s24] =	ssyncadd.s32 $0xFFFFF600  }
0x202: {  	_ =	sfence.sel $0x180000  }
0x203: {  	[bflag:$0x0] =	sbarrier.arrive $0xFFFF  }
0x204: {  	_ =	strace $0x9000004A  }
0x205: {  	[bflag:$0x2] =	sbarrier.arrive $0xFFFF  }
0x206: {  	s0 =	rddreg [dreg:$0x3]  }
0x207: {  	s0 =	sadd.s32 @!p0 $0x100000, s0  }
0x208: {  	[sflag:s0] =	ssyncadd.tile.s32 @!p0 $0x1;
	_ =	shalt  }
.Lfunc_end2:
_tile_overlayer_lowered:
.L_overlay_start_2:
0x209: {  	(tag) =	ssettag $0x2  }
0x20a: {  	s0 =	rddreg [dreg:$0x0];
	s2 =	stileid.u32  }
0x20b: {  	s1 =	rddreg [dreg:$0x1];
	p0 =	sne.s32 s2, $0x0  }
0x20c: {  	s3 =	rddreg [dreg:$0x2];
	[bflag:$0x3] =	sbarrier.arrive $0xFFFF;
	s2 =	simm.s32 @!p0 $0x1C07  }
0x20d: {  	[timem:s3], [sflag:s2] =	dma.local @!p0 [hbm:s0], s1  }
0x20e: {  	s0 =	simm.s32 @!p0 $0x7  }
0x20f: {  	_ =	swait.ge @!p0 [sflag:s0], s1  }
0x210: {  	s1 =	ssub.s32 @!p0 $0x0, s1;
	[sflag:s0] =	ssyncset.done @!p0 $0x0  }
0x211: {  	[sflag:s0] =	ssyncadd.s32 @!p0 s1  }
0x212: {  	[bflag:$0x3] =	sbarrier.arrive $0xFFFF  }
0x213: {  	_ =	shalt  }

// kernel: kernel.7.cloned.1.call-start
scs
__scs_entry_jumppad:
0x0: {  	(pc) =	sbr.rel $0x88, $3  }
0x1: {  	(tag) =	ssettag $0x0;
	lr =	simm.s32 $0x1  }
0x2: {  	[smem:$0x3F95] =	sst lr;
	_ =	strace $0xD0000000  }
0x3: {  	_ = 	snop  }
0x4: {  	_ = 	snop  }
0x5: {  	_ = 	snop  }
0x6: {  	_ = 	snop  }
0x7: {  	_ = 	snop  }
__scs_overlays_trampoline_lowered:
0x8: {  	[smem:$0x3FA4] =	sst s0  }
0x9: {  	[smem:$0x3FA5] =	sst s1  }
0xa: {  	[smem:$0x3FA6] =	sst s2  }
0xb: {  	[smem:$0x3FA7] =	sst s3  }
0xc: {  	[smem:$0x3FA8] =	sst s4  }
0xd: {  	[smem:$0x3FA9] =	sst s5  }
0xe: {  	[smem:$0x3FAA] =	sst s6  }
0xf: {  	[smem:$0x3FAB] =	sst s7  }
0x10: {  	[smem:$0x3FAC] =	sst s8  }
0x11: {  	[smem:$0x3FAD] =	sst s9;
	s0 =	simm.s32 @!p0 $0x0  }
0x12: {  	s1 =	sld [smem:$0x3F93];
	s0 =	simm.s32 @p0 $0x1  }
0x13: {  	[smem:$0x3FAE] =	sst s0;
	s0 =	simm.s32 @!p1 $0x0  }
0x14: {  	s2 =	sld [smem:$0x3F92];
	s0 =	simm.s32 @p1 $0x1  }
0x15: {  	[smem:$0x3FAF] =	sst s0;
	s0 =	simm.s32 @!p2 $0x0  }
0x16: {  	s3 =	sld [smem:$0x3FDB];
	s0 =	simm.s32 @p2 $0x1  }
0x17: {  	s4 =	simm.s32 $0x1BF5;
	[smem:$0x3FB1] =	sst s0  }
0x18: {  	s0 =	sld [smem:$0x3F94];
	_ =	swait.ge [sflag:s4], $0x0  }
0x19: {  	s7 =	sld [smem:$0x3F95]  }
0x1a: {  	s8 =	sadd.s32 $0xFFFFE003, lr  }
0x1b: {  	s9 =	sadd.s32 $0xFFFFFEF7, lr;
	s5 =	simm.s32 $0xFFFFFFFF;
	p2 =	slt.u32 s8, $0xFFFFF086  }
0x1c: {  	p1 =	slt.u32 s9, $0xF7A;
	s5 =	simm.s32 @!p2 $0x0  }
0x1d: {  	s5 =	simm.s32 @p1 $0x1;
	p0 =	seq.s32 s7, s2  }
0x1e: {  	s7 =	smul.u32 @!p0 $0xF7A, s2;
	p2 =	seq.s32 @!p0 s5, $0x0  }
0x1f: {  	s9 =	smul.u32 $0xF7A, s1;
	s8 =	simm.s32 @!p0 $0x1BF5;
	p2 =	por !p2, p0  }
0x20: {  	[sflag:s8] =	ssyncset.s32 @!p0 $0xFFFFF086;
	s6 =	sadd.s32 @!p0 s3, s7;
	s7 =	simm.s32 @!p0 $0x108  }
0x21: {  	s3 =	sadd.s32 s3, s9;
	s6 =	sadd.s32 @!p0 $0x88, s6;
	s7 =	simm.s32 @p2 $0x1082  }
0x22: {  	[simem:s7], [sflag:s8] =	dma.local @!p0 [hbm:s6], $0xF7A  }
0x23: {  	s9 =	sor.u32 $0xD0000000, s2;
	s6 =	simm.s32 $0x108;
	_ =	swait.ge @!p0 [sflag:s8], $0x0  }
0x24: {  	s3 =	sadd.s32 $0x88, s3;
	s6 =	simm.s32 @!p1 $0x1082;
	[sflag:s4] =	ssyncset.s32 $0xFFFFF086  }
0x25: {  	[simem:s6], [sflag:s4] =	dma.local [hbm:s3], $0xF7A  }
0x26: {  	[smem:$0x3F95] =	sst s1;
	(tag) =	ssettag s2;
	_ =	strace s9  }
0x27: {  	s1 =	sld [smem:$0x3FA5]  }
0x28: {  	s2 =	sld [smem:$0x3FA6]  }
0x29: {  	s4 =	sld [smem:$0x3FA8]  }
0x2a: {  	p0 =	seq.s32 s5, $0x0;
	s5 =	sld [smem:$0x3FA9]  }
0x2b: {  	s6 =	sld [smem:$0x3FAA]  }
0x2c: {  	s7 =	sld [smem:$0x3FAB]  }
0x2d: {  	s3 =	simm.s32 $0x108;
	s8 =	sld [smem:$0x3FAC]  }
0x2e: {  	s3 =	simm.s32 @!p0 $0x1082;
	s9 =	sld [smem:$0x3FAD]  }
0x2f: {  	lr =	sadd.s32 s0, s3;
	s0 =	sld [smem:$0x3FA4]  }
0x30: {  	s3 =	sld [smem:$0x3FA7]  }
0x31: {  	[smem:$0x3FB0] =	sst s10  }
0x32: {  	s10 =	sld [smem:$0x3FAE];
	_ =	sdelay $0x3  }
0x33: {  	p0 =	seq.s32 s10, $0x1;
	s10 =	sld [smem:$0x3FB0];
	_ =	sdelay $0x3  }
0x34: {  	[smem:$0x3FB0] =	sst s10  }
0x35: {  	s10 =	sld [smem:$0x3FAF];
	_ =	sdelay $0x3  }
0x36: {  	p1 =	seq.s32 s10, $0x1;
	s10 =	sld [smem:$0x3FB0];
	_ =	sdelay $0x3  }
0x37: {  	[smem:$0x3FB0] =	sst s10  }
0x38: {  	s10 =	sld [smem:$0x3FB1]  }
0x39: {  	_ = 	snop;
	(pc) =	sbr.ind lr, $3  }
0x3a: {  	_ = 	snop  }
0x3b: {  	_ = 	snop  }
0x3c: {  	p2 =	seq.s32 s10, $0x1;
	s10 =	sld [smem:$0x3FB0]  }
0x3d: {  	_ =	shalt  }
0x3e: {  	_ =	shalt  }
0x3f: {  	_ =	shalt  }
0x40: {  	_ =	shalt  }
0x41: {  	_ =	shalt  }
0x42: {  	_ =	shalt  }
0x43: {  	_ =	shalt  }
0x44: {  	_ =	shalt  }
0x45: {  	_ =	shalt  }
0x46: {  	_ =	shalt  }
0x47: {  	_ =	shalt  }
0x48: {  	_ =	shalt  }
0x49: {  	_ =	shalt  }
0x4a: {  	_ =	shalt  }
0x4b: {  	_ =	shalt  }
0x4c: {  	_ =	shalt  }
0x4d: {  	_ =	shalt  }
0x4e: {  	_ =	shalt  }
0x4f: {  	_ =	shalt  }
0x50: {  	_ =	shalt  }
0x51: {  	_ =	shalt  }
0x52: {  	_ =	shalt  }
0x53: {  	_ =	shalt  }
0x54: {  	_ =	shalt  }
0x55: {  	_ =	shalt  }
0x56: {  	_ =	shalt  }
0x57: {  	_ =	shalt  }
0x58: {  	_ =	shalt  }
0x59: {  	_ =	shalt  }
0x5a: {  	_ =	shalt  }
0x5b: {  	_ =	shalt  }
0x5c: {  	_ =	shalt  }
0x5d: {  	_ =	shalt  }
0x5e: {  	_ =	shalt  }
0x5f: {  	_ =	shalt  }
0x60: {  	_ =	shalt  }
0x61: {  	_ =	shalt  }
0x62: {  	_ =	shalt  }
0x63: {  	_ =	shalt  }
0x64: {  	_ =	shalt  }
0x65: {  	_ =	shalt  }
0x66: {  	_ =	shalt  }
0x67: {  	_ =	shalt  }
0x68: {  	_ =	shalt  }
0x69: {  	_ =	shalt  }
0x6a: {  	_ =	shalt  }
0x6b: {  	_ =	shalt  }
0x6c: {  	_ =	shalt  }
0x6d: {  	_ =	shalt  }
0x6e: {  	_ =	shalt  }
0x6f: {  	_ =	shalt  }
0x70: {  	_ =	shalt  }
0x71: {  	_ =	shalt  }
0x72: {  	_ =	shalt  }
0x73: {  	_ =	shalt  }
0x74: {  	_ =	shalt  }
0x75: {  	_ =	shalt  }
0x76: {  	_ =	shalt  }
0x77: {  	_ =	shalt  }
0x78: {  	_ =	shalt  }
0x79: {  	_ =	shalt  }
0x7a: {  	_ =	shalt  }
0x7b: {  	_ =	shalt  }
0x7c: {  	_ =	shalt  }
0x7d: {  	_ =	shalt  }
0x7e: {  	_ =	shalt  }
0x7f: {  	_ =	shalt  }
0x80: {  	_ =	shalt  }
0x81: {  	_ =	shalt  }
0x82: {  	_ =	shalt  }
0x83: {  	_ =	shalt  }
0x84: {  	_ =	shalt  }
0x85: {  	_ =	shalt  }
0x86: {  	_ =	shalt  }
0x87: {  	_ =	shalt  }
.Lfunc_end0:
.L_simem_size_0:
called_computation_lowered:
.L_overlay_start_0:
0x88: {  	s2 =	sld [smem:$0x3FD9]  }
0x89: {  	s3 =	sld [smem:$0x3FFE];
	_ =	sdelay $0x1  }
0x8a: {  	s1 =	srdreg.scid  }
0x8b: {  	s0 =	sand.u32 $0x1, s1  }
0x8c: {  	s16 =	sshll.u32 s0, $0xA;
	s2 =	sadd.s32 s3, s2  }
0x8d: {  	s2 =	sadd.s32 s2, s16  }
0x8e: {  	[smem:$0x3FBC] =	sst s2  }
0x8f: {  	_ = 	snop  }
0x90: {  	(tm) =	ssettm $0x1  }
0x91: {  	s17 =	sld [smem:$0x3FFB];
	_ =	sdelay $0x3  }
0x92: {  	_ =	strace s17  }
0x93: {  	s2 =	sld [smem:$0x3FFC];
	_ =	sdelay $0x3  }
0x94: {  	_ =	strace s2  }
0x95: {  	s2 =	sld [smem:$0x3FFD];
	_ =	sdelay $0x3  }
0x96: {  	_ =	strace s2  }
0x97: {  	_ =	strace $0x8FFFFFFF  }
0x98: {  	s18 =	sld [smem:$0x3FDB];
	_ =	sdelay $0x1  }
0x99: {  	s19 =	simm.s32 $_scs_section_size  }
0x9a: {  	s4 =	simm.s32 $_size__tile_overlayer_lowered;
	s5 =	simm.s32 $_tile_overlayer_lowered  }
0x9b: {  	s22 =	simm.s32 $0x1BFF;
	s21 =	sshll.u32 s5, $0x1;
	s2 =	sadd.s32 s19, s18  }
0x9c: {  	s6 =	simm.s32 $0x0;
	s20 =	sshll.u32 s4, $0x1;
	s4 =	sadd.s32 s21, s2  }
0x9d: {  	[timem:s6], [sflag:s22] =	dma.local [hbm:s4], s20  }
0x9e: {  	_ =	swait.ge [sflag:s22], s20  }
0x9f: {  	s3 =	ssub.s32 $0x0, s20;
	[sflag:s22] =	ssyncset.done $0x0  }
0xa0: {  	[sflag:s22] =	ssyncadd.s32 s3;
	_ =	sdelay $0x1  }
0xa1: {  	s23 =	simm.s32 $0x1B8B  }
0xa2: {  	_ =	swait.ge [sflag:s23], $0x1  }
0xa3: {  	[sflag:s23] =	ssyncset.done $0x0  }
0xa4: {  	s25 =	simm.s32 $0x1B8E;
	s24 =	sld [smem:$0x3FFE];
	[sflag:s23] =	ssyncadd.s32 $0xFFFFFFFF  }
0xa5: {  	s26 =	simm.s32 $execute0_lowered;
	[smem:$0x3FD2] =	sst s25  }
0xa6: {  	s4 =	sshll.u32 s26, $0x1;
	_ =	strace $0x80000046;
	[dreg:$0x1] =	wrdreg $0xFFFFFFFF  }
0xa7: {  	s28 =	simm.s32 $_size_execute0_lowered;
	s2 =	sadd.s32 s2, s4;
	[dreg:$0x0] =	wrdreg $0x0  }
0xa8: {  	s4 =	sshll.u32 s28, $0x1;
	[dreg:$0x2] =	wrdreg s2  }
0xa9: {  	[dreg:$0x3] =	wrdreg s4  }
0xaa: {  	[dreg:$0x4] =	wrdreg $0xC0  }
0xab: {  	_ =	task [dreg:s6], $0x5FFFF  }
0xac: {  	[dreg:$0x1] =	wrdreg $0xFFFFFFFF  }
0xad: {  	[dreg:$0x0] =	wrdreg $0x60  }
0xae: {  	[dreg:$0x2] =	wrdreg s24  }
0xaf: {  	[dreg:$0x3] =	wrdreg $0x4BF00  }
0xb0: {  	[dreg:$0x4] =	wrdreg $0x9A100  }
0xb1: {  	[dreg:$0x5] =	wrdreg $0xEA100  }
0xb2: {  	[dreg:$0x6] =	wrdreg $0x9  }
0xb3: {  	_ =	task.clear_ibuf [dreg:s6], $0x7FFFF;
	_ =	strace $0x90000046  }
0xb4: {  	s29 =	simm.s32 $0x9;
	_ =	strace $0x80000048  }
0xb5: {  	_ =	swait.ge [sflag:s29], $0x1  }
0xb6: {  	[sflag:s29] =	ssyncadd.s32 $0xFFFFFFFF  }
0xb7: {  	_ =	strace $0x90000048  }
0xb8: {  	_ =	sfence  }
0xb9: {  	s30 =	sld [smem:$0x0];
	_ =	sdelay $0x2  }
0xba: {  	s31 =	sshll.u32 s1, $0xD;
	s1 =	sshrl.u32 s1, $0x2  }
0xbb: {  	s3 =	sand.u32 $0x4000, s31;
	s1 =	sadd.s32 s1, s30  }
0xbc: {  	s0 =	sor.u32 s3, s0;
	s1 =	sshll.u32 s1, $0x11  }
0xbd: {  	s0 =	sor.u32 s1, s0  }
0xbe: {  	s0 =	sadd.s32 $0x8F2B, s0  }
0xbf: {  	[sflag:s0] =	ssyncadd.remote.s32 $0x1  }
0xc0: {  	_ =	sfence.sel $0xFFFF  }
0xc1: {  	[dreg:$0x0] =	wrdreg $0xFFFFFFFF;
	(pc) =	sbr.abs _section_cstart, $3  }
0xc2: {  	[dreg:$0x1] =	wrdreg $0xFFFFFFFF  }
0xc3: {  	_ =	task.clear_ibuf [dreg:s6], $0x2FFFF;
	_ =	strace $0x9FFFFFFF  }
0xc4: {  	(tm) =	ssettm $0x7FFFFFFF  }
0xc5: {  	_ =	shalt  }
tec
execute0_lowered:
.L_overlay_start_1:
0x0: {  	(tag) =	ssettag $0x1  }
0x1: {  	s0 =	srdreg.scid;
	s2 =	stileid.u32  }
0x2: {  	s1 =	rddreg [dreg:$0x0];
	s28 =	simm.s32 $0x28A0;
	s29 =	simm.s32 $0x5  }
0x3: {  	s30 =	simm.s32 $0x6;
	s31 =	simm.s32 $0x0;
	s8 =	sand.u32 $0x1, s0  }
0x4: {  	s20 =	sshll.u32 s2, $0x1;
	s12 =	smul.u32 $0x280, s2;
	s13 =	sadd.s32 $0x16800, s1  }
0x5: {  	s4 =	ssub.s32 $0x2, s8;
	s0 =	sor.u32 s8, s20;
	s19 =	smul.u32 $0xA0000, s8  }
0x6: {  	p0 =	sne.s32 s2, $0x0;
	s5 =	sshrl.u32 s4, $0x1;
	s3 =	smul.u32 $0x4E2, s0  }
0x7: {  	s14 =	sor.u32 $0x50, s12;
	s15 =	sadd.s32 $0xA0, s12;
	s16 =	sadd.s32 $0xF0, s12  }
0x8: {  	s17 =	sadd.s32 $0x140, s12;
	s18 =	sadd.s32 $0x190, s12;
	s20 =	sadd.s32 $0x1E0, s12  }
0x9: {  	s23 =	sadd.s32 $0x230, s12;
	s0 =	ssub.s32 s4, s5;
	s4 =	smul.u32 $0xA000, s2  }
0xa: {  	s7 =	sshll.u32 s14, $0x6;
	s5 =	sshll.u32 s15, $0x6;
	s9 =	sshll.u32 s16, $0x6  }
0xb: {  	s10 =	sshll.u32 s17, $0x6;
	s6 =	sshll.u32 s18, $0x6;
	s11 =	sshll.u32 s20, $0x6  }
0xc: {  	s14 =	sshll.u32 s14, $0x4;
	s17 =	sshll.u32 s17, $0x4;
	s18 =	sshll.u32 s18, $0x4  }
0xd: {  	s20 =	sshll.u32 s20, $0x4;
	s22 =	sadd.s32 s19, s7;
	s24 =	sadd.s32 s19, s5  }
0xe: {  	s25 =	sadd.s32 s19, s9;
	s26 =	sadd.s32 s19, s10;
	s3 =	sadd.s32 s3, s1  }
0xf: {  	s0 =	smax.u32 s0, $0x1;
	s21 =	sadd.s32 s4, s19;
	s22 =	sshrl.u32 s22, $0x4  }
0x10: {  	s12 =	sshrl.u32 s24, $0x4;
	s24 =	sadd.s32 s19, s6;
	s22 =	sadd.s32 s13, s22  }
0x11: {  	s21 =	sshrl.u32 s21, $0x4;
	s12 =	sadd.s32 s13, s12;
	[dreg:$0x6] =	wrdreg s22  }
0x12: {  	s21 =	sadd.s32 s13, s21;
	s22 =	sshrl.u32 s26, $0x4;
	[dreg:$0x7] =	wrdreg s12  }
0x13: {  	s12 =	sshll.u32 s23, $0x6;
	[dreg:$0x5] =	wrdreg s21;
	s21 =	sshrl.u32 s25, $0x4  }
0x14: {  	s22 =	sadd.s32 s13, s22;
	s25 =	sadd.s32 s19, s11;
	s19 =	sadd.s32 s19, s12  }
0x15: {  	s21 =	sadd.s32 s13, s21;
	[dreg:$0x9] =	wrdreg s22;
	s22 =	sshrl.u32 s25, $0x4  }
0x16: {  	s19 =	sshrl.u32 s19, $0x4;
	[dreg:$0x8] =	wrdreg s21;
	s21 =	sshrl.u32 s24, $0x4  }
0x17: {  	s26 =	sadd.s32 s13, s22;
	s21 =	sadd.s32 s13, s21;
	s13 =	sadd.s32 s13, s19  }
0x18: {  	s23 =	sshll.u32 s23, $0x4;
	[dreg:$0xc] =	wrdreg s13;
	s13 =	smul.u32 $0x28000, s8  }
0x19: {  	s11 =	sshrl.u32 s11, $0x1;
	[dreg:$0xa] =	wrdreg s21;
	s21 =	smul.u32 $0x2800, s2  }
0x1a: {  	s12 =	sshrl.u32 s12, $0x1;
	s22 =	sshll.u32 s15, $0x4;
	s24 =	sshll.u32 s16, $0x4  }
0x1b: {  	[dreg:$0xb] =	wrdreg s26;
	s19 =	sadd.s32 s21, s13;
	s25 =	sadd.s32 s13, s14  }
0x1c: {  	s15 =	sshrl.u32 s19, $0x3;
	s16 =	sshrl.u32 s25, $0x3;
	s25 =	sadd.s32 $0x2A800, s1  }
0x1d: {  	s8 =	simm.s32 $0x0;
	s26 =	sadd.s32 s13, s22;
	s15 =	sadd.s32 s25, s15  }
0x1e: {  	s26 =	sshrl.u32 s26, $0x3;
	s16 =	sadd.s32 s25, s16;
	[dreg:$0xd] =	wrdreg s15  }
0x1f: {  	[dreg:$0xe] =	wrdreg s16;
	s15 =	sadd.s32 s25, s26;
	s16 =	sadd.s32 s13, s24  }
0x20: {  	s19 =	sadd.s32 s13, s17;
	[dreg:$0xf] =	wrdreg s15;
	s15 =	sshrl.u32 s16, $0x3  }
0x21: {  	[smem:$0x7FF] =	sst s8;
	s16 =	sshrl.u32 s19, $0x3;
	s15 =	sadd.s32 s25, s15  }
0x22: {  	s19 =	sadd.s32 s13, s18;
	s26 =	sadd.s32 s25, s16;
	[dreg:$0x10] =	wrdreg s15  }
0x23: {  	s1 =	sadd.s32 $0xCA00, s1;
	s16 =	sshrl.u32 s19, $0x3;
	[dreg:$0x11] =	wrdreg s26  }
0x24: {  	s19 =	sadd.s32 s13, s20;
	s15 =	sadd.s32 s25, s16;
	s16 =	rddreg [dreg:$0x2]  }
0x25: {  	s13 =	sadd.s32 s13, s23;
	s26 =	sshrl.u32 s19, $0x3;
	[dreg:$0x12] =	wrdreg s15  }
0x26: {  	s13 =	sshrl.u32 s13, $0x3;
	s15 =	rddreg [dreg:$0x1];
	s19 =	sadd.s32 s25, s26  }
0x27: {  	s13 =	sadd.s32 s25, s13;
	s25 =	sshrl.u32 s4, $0x1;
	[dreg:$0x13] =	wrdreg s19  }
0x28: {  	s26 =	sshrl.u32 s7, $0x1;
	s4 =	sshrl.u32 s5, $0x1;
	s19 =	rddreg [dreg:$0x3]  }
0x29: {  	s5 =	sshrl.u32 s9, $0x1;
	s7 =	sshrl.u32 s10, $0x1;
	[dreg:$0x14] =	wrdreg s13  }
0x2a: {  	s13 =	sadd.s32 $0x2C00, s3;
	_ =	strace $0x80000047;
	[dreg:$0x15] =	wrdreg s1  }
0x2b: {  	s10 =	sshrl.u32 s6, $0x1;
	s3 =	sadd.s32 s26, s16;
	[dreg:$0x16] =	wrdreg s13  }
0x2c: {  	s9 =	sadd.s32 s7, s16;
	s7 =	simm.s32 $0x27B0;
	[dreg:$0x18] =	wrdreg s3  }
0x2d: {  	s1 =	sadd.s32 s25, s16;
	[dreg:$0x1b] =	wrdreg s9;
	s13 =	sadd.s32 s12, s16  }
0x2e: {  	s21 =	sadd.s32 s21, s19;
	s25 =	sadd.s32 s14, s19;
	s26 =	sadd.s32 s22, s19  }
0x2f: {  	s2 =	sadd.s32 s24, s19;
	s3 =	sadd.s32 s17, s19;
	[smem:$0x7FD] =	sst s0  }
0x30: {  	s6 =	sadd.s32 s23, s19;
	s9 =	simm.s32 $0x28F0;
	[dreg:$0x17] =	wrdreg s1  }
0x31: {  	s12 =	simm.s32 $0x1;
	s14 =	simm.s32 $0x2710;
	[dreg:$0x1e] =	wrdreg s13  }
0x32: {  	s22 =	simm.s32 $0x2;
	s23 =	simm.s32 $0x3CF0;
	[dreg:$0x1f] =	wrdreg s21  }
0x33: {  	s24 =	simm.s32 $0x2850;
	s1 =	sadd.s32 s4, s16;
	[smem:$0x7FB] =	sst s25  }
0x34: {  	[smem:$0x7FC] =	sst s26;
	s4 =	sadd.s32 s18, s19;
	s13 =	simm.s32 $0x50  }
0x35: {  	s18 =	simm.s32 $0x2760;
	s21 =	simm.s32 $0x2800;
	s25 =	simm.s32 $0x3  }
0x36: {  	s26 =	simm.s32 $0x4;
	[dreg:$0x19] =	wrdreg s1;
	s1 =	sadd.s32 s5, s16  }
0x37: {  	s5 =	sadd.s32 s20, s19;
	[dreg:$0x1a] =	wrdreg s1;
	s1 =	sadd.s32 s10, s16  }
0x38: {  	s20 =	simm.s32 $0x32F0;
	[dreg:$0x1c] =	wrdreg s1;
	s1 =	sadd.s32 s11, s16  }
0x39: {  	v0 =	vimm.bf16 $0.0e+00;
	v1 =	vimm.f32 $0.0e+00;
	v2 =	vimm.f32 $1.000000000e+00;
	s10 =	simm.s32 $0x7;
	s11 =	simm.s32 $0x46F0;
	[dreg:$0x1d] =	wrdreg s1  }
.LBB2_1:
0x3a: {  	s0 =	sshrl.u32 @!p0 s15, $0x3;
	s17 =	simm.s32 @!p0 $0x1C02;
	s1 =	rddreg [dreg:$0x15]  }
0x3b: {  	[spmem:s0], [sflag:s17] =	dma.local @!p0 [hbm:s1], $0x9C40  }
0x3c: {  	s0 =	rddreg [dreg:$0x16]  }
0x3d: {  	[tilespmem:s8], [sflag:$0x1] =	stream.linear.gather [hbm4b:s0+s8], $0x2710, $0x38;
	[tilespmem:$0x11210] =	vst v63  }
0x3e: {  	s17 =	simm.s32 $0x0;
	s0 =	simm.s32 $0x80  }
.LBB2_2:
0x3f: {  	p1 =	sne.s32 s0, $0x2780;
	[tilespmem:s17+$0x28F0] =	vst v0;
	s1 =	smov.u32 s0;
	s0 =	sadd.s32 $0x80, s0  }
.Ltmp0:
0x40: {  	[tilespmem:s17+$0x2900] =	vst v0;
	(pc) =	sbr.rel @p1 .LBB2_2-.Ltmp0, $2  }
0x41: {  	_ =	sdelay $0x2  }
0x42: {  	s17 =	sshra.s32 s1, $0x2  }
0x43: {  	[tilespmem:s17+$0x28F0] =	vst v0  }
0x44: {  	[tilespmem:s17+$0x2900] =	vst v0;
	s0 =	rddreg [dreg:$0x17]  }
0x45: {  	[spmem:s0] =	stream.linear.scatter [tilespmem:s9], [sflag:$0x7], $0xA00, $0x38;
	[tilespmem:$0x11210] =	vst v63  }
0x46: {  	_ =	swait.ge [sflag:s10], $0xA00  }
0x47: {  	[sflag:s10] =	ssyncset.done $0x0  }
0x48: {  	s17 =	rddreg [dreg:$0x18];
	[sflag:s10] =	ssyncadd.s32 $0xFFFFF600  }
0x49: {  	[spmem:s17] =	stream.linear.scatter [tilespmem:s9], [sflag:$0x7], $0xA00, $0x38;
	[tilespmem:$0x11210] =	vst v63  }
0x4a: {  	_ =	swait.ge [sflag:s10], $0xA00  }
0x4b: {  	[sflag:s10] =	ssyncset.done $0x0  }
0x4c: {  	s1 =	rddreg [dreg:$0x19];
	[sflag:s10] =	ssyncadd.s32 $0xFFFFF600  }
0x4d: {  	[spmem:s1] =	stream.linear.scatter [tilespmem:s9], [sflag:$0x7], $0xA00, $0x38;
	[tilespmem:$0x11210] =	vst v63  }
0x4e: {  	_ =	swait.ge [sflag:s10], $0xA00  }
0x4f: {  	[sflag:s10] =	ssyncset.done $0x0  }
0x50: {  	s17 =	rddreg [dreg:$0x1a];
	[sflag:s10] =	ssyncadd.s32 $0xFFFFF600  }
0x51: {  	[spmem:s17] =	stream.linear.scatter [tilespmem:s9], [sflag:$0x7], $0xA00, $0x38;
	[tilespmem:$0x11210] =	vst v63  }
0x52: {  	_ =	swait.ge [sflag:s10], $0xA00  }
0x53: {  	[sflag:s10] =	ssyncset.done $0x0  }
0x54: {  	s1 =	rddreg [dreg:$0x1b];
	[sflag:s10] =	ssyncadd.s32 $0xFFFFF600  }
0x55: {  	[spmem:s1] =	stream.linear.scatter [tilespmem:s9], [sflag:$0x7], $0xA00, $0x38;
	[tilespmem:$0x11210] =	vst v63  }
0x56: {  	_ =	swait.ge [sflag:s10], $0xA00  }
0x57: {  	[sflag:s10] =	ssyncset.done $0x0  }
0x58: {  	s17 =	rddreg [dreg:$0x1c];
	[sflag:s10] =	ssyncadd.s32 $0xFFFFF600  }
0x59: {  	[spmem:s17] =	stream.linear.scatter [tilespmem:s9], [sflag:$0x7], $0xA00, $0x38;
	[tilespmem:$0x11210] =	vst v63  }
0x5a: {  	_ =	swait.ge [sflag:s10], $0xA00  }
0x5b: {  	[sflag:s10] =	ssyncset.done $0x0  }
0x5c: {  	s1 =	rddreg [dreg:$0x1d];
	[sflag:s10] =	ssyncadd.s32 $0xFFFFF600  }
0x5d: {  	[spmem:s1] =	stream.linear.scatter [tilespmem:s9], [sflag:$0x7], $0xA00, $0x38;
	[tilespmem:$0x11210] =	vst v63  }
0x5e: {  	_ =	swait.ge [sflag:s10], $0xA00  }
0x5f: {  	[sflag:s10] =	ssyncset.done $0x0  }
0x60: {  	s17 =	rddreg [dreg:$0x1e];
	[sflag:s10] =	ssyncadd.s32 $0xFFFFF600  }
0x61: {  	[spmem:s17] =	stream.linear.scatter [tilespmem:s9], [sflag:$0x7], $0xA00, $0x38;
	[tilespmem:$0x11210] =	vst v63  }
0x62: {  	_ =	swait.ge [sflag:s10], $0xA00  }
0x63: {  	[sflag:s10] =	ssyncset.done $0x0  }
0x64: {  	s0 =	simm.s32 $0x40;
	s17 =	simm.s32 $0x0;
	[sflag:s10] =	ssyncadd.s32 $0xFFFFF600  }
.LBB2_4:
0x65: {  	p1 =	sne.s32 s0, $0x13C0;
	[tilespmem:s17+$0x46F0] =	vst v1;
	s1 =	smov.u32 s0;
	s0 =	sadd.s32 $0x40, s0  }
.Ltmp1:
0x66: {  	(pc) =	sbr.rel @p1 .LBB2_4-.Ltmp1, $2  }
0x67: {  	_ =	sdelay $0x2  }
0x68: {  	s17 =	sshra.s32 s1, $0x2  }
0x69: {  	[tilespmem:s17+$0x46F0] =	vst v1;
	s0 =	rddreg [dreg:$0x1f]  }
0x6a: {  	[spmem:s0] =	stream.linear.scatter [tilespmem:s11], [sflag:$0x7], $0x500, $0x38;
	[tilespmem:$0x11210] =	vst v63  }
0x6b: {  	_ =	swait.ge [sflag:s10], $0x500  }
0x6c: {  	s1 =	sld [smem:$0x7FB]  }
0x6d: {  	[sflag:s10] =	ssyncset.done $0x0  }
0x6e: {  	[sflag:s10] =	ssyncadd.s32 $0xFFFFFB00  }
0x6f: {  	[spmem:s1] =	stream.linear.scatter [tilespmem:s11], [sflag:$0x7], $0x500, $0x38;
	[tilespmem:$0x11210] =	vst v63  }
0x70: {  	_ =	swait.ge [sflag:s10], $0x500  }
0x71: {  	s17 =	sld [smem:$0x7FC]  }
0x72: {  	[sflag:s10] =	ssyncset.done $0x0  }
0x73: {  	[sflag:s10] =	ssyncadd.s32 $0xFFFFFB00  }
0x74: {  	[spmem:s17] =	stream.linear.scatter [tilespmem:s11], [sflag:$0x7], $0x500, $0x38;
	[tilespmem:$0x11210] =	vst v63  }
0x75: {  	_ =	swait.ge [sflag:s10], $0x500  }
0x76: {  	[sflag:s10] =	ssyncset.done $0x0  }
0x77: {  	[sflag:s10] =	ssyncadd.s32 $0xFFFFFB00  }
0x78: {  	[spmem:s2] =	stream.linear.scatter [tilespmem:s11], [sflag:$0x7], $0x500, $0x38;
	[tilespmem:$0x11210] =	vst v63  }
0x79: {  	_ =	swait.ge [sflag:s10], $0x500  }
0x7a: {  	[sflag:s10] =	ssyncset.done $0x0  }
0x7b: {  	[sflag:s10] =	ssyncadd.s32 $0xFFFFFB00  }
0x7c: {  	[spmem:s3] =	stream.linear.scatter [tilespmem:s11], [sflag:$0x7], $0x500, $0x38;
	[tilespmem:$0x11210] =	vst v63  }
0x7d: {  	_ =	swait.ge [sflag:s10], $0x500  }
0x7e: {  	[sflag:s10] =	ssyncset.done $0x0  }
0x7f: {  	[sflag:s10] =	ssyncadd.s32 $0xFFFFFB00  }
0x80: {  	[spmem:s4] =	stream.linear.scatter [tilespmem:s11], [sflag:$0x7], $0x500, $0x38;
	[tilespmem:$0x11210] =	vst v63  }
0x81: {  	_ =	swait.ge [sflag:s10], $0x500  }
0x82: {  	[sflag:s10] =	ssyncset.done $0x0  }
0x83: {  	[sflag:s10] =	ssyncadd.s32 $0xFFFFFB00  }
0x84: {  	[spmem:s5] =	stream.linear.scatter [tilespmem:s11], [sflag:$0x7], $0x500, $0x38;
	[tilespmem:$0x11210] =	vst v63  }
0x85: {  	_ =	swait.ge [sflag:s10], $0x500  }
0x86: {  	[sflag:s10] =	ssyncset.done $0x0  }
0x87: {  	[sflag:s10] =	ssyncadd.s32 $0xFFFFFB00  }
0x88: {  	[spmem:s6] =	stream.linear.scatter [tilespmem:s11], [sflag:$0x7], $0x500, $0x38;
	[tilespmem:$0x11210] =	vst v63  }
0x89: {  	_ =	swait.ge [sflag:s10], $0x500  }
0x8a: {  	[sflag:s10] =	ssyncset.done $0x0  }
0x8b: {  	s0 =	simm.s32 $0x40;
	s17 =	simm.s32 $0x0;
	[sflag:s10] =	ssyncadd.s32 $0xFFFFFB00  }
.LBB2_6:
0x8c: {  	p1 =	sne.s32 s0, $0x13C0;
	[tilespmem:s17+$0x46F0] =	vst v2;
	s1 =	smov.u32 s0;
	s0 =	sadd.s32 $0x40, s0  }
.Ltmp2:
0x8d: {  	(pc) =	sbr.rel @p1 .LBB2_6-.Ltmp2, $2  }
0x8e: {  	_ =	sdelay $0x2  }
0x8f: {  	s17 =	sshra.s32 s1, $0x2  }
0x90: {  	[tilespmem:s17+$0x46F0] =	vst v2  }
0x91: {  	_ =	swait.ge [sflag:s12], $0x2710  }
0x92: {  	[sflag:s12] =	ssyncset.done $0x0  }
0x93: {  	s0 =	simm.s32 @!p0 $0x2;
	[sflag:s12] =	ssyncadd.s32 $0xFFFFD8F0  }
0x94: {  	_ =	swait.ge @!p0 [sflag:s0], $0x9C40  }
0x95: {  	[sflag:s0] =	ssyncset.done @!p0 $0x0  }
0x96: {  	[sflag:s0] =	ssyncadd.s32 @!p0 $0xFFFF63C0  }
0x97: {  	[bflag:$0x0] =	sbarrier.arrive $0xFFFF  }
0x98: {  	v3 =	vld [tilespmem:$0x0]  }
0x99: {  	v4 =	vld [tilespmem:$0x10]  }
0x9a: {  	v5 =	vld [tilespmem:$0x20]  }
0x9b: {  	v6 =	vld [tilespmem:$0x30]  }
0x9c: {  	v7 =	vld [tilespmem:$0x40]  }
0x9d: {  	v8 =	vld [tilespmem:$0x0];
	v3 =	vshrl.u32 v3, $0xE  }
0x9e: {  	v42 =	vld [tilespmem:$0x10];
	[tilespmem:$0x2710] =	vst v3;
	v3 =	vshrl.u32 v4, $0xE  }
0x9f: {  	v43 =	vld [tilespmem:$0x20];
	[tilespmem:$0x2720] =	vst v3;
	v3 =	vshrl.u32 v5, $0xE  }
0xa0: {  	v44 =	vld [tilespmem:$0x30];
	[tilespmem:$0x2730] =	vst v3;
	v3 =	vshrl.u32 v6, $0xE  }
0xa1: {  	v45 =	vld [tilespmem:$0x40];
	[tilespmem:$0x2740] =	vst v3;
	v3 =	vshrl.u32 v7, $0xE  }
0xa2: {  	[tilespmem:$0x2750] =	vst v3;
	v3 =	vand.u32 $0x3FFF, v8  }
0xa3: {  	[tilespmem:$0x2800] =	vst v3;
	v3 =	vand.u32 $0x3FFF, v42  }
0xa4: {  	[tilespmem:$0x2810] =	vst v3;
	v3 =	vand.u32 $0x3FFF, v43  }
0xa5: {  	[tilespmem:$0x2820] =	vst v3;
	v3 =	vand.u32 $0x3FFF, v44  }
0xa6: {  	[tilespmem:$0x2830] =	vst v3;
	v3 =	vand.u32 $0x3FFF, v45  }
0xa7: {  	[tilespmem:$0x2840] =	vst v3  }
0xa8: {  	[tilespmem:s9], [sflag:$0x1] =	stream.indirect.gather [spmem:s15], $0x20, s14, s13, $0xb8;
	[tilespmem:$0x11210] =	vst v63  }
0xa9: {  	_ =	swait.ge [sflag:s12], $0xA00  }
0xaa: {  	[sflag:s12] =	ssyncset.done $0x0  }
0xab: {  	[sflag:s12] =	ssyncadd.s32 $0xFFFFF600  }
0xac: {  	v3 =	vld [tilespmem:$0x50]  }
0xad: {  	v46 =	vld [tilespmem:$0x60]  }
0xae: {  	v47 =	vld [tilespmem:$0x70]  }
0xaf: {  	v48 =	vld [tilespmem:$0x80]  }
0xb0: {  	v49 =	vld [tilespmem:$0x90]  }
0xb1: {  	v50 =	vld [tilespmem:$0x50];
	v3 =	vshrl.u32 v3, $0xE  }
0xb2: {  	v51 =	vld [tilespmem:$0x60];
	[tilespmem:$0x2760] =	vst v3;
	v3 =	vshrl.u32 v46, $0xE  }
0xb3: {  	v52 =	vld [tilespmem:$0x70];
	[tilespmem:$0x2770] =	vst v3;
	v3 =	vshrl.u32 v47, $0xE  }
0xb4: {  	v53 =	vld [tilespmem:$0x80];
	[tilespmem:$0x2780] =	vst v3;
	v3 =	vshrl.u32 v48, $0xE  }
0xb5: {  	v54 =	vld [tilespmem:$0x90];
	[tilespmem:$0x2790] =	vst v3;
	v3 =	vshrl.u32 v49, $0xE  }
0xb6: {  	[tilespmem:$0x27A0] =	vst v3;
	v3 =	vand.u32 $0x3FFF, v50  }
0xb7: {  	[tilespmem:$0x2850] =	vst v3;
	v3 =	vand.u32 $0x3FFF, v51  }
0xb8: {  	[tilespmem:$0x2860] =	vst v3;
	v3 =	vand.u32 $0x3FFF, v52  }
0xb9: {  	[tilespmem:$0x2870] =	vst v3;
	v3 =	vand.u32 $0x3FFF, v53  }
0xba: {  	[tilespmem:$0x2880] =	vst v3;
	v3 =	vand.u32 $0x3FFF, v54  }
0xbb: {  	[tilespmem:$0x2890] =	vst v3  }
0xbc: {  	[tilespmem:s20], [sflag:$0x2] =	stream.indirect.gather [spmem:s15], $0x20, s18, s13, $0xb8;
	[tilespmem:$0x11210] =	vst v63  }
0xbd: {  	_ = 	snop  }
0xbe: {  	[spmem:s16] =	stream.indirect.scatter.add.bf16 [tilespmem:s9], [sflag:$0x4], $0x20, s21, s13, $0xb8;
	[tilespmem:$0x11210] =	vst v63  }
0xbf: {  	_ = 	snop  }
0xc0: {  	[spmem:s19] =	stream.indirect.scatter.add.f32 [tilespmem:s11], [sflag:$0x7], $0x10, s21, s13, $0xb8;
	[tilespmem:$0x11210] =	vst v63  }
0xc1: {  	_ =	swait.ge [sflag:s10], $0x500  }
0xc2: {  	[sflag:s10] =	ssyncset.done $0x0  }
0xc3: {  	[sflag:s10] =	ssyncadd.s32 $0xFFFFFB00  }
0xc4: {  	_ =	swait.ge [sflag:s22], $0xA00  }
0xc5: {  	[sflag:s22] =	ssyncset.done $0x0  }
0xc6: {  	[sflag:s22] =	ssyncadd.s32 $0xFFFFF600  }
0xc7: {  	v3 =	vld [tilespmem:$0xA0]  }
0xc8: {  	v55 =	vld [tilespmem:$0xB0]  }
0xc9: {  	v56 =	vld [tilespmem:$0xC0]  }
0xca: {  	v57 =	vld [tilespmem:$0xD0]  }
0xcb: {  	v58 =	vld [tilespmem:$0xE0]  }
0xcc: {  	v59 =	vld [tilespmem:$0xA0];
	v3 =	vshrl.u32 v3, $0xE  }
0xcd: {  	v60 =	vld [tilespmem:$0xB0];
	[tilespmem:$0x27B0] =	vst v3;
	v3 =	vshrl.u32 v55, $0xE  }
0xce: {  	v61 =	vld [tilespmem:$0xC0];
	[tilespmem:$0x27C0] =	vst v3;
	v3 =	vshrl.u32 v56, $0xE  }
0xcf: {  	v62 =	vld [tilespmem:$0xD0];
	[tilespmem:$0x27D0] =	vst v3;
	v3 =	vshrl.u32 v57, $0xE  }
0xd0: {  	v63 =	vld [tilespmem:$0xE0];
	[tilespmem:$0x27E0] =	vst v3;
	v3 =	vshrl.u32 v58, $0xE  }
0xd1: {  	[tilespmem:$0x27F0] =	vst v3;
	v3 =	vand.u32 $0x3FFF, v59  }
0xd2: {  	[tilespmem:$0x28A0] =	vst v3;
	v3 =	vand.u32 $0x3FFF, v60  }
0xd3: {  	[tilespmem:$0x28B0] =	vst v3;
	v3 =	vand.u32 $0x3FFF, v61  }
0xd4: {  	[tilespmem:$0x28C0] =	vst v3;
	v3 =	vand.u32 $0x3FFF, v62  }
0xd5: {  	[tilespmem:$0x28D0] =	vst v3;
	v3 =	vand.u32 $0x3FFF, v63  }
0xd6: {  	[tilespmem:$0x28E0] =	vst v3  }
0xd7: {  	[tilespmem:s23], [sflag:$0x3] =	stream.indirect.gather [spmem:s15], $0x20, s7, s13, $0xb8;
	[tilespmem:$0x11210] =	vst v63  }
0xd8: {  	_ = 	snop  }
0xd9: {  	[spmem:s16] =	stream.indirect.scatter.add.bf16 [tilespmem:s20], [sflag:$0x5], $0x20, s24, s13, $0xb8;
	[tilespmem:$0x11210] =	vst v63  }
0xda: {  	_ = 	snop  }
0xdb: {  	[spmem:s19] =	stream.indirect.scatter.add.f32 [tilespmem:s11], [sflag:$0x7], $0x10, s24, s13, $0xb8;
	[tilespmem:$0x11210] =	vst v63  }
0xdc: {  	_ =	swait.ge [sflag:s10], $0x500  }
0xdd: {  	[sflag:s10] =	ssyncset.done $0x0  }
0xde: {  	[sflag:s10] =	ssyncadd.s32 $0xFFFFFB00  }
0xdf: {  	_ =	swait.ge [sflag:s25], $0xA00  }
0xe0: {  	[sflag:s25] =	ssyncset.done $0x0  }
0xe1: {  	[sflag:s25] =	ssyncadd.s32 $0xFFFFF600  }
0xe2: {  	_ =	swait.ge [sflag:s26], $0xA00  }
0xe3: {  	[sflag:s26] =	ssyncset.done $0x0  }
0xe4: {  	s17 =	simm.s32 $0x1D0;
	[sflag:s26] =	ssyncadd.s32 $0xFFFFF600  }
0xe5: {  	v3 =	vld [tilespmem:s17+$0xFFFFFF20];
	_ =	sdelay $0x4  }
0xe6: {  	v3 =	vshrl.u32 v3, $0xE  }
0xe7: {  	[tilespmem:$0x2710] =	vst v3  }
0xe8: {  	v3 =	vld [tilespmem:s17+$0xFFFFFF30];
	_ =	sdelay $0x4  }
0xe9: {  	v3 =	vshrl.u32 v3, $0xE  }
0xea: {  	[tilespmem:$0x2720] =	vst v3  }
0xeb: {  	v3 =	vld [tilespmem:s17+$0xFFFFFF40];
	_ =	sdelay $0x4  }
0xec: {  	v3 =	vshrl.u32 v3, $0xE  }
0xed: {  	[tilespmem:$0x2730] =	vst v3  }
0xee: {  	v3 =	vld [tilespmem:s17+$0xFFFFFF50];
	_ =	sdelay $0x4  }
0xef: {  	v3 =	vshrl.u32 v3, $0xE  }
0xf0: {  	[tilespmem:$0x2740] =	vst v3  }
0xf1: {  	v3 =	vld [tilespmem:s17+$0xFFFFFF60];
	_ =	sdelay $0x4  }
0xf2: {  	v3 =	vshrl.u32 v3, $0xE  }
0xf3: {  	[tilespmem:$0x2750] =	vst v3  }
0xf4: {  	v3 =	vld [tilespmem:s17+$0xFFFFFF20];
	_ =	sdelay $0x4  }
0xf5: {  	v3 =	vand.u32 $0x3FFF, v3  }
0xf6: {  	[tilespmem:$0x2800] =	vst v3  }
0xf7: {  	v3 =	vld [tilespmem:s17+$0xFFFFFF30];
	_ =	sdelay $0x4  }
0xf8: {  	v3 =	vand.u32 $0x3FFF, v3  }
0xf9: {  	[tilespmem:$0x2810] =	vst v3  }
0xfa: {  	v3 =	vld [tilespmem:s17+$0xFFFFFF40];
	_ =	sdelay $0x4  }
0xfb: {  	v3 =	vand.u32 $0x3FFF, v3  }
0xfc: {  	[tilespmem:$0x2820] =	vst v3  }
0xfd: {  	v3 =	vld [tilespmem:s17+$0xFFFFFF50];
	_ =	sdelay $0x4  }
0xfe: {  	v3 =	vand.u32 $0x3FFF, v3  }
0xff: {  	[tilespmem:$0x2830] =	vst v3  }
0x100: {  	v3 =	vld [tilespmem:s17+$0xFFFFFF60];
	_ =	sdelay $0x4  }
0x101: {  	v3 =	vand.u32 $0x3FFF, v3  }
0x102: {  	[tilespmem:$0x2840] =	vst v3  }
0x103: {  	[tilespmem:s9], [sflag:$0x1] =	stream.indirect.gather [spmem:s15], $0x20, s14, s13, $0xb8;
	[tilespmem:$0x11210] =	vst v63  }
0x104: {  	_ = 	snop  }
0x105: {  	[spmem:s16] =	stream.indirect.scatter.add.bf16 [tilespmem:s23], [sflag:$0x6], $0x20, s28, s13, $0xb8;
	[tilespmem:$0x11210] =	vst v63  }
0x106: {  	_ = 	snop  }
0x107: {  	[spmem:s19] =	stream.indirect.scatter.add.f32 [tilespmem:s11], [sflag:$0x7], $0x10, s28, s13, $0xb8;
	[tilespmem:$0x11210] =	vst v63  }
0x108: {  	_ =	swait.ge [sflag:s10], $0x500  }
0x109: {  	[sflag:s10] =	ssyncset.done $0x0  }
0x10a: {  	[sflag:s10] =	ssyncadd.s32 $0xFFFFFB00  }
0x10b: {  	_ =	swait.ge [sflag:s12], $0xA00  }
0x10c: {  	[sflag:s12] =	ssyncset.done $0x0  }
0x10d: {  	[sflag:s12] =	ssyncadd.s32 $0xFFFFF600  }
0x10e: {  	_ =	swait.ge [sflag:s29], $0xA00  }
0x10f: {  	[sflag:s29] =	ssyncset.done $0x0  }
0x110: {  	[sflag:s29] =	ssyncadd.s32 $0xFFFFF600  }
0x111: {  	v3 =	vld [tilespmem:s17+$0xFFFFFF70];
	_ =	sdelay $0x4  }
0x112: {  	v3 =	vshrl.u32 v3, $0xE  }
0x113: {  	[tilespmem:$0x2760] =	vst v3  }
0x114: {  	v3 =	vld [tilespmem:s17+$0xFFFFFF80];
	_ =	sdelay $0x4  }
0x115: {  	v3 =	vshrl.u32 v3, $0xE  }
0x116: {  	[tilespmem:$0x2770] =	vst v3  }
0x117: {  	v3 =	vld [tilespmem:s17+$0xFFFFFF90];
	_ =	sdelay $0x4  }
0x118: {  	v3 =	vshrl.u32 v3, $0xE  }
0x119: {  	[tilespmem:$0x2780] =	vst v3  }
0x11a: {  	v3 =	vld [tilespmem:s17+$0xFFFFFFA0];
	_ =	sdelay $0x4  }
0x11b: {  	v3 =	vshrl.u32 v3, $0xE  }
0x11c: {  	[tilespmem:$0x2790] =	vst v3  }
0x11d: {  	v3 =	vld [tilespmem:s17+$0xFFFFFFB0];
	_ =	sdelay $0x4  }
0x11e: {  	v3 =	vshrl.u32 v3, $0xE  }
0x11f: {  	[tilespmem:$0x27A0] =	vst v3  }
0x120: {  	v3 =	vld [tilespmem:s17+$0xFFFFFF70];
	_ =	sdelay $0x4  }
0x121: {  	v3 =	vand.u32 $0x3FFF, v3  }
0x122: {  	[tilespmem:$0x2850] =	vst v3  }
0x123: {  	v3 =	vld [tilespmem:s17+$0xFFFFFF80];
	_ =	sdelay $0x4  }
0x124: {  	v3 =	vand.u32 $0x3FFF, v3  }
0x125: {  	[tilespmem:$0x2860] =	vst v3  }
0x126: {  	v3 =	vld [tilespmem:s17+$0xFFFFFF90];
	_ =	sdelay $0x4  }
0x127: {  	v3 =	vand.u32 $0x3FFF, v3  }
0x128: {  	[tilespmem:$0x2870] =	vst v3  }
0x129: {  	v3 =	vld [tilespmem:s17+$0xFFFFFFA0];
	_ =	sdelay $0x4  }
0x12a: {  	v3 =	vand.u32 $0x3FFF, v3  }
0x12b: {  	[tilespmem:$0x2880] =	vst v3  }
0x12c: {  	v3 =	vld [tilespmem:s17+$0xFFFFFFB0];
	_ =	sdelay $0x4  }
0x12d: {  	v3 =	vand.u32 $0x3FFF, v3  }
0x12e: {  	[tilespmem:$0x2890] =	vst v3  }
0x12f: {  	[tilespmem:s20], [sflag:$0x2] =	stream.indirect.gather [spmem:s15], $0x20, s18, s13, $0xb8;
	[tilespmem:$0x11210] =	vst v63  }
0x130: {  	_ = 	snop  }
0x131: {  	[spmem:s16] =	stream.indirect.scatter.add.bf16 [tilespmem:s9], [sflag:$0x4], $0x20, s21, s13, $0xb8;
	[tilespmem:$0x11210] =	vst v63  }
0x132: {  	_ = 	snop  }
0x133: {  	[spmem:s19] =	stream.indirect.scatter.add.f32 [tilespmem:s11], [sflag:$0x7], $0x10, s21, s13, $0xb8;
	[tilespmem:$0x11210] =	vst v63  }
0x134: {  	_ =	swait.ge [sflag:s10], $0x500  }
0x135: {  	[sflag:s10] =	ssyncset.done $0x0  }
0x136: {  	[sflag:s10] =	ssyncadd.s32 $0xFFFFFB00  }
0x137: {  	_ =	swait.ge [sflag:s22], $0xA00  }
0x138: {  	[sflag:s22] =	ssyncset.done $0x0  }
0x139: {  	[sflag:s22] =	ssyncadd.s32 $0xFFFFF600  }
0x13a: {  	_ =	swait.ge [sflag:s30], $0xA00  }
0x13b: {  	[sflag:s30] =	ssyncset.done $0x0  }
0x13c: {  	[sflag:s30] =	ssyncadd.s32 $0xFFFFF600  }
0x13d: {  	v3 =	vld [tilespmem:s17+$0xFFFFFFC0];
	_ =	sdelay $0x4  }
0x13e: {  	v3 =	vshrl.u32 v3, $0xE  }
0x13f: {  	[tilespmem:$0x27B0] =	vst v3  }
0x140: {  	v3 =	vld [tilespmem:s17+$0xFFFFFFD0];
	_ =	sdelay $0x4  }
0x141: {  	v3 =	vshrl.u32 v3, $0xE  }
0x142: {  	[tilespmem:$0x27C0] =	vst v3  }
0x143: {  	v3 =	vld [tilespmem:s17+$0xFFFFFFE0];
	_ =	sdelay $0x4  }
0x144: {  	v3 =	vshrl.u32 v3, $0xE  }
0x145: {  	[tilespmem:$0x27D0] =	vst v3  }
0x146: {  	v3 =	vld [tilespmem:s17+$0xFFFFFFF0];
	_ =	sdelay $0x4  }
0x147: {  	v3 =	vshrl.u32 v3, $0xE  }
0x148: {  	[tilespmem:$0x27E0] =	vst v3  }
0x149: {  	v3 =	vld [tilespmem:s17+$0x0];
	_ =	sdelay $0x4  }
0x14a: {  	v3 =	vshrl.u32 v3, $0xE  }
0x14b: {  	[tilespmem:$0x27F0] =	vst v3  }
0x14c: {  	v3 =	vld [tilespmem:s17+$0xFFFFFFC0];
	_ =	sdelay $0x4  }
0x14d: {  	v3 =	vand.u32 $0x3FFF, v3  }
0x14e: {  	[tilespmem:$0x28A0] =	vst v3  }
0x14f: {  	v3 =	vld [tilespmem:s17+$0xFFFFFFD0];
	_ =	sdelay $0x4  }
0x150: {  	v3 =	vand.u32 $0x3FFF, v3  }
0x151: {  	[tilespmem:$0x28B0] =	vst v3  }
0x152: {  	v3 =	vld [tilespmem:s17+$0xFFFFFFE0];
	_ =	sdelay $0x4  }
0x153: {  	v3 =	vand.u32 $0x3FFF, v3  }
0x154: {  	[tilespmem:$0x28C0] =	vst v3  }
0x155: {  	v3 =	vld [tilespmem:s17+$0xFFFFFFF0];
	_ =	sdelay $0x4  }
0x156: {  	v3 =	vand.u32 $0x3FFF, v3  }
0x157: {  	[tilespmem:$0x28D0] =	vst v3  }
0x158: {  	v3 =	vld [tilespmem:s17+$0x0];
	_ =	sdelay $0x4  }
0x159: {  	v3 =	vand.u32 $0x3FFF, v3  }
0x15a: {  	[tilespmem:$0x28E0] =	vst v3  }
0x15b: {  	[tilespmem:s23], [sflag:$0x3] =	stream.indirect.gather [spmem:s15], $0x20, s7, s13, $0xb8;
	[tilespmem:$0x11210] =	vst v63  }
0x15c: {  	_ = 	snop  }
0x15d: {  	[spmem:s16] =	stream.indirect.scatter.add.bf16 [tilespmem:s20], [sflag:$0x5], $0x20, s24, s13, $0xb8;
	[tilespmem:$0x11210] =	vst v63  }
0x15e: {  	_ = 	snop  }
0x15f: {  	[spmem:s19] =	stream.indirect.scatter.add.f32 [tilespmem:s11], [sflag:$0x7], $0x10, s24, s13, $0xb8;
	[tilespmem:$0x11210] =	vst v63  }
0x160: {  	_ =	swait.ge [sflag:s10], $0x500  }
0x161: {  	s17 =	simm.s32 $0xB00;
	[sflag:s10] =	ssyncset.done $0x0  }
.LBB2_8:
0x162: {  	p1 =	sne.s32 s17, $0x9980  }
0x163: {  	[sflag:s10] =	ssyncadd.s32 $0xFFFFFB00;
	s0 =	smov.u32 s17;
	s17 =	sadd.s32 $0x3C0, s17  }
0x164: {  	_ = 	snop  }
0x165: {  	_ =	swait.ge [sflag:s25], $0xA00  }
0x166: {  	[sflag:s25] =	ssyncset.done $0x0  }
0x167: {  	[sflag:s25] =	ssyncadd.s32 $0xFFFFF600  }
0x168: {  	_ =	swait.ge [sflag:s26], $0xA00  }
0x169: {  	[sflag:s26] =	ssyncset.done $0x0  }
0x16a: {  	s0 =	sshra.s32 s0, $0x2;
	[sflag:s26] =	ssyncadd.s32 $0xFFFFF600  }
0x16b: {  	v3 =	vld [tilespmem:s0+$0xFFFFFF20];
	_ =	sdelay $0x4  }
0x16c: {  	v3 =	vshrl.u32 v3, $0xE  }
0x16d: {  	[tilespmem:$0x2710] =	vst v3  }
0x16e: {  	v3 =	vld [tilespmem:s0+$0xFFFFFF30];
	_ =	sdelay $0x4  }
0x16f: {  	v3 =	vshrl.u32 v3, $0xE  }
0x170: {  	[tilespmem:$0x2720] =	vst v3  }
0x171: {  	v3 =	vld [tilespmem:s0+$0xFFFFFF40];
	_ =	sdelay $0x4  }
0x172: {  	v3 =	vshrl.u32 v3, $0xE  }
0x173: {  	[tilespmem:$0x2730] =	vst v3  }
0x174: {  	v3 =	vld [tilespmem:s0+$0xFFFFFF50];
	_ =	sdelay $0x4  }
0x175: {  	v3 =	vshrl.u32 v3, $0xE  }
0x176: {  	[tilespmem:$0x2740] =	vst v3  }
0x177: {  	v3 =	vld [tilespmem:s0+$0xFFFFFF60];
	_ =	sdelay $0x4  }
0x178: {  	v3 =	vshrl.u32 v3, $0xE  }
0x179: {  	[tilespmem:$0x2750] =	vst v3  }
0x17a: {  	v3 =	vld [tilespmem:s0+$0xFFFFFF20];
	_ =	sdelay $0x4  }
0x17b: {  	v3 =	vand.u32 $0x3FFF, v3  }
0x17c: {  	[tilespmem:$0x2800] =	vst v3  }
0x17d: {  	v3 =	vld [tilespmem:s0+$0xFFFFFF30];
	_ =	sdelay $0x4  }
0x17e: {  	v3 =	vand.u32 $0x3FFF, v3  }
0x17f: {  	[tilespmem:$0x2810] =	vst v3  }
0x180: {  	v3 =	vld [tilespmem:s0+$0xFFFFFF40];
	_ =	sdelay $0x4  }
0x181: {  	v3 =	vand.u32 $0x3FFF, v3  }
0x182: {  	[tilespmem:$0x2820] =	vst v3  }
0x183: {  	v3 =	vld [tilespmem:s0+$0xFFFFFF50];
	_ =	sdelay $0x4  }
0x184: {  	v3 =	vand.u32 $0x3FFF, v3  }
0x185: {  	[tilespmem:$0x2830] =	vst v3  }
0x186: {  	v3 =	vld [tilespmem:s0+$0xFFFFFF60];
	_ =	sdelay $0x4  }
0x187: {  	v3 =	vand.u32 $0x3FFF, v3  }
0x188: {  	[tilespmem:$0x2840] =	vst v3  }
0x189: {  	[tilespmem:s9], [sflag:$0x1] =	stream.indirect.gather [spmem:s15], $0x20, s14, s13, $0xb8;
	[tilespmem:$0x11210] =	vst v63  }
0x18a: {  	_ = 	snop  }
0x18b: {  	[spmem:s16] =	stream.indirect.scatter.add.bf16 [tilespmem:s23], [sflag:$0x6], $0x20, s28, s13, $0xb8;
	[tilespmem:$0x11210] =	vst v63  }
0x18c: {  	_ = 	snop  }
0x18d: {  	[spmem:s19] =	stream.indirect.scatter.add.f32 [tilespmem:s11], [sflag:$0x7], $0x10, s28, s13, $0xb8;
	[tilespmem:$0x11210] =	vst v63  }
0x18e: {  	_ =	swait.ge [sflag:s10], $0x500  }
0x18f: {  	[sflag:s10] =	ssyncset.done $0x0  }
0x190: {  	[sflag:s10] =	ssyncadd.s32 $0xFFFFFB00  }
0x191: {  	_ =	swait.ge [sflag:s12], $0xA00  }
0x192: {  	[sflag:s12] =	ssyncset.done $0x0  }
0x193: {  	[sflag:s12] =	ssyncadd.s32 $0xFFFFF600  }
0x194: {  	_ =	swait.ge [sflag:s29], $0xA00  }
0x195: {  	[sflag:s29] =	ssyncset.done $0x0  }
0x196: {  	[sflag:s29] =	ssyncadd.s32 $0xFFFFF600  }
0x197: {  	v3 =	vld [tilespmem:s0+$0xFFFFFF70];
	_ =	sdelay $0x4  }
0x198: {  	v3 =	vshrl.u32 v3, $0xE  }
0x199: {  	[tilespmem:$0x2760] =	vst v3  }
0x19a: {  	v3 =	vld [tilespmem:s0+$0xFFFFFF80];
	_ =	sdelay $0x4  }
0x19b: {  	v3 =	vshrl.u32 v3, $0xE  }
0x19c: {  	[tilespmem:$0x2770] =	vst v3  }
0x19d: {  	v3 =	vld [tilespmem:s0+$0xFFFFFF90];
	_ =	sdelay $0x4  }
0x19e: {  	v3 =	vshrl.u32 v3, $0xE  }
0x19f: {  	[tilespmem:$0x2780] =	vst v3  }
0x1a0: {  	v3 =	vld [tilespmem:s0+$0xFFFFFFA0];
	_ =	sdelay $0x4  }
0x1a1: {  	v3 =	vshrl.u32 v3, $0xE  }
0x1a2: {  	[tilespmem:$0x2790] =	vst v3  }
0x1a3: {  	v3 =	vld [tilespmem:s0+$0xFFFFFFB0];
	_ =	sdelay $0x4  }
0x1a4: {  	v3 =	vshrl.u32 v3, $0xE  }
0x1a5: {  	[tilespmem:$0x27A0] =	vst v3  }
0x1a6: {  	v3 =	vld [tilespmem:s0+$0xFFFFFF70];
	_ =	sdelay $0x4  }
0x1a7: {  	v3 =	vand.u32 $0x3FFF, v3  }
0x1a8: {  	[tilespmem:$0x2850] =	vst v3  }
0x1a9: {  	v3 =	vld [tilespmem:s0+$0xFFFFFF80];
	_ =	sdelay $0x4  }
0x1aa: {  	v3 =	vand.u32 $0x3FFF, v3  }
0x1ab: {  	[tilespmem:$0x2860] =	vst v3  }
0x1ac: {  	v3 =	vld [tilespmem:s0+$0xFFFFFF90];
	_ =	sdelay $0x4  }
0x1ad: {  	v3 =	vand.u32 $0x3FFF, v3  }
0x1ae: {  	[tilespmem:$0x2870] =	vst v3  }
0x1af: {  	v3 =	vld [tilespmem:s0+$0xFFFFFFA0];
	_ =	sdelay $0x4  }
0x1b0: {  	v3 =	vand.u32 $0x3FFF, v3  }
0x1b1: {  	[tilespmem:$0x2880] =	vst v3  }
0x1b2: {  	v3 =	vld [tilespmem:s0+$0xFFFFFFB0];
	_ =	sdelay $0x4  }
0x1b3: {  	v3 =	vand.u32 $0x3FFF, v3  }
0x1b4: {  	[tilespmem:$0x2890] =	vst v3  }
0x1b5: {  	[tilespmem:s20], [sflag:$0x2] =	stream.indirect.gather [spmem:s15], $0x20, s18, s13, $0xb8;
	[tilespmem:$0x11210] =	vst v63  }
0x1b6: {  	_ = 	snop  }
0x1b7: {  	[spmem:s16] =	stream.indirect.scatter.add.bf16 [tilespmem:s9], [sflag:$0x4], $0x20, s21, s13, $0xb8;
	[tilespmem:$0x11210] =	vst v63  }
0x1b8: {  	_ = 	snop  }
0x1b9: {  	[spmem:s19] =	stream.indirect.scatter.add.f32 [tilespmem:s11], [sflag:$0x7], $0x10, s21, s13, $0xb8;
	[tilespmem:$0x11210] =	vst v63  }
0x1ba: {  	_ =	swait.ge [sflag:s10], $0x500  }
0x1bb: {  	[sflag:s10] =	ssyncset.done $0x0  }
0x1bc: {  	[sflag:s10] =	ssyncadd.s32 $0xFFFFFB00  }
0x1bd: {  	_ =	swait.ge [sflag:s22], $0xA00  }
0x1be: {  	[sflag:s22] =	ssyncset.done $0x0  }
0x1bf: {  	[sflag:s22] =	ssyncadd.s32 $0xFFFFF600  }
0x1c0: {  	_ =	swait.ge [sflag:s30], $0xA00  }
0x1c1: {  	[sflag:s30] =	ssyncset.done $0x0  }
0x1c2: {  	[sflag:s30] =	ssyncadd.s32 $0xFFFFF600  }
0x1c3: {  	v3 =	vld [tilespmem:s0+$0xFFFFFFC0];
	_ =	sdelay $0x4  }
0x1c4: {  	v3 =	vshrl.u32 v3, $0xE  }
0x1c5: {  	[tilespmem:$0x27B0] =	vst v3  }
0x1c6: {  	v3 =	vld [tilespmem:s0+$0xFFFFFFD0];
	_ =	sdelay $0x4  }
0x1c7: {  	v3 =	vshrl.u32 v3, $0xE  }
0x1c8: {  	[tilespmem:$0x27C0] =	vst v3  }
0x1c9: {  	v3 =	vld [tilespmem:s0+$0xFFFFFFE0];
	_ =	sdelay $0x4  }
0x1ca: {  	v3 =	vshrl.u32 v3, $0xE  }
0x1cb: {  	[tilespmem:$0x27D0] =	vst v3  }
0x1cc: {  	v3 =	vld [tilespmem:s0+$0xFFFFFFF0];
	_ =	sdelay $0x4  }
0x1cd: {  	v3 =	vshrl.u32 v3, $0xE  }
0x1ce: {  	[tilespmem:$0x27E0] =	vst v3  }
0x1cf: {  	v3 =	vld [tilespmem:s0+$0x0];
	_ =	sdelay $0x4  }
0x1d0: {  	v3 =	vshrl.u32 v3, $0xE  }
0x1d1: {  	[tilespmem:$0x27F0] =	vst v3  }
0x1d2: {  	v3 =	vld [tilespmem:s0+$0xFFFFFFC0];
	_ =	sdelay $0x4  }
0x1d3: {  	v3 =	vand.u32 $0x3FFF, v3  }
0x1d4: {  	[tilespmem:$0x28A0] =	vst v3  }
0x1d5: {  	v3 =	vld [tilespmem:s0+$0xFFFFFFD0];
	_ =	sdelay $0x4  }
0x1d6: {  	v3 =	vand.u32 $0x3FFF, v3  }
0x1d7: {  	[tilespmem:$0x28B0] =	vst v3  }
0x1d8: {  	v3 =	vld [tilespmem:s0+$0xFFFFFFE0];
	_ =	sdelay $0x4  }
0x1d9: {  	v3 =	vand.u32 $0x3FFF, v3  }
0x1da: {  	[tilespmem:$0x28C0] =	vst v3  }
0x1db: {  	v3 =	vld [tilespmem:s0+$0xFFFFFFF0];
	_ =	sdelay $0x4  }
0x1dc: {  	v3 =	vand.u32 $0x3FFF, v3  }
0x1dd: {  	[tilespmem:$0x28D0] =	vst v3  }
0x1de: {  	v3 =	vld [tilespmem:s0+$0x0];
	_ =	sdelay $0x4  }
0x1df: {  	v3 =	vand.u32 $0x3FFF, v3  }
0x1e0: {  	[tilespmem:$0x28E0] =	vst v3  }
0x1e1: {  	[tilespmem:s23], [sflag:$0x3] =	stream.indirect.gather [spmem:s15], $0x20, s7, s13, $0xb8;
	[tilespmem:$0x11210] =	vst v63  }
0x1e2: {  	_ = 	snop  }
0x1e3: {  	[spmem:s16] =	stream.indirect.scatter.add.bf16 [tilespmem:s20], [sflag:$0x5], $0x20, s24, s13, $0xb8;
	[tilespmem:$0x11210] =	vst v63  }
.Ltmp3:
0x1e4: {  	_ = 	snop;
	(pc) =	sbr.rel @p1 .LBB2_8-.Ltmp3, $4  }
0x1e5: {  	_ = 	snop  }
0x1e6: {  	[spmem:s19] =	stream.indirect.scatter.add.f32 [tilespmem:s11], [sflag:$0x7], $0x10, s24, s13, $0xb8;
	[tilespmem:$0x11210] =	vst v63  }
0x1e7: {  	_ =	swait.ge [sflag:s10], $0x500  }
0x1e8: {  	[sflag:s10] =	ssyncset.done $0x0  }
0x1e9: {  	[sflag:s10] =	ssyncadd.s32 $0xFFFFFB00  }
0x1ea: {  	_ =	swait.ge [sflag:s25], $0xA00  }
0x1eb: {  	[sflag:s25] =	ssyncset.done $0x0  }
0x1ec: {  	[sflag:s25] =	ssyncadd.s32 $0xFFFFF600  }
0x1ed: {  	_ =	swait.ge [sflag:s26], $0xA00  }
0x1ee: {  	[sflag:s26] =	ssyncset.done $0x0  }
0x1ef: {  	[sflag:s26] =	ssyncadd.s32 $0xFFFFF600  }
0x1f0: {  	v3 =	vld [tilespmem:$0x2670]  }
0x1f1: {  	v4 =	vld [tilespmem:$0x2680]  }
0x1f2: {  	v5 =	vld [tilespmem:$0x2690]  }
0x1f3: {  	v6 =	vld [tilespmem:$0x26A0]  }
0x1f4: {  	v7 =	vld [tilespmem:$0x26B0]  }
0x1f5: {  	v8 =	vld [tilespmem:$0x2670];
	v3 =	vshrl.u32 v3, $0xE  }
0x1f6: {  	v51 =	vld [tilespmem:$0x2680];
	[tilespmem:$0x2710] =	vst v3;
	v3 =	vshrl.u32 v4, $0xE  }
0x1f7: {  	v52 =	vld [tilespmem:$0x2690];
	[tilespmem:$0x2720] =	vst v3;
	v3 =	vshrl.u32 v5, $0xE  }
0x1f8: {  	v53 =	vld [tilespmem:$0x26A0];
	[tilespmem:$0x2730] =	vst v3;
	v3 =	vshrl.u32 v6, $0xE  }
0x1f9: {  	v54 =	vld [tilespmem:$0x26B0];
	[tilespmem:$0x2740] =	vst v3;
	v3 =	vshrl.u32 v7, $0xE  }
0x1fa: {  	[tilespmem:$0x2750] =	vst v3;
	v3 =	vand.u32 $0x3FFF, v8  }
0x1fb: {  	[tilespmem:$0x2800] =	vst v3;
	v3 =	vand.u32 $0x3FFF, v51  }
0x1fc: {  	[tilespmem:$0x2810] =	vst v3;
	v3 =	vand.u32 $0x3FFF, v52  }
0x1fd: {  	[tilespmem:$0x2820] =	vst v3;
	v3 =	vand.u32 $0x3FFF, v53  }
0x1fe: {  	[tilespmem:$0x2830] =	vst v3;
	v3 =	vand.u32 $0x3FFF, v54  }
0x1ff: {  	[tilespmem:$0x2840] =	vst v3  }
0x200: {  	[tilespmem:s9], [sflag:$0x1] =	stream.indirect.gather [spmem:s15], $0x20, s14, s13, $0xb8;
	[tilespmem:$0x11210] =	vst v63  }
0x201: {  	_ = 	snop  }
0x202: {  	[spmem:s16] =	stream.indirect.scatter.add.bf16 [tilespmem:s23], [sflag:$0x6], $0x20, s28, s13, $0xb8;
	[tilespmem:$0x11210] =	vst v63  }
0x203: {  	_ = 	snop  }
0x204: {  	[spmem:s19] =	stream.indirect.scatter.add.f32 [tilespmem:s11], [sflag:$0x7], $0x10, s28, s13, $0xb8;
	[tilespmem:$0x11210] =	vst v63  }
0x205: {  	_ =	swait.ge [sflag:s10], $0x500  }
0x206: {  	[sflag:s10] =	ssyncset.done $0x0  }
0x207: {  	[sflag:s10] =	ssyncadd.s32 $0xFFFFFB00  }
0x208: {  	_ =	swait.ge [sflag:s12], $0xA00  }
0x209: {  	[sflag:s12] =	ssyncset.done $0x0  }
0x20a: {  	[sflag:s12] =	ssyncadd.s32 $0xFFFFF600  }
0x20b: {  	_ =	swait.ge [sflag:s29], $0xA00  }
0x20c: {  	[sflag:s29] =	ssyncset.done $0x0  }
0x20d: {  	[sflag:s29] =	ssyncadd.s32 $0xFFFFF600  }
0x20e: {  	v3 =	vld [tilespmem:$0x26C0]  }
0x20f: {  	v55 =	vld [tilespmem:$0x26D0]  }
0x210: {  	v56 =	vld [tilespmem:$0x26E0]  }
0x211: {  	v57 =	vld [tilespmem:$0x26F0]  }
0x212: {  	v58 =	vld [tilespmem:$0x2700]  }
0x213: {  	v59 =	vld [tilespmem:$0x26C0];
	v3 =	vshrl.u32 v3, $0xE  }
0x214: {  	v60 =	vld [tilespmem:$0x26D0];
	[tilespmem:$0x2760] =	vst v3;
	v3 =	vshrl.u32 v55, $0xE  }
0x215: {  	v61 =	vld [tilespmem:$0x26E0];
	[tilespmem:$0x2770] =	vst v3;
	v3 =	vshrl.u32 v56, $0xE  }
0x216: {  	v62 =	vld [tilespmem:$0x26F0];
	[tilespmem:$0x2780] =	vst v3;
	v3 =	vshrl.u32 v57, $0xE  }
0x217: {  	v63 =	vld [tilespmem:$0x2700];
	[tilespmem:$0x2790] =	vst v3;
	v3 =	vshrl.u32 v58, $0xE  }
0x218: {  	[tilespmem:$0x27A0] =	vst v3;
	v3 =	vand.u32 $0x3FFF, v59  }
0x219: {  	[tilespmem:$0x2850] =	vst v3;
	v3 =	vand.u32 $0x3FFF, v60  }
0x21a: {  	[tilespmem:$0x2860] =	vst v3;
	v3 =	vand.u32 $0x3FFF, v61  }
0x21b: {  	[tilespmem:$0x2870] =	vst v3;
	v3 =	vand.u32 $0x3FFF, v62  }
0x21c: {  	[tilespmem:$0x2880] =	vst v3;
	v3 =	vand.u32 $0x3FFF, v63  }
0x21d: {  	[tilespmem:$0x2890] =	vst v3  }
0x21e: {  	[tilespmem:s20], [sflag:$0x2] =	stream.indirect.gather [spmem:s15], $0x20, s18, s13, $0xb8;
	[tilespmem:$0x11210] =	vst v63  }
0x21f: {  	_ = 	snop  }
0x220: {  	[spmem:s16] =	stream.indirect.scatter.add.bf16 [tilespmem:s9], [sflag:$0x4], $0x20, s21, s13, $0xb8;
	[tilespmem:$0x11210] =	vst v63  }
0x221: {  	_ = 	snop  }
0x222: {  	[spmem:s19] =	stream.indirect.scatter.add.f32 [tilespmem:s11], [sflag:$0x7], $0x10, s21, s13, $0xb8;
	[tilespmem:$0x11210] =	vst v63  }
0x223: {  	_ =	swait.ge [sflag:s10], $0x500  }
0x224: {  	[sflag:s10] =	ssyncset.done $0x0  }
0x225: {  	[sflag:s10] =	ssyncadd.s32 $0xFFFFFB00  }
0x226: {  	_ =	swait.ge [sflag:s22], $0xA00  }
0x227: {  	[sflag:s22] =	ssyncset.done $0x0  }
0x228: {  	[sflag:s22] =	ssyncadd.s32 $0xFFFFF600  }
0x229: {  	[spmem:s16] =	stream.indirect.scatter.add.bf16 [tilespmem:s20], [sflag:$0x5], $0x20, s24, s13, $0xb8;
	[tilespmem:$0x11210] =	vst v63  }
0x22a: {  	_ = 	snop  }
0x22b: {  	[spmem:s19] =	stream.indirect.scatter.add.f32 [tilespmem:s11], [sflag:$0x7], $0x10, s24, s13, $0xb8;
	[tilespmem:$0x11210] =	vst v63  }
0x22c: {  	_ =	swait.ge [sflag:s10], $0x500  }
0x22d: {  	[sflag:s10] =	ssyncset.done $0x0  }
0x22e: {  	[sflag:s10] =	ssyncadd.s32 $0xFFFFFB00  }
0x22f: {  	_ =	swait.ge [sflag:s30], $0xA00  }
0x230: {  	[sflag:s30] =	ssyncset.done $0x0  }
0x231: {  	[sflag:s30] =	ssyncadd.s32 $0xFFFFF600  }
0x232: {  	_ =	swait.ge [sflag:s26], $0xA00  }
0x233: {  	[sflag:s26] =	ssyncset.done $0x0  }
0x234: {  	[sflag:s26] =	ssyncadd.s32 $0xFFFFF600  }
0x235: {  	_ =	swait.ge [sflag:s29], $0xA00  }
0x236: {  	[sflag:s29] =	ssyncset.done $0x0  }
0x237: {  	[sflag:s29] =	ssyncadd.s32 $0xFFFFF600  }
0x238: {  	[bflag:$0x0] =	sbarrier.arrive $0xFFFF  }
0x239: {  	s0 =	rddreg [dreg:$0x17]  }
0x23a: {  	[tilespmem:s9], [sflag:$0x7] =	stream.linear.gather [spmem:s0], $0xA00, $0x38;
	[tilespmem:$0x11210] =	vst v63  }
0x23b: {  	_ =	swait.ge [sflag:s10], $0xA00  }
0x23c: {  	[sflag:s10] =	ssyncset.done $0x0  }
0x23d: {  	s17 =	rddreg [dreg:$0x5];
	[sflag:s10] =	ssyncadd.s32 $0xFFFFF600  }
0x23e: {  	[hbm4b:s17+s8] =	stream.linear.scatter [tilespmem:s9], [sflag:$0x7], $0xA00, $0x38;
	[tilespmem:$0x11210] =	vst v63  }
0x23f: {  	_ =	swait.ge [sflag:s10], $0xA00  }
0x240: {  	[sflag:s10] =	ssyncset.done $0x0  }
0x241: {  	s1 =	rddreg [dreg:$0x1f];
	[sflag:s10] =	ssyncadd.s32 $0xFFFFF600  }
0x242: {  	[tilespmem:s11], [sflag:$0x7] =	stream.linear.gather [spmem:s1], $0x500, $0x38;
	[tilespmem:$0x11210] =	vst v63  }
0x243: {  	_ =	swait.ge [sflag:s10], $0x500  }
0x244: {  	[sflag:s10] =	ssyncset.done $0x0  }
0x245: {  	s17 =	rddreg [dreg:$0xd];
	[sflag:s10] =	ssyncadd.s32 $0xFFFFFB00  }
0x246: {  	[hbm4b:s17+s8] =	stream.linear.scatter [tilespmem:s11], [sflag:$0x7], $0x500, $0x38;
	[tilespmem:$0x11210] =	vst v63  }
0x247: {  	_ =	swait.ge [sflag:s10], $0x500  }
0x248: {  	[sflag:s10] =	ssyncset.done $0x0  }
0x249: {  	s1 =	rddreg [dreg:$0x18];
	[sflag:s10] =	ssyncadd.s32 $0xFFFFFB00  }
0x24a: {  	[tilespmem:s9], [sflag:$0x7] =	stream.linear.gather [spmem:s1], $0xA00, $0x38;
	[tilespmem:$0x11210] =	vst v63  }
0x24b: {  	_ =	swait.ge [sflag:s10], $0xA00  }
0x24c: {  	[sflag:s10] =	ssyncset.done $0x0  }
0x24d: {  	s17 =	rddreg [dreg:$0x6];
	[sflag:s10] =	ssyncadd.s32 $0xFFFFF600  }
0x24e: {  	[hbm4b:s17+s8] =	stream.linear.scatter [tilespmem:s9], [sflag:$0x7], $0xA00, $0x38;
	[tilespmem:$0x11210] =	vst v63  }
0x24f: {  	_ =	swait.ge [sflag:s10], $0xA00  }
0x250: {  	s1 =	sld [smem:$0x7FB]  }
0x251: {  	[sflag:s10] =	ssyncset.done $0x0  }
0x252: {  	[sflag:s10] =	ssyncadd.s32 $0xFFFFF600  }
0x253: {  	[tilespmem:s11], [sflag:$0x7] =	stream.linear.gather [spmem:s1], $0x500, $0x38;
	[tilespmem:$0x11210] =	vst v63  }
0x254: {  	_ =	swait.ge [sflag:s10], $0x500  }
0x255: {  	[sflag:s10] =	ssyncset.done $0x0  }
0x256: {  	s17 =	rddreg [dreg:$0xe];
	[sflag:s10] =	ssyncadd.s32 $0xFFFFFB00  }
0x257: {  	[hbm4b:s17+s8] =	stream.linear.scatter [tilespmem:s11], [sflag:$0x7], $0x500, $0x38;
	[tilespmem:$0x11210] =	vst v63  }
0x258: {  	_ =	swait.ge [sflag:s10], $0x500  }
0x259: {  	[sflag:s10] =	ssyncset.done $0x0  }
0x25a: {  	s1 =	rddreg [dreg:$0x19];
	[sflag:s10] =	ssyncadd.s32 $0xFFFFFB00  }
0x25b: {  	[tilespmem:s9], [sflag:$0x7] =	stream.linear.gather [spmem:s1], $0xA00, $0x38;
	[tilespmem:$0x11210] =	vst v63  }
0x25c: {  	_ =	swait.ge [sflag:s10], $0xA00  }
0x25d: {  	[sflag:s10] =	ssyncset.done $0x0  }
0x25e: {  	s17 =	rddreg [dreg:$0x7];
	[sflag:s10] =	ssyncadd.s32 $0xFFFFF600  }
0x25f: {  	[hbm4b:s17+s8] =	stream.linear.scatter [tilespmem:s9], [sflag:$0x7], $0xA00, $0x38;
	[tilespmem:$0x11210] =	vst v63  }
0x260: {  	_ =	swait.ge [sflag:s10], $0xA00  }
0x261: {  	s1 =	sld [smem:$0x7FC]  }
0x262: {  	[sflag:s10] =	ssyncset.done $0x0  }
0x263: {  	[sflag:s10] =	ssyncadd.s32 $0xFFFFF600  }
0x264: {  	[tilespmem:s11], [sflag:$0x7] =	stream.linear.gather [spmem:s1], $0x500, $0x38;
	[tilespmem:$0x11210] =	vst v63  }
0x265: {  	_ =	swait.ge [sflag:s10], $0x500  }
0x266: {  	[sflag:s10] =	ssyncset.done $0x0  }
0x267: {  	s17 =	rddreg [dreg:$0xf];
	[sflag:s10] =	ssyncadd.s32 $0xFFFFFB00  }
0x268: {  	[hbm4b:s17+s8] =	stream.linear.scatter [tilespmem:s11], [sflag:$0x7], $0x500, $0x38;
	[tilespmem:$0x11210] =	vst v63  }
0x269: {  	_ =	swait.ge [sflag:s10], $0x500  }
0x26a: {  	[sflag:s10] =	ssyncset.done $0x0  }
0x26b: {  	s1 =	rddreg [dreg:$0x1a];
	[sflag:s10] =	ssyncadd.s32 $0xFFFFFB00  }
0x26c: {  	[tilespmem:s9], [sflag:$0x7] =	stream.linear.gather [spmem:s1], $0xA00, $0x38;
	[tilespmem:$0x11210] =	vst v63  }
0x26d: {  	_ =	swait.ge [sflag:s10], $0xA00  }
0x26e: {  	[sflag:s10] =	ssyncset.done $0x0  }
0x26f: {  	s17 =	rddreg [dreg:$0x8];
	[sflag:s10] =	ssyncadd.s32 $0xFFFFF600  }
0x270: {  	[hbm4b:s17+s8] =	stream.linear.scatter [tilespmem:s9], [sflag:$0x7], $0xA00, $0x38;
	[tilespmem:$0x11210] =	vst v63  }
0x271: {  	_ =	swait.ge [sflag:s10], $0xA00  }
0x272: {  	[sflag:s10] =	ssyncset.done $0x0  }
0x273: {  	[sflag:s10] =	ssyncadd.s32 $0xFFFFF600  }
0x274: {  	[tilespmem:s11], [sflag:$0x7] =	stream.linear.gather [spmem:s2], $0x500, $0x38;
	[tilespmem:$0x11210] =	vst v63  }
0x275: {  	_ =	swait.ge [sflag:s10], $0x500  }
0x276: {  	[sflag:s10] =	ssyncset.done $0x0  }
0x277: {  	s1 =	rddreg [dreg:$0x10];
	[sflag:s10] =	ssyncadd.s32 $0xFFFFFB00  }
0x278: {  	[hbm4b:s1+s8] =	stream.linear.scatter [tilespmem:s11], [sflag:$0x7], $0x500, $0x38;
	[tilespmem:$0x11210] =	vst v63  }
0x279: {  	_ =	swait.ge [sflag:s10], $0x500  }
0x27a: {  	[sflag:s10] =	ssyncset.done $0x0  }
0x27b: {  	s17 =	rddreg [dreg:$0x1b];
	[sflag:s10] =	ssyncadd.s32 $0xFFFFFB00  }
0x27c: {  	[tilespmem:s9], [sflag:$0x7] =	stream.linear.gather [spmem:s17], $0xA00, $0x38;
	[tilespmem:$0x11210] =	vst v63  }
0x27d: {  	_ =	swait.ge [sflag:s10], $0xA00  }
0x27e: {  	[sflag:s10] =	ssyncset.done $0x0  }
0x27f: {  	s1 =	rddreg [dreg:$0x9];
	[sflag:s10] =	ssyncadd.s32 $0xFFFFF600  }
0x280: {  	[hbm4b:s1+s8] =	stream.linear.scatter [tilespmem:s9], [sflag:$0x7], $0xA00, $0x38;
	[tilespmem:$0x11210] =	vst v63  }
0x281: {  	_ =	swait.ge [sflag:s10], $0xA00  }
0x282: {  	[sflag:s10] =	ssyncset.done $0x0  }
0x283: {  	[sflag:s10] =	ssyncadd.s32 $0xFFFFF600  }
0x284: {  	[tilespmem:s11], [sflag:$0x7] =	stream.linear.gather [spmem:s3], $0x500, $0x38;
	[tilespmem:$0x11210] =	vst v63  }
0x285: {  	_ =	swait.ge [sflag:s10], $0x500  }
0x286: {  	[sflag:s10] =	ssyncset.done $0x0  }
0x287: {  	s17 =	rddreg [dreg:$0x11];
	[sflag:s10] =	ssyncadd.s32 $0xFFFFFB00  }
0x288: {  	[hbm4b:s17+s8] =	stream.linear.scatter [tilespmem:s11], [sflag:$0x7], $0x500, $0x38;
	[tilespmem:$0x11210] =	vst v63  }
0x289: {  	_ =	swait.ge [sflag:s10], $0x500  }
0x28a: {  	[sflag:s10] =	ssyncset.done $0x0  }
0x28b: {  	s1 =	rddreg [dreg:$0x1c];
	[sflag:s10] =	ssyncadd.s32 $0xFFFFFB00  }
0x28c: {  	[tilespmem:s9], [sflag:$0x7] =	stream.linear.gather [spmem:s1], $0xA00, $0x38;
	[tilespmem:$0x11210] =	vst v63  }
0x28d: {  	_ =	swait.ge [sflag:s10], $0xA00  }
0x28e: {  	[sflag:s10] =	ssyncset.done $0x0  }
0x28f: {  	s17 =	rddreg [dreg:$0xa];
	[sflag:s10] =	ssyncadd.s32 $0xFFFFF600  }
0x290: {  	[hbm4b:s17+s8] =	stream.linear.scatter [tilespmem:s9], [sflag:$0x7], $0xA00, $0x38;
	[tilespmem:$0x11210] =	vst v63  }
0x291: {  	_ =	swait.ge [sflag:s10], $0xA00  }
0x292: {  	[sflag:s10] =	ssyncset.done $0x0  }
0x293: {  	[sflag:s10] =	ssyncadd.s32 $0xFFFFF600  }
0x294: {  	[tilespmem:s11], [sflag:$0x7] =	stream.linear.gather [spmem:s4], $0x500, $0x38;
	[tilespmem:$0x11210] =	vst v63  }
0x295: {  	_ =	swait.ge [sflag:s10], $0x500  }
0x296: {  	[sflag:s10] =	ssyncset.done $0x0  }
0x297: {  	s1 =	rddreg [dreg:$0x12];
	[sflag:s10] =	ssyncadd.s32 $0xFFFFFB00  }
0x298: {  	[hbm4b:s1+s8] =	stream.linear.scatter [tilespmem:s11], [sflag:$0x7], $0x500, $0x38;
	[tilespmem:$0x11210] =	vst v63  }
0x299: {  	_ =	swait.ge [sflag:s10], $0x500  }
0x29a: {  	[sflag:s10] =	ssyncset.done $0x0  }
0x29b: {  	s17 =	rddreg [dreg:$0x1d];
	[sflag:s10] =	ssyncadd.s32 $0xFFFFFB00  }
0x29c: {  	[tilespmem:s9], [sflag:$0x7] =	stream.linear.gather [spmem:s17], $0xA00, $0x38;
	[tilespmem:$0x11210] =	vst v63  }
0x29d: {  	_ =	swait.ge [sflag:s10], $0xA00  }
0x29e: {  	[sflag:s10] =	ssyncset.done $0x0  }
0x29f: {  	s1 =	rddreg [dreg:$0xb];
	[sflag:s10] =	ssyncadd.s32 $0xFFFFF600  }
0x2a0: {  	[hbm4b:s1+s8] =	stream.linear.scatter [tilespmem:s9], [sflag:$0x7], $0xA00, $0x38;
	[tilespmem:$0x11210] =	vst v63  }
0x2a1: {  	_ =	swait.ge [sflag:s10], $0xA00  }
0x2a2: {  	[sflag:s10] =	ssyncset.done $0x0  }
0x2a3: {  	[sflag:s10] =	ssyncadd.s32 $0xFFFFF600  }
0x2a4: {  	[tilespmem:s11], [sflag:$0x7] =	stream.linear.gather [spmem:s5], $0x500, $0x38;
	[tilespmem:$0x11210] =	vst v63  }
0x2a5: {  	_ =	swait.ge [sflag:s10], $0x500  }
0x2a6: {  	[sflag:s10] =	ssyncset.done $0x0  }
0x2a7: {  	s17 =	rddreg [dreg:$0x13];
	[sflag:s10] =	ssyncadd.s32 $0xFFFFFB00  }
0x2a8: {  	[hbm4b:s17+s8] =	stream.linear.scatter [tilespmem:s11], [sflag:$0x7], $0x500, $0x38;
	[tilespmem:$0x11210] =	vst v63  }
0x2a9: {  	_ =	swait.ge [sflag:s10], $0x500  }
0x2aa: {  	[sflag:s10] =	ssyncset.done $0x0  }
0x2ab: {  	s1 =	rddreg [dreg:$0x1e];
	[sflag:s10] =	ssyncadd.s32 $0xFFFFFB00  }
0x2ac: {  	[tilespmem:s9], [sflag:$0x7] =	stream.linear.gather [spmem:s1], $0xA00, $0x38;
	[tilespmem:$0x11210] =	vst v63  }
0x2ad: {  	_ =	swait.ge [sflag:s10], $0xA00  }
0x2ae: {  	[sflag:s10] =	ssyncset.done $0x0  }
0x2af: {  	s17 =	rddreg [dreg:$0xc];
	[sflag:s10] =	ssyncadd.s32 $0xFFFFF600  }
0x2b0: {  	[hbm4b:s17+s8] =	stream.linear.scatter [tilespmem:s9], [sflag:$0x7], $0xA00, $0x38;
	[tilespmem:$0x11210] =	vst v63  }
0x2b1: {  	_ =	swait.ge [sflag:s10], $0xA00  }
0x2b2: {  	[sflag:s10] =	ssyncset.done $0x0  }
0x2b3: {  	[sflag:s10] =	ssyncadd.s32 $0xFFFFF600  }
0x2b4: {  	[tilespmem:s11], [sflag:$0x7] =	stream.linear.gather [spmem:s6], $0x500, $0x38;
	[tilespmem:$0x11210] =	vst v63  }
0x2b5: {  	_ =	swait.ge [sflag:s10], $0x500  }
0x2b6: {  	[sflag:s10] =	ssyncset.done $0x0  }
0x2b7: {  	s1 =	rddreg [dreg:$0x14];
	[sflag:s10] =	ssyncadd.s32 $0xFFFFFB00  }
0x2b8: {  	[hbm4b:s1+s8] =	stream.linear.scatter [tilespmem:s11], [sflag:$0x7], $0x500, $0x38;
	[tilespmem:$0x11210] =	vst v63  }
0x2b9: {  	_ =	swait.ge [sflag:s10], $0x500  }
0x2ba: {  	s17 =	sld [smem:$0x7FD];
	_ =	sdelay $0x1  }
0x2bb: {  	s31 =	sadd.s32 $0x1, s31  }
0x2bc: {  	p1 =	sne.s32 s31, s17  }
.Ltmp4:
0x2bd: {  	_ = 	snop;
	(pc) =	sbr.rel @p1 .LBB2_1-.Ltmp4, $3  }
0x2be: {  	_ =	sdelay $0x1  }
0x2bf: {  	[sflag:s10] =	ssyncset.done $0x0  }
0x2c0: {  	[sflag:s10] =	ssyncadd.s32 $0xFFFFFB00  }
0x2c1: {  	_ =	sfence.sel $0x180000  }
0x2c2: {  	[bflag:$0x0] =	sbarrier.arrive $0xFFFF  }
0x2c3: {  	_ =	strace $0x90000047  }
0x2c4: {  	[bflag:$0x2] =	sbarrier.arrive $0xFFFF  }
0x2c5: {  	s0 =	rddreg [dreg:$0x4]  }
0x2c6: {  	s0 =	sadd.s32 @!p0 $0x100000, s0  }
0x2c7: {  	[sflag:s0] =	ssyncadd.tile.s32 @!p0 $0x1;
	_ =	shalt  }
.Lfunc_end2:
_tile_overlayer_lowered:
.L_overlay_start_2:
0x2c8: {  	(tag) =	ssettag $0x2  }
0x2c9: {  	s0 =	rddreg [dreg:$0x0];
	s2 =	stileid.u32  }
0x2ca: {  	s1 =	rddreg [dreg:$0x1];
	p0 =	sne.s32 s2, $0x0  }
0x2cb: {  	s3 =	rddreg [dreg:$0x2];
	[bflag:$0x3] =	sbarrier.arrive $0xFFFF;
	s2 =	simm.s32 @!p0 $0x1C07  }
0x2cc: {  	[timem:s3], [sflag:s2] =	dma.local @!p0 [hbm:s0], s1  }
0x2cd: {  	s0 =	simm.s32 @!p0 $0x7  }
0x2ce: {  	_ =	swait.ge @!p0 [sflag:s0], s1  }
0x2cf: {  	s1 =	ssub.s32 @!p0 $0x0, s1;
	[sflag:s0] =	ssyncset.done @!p0 $0x0  }
0x2d0: {  	[sflag:s0] =	ssyncadd.s32 @!p0 s1  }
0x2d1: {  	[bflag:$0x3] =	sbarrier.arrive $0xFFFF  }
0x2d2: {  	_ =	shalt  }

</sc_bundles>
